<compile_context>
chip_gen: v7x
topology: tpu7x:2x2x1
jax: 0.10.2.dev20260603
libtpu: 0.0.44.dev20260713+nightly
codegen_flags: <defaults>
</compile_context>

<pallas_src>
import functools

import jax
import jax.numpy as jnp
from jax import lax
from jax.experimental import pallas as pl
from jax.experimental.pallas import tpu as pltpu
from jax.experimental.pallas import tpu_sc as plsc

B, P, D, OUT = 4096, 32, 128, 128
LANES = 16
NC, NS = 2, 16
NW = NC * NS
CB = 8
DBLK = D // LANES

B_SC = 512
B_TC = B - B_SC
EPW = B_SC // NW
NCHUNKS = EPW // CB
TC_BLK = 512
assert B_SC % TC_BLK == 0 and B_TC % TC_BLK == 0


def _sc_segment_sum(x_flat):
  mesh = plsc.VectorSubcoreMesh(core_axis_name="c", subcore_axis_name="s")

  @functools.partial(
      pl.kernel,
      out_type=jax.ShapeDtypeStruct((B_SC, D), jnp.float32),
      mesh=mesh,
      scratch_types=[
          pltpu.VMEM((CB * P, D), jnp.float32),
          pltpu.VMEM((CB * P, D), jnp.float32),
          pltpu.VMEM((CB * P, D), jnp.float32),
          pltpu.VMEM((EPW, D), jnp.float32),
          pltpu.SemaphoreType.DMA,
          pltpu.SemaphoreType.DMA,
          pltpu.SemaphoreType.DMA,
      ],
  )
  def k(x_hbm, out_hbm, buf0, buf1, buf2, stage, sem0, sem1, sem2):
    wid = lax.axis_index("s") * NC + lax.axis_index("c")
    elem0 = wid * EPW
    bufs = (buf0, buf1, buf2)
    sems = (sem0, sem1, sem2)

    def fetch(c, par):
      pltpu.async_copy(
          x_hbm.at[pl.ds((elem0 + c * CB) * P, CB * P)], bufs[par], sems[par]
      )

    def wait(c, par):
      pltpu.make_async_copy(
          x_hbm.at[pl.ds((elem0 + c * CB) * P, CB * P)], bufs[par], sems[par]
      ).wait()

    def reduce_chunk(c, par):
      buf = bufs[par]

      def elem_body(e, carry):
        base = e * P
        dsls = [pl.ds(d * LANES, LANES) for d in range(DBLK)]
        row_out = c * CB + e
        for d0 in range(0, DBLK, 4):
          grp = dsls[d0:d0 + 4]
          accs = [buf[base, dsl] for dsl in grp]
          for p in range(1, P):
            for i, dsl in enumerate(grp):
              accs[i] = accs[i] + buf[base + p, dsl]
          for i, dsl in enumerate(grp):
            stage[row_out, dsl] = accs[i]
        return carry

      lax.fori_loop(0, CB, elem_body, 0)

    DEPTH = 3 if NCHUNKS % 3 == 0 else 2
    assert NCHUNKS % DEPTH == 0
    for j in range(DEPTH):
      fetch(j, j)

    @pl.loop(0, NCHUNKS, step=DEPTH)
    def _ring(g):
      for j in range(DEPTH):
        wait(g + j, j)
        reduce_chunk(g + j, j)
        pl.when(g + j + DEPTH < NCHUNKS)(
            functools.partial(lambda jj: fetch(g + jj + DEPTH, jj), j))

    pltpu.sync_copy(stage, out_hbm.at[pl.ds(elem0, EPW)])

  return k(x_flat)


def _mm_bias(s, w_ref, b_ref):
  y = lax.dot_general(
      s, w_ref[...], (((1,), (1,)), ((), ())),
      preferred_element_type=jnp.float32,
  )
  return y + jnp.float32(P) * b_ref[...]


def _tc_fused(x_full, w, b2d):

  def body(x_ref, w_ref, b_ref, o_ref):
    o_ref[...] = _mm_bias(jnp.sum(x_ref[...], axis=1), w_ref, b_ref)

  off = B_SC // TC_BLK
  return pl.pallas_call(
      body,
      grid=(B_TC // TC_BLK,),
      in_specs=[
          pl.BlockSpec((TC_BLK, P, D), lambda i: (i + off, 0, 0)),
          pl.BlockSpec((OUT, D), lambda i: (0, 0)),
          pl.BlockSpec((1, OUT), lambda i: (0, 0)),
      ],
      out_specs=pl.BlockSpec((TC_BLK, OUT), lambda i: (i + off, 0)),
      out_shape=jax.ShapeDtypeStruct((B, OUT), jnp.float32),
  )(x_full, w, b2d)


def _tc_linear(s, w, b2d, out_partial):

  def mm(s_ref, w_ref, b_ref, _, o_ref):
    o_ref[...] = _mm_bias(s_ref[...], w_ref, b_ref)

  return pl.pallas_call(
      mm,
      grid=(1,),
      in_specs=[
          pl.BlockSpec((B_SC, D), lambda i: (0, 0)),
          pl.BlockSpec((OUT, D), lambda i: (0, 0)),
          pl.BlockSpec((1, OUT), lambda i: (0, 0)),
          pl.BlockSpec(memory_space=pl.ANY),
      ],
      out_specs=pl.BlockSpec((B_SC, OUT), lambda i: (0, 0)),
      out_shape=jax.ShapeDtypeStruct((B, OUT), jnp.float32),
      input_output_aliases={3: 0},
  )(s, w, b2d, out_partial)


@jax.jit
def kernel(pert_batch, W, b):
  b2d = b.reshape(1, OUT)
  x_flat = pert_batch.reshape(B * P, D)
  s_sc = _sc_segment_sum(x_flat)
  out_partial = _tc_fused(pert_batch, W, b2d)
  return _tc_linear(s_sc, W, b2d, out_partial)

# --- scband reference (transcript-rebuilt; emitter-appended) ---
"""Pipeline reference for scband-pert-aggregator-9869834846789 (READ-ONLY COPY).

The authoritative reference and input builder live on the scoring server;
editing this copy changes nothing except your own understanding.
"""

import jax, jax.numpy as jnp
import numpy as np

B, P, D, OUT = 4096, 32, 128, 128


def setup_inputs(seed: int = 0) -> dict:
    key = jax.random.key(seed)
    k1, k2, k3 = jax.random.split(key, 3)
    pert_batch = jax.random.normal(k1, (B, P, D), dtype=jnp.float32)
    # Linear(emb_dim=128, out=128) parameters, torch layout W[out, in]
    W = jax.random.normal(k2, (OUT, D), dtype=jnp.float32) * (1.0 / np.sqrt(D))
    b = jax.random.normal(k3, (OUT,), dtype=jnp.float32) * 0.01
    return {"pert_batch": pert_batch, "W": W, "b": b}


def reference(pert_batch, W, b):
    # Faithful translation of PertAggregator.forward:
    # 1) stack all per-sample perturbation embeddings -> [B*P, D]
    # 2) pos_in_batch[i] = which batch element each stacked embedding came from
    # 3) apply the MLP (single Linear here since hidden_dims is None)
    # 4) sum embeddings per batch element (pos_in_batch == idx -> segment_sum)
    Bn, Pn, Dn = pert_batch.shape
    flat = pert_batch.reshape(Bn * Pn, Dn)
    pos_in_batch = jnp.repeat(jnp.arange(Bn, dtype=jnp.int32), Pn)
    y = flat @ W.T + b  # MLP: Linear(128 -> 128)
    agged = jax.ops.segment_sum(y, pos_in_batch, num_segments=Bn)
    return agged

if __name__ == "__main__":
    import jax
    _d = setup_inputs()
    print(jax.jit(kernel)(*tuple(_d.values())))

</pallas_src>

<mosaic_0001>
#map = affine_map<(d0, d1) -> (0, 0)>
module attributes {stable_mosaic.version = 14 : i64} {
  func.func @k(%arg0: i32, %arg1: i32, %arg2: memref<131072x128xf32, #tpu.memory_space<hbm>>, %arg3: memref<512x128xf32, #tpu.memory_space<hbm>>, %arg4: memref<256x128xf32, #tpu.memory_space<vmem>>, %arg5: memref<256x128xf32, #tpu.memory_space<vmem>>, %arg6: memref<256x128xf32, #tpu.memory_space<vmem>>, %arg7: memref<16x128xf32, #tpu.memory_space<vmem>>, %arg8: memref<!tpu.dma_semaphore, #tpu.memory_space<semaphore_mem>>, %arg9: memref<!tpu.dma_semaphore, #tpu.memory_space<semaphore_mem>>, %arg10: memref<!tpu.dma_semaphore, #tpu.memory_space<semaphore_mem>>) attributes {dimension_semantics = [#tpu.dimension_semantics<core_parallel>, #tpu.dimension_semantics<subcore_parallel>], iteration_bounds = array<i64: 2, 16>, scalar_prefetch = 0 : i64, scratch_operands = 7 : i64, tpu.core_type = #tpu.core_type<sc_vector_subcore>, window_params = [{transform_indices = #map}, {transform_indices = #map}]} {
    %mul3A = arith.constant 2 : i32
    %mul3A_0 = arith.muli %arg1, %mul3A : i32
    %add3A = arith.addi %mul3A_0, %arg0 : i32
    %mul3A_1 = arith.constant 16 : i32
    %mul3A_2 = arith.muli %add3A, %mul3A_1 : i32
    %add3A_3 = arith.constant 0 : i32
    %add3A_4 = arith.addi %mul3A_2, %add3A_3 : i32
    %mul3A_5 = arith.constant 32 : i32
    %mul3A_6 = arith.muli %add3A_4, %mul3A_5 : i32
    %dma_start3A = arith.constant 0 : i32
    %dma_start3A_7 = tpu.memref_slice %arg2[%mul3A_6, %dma_start3A] : memref<131072x128xf32, #tpu.memory_space<hbm>> -> memref<256x128xf32, #tpu.memory_space<hbm>>
    %dma_start3A_8 = arith.constant 0 : i32
    %dma_start3A_9 = tpu.memref_slice %arg2[%mul3A_6, %dma_start3A_8] : memref<131072x128xf32, #tpu.memory_space<hbm>> -> memref<256x128xf32, #tpu.memory_space<hbm>>
    tpu.enqueue_dma source(%dma_start3A_9 : memref<256x128xf32, #tpu.memory_space<hbm>>) target(%arg4 : memref<256x128xf32, #tpu.memory_space<vmem>>) target_semaphore(%arg8 : memref<!tpu.dma_semaphore, #tpu.memory_space<semaphore_mem>>)
    %add3A_10 = arith.constant 8 : i32
    %add3A_11 = arith.addi %mul3A_2, %add3A_10 : i32
    %mul3A_12 = arith.constant 32 : i32
    %mul3A_13 = arith.muli %add3A_11, %mul3A_12 : i32
    %dma_start3A_14 = arith.constant 0 : i32
    %dma_start3A_15 = tpu.memref_slice %arg2[%mul3A_13, %dma_start3A_14] : memref<131072x128xf32, #tpu.memory_space<hbm>> -> memref<256x128xf32, #tpu.memory_space<hbm>>
    %dma_start3A_16 = arith.constant 0 : i32
    %dma_start3A_17 = tpu.memref_slice %arg2[%mul3A_13, %dma_start3A_16] : memref<131072x128xf32, #tpu.memory_space<hbm>> -> memref<256x128xf32, #tpu.memory_space<hbm>>
    tpu.enqueue_dma source(%dma_start3A_17 : memref<256x128xf32, #tpu.memory_space<hbm>>) target(%arg5 : memref<256x128xf32, #tpu.memory_space<vmem>>) target_semaphore(%arg9 : memref<!tpu.dma_semaphore, #tpu.memory_space<semaphore_mem>>)
    %scan3A = arith.constant 0 : i32
    %mul3A_18 = arith.constant 2 : i32
    %mul3A_19 = arith.muli %scan3A, %mul3A_18 : i32
    %add3A_20 = arith.constant 0 : i32
    %add3A_21 = arith.addi %add3A_20, %mul3A_19 : i32
    %add3A_22 = arith.constant 0 : i32
    %add3A_23 = arith.addi %add3A_21, %add3A_22 : i32
    %mul3A_24 = arith.constant 8 : i32
    %mul3A_25 = arith.muli %add3A_23, %mul3A_24 : i32
    %add3A_26 = arith.addi %mul3A_2, %mul3A_25 : i32
    %mul3A_27 = arith.constant 32 : i32
    %mul3A_28 = arith.muli %add3A_26, %mul3A_27 : i32
    %dma_wait3A = arith.constant 0 : i32
    %dma_wait3A_29 = tpu.memref_slice %arg2[%mul3A_28, %dma_wait3A] : memref<131072x128xf32, #tpu.memory_space<hbm>> -> memref<256x128xf32, #tpu.memory_space<hbm>>
    %dma_wait3A_30 = arith.constant 0 : i32
    %dma_wait3A_31 = tpu.memref_slice %arg2[%mul3A_28, %dma_wait3A_30] : memref<131072x128xf32, #tpu.memory_space<hbm>> -> memref<256x128xf32, #tpu.memory_space<hbm>>
    tpu.wait_dma2 semaphore(%arg8 : memref<!tpu.dma_semaphore, #tpu.memory_space<semaphore_mem>>) src(%dma_wait3A_31 : memref<256x128xf32, #tpu.memory_space<hbm>>) dst(%arg4 : memref<256x128xf32, #tpu.memory_space<vmem>>)
    %add3A_32 = arith.constant 0 : i32
    %add3A_33 = arith.addi %add3A_21, %add3A_32 : i32
    %scan3A_34 = arith.constant 0 : i32
    %scan3A_35 = arith.constant 0 : i32
    %scan3A_36 = arith.constant 8 : i32
    %scan3A_37 = arith.addi %scan3A_35, %scan3A_36 : i32
    %scan3A_38 = arith.constant 1 : i32
    scf.for %scan3A_75 = %scan3A_35 to %scan3A_37 step %scan3A_38  : i32 {
      %mul3A_76 = arith.constant 32 : i32
      %mul3A_77 = arith.muli %scan3A_75, %mul3A_76 : i32
      %mul3A_78 = arith.constant 8 : i32
      %mul3A_79 = arith.muli %add3A_33, %mul3A_78 : i32
      %add3A_80 = arith.addi %mul3A_79, %scan3A_75 : i32
      %get3A = arith.index_cast %mul3A_77 : i32 to index
      %get3A_81 = arith.constant 0 : index
      %get3A_82 = tpu.vector_load %arg4[%get3A, %get3A_81] {strides = array<i32>} : memref<256x128xf32, #tpu.memory_space<vmem>>, vector<1x16xf32>,
      %get3A_83 = vector.shape_cast %get3A_82 : vector<1x16xf32> to vector<16xf32>
      %get3A_84 = arith.index_cast %mul3A_77 : i32 to index
      %get3A_85 = arith.constant 16 : index
      %get3A_86 = tpu.vector_load %arg4[%get3A_84, %get3A_85] {strides = array<i32>} : memref<256x128xf32, #tpu.memory_space<vmem>>, vector<1x16xf32>,
      %get3A_87 = vector.shape_cast %get3A_86 : vector<1x16xf32> to vector<16xf32>
      %get3A_88 = arith.index_cast %mul3A_77 : i32 to index
      %get3A_89 = arith.constant 32 : index
      %get3A_90 = tpu.vector_load %arg4[%get3A_88, %get3A_89] {strides = array<i32>} : memref<256x128xf32, #tpu.memory_space<vmem>>, vector<1x16xf32>,
      %get3A_91 = vector.shape_cast %get3A_90 : vector<1x16xf32> to vector<16xf32>
      %get3A_92 = arith.index_cast %mul3A_77 : i32 to index
      %get3A_93 = arith.constant 48 : index
      %get3A_94 = tpu.vector_load %arg4[%get3A_92, %get3A_93] {strides = array<i32>} : memref<256x128xf32, #tpu.memory_space<vmem>>, vector<1x16xf32>,
      %get3A_95 = vector.shape_cast %get3A_94 : vector<1x16xf32> to vector<16xf32>
      %add3A_96 = arith.constant 1 : i32
      %add3A_97 = arith.addi %mul3A_77, %add3A_96 : i32
      %get3A_98 = arith.index_cast %add3A_97 : i32 to index
      %get3A_99 = arith.constant 0 : index
      %get3A_100 = tpu.vector_load %arg4[%get3A_98, %get3A_99] {strides = array<i32>} : memref<256x128xf32, #tpu.memory_space<vmem>>, vector<1x16xf32>,
      %get3A_101 = vector.shape_cast %get3A_100 : vector<1x16xf32> to vector<16xf32>
      %add3A_102 = arith.addf %get3A_83, %get3A_101 : vector<16xf32>
      %add3A_103 = arith.constant 1 : i32
      %add3A_104 = arith.addi %mul3A_77, %add3A_103 : i32
      %get3A_105 = arith.index_cast %add3A_104 : i32 to index
      %get3A_106 = arith.constant 16 : index
      %get3A_107 = tpu.vector_load %arg4[%get3A_105, %get3A_106] {strides = array<i32>} : memref<256x128xf32, #tpu.memory_space<vmem>>, vector<1x16xf32>,
      %get3A_108 = vector.shape_cast %get3A_107 : vector<1x16xf32> to vector<16xf32>
      %add3A_109 = arith.addf %get3A_87, %get3A_108 : vector<16xf32>
      %add3A_110 = arith.constant 1 : i32
      %add3A_111 = arith.addi %mul3A_77, %add3A_110 : i32
      %get3A_112 = arith.index_cast %add3A_111 : i32 to index
      %get3A_113 = arith.constant 32 : index
      %get3A_114 = tpu.vector_load %arg4[%get3A_112, %get3A_113] {strides = array<i32>} : memref<256x128xf32, #tpu.memory_space<vmem>>, vector<1x16xf32>,
      %get3A_115 = vector.shape_cast %get3A_114 : vector<1x16xf32> to vector<16xf32>
      %add3A_116 = arith.addf %get3A_91, %get3A_115 : vector<16xf32>
      %add3A_117 = arith.constant 1 : i32
      %add3A_118 = arith.addi %mul3A_77, %add3A_117 : i32
      %get3A_119 = arith.index_cast %add3A_118 : i32 to index
      %get3A_120 = arith.constant 48 : index
      %get3A_121 = tpu.vector_load %arg4[%get3A_119, %get3A_120] {strides = array<i32>} : memref<256x128xf32, #tpu.memory_space<vmem>>, vector<1x16xf32>,
      %get3A_122 = vector.shape_cast %get3A_121 : vector<1x16xf32> to vector<16xf32>
      %add3A_123 = arith.addf %get3A_95, %get3A_122 : vector<16xf32>
      %add3A_124 = arith.constant 2 : i32
      %add3A_125 = arith.addi %mul3A_77, %add3A_124 : i32
      %get3A_126 = arith.index_cast %add3A_125 : i32 to index
      %get3A_127 = arith.constant 0 : index
      %get3A_128 = tpu.vector_load %arg4[%get3A_126, %get3A_127] {strides = array<i32>} : memref<256x128xf32, #tpu.memory_space<vmem>>, vector<1x16xf32>,
      %get3A_129 = vector.shape_cast %get3A_128 : vector<1x16xf32> to vector<16xf32>
      %add3A_130 = arith.addf %add3A_102, %get3A_129 : vector<16xf32>
      %add3A_131 = arith.constant 2 : i32
      %add3A_132 = arith.addi %mul3A_77, %add3A_131 : i32
      %get3A_133 = arith.index_cast %add3A_132 : i32 to index
      %get3A_134 = arith.constant 16 : index
      %get3A_135 = tpu.vector_load %arg4[%get3A_133, %get3A_134] {strides = array<i32>} : memref<256x128xf32, #tpu.memory_space<vmem>>, vector<1x16xf32>,
      %get3A_136 = vector.shape_cast %get3A_135 : vector<1x16xf32> to vector<16xf32>
      %add3A_137 = arith.addf %add3A_109, %get3A_136 : vector<16xf32>
      %add3A_138 = arith.constant 2 : i32
      %add3A_139 = arith.addi %mul3A_77, %add3A_138 : i32
      %get3A_140 = arith.index_cast %add3A_139 : i32 to index
      %get3A_141 = arith.constant 32 : index
      %get3A_142 = tpu.vector_load %arg4[%get3A_140, %get3A_141] {strides = array<i32>} : memref<256x128xf32, #tpu.memory_space<vmem>>, vector<1x16xf32>,
      %get3A_143 = vector.shape_cast %get3A_142 : vector<1x16xf32> to vector<16xf32>
      %add3A_144 = arith.addf %add3A_116, %get3A_143 : vector<16xf32>
      %add3A_145 = arith.constant 2 : i32
      %add3A_146 = arith.addi %mul3A_77, %add3A_145 : i32
      %get3A_147 = arith.index_cast %add3A_146 : i32 to index
      %get3A_148 = arith.constant 48 : index
      %get3A_149 = tpu.vector_load %arg4[%get3A_147, %get3A_148] {strides = array<i32>} : memref<256x128xf32, #tpu.memory_space<vmem>>, vector<1x16xf32>,
      %get3A_150 = vector.shape_cast %get3A_149 : vector<1x16xf32> to vector<16xf32>
      %add3A_151 = arith.addf %add3A_123, %get3A_150 : vector<16xf32>
      %add3A_152 = arith.constant 3 : i32
      %add3A_153 = arith.addi %mul3A_77, %add3A_152 : i32
      %get3A_154 = arith.index_cast %add3A_153 : i32 to index
      %get3A_155 = arith.constant 0 : index
      %get3A_156 = tpu.vector_load %arg4[%get3A_154, %get3A_155] {strides = array<i32>} : memref<256x128xf32, #tpu.memory_space<vmem>>, vector<1x16xf32>,
      %get3A_157 = vector.shape_cast %get3A_156 : vector<1x16xf32> to vector<16xf32>
      %add3A_158 = arith.addf %add3A_130, %get3A_157 : vector<16xf32>
      %add3A_159 = arith.constant 3 : i32
      %add3A_160 = arith.addi %mul3A_77, %add3A_159 : i32
      %get3A_161 = arith.index_cast %add3A_160 : i32 to index
      %get3A_162 = arith.constant 16 : index
      %get3A_163 = tpu.vector_load %arg4[%get3A_161, %get3A_162] {strides = array<i32>} : memref<256x128xf32, #tpu.memory_space<vmem>>, vector<1x16xf32>,
      %get3A_164 = vector.shape_cast %get3A_163 : vector<1x16xf32> to vector<16xf32>
      %add3A_165 = arith.addf %add3A_137, %get3A_164 : vector<16xf32>
      %add3A_166 = arith.constant 3 : i32
      %add3A_167 = arith.addi %mul3A_77, %add3A_166 : i32
      %get3A_168 = arith.index_cast %add3A_167 : i32 to index
      %get3A_169 = arith.constant 32 : index
      %get3A_170 = tpu.vector_load %arg4[%get3A_168, %get3A_169] {strides = array<i32>} : memref<256x128xf32, #tpu.memory_space<vmem>>, vector<1x16xf32>,
      %get3A_171 = vector.shape_cast %get3A_170 : vector<1x16xf32> to vector<16xf32>
      %add3A_172 = arith.addf %add3A_144, %get3A_171 : vector<16xf32>
      %add3A_173 = arith.constant 3 : i32
      %add3A_174 = arith.addi %mul3A_77, %add3A_173 : i32
      %get3A_175 = arith.index_cast %add3A_174 : i32 to index
      %get3A_176 = arith.constant 48 : index
      %get3A_177 = tpu.vector_load %arg4[%get3A_175, %get3A_176] {strides = array<i32>} : memref<256x128xf32, #tpu.memory_space<vmem>>, vector<1x16xf32>,
      %get3A_178 = vector.shape_cast %get3A_177 : vector<1x16xf32> to vector<16xf32>
      %add3A_179 = arith.addf %add3A_151, %get3A_178 : vector<16xf32>
      %add3A_180 = arith.constant 4 : i32
      %add3A_181 = arith.addi %mul3A_77, %add3A_180 : i32
      %get3A_182 = arith.index_cast %add3A_181 : i32 to index
      %get3A_183 = arith.constant 0 : index
      %get3A_184 = tpu.vector_load %arg4[%get3A_182, %get3A_183] {strides = array<i32>} : memref<256x128xf32, #tpu.memory_space<vmem>>, vector<1x16xf32>,
      %get3A_185 = vector.shape_cast %get3A_184 : vector<1x16xf32> to vector<16xf32>
      %add3A_186 = arith.addf %add3A_158, %get3A_185 : vector<16xf32>
      %add3A_187 = arith.constant 4 : i32
      %add3A_188 = arith.addi %mul3A_77, %add3A_187 : i32
      %get3A_189 = arith.index_cast %add3A_188 : i32 to index
      %get3A_190 = arith.constant 16 : index
      %get3A_191 = tpu.vector_load %arg4[%get3A_189, %get3A_190] {strides = array<i32>} : memref<256x128xf32, #tpu.memory_space<vmem>>, vector<1x16xf32>,
      %get3A_192 = vector.shape_cast %get3A_191 : vector<1x16xf32> to vector<16xf32>
      %add3A_193 = arith.addf %add3A_165, %get3A_192 : vector<16xf32>
      %add3A_194 = arith.constant 4 : i32
      %add3A_195 = arith.addi %mul3A_77, %add3A_194 : i32
      %get3A_196 = arith.index_cast %add3A_195 : i32 to index
      %get3A_197 = arith.constant 32 : index
      %get3A_198 = tpu.vector_load %arg4[%get3A_196, %get3A_197] {strides = array<i32>} : memref<256x128xf32, #tpu.memory_space<vmem>>, vector<1x16xf32>,
      %get3A_199 = vector.shape_cast %get3A_198 : vector<1x16xf32> to vector<16xf32>
      %add3A_200 = arith.addf %add3A_172, %get3A_199 : vector<16xf32>
      %add3A_201 = arith.constant 4 : i32
      %add3A_202 = arith.addi %mul3A_77, %add3A_201 : i32
      %get3A_203 = arith.index_cast %add3A_202 : i32 to index
      %get3A_204 = arith.constant 48 : index
      %get3A_205 = tpu.vector_load %arg4[%get3A_203, %get3A_204] {strides = array<i32>} : memref<256x128xf32, #tpu.memory_space<vmem>>, vector<1x16xf32>,
      %get3A_206 = vector.shape_cast %get3A_205 : vector<1x16xf32> to vector<16xf32>
      %add3A_207 = arith.addf %add3A_179, %get3A_206 : vector<16xf32>
      %add3A_208 = arith.constant 5 : i32
      %add3A_209 = arith.addi %mul3A_77, %add3A_208 : i32
      %get3A_210 = arith.index_cast %add3A_209 : i32 to index
      %get3A_211 = arith.constant 0 : index
      %get3A_212 = tpu.vector_load %arg4[%get3A_210, %get3A_211] {strides = array<i32>} : memref<256x128xf32, #tpu.memory_space<vmem>>, vector<1x16xf32>,
      %get3A_213 = vector.shape_cast %get3A_212 : vector<1x16xf32> to vector<16xf32>
      %add3A_214 = arith.addf %add3A_186, %get3A_213 : vector<16xf32>
      %add3A_215 = arith.constant 5 : i32
      %add3A_216 = arith.addi %mul3A_77, %add3A_215 : i32
      %get3A_217 = arith.index_cast %add3A_216 : i32 to index
      %get3A_218 = arith.constant 16 : index
      %get3A_219 = tpu.vector_load %arg4[%get3A_217, %get3A_218] {strides = array<i32>} : memref<256x128xf32, #tpu.memory_space<vmem>>, vector<1x16xf32>,
      %get3A_220 = vector.shape_cast %get3A_219 : vector<1x16xf32> to vector<16xf32>
      %add3A_221 = arith.addf %add3A_193, %get3A_220 : vector<16xf32>
      %add3A_222 = arith.constant 5 : i32
      %add3A_223 = arith.addi %mul3A_77, %add3A_222 : i32
      %get3A_224 = arith.index_cast %add3A_223 : i32 to index
      %get3A_225 = arith.constant 32 : index
      %get3A_226 = tpu.vector_load %arg4[%get3A_224, %get3A_225] {strides = array<i32>} : memref<256x128xf32, #tpu.memory_space<vmem>>, vector<1x16xf32>,
      %get3A_227 = vector.shape_cast %get3A_226 : vector<1x16xf32> to vector<16xf32>
      %add3A_228 = arith.addf %add3A_200, %get3A_227 : vector<16xf32>
      %add3A_229 = arith.constant 5 : i32
      %add3A_230 = arith.addi %mul3A_77, %add3A_229 : i32
      %get3A_231 = arith.index_cast %add3A_230 : i32 to index
      %get3A_232 = arith.constant 48 : index
      %get3A_233 = tpu.vector_load %arg4[%get3A_231, %get3A_232] {strides = array<i32>} : memref<256x128xf32, #tpu.memory_space<vmem>>, vector<1x16xf32>,
      %get3A_234 = vector.shape_cast %get3A_233 : vector<1x16xf32> to vector<16xf32>
      %add3A_235 = arith.addf %add3A_207, %get3A_234 : vector<16xf32>
      %add3A_236 = arith.constant 6 : i32
      %add3A_237 = arith.addi %mul3A_77, %add3A_236 : i32
      %get3A_238 = arith.index_cast %add3A_237 : i32 to index
      %get3A_239 = arith.constant 0 : index
      %get3A_240 = tpu.vector_load %arg4[%get3A_238, %get3A_239] {strides = array<i32>} : memref<256x128xf32, #tpu.memory_space<vmem>>, vector<1x16xf32>,
      %get3A_241 = vector.shape_cast %get3A_240 : vector<1x16xf32> to vector<16xf32>
      %add3A_242 = arith.addf %add3A_214, %get3A_241 : vector<16xf32>
      %add3A_243 = arith.constant 6 : i32
      %add3A_244 = arith.addi %mul3A_77, %add3A_243 : i32
      %get3A_245 = arith.index_cast %add3A_244 : i32 to index
      %get3A_246 = arith.constant 16 : index
      %get3A_247 = tpu.vector_load %arg4[%get3A_245, %get3A_246] {strides = array<i32>} : memref<256x128xf32, #tpu.memory_space<vmem>>, vector<1x16xf32>,
      %get3A_248 = vector.shape_cast %get3A_247 : vector<1x16xf32> to vector<16xf32>
      %add3A_249 = arith.addf %add3A_221, %get3A_248 : vector<16xf32>
      %add3A_250 = arith.constant 6 : i32
      %add3A_251 = arith.addi %mul3A_77, %add3A_250 : i32
      %get3A_252 = arith.index_cast %add3A_251 : i32 to index
      %get3A_253 = arith.constant 32 : index
      %get3A_254 = tpu.vector_load %arg4[%get3A_252, %get3A_253] {strides = array<i32>} : memref<256x128xf32, #tpu.memory_space<vmem>>, vector<1x16xf32>,
      %get3A_255 = vector.shape_cast %get3A_254 : vector<1x16xf32> to vector<16xf32>
      %add3A_256 = arith.addf %add3A_228, %get3A_255 : vector<16xf32>
      %add3A_257 = arith.constant 6 : i32
      %add3A_258 = arith.addi %mul3A_77, %add3A_257 : i32
      %get3A_259 = arith.index_cast %add3A_258 : i32 to index
      %get3A_260 = arith.constant 48 : index
      %get3A_261 = tpu.vector_load %arg4[%get3A_259, %get3A_260] {strides = array<i32>} : memref<256x128xf32, #tpu.memory_space<vmem>>, vector<1x16xf32>,
      %get3A_262 = vector.shape_cast %get3A_261 : vector<1x16xf32> to vector<16xf32>
      %add3A_263 = arith.addf %add3A_235, %get3A_262 : vector<16xf32>
      %add3A_264 = arith.constant 7 : i32
      %add3A_265 = arith.addi %mul3A_77, %add3A_264 : i32
      %get3A_266 = arith.index_cast %add3A_265 : i32 to index
      %get3A_267 = arith.constant 0 : index
      %get3A_268 = tpu.vector_load %arg4[%get3A_266, %get3A_267] {strides = array<i32>} : memref<256x128xf32, #tpu.memory_space<vmem>>, vector<1x16xf32>,
      %get3A_269 = vector.shape_cast %get3A_268 : vector<1x16xf32> to vector<16xf32>
      %add3A_270 = arith.addf %add3A_242, %get3A_269 : vector<16xf32>
      %add3A_271 = arith.constant 7 : i32
      %add3A_272 = arith.addi %mul3A_77, %add3A_271 : i32
      %get3A_273 = arith.index_cast %add3A_272 : i32 to index
      %get3A_274 = arith.constant 16 : index
      %get3A_275 = tpu.vector_load %arg4[%get3A_273, %get3A_274] {strides = array<i32>} : memref<256x128xf32, #tpu.memory_space<vmem>>, vector<1x16xf32>,
      %get3A_276 = vector.shape_cast %get3A_275 : vector<1x16xf32> to vector<16xf32>
      %add3A_277 = arith.addf %add3A_249, %get3A_276 : vector<16xf32>
      %add3A_278 = arith.constant 7 : i32
      %add3A_279 = arith.addi %mul3A_77, %add3A_278 : i32
      %get3A_280 = arith.index_cast %add3A_279 : i32 to index
      %get3A_281 = arith.constant 32 : index
      %get3A_282 = tpu.vector_load %arg4[%get3A_280, %get3A_281] {strides = array<i32>} : memref<256x128xf32, #tpu.memory_space<vmem>>, vector<1x16xf32>,
      %get3A_283 = vector.shape_cast %get3A_282 : vector<1x16xf32> to vector<16xf32>
      %add3A_284 = arith.addf %add3A_256, %get3A_283 : vector<16xf32>
      %add3A_285 = arith.constant 7 : i32
      %add3A_286 = arith.addi %mul3A_77, %add3A_285 : i32
      %get3A_287 = arith.index_cast %add3A_286 : i32 to index
      %get3A_288 = arith.constant 48 : index
      %get3A_289 = tpu.vector_load %arg4[%get3A_287, %get3A_288] {strides = array<i32>} : memref<256x128xf32, #tpu.memory_space<vmem>>, vector<1x16xf32>,
      %get3A_290 = vector.shape_cast %get3A_289 : vector<1x16xf32> to vector<16xf32>
      %add3A_291 = arith.addf %add3A_263, %get3A_290 : vector<16xf32>
      %add3A_292 = arith.constant 8 : i32
      %add3A_293 = arith.addi %mul3A_77, %add3A_292 : i32
      %get3A_294 = arith.index_cast %add3A_293 : i32 to index
      %get3A_295 = arith.constant 0 : index
      %get3A_296 = tpu.vector_load %arg4[%get3A_294, %get3A_295] {strides = array<i32>} : memref<256x128xf32, #tpu.memory_space<vmem>>, vector<1x16xf32>,
      %get3A_297 = vector.shape_cast %get3A_296 : vector<1x16xf32> to vector<16xf32>
      %add3A_298 = arith.addf %add3A_270, %get3A_297 : vector<16xf32>
      %add3A_299 = arith.constant 8 : i32
      %add3A_300 = arith.addi %mul3A_77, %add3A_299 : i32
      %get3A_301 = arith.index_cast %add3A_300 : i32 to index
      %get3A_302 = arith.constant 16 : index
      %get3A_303 = tpu.vector_load %arg4[%get3A_301, %get3A_302] {strides = array<i32>} : memref<256x128xf32, #tpu.memory_space<vmem>>, vector<1x16xf32>,
      %get3A_304 = vector.shape_cast %get3A_303 : vector<1x16xf32> to vector<16xf32>
      %add3A_305 = arith.addf %add3A_277, %get3A_304 : vector<16xf32>
      %add3A_306 = arith.constant 8 : i32
      %add3A_307 = arith.addi %mul3A_77, %add3A_306 : i32
      %get3A_308 = arith.index_cast %add3A_307 : i32 to index
      %get3A_309 = arith.constant 32 : index
      %get3A_310 = tpu.vector_load %arg4[%get3A_308, %get3A_309] {strides = array<i32>} : memref<256x128xf32, #tpu.memory_space<vmem>>, vector<1x16xf32>,
      %get3A_311 = vector.shape_cast %get3A_310 : vector<1x16xf32> to vector<16xf32>
      %add3A_312 = arith.addf %add3A_284, %get3A_311 : vector<16xf32>
      %add3A_313 = arith.constant 8 : i32
      %add3A_314 = arith.addi %mul3A_77, %add3A_313 : i32
      %get3A_315 = arith.index_cast %add3A_314 : i32 to index
      %get3A_316 = arith.constant 48 : index
      %get3A_317 = tpu.vector_load %arg4[%get3A_315, %get3A_316] {strides = array<i32>} : memref<256x128xf32, #tpu.memory_space<vmem>>, vector<1x16xf32>,
      %get3A_318 = vector.shape_cast %get3A_317 : vector<1x16xf32> to vector<16xf32>
      %add3A_319 = arith.addf %add3A_291, %get3A_318 : vector<16xf32>
      %add3A_320 = arith.constant 9 : i32
      %add3A_321 = arith.addi %mul3A_77, %add3A_320 : i32
      %get3A_322 = arith.index_cast %add3A_321 : i32 to index
      %get3A_323 = arith.constant 0 : index
      %get3A_324 = tpu.vector_load %arg4[%get3A_322, %get3A_323] {strides = array<i32>} : memref<256x128xf32, #tpu.memory_space<vmem>>, vector<1x16xf32>,
      %get3A_325 = vector.shape_cast %get3A_324 : vector<1x16xf32> to vector<16xf32>
      %add3A_326 = arith.addf %add3A_298, %get3A_325 : vector<16xf32>
      %add3A_327 = arith.constant 9 : i32
      %add3A_328 = arith.addi %mul3A_77, %add3A_327 : i32
      %get3A_329 = arith.index_cast %add3A_328 : i32 to index
      %get3A_330 = arith.constant 16 : index
      %get3A_331 = tpu.vector_load %arg4[%get3A_329, %get3A_330] {strides = array<i32>} : memref<256x128xf32, #tpu.memory_space<vmem>>, vector<1x16xf32>,
      %get3A_332 = vector.shape_cast %get3A_331 : vector<1x16xf32> to vector<16xf32>
      %add3A_333 = arith.addf %add3A_305, %get3A_332 : vector<16xf32>
      %add3A_334 = arith.constant 9 : i32
      %add3A_335 = arith.addi %mul3A_77, %add3A_334 : i32
      %get3A_336 = arith.index_cast %add3A_335 : i32 to index
      %get3A_337 = arith.constant 32 : index
      %get3A_338 = tpu.vector_load %arg4[%get3A_336, %get3A_337] {strides = array<i32>} : memref<256x128xf32, #tpu.memory_space<vmem>>, vector<1x16xf32>,
      %get3A_339 = vector.shape_cast %get3A_338 : vector<1x16xf32> to vector<16xf32>
      %add3A_340 = arith.addf %add3A_312, %get3A_339 : vector<16xf32>
      %add3A_341 = arith.constant 9 : i32
      %add3A_342 = arith.addi %mul3A_77, %add3A_341 : i32
      %get3A_343 = arith.index_cast %add3A_342 : i32 to index
      %get3A_344 = arith.constant 48 : index
      %get3A_345 = tpu.vector_load %arg4[%get3A_343, %get3A_344] {strides = array<i32>} : memref<256x128xf32, #tpu.memory_space<vmem>>, vector<1x16xf32>,
      %get3A_346 = vector.shape_cast %get3A_345 : vector<1x16xf32> to vector<16xf32>
      %add3A_347 = arith.addf %add3A_319, %get3A_346 : vector<16xf32>
      %add3A_348 = arith.constant 10 : i32
      %add3A_349 = arith.addi %mul3A_77, %add3A_348 : i32
      %get3A_350 = arith.index_cast %add3A_349 : i32 to index
      %get3A_351 = arith.constant 0 : index
      %get3A_352 = tpu.vector_load %arg4[%get3A_350, %get3A_351] {strides = array<i32>} : memref<256x128xf32, #tpu.memory_space<vmem>>, vector<1x16xf32>,
      %get3A_353 = vector.shape_cast %get3A_352 : vector<1x16xf32> to vector<16xf32>
      %add3A_354 = arith.addf %add3A_326, %get3A_353 : vector<16xf32>
      %add3A_355 = arith.constant 10 : i32
      %add3A_356 = arith.addi %mul3A_77, %add3A_355 : i32
      %get3A_357 = arith.index_cast %add3A_356 : i32 to index
      %get3A_358 = arith.constant 16 : index
      %get3A_359 = tpu.vector_load %arg4[%get3A_357, %get3A_358] {strides = array<i32>} : memref<256x128xf32, #tpu.memory_space<vmem>>, vector<1x16xf32>,
      %get3A_360 = vector.shape_cast %get3A_359 : vector<1x16xf32> to vector<16xf32>
      %add3A_361 = arith.addf %add3A_333, %get3A_360 : vector<16xf32>
      %add3A_362 = arith.constant 10 : i32
      %add3A_363 = arith.addi %mul3A_77, %add3A_362 : i32
      %get3A_364 = arith.index_cast %add3A_363 : i32 to index
      %get3A_365 = arith.constant 32 : index
      %get3A_366 = tpu.vector_load %arg4[%get3A_364, %get3A_365] {strides = array<i32>} : memref<256x128xf32, #tpu.memory_space<vmem>>, vector<1x16xf32>,
      %get3A_367 = vector.shape_cast %get3A_366 : vector<1x16xf32> to vector<16xf32>
      %add3A_368 = arith.addf %add3A_340, %get3A_367 : vector<16xf32>
      %add3A_369 = arith.constant 10 : i32
      %add3A_370 = arith.addi %mul3A_77, %add3A_369 : i32
      %get3A_371 = arith.index_cast %add3A_370 : i32 to index
      %get3A_372 = arith.constant 48 : index
      %get3A_373 = tpu.vector_load %arg4[%get3A_371, %get3A_372] {strides = array<i32>} : memref<256x128xf32, #tpu.memory_space<vmem>>, vector<1x16xf32>,
      %get3A_374 = vector.shape_cast %get3A_373 : vector<1x16xf32> to vector<16xf32>
      %add3A_375 = arith.addf %add3A_347, %get3A_374 : vector<16xf32>
      %add3A_376 = arith.constant 11 : i32
      %add3A_377 = arith.addi %mul3A_77, %add3A_376 : i32
      %get3A_378 = arith.index_cast %add3A_377 : i32 to index
      %get3A_379 = arith.constant 0 : index
      %get3A_380 = tpu.vector_load %arg4[%get3A_378, %get3A_379] {strides = array<i32>} : memref<256x128xf32, #tpu.memory_space<vmem>>, vector<1x16xf32>,
      %get3A_381 = vector.shape_cast %get3A_380 : vector<1x16xf32> to vector<16xf32>
      %add3A_382 = arith.addf %add3A_354, %get3A_381 : vector<16xf32>
      %add3A_383 = arith.constant 11 : i32
      %add3A_384 = arith.addi %mul3A_77, %add3A_383 : i32
      %get3A_385 = arith.index_cast %add3A_384 : i32 to index
      %get3A_386 = arith.constant 16 : index
      %get3A_387 = tpu.vector_load %arg4[%get3A_385, %get3A_386] {strides = array<i32>} : memref<256x128xf32, #tpu.memory_space<vmem>>, vector<1x16xf32>,
      %get3A_388 = vector.shape_cast %get3A_387 : vector<1x16xf32> to vector<16xf32>
      %add3A_389 = arith.addf %add3A_361, %get3A_388 : vector<16xf32>
      %add3A_390 = arith.constant 11 : i32
      %add3A_391 = arith.addi %mul3A_77, %add3A_390 : i32
      %get3A_392 = arith.index_cast %add3A_391 : i32 to index
      %get3A_393 = arith.constant 32 : index
      %get3A_394 = tpu.vector_load %arg4[%get3A_392, %get3A_393] {strides = array<i32>} : memref<256x128xf32, #tpu.memory_space<vmem>>, vector<1x16xf32>,
      %get3A_395 = vector.shape_cast %get3A_394 : vector<1x16xf32> to vector<16xf32>
      %add3A_396 = arith.addf %add3A_368, %get3A_395 : vector<16xf32>
      %add3A_397 = arith.constant 11 : i32
      %add3A_398 = arith.addi %mul3A_77, %add3A_397 : i32
      %get3A_399 = arith.index_cast %add3A_398 : i32 to index
      %get3A_400 = arith.constant 48 : index
      %get3A_401 = tpu.vector_load %arg4[%get3A_399, %get3A_400] {strides = array<i32>} : memref<256x128xf32, #tpu.memory_space<vmem>>, vector<1x16xf32>,
      %get3A_402 = vector.shape_cast %get3A_401 : vector<1x16xf32> to vector<16xf32>
      %add3A_403 = arith.addf %add3A_375, %get3A_402 : vector<16xf32>
      %add3A_404 = arith.constant 12 : i32
      %add3A_405 = arith.addi %mul3A_77, %add3A_404 : i32
      %get3A_406 = arith.index_cast %add3A_405 : i32 to index
      %get3A_407 = arith.constant 0 : index
      %get3A_408 = tpu.vector_load %arg4[%get3A_406, %get3A_407] {strides = array<i32>} : memref<256x128xf32, #tpu.memory_space<vmem>>, vector<1x16xf32>,
      %get3A_409 = vector.shape_cast %get3A_408 : vector<1x16xf32> to vector<16xf32>
      %add3A_410 = arith.addf %add3A_382, %get3A_409 : vector<16xf32>
      %add3A_411 = arith.constant 12 : i32
      %add3A_412 = arith.addi %mul3A_77, %add3A_411 : i32
      %get3A_413 = arith.index_cast %add3A_412 : i32 to index
      %get3A_414 = arith.constant 16 : index
      %get3A_415 = tpu.vector_load %arg4[%get3A_413, %get3A_414] {strides = array<i32>} : memref<256x128xf32, #tpu.memory_space<vmem>>, vector<1x16xf32>,
      %get3A_416 = vector.shape_cast %get3A_415 : vector<1x16xf32> to vector<16xf32>
      %add3A_417 = arith.addf %add3A_389, %get3A_416 : vector<16xf32>
      %add3A_418 = arith.constant 12 : i32
      %add3A_419 = arith.addi %mul3A_77, %add3A_418 : i32
      %get3A_420 = arith.index_cast %add3A_419 : i32 to index
      %get3A_421 = arith.constant 32 : index
      %get3A_422 = tpu.vector_load %arg4[%get3A_420, %get3A_421] {strides = array<i32>} : memref<256x128xf32, #tpu.memory_space<vmem>>, vector<1x16xf32>,
      %get3A_423 = vector.shape_cast %get3A_422 : vector<1x16xf32> to vector<16xf32>
      %add3A_424 = arith.addf %add3A_396, %get3A_423 : vector<16xf32>
      %add3A_425 = arith.constant 12 : i32
      %add3A_426 = arith.addi %mul3A_77, %add3A_425 : i32
      %get3A_427 = arith.index_cast %add3A_426 : i32 to index
      %get3A_428 = arith.constant 48 : index
      %get3A_429 = tpu.vector_load %arg4[%get3A_427, %get3A_428] {strides = array<i32>} : memref<256x128xf32, #tpu.memory_space<vmem>>, vector<1x16xf32>,
      %get3A_430 = vector.shape_cast %get3A_429 : vector<1x16xf32> to vector<16xf32>
      %add3A_431 = arith.addf %add3A_403, %get3A_430 : vector<16xf32>
      %add3A_432 = arith.constant 13 : i32
      %add3A_433 = arith.addi %mul3A_77, %add3A_432 : i32
      %get3A_434 = arith.index_cast %add3A_433 : i32 to index
      %get3A_435 = arith.constant 0 : index
      %get3A_436 = tpu.vector_load %arg4[%get3A_434, %get3A_435] {strides = array<i32>} : memref<256x128xf32, #tpu.memory_space<vmem>>, vector<1x16xf32>,
      %get3A_437 = vector.shape_cast %get3A_436 : vector<1x16xf32> to vector<16xf32>
      %add3A_438 = arith.addf %add3A_410, %get3A_437 : vector<16xf32>
      %add3A_439 = arith.constant 13 : i32
      %add3A_440 = arith.addi %mul3A_77, %add3A_439 : i32
      %get3A_441 = arith.index_cast %add3A_440 : i32 to index
      %get3A_442 = arith.constant 16 : index
      %get3A_443 = tpu.vector_load %arg4[%get3A_441, %get3A_442] {strides = array<i32>} : memref<256x128xf32, #tpu.memory_space<vmem>>, vector<1x16xf32>,
      %get3A_444 = vector.shape_cast %get3A_443 : vector<1x16xf32> to vector<16xf32>
      %add3A_445 = arith.addf %add3A_417, %get3A_444 : vector<16xf32>
      %add3A_446 = arith.constant 13 : i32
      %add3A_447 = arith.addi %mul3A_77, %add3A_446 : i32
      %get3A_448 = arith.index_cast %add3A_447 : i32 to index
      %get3A_449 = arith.constant 32 : index
      %get3A_450 = tpu.vector_load %arg4[%get3A_448, %get3A_449] {strides = array<i32>} : memref<256x128xf32, #tpu.memory_space<vmem>>, vector<1x16xf32>,
      %get3A_451 = vector.shape_cast %get3A_450 : vector<1x16xf32> to vector<16xf32>
      %add3A_452 = arith.addf %add3A_424, %get3A_451 : vector<16xf32>
      %add3A_453 = arith.constant 13 : i32
      %add3A_454 = arith.addi %mul3A_77, %add3A_453 : i32
      %get3A_455 = arith.index_cast %add3A_454 : i32 to index
      %get3A_456 = arith.constant 48 : index
      %get3A_457 = tpu.vector_load %arg4[%get3A_455, %get3A_456] {strides = array<i32>} : memref<256x128xf32, #tpu.memory_space<vmem>>, vector<1x16xf32>,
      %get3A_458 = vector.shape_cast %get3A_457 : vector<1x16xf32> to vector<16xf32>
      %add3A_459 = arith.addf %add3A_431, %get3A_458 : vector<16xf32>
      %add3A_460 = arith.constant 14 : i32
      %add3A_461 = arith.addi %mul3A_77, %add3A_460 : i32
      %get3A_462 = arith.index_cast %add3A_461 : i32 to index
      %get3A_463 = arith.constant 0 : index
      %get3A_464 = tpu.vector_load %arg4[%get3A_462, %get3A_463] {strides = array<i32>} : memref<256x128xf32, #tpu.memory_space<vmem>>, vector<1x16xf32>,
      %get3A_465 = vector.shape_cast %get3A_464 : vector<1x16xf32> to vector<16xf32>
      %add3A_466 = arith.addf %add3A_438, %get3A_465 : vector<16xf32>
      %add3A_467 = arith.constant 14 : i32
      %add3A_468 = arith.addi %mul3A_77, %add3A_467 : i32
      %get3A_469 = arith.index_cast %add3A_468 : i32 to index
      %get3A_470 = arith.constant 16 : index
      %get3A_471 = tpu.vector_load %arg4[%get3A_469, %get3A_470] {strides = array<i32>} : memref<256x128xf32, #tpu.memory_space<vmem>>, vector<1x16xf32>,
      %get3A_472 = vector.shape_cast %get3A_471 : vector<1x16xf32> to vector<16xf32>
      %add3A_473 = arith.addf %add3A_445, %get3A_472 : vector<16xf32>
      %add3A_474 = arith.constant 14 : i32
      %add3A_475 = arith.addi %mul3A_77, %add3A_474 : i32
      %get3A_476 = arith.index_cast %add3A_475 : i32 to index
      %get3A_477 = arith.constant 32 : index
      %get3A_478 = tpu.vector_load %arg4[%get3A_476, %get3A_477] {strides = array<i32>} : memref<256x128xf32, #tpu.memory_space<vmem>>, vector<1x16xf32>,
      %get3A_479 = vector.shape_cast %get3A_478 : vector<1x16xf32> to vector<16xf32>
      %add3A_480 = arith.addf %add3A_452, %get3A_479 : vector<16xf32>
      %add3A_481 = arith.constant 14 : i32
      %add3A_482 = arith.addi %mul3A_77, %add3A_481 : i32
      %get3A_483 = arith.index_cast %add3A_482 : i32 to index
      %get3A_484 = arith.constant 48 : index
      %get3A_485 = tpu.vector_load %arg4[%get3A_483, %get3A_484] {strides = array<i32>} : memref<256x128xf32, #tpu.memory_space<vmem>>, vector<1x16xf32>,
      %get3A_486 = vector.shape_cast %get3A_485 : vector<1x16xf32> to vector<16xf32>
      %add3A_487 = arith.addf %add3A_459, %get3A_486 : vector<16xf32>
      %add3A_488 = arith.constant 15 : i32
      %add3A_489 = arith.addi %mul3A_77, %add3A_488 : i32
      %get3A_490 = arith.index_cast %add3A_489 : i32 to index
      %get3A_491 = arith.constant 0 : index
      %get3A_492 = tpu.vector_load %arg4[%get3A_490, %get3A_491] {strides = array<i32>} : memref<256x128xf32, #tpu.memory_space<vmem>>, vector<1x16xf32>,
      %get3A_493 = vector.shape_cast %get3A_492 : vector<1x16xf32> to vector<16xf32>
      %add3A_494 = arith.addf %add3A_466, %get3A_493 : vector<16xf32>
      %add3A_495 = arith.constant 15 : i32
      %add3A_496 = arith.addi %mul3A_77, %add3A_495 : i32
      %get3A_497 = arith.index_cast %add3A_496 : i32 to index
      %get3A_498 = arith.constant 16 : index
      %get3A_499 = tpu.vector_load %arg4[%get3A_497, %get3A_498] {strides = array<i32>} : memref<256x128xf32, #tpu.memory_space<vmem>>, vector<1x16xf32>,
      %get3A_500 = vector.shape_cast %get3A_499 : vector<1x16xf32> to vector<16xf32>
      %add3A_501 = arith.addf %add3A_473, %get3A_500 : vector<16xf32>
      %add3A_502 = arith.constant 15 : i32
      %add3A_503 = arith.addi %mul3A_77, %add3A_502 : i32
      %get3A_504 = arith.index_cast %add3A_503 : i32 to index
      %get3A_505 = arith.constant 32 : index
      %get3A_506 = tpu.vector_load %arg4[%get3A_504, %get3A_505] {strides = array<i32>} : memref<256x128xf32, #tpu.memory_space<vmem>>, vector<1x16xf32>,
      %get3A_507 = vector.shape_cast %get3A_506 : vector<1x16xf32> to vector<16xf32>
      %add3A_508 = arith.addf %add3A_480, %get3A_507 : vector<16xf32>
      %add3A_509 = arith.constant 15 : i32
      %add3A_510 = arith.addi %mul3A_77, %add3A_509 : i32
      %get3A_511 = arith.index_cast %add3A_510 : i32 to index
      %get3A_512 = arith.constant 48 : index
      %get3A_513 = tpu.vector_load %arg4[%get3A_511, %get3A_512] {strides = array<i32>} : memref<256x128xf32, #tpu.memory_space<vmem>>, vector<1x16xf32>,
      %get3A_514 = vector.shape_cast %get3A_513 : vector<1x16xf32> to vector<16xf32>
      %add3A_515 = arith.addf %add3A_487, %get3A_514 : vector<16xf32>
      %add3A_516 = arith.constant 16 : i32
      %add3A_517 = arith.addi %mul3A_77, %add3A_516 : i32
      %get3A_518 = arith.index_cast %add3A_517 : i32 to index
      %get3A_519 = arith.constant 0 : index
      %get3A_520 = tpu.vector_load %arg4[%get3A_518, %get3A_519] {strides = array<i32>} : memref<256x128xf32, #tpu.memory_space<vmem>>, vector<1x16xf32>,
      %get3A_521 = vector.shape_cast %get3A_520 : vector<1x16xf32> to vector<16xf32>
      %add3A_522 = arith.addf %add3A_494, %get3A_521 : vector<16xf32>
      %add3A_523 = arith.constant 16 : i32
      %add3A_524 = arith.addi %mul3A_77, %add3A_523 : i32
      %get3A_525 = arith.index_cast %add3A_524 : i32 to index
      %get3A_526 = arith.constant 16 : index
      %get3A_527 = tpu.vector_load %arg4[%get3A_525, %get3A_526] {strides = array<i32>} : memref<256x128xf32, #tpu.memory_space<vmem>>, vector<1x16xf32>,
      %get3A_528 = vector.shape_cast %get3A_527 : vector<1x16xf32> to vector<16xf32>
      %add3A_529 = arith.addf %add3A_501, %get3A_528 : vector<16xf32>
      %add3A_530 = arith.constant 16 : i32
      %add3A_531 = arith.addi %mul3A_77, %add3A_530 : i32
      %get3A_532 = arith.index_cast %add3A_531 : i32 to index
      %get3A_533 = arith.constant 32 : index
      %get3A_534 = tpu.vector_load %arg4[%get3A_532, %get3A_533] {strides = array<i32>} : memref<256x128xf32, #tpu.memory_space<vmem>>, vector<1x16xf32>,
      %get3A_535 = vector.shape_cast %get3A_534 : vector<1x16xf32> to vector<16xf32>
      %add3A_536 = arith.addf %add3A_508, %get3A_535 : vector<16xf32>
      %add3A_537 = arith.constant 16 : i32
      %add3A_538 = arith.addi %mul3A_77, %add3A_537 : i32
      %get3A_539 = arith.index_cast %add3A_538 : i32 to index
      %get3A_540 = arith.constant 48 : index
      %get3A_541 = tpu.vector_load %arg4[%get3A_539, %get3A_540] {strides = array<i32>} : memref<256x128xf32, #tpu.memory_space<vmem>>, vector<1x16xf32>,
      %get3A_542 = vector.shape_cast %get3A_541 : vector<1x16xf32> to vector<16xf32>
      %add3A_543 = arith.addf %add3A_515, %get3A_542 : vector<16xf32>
      %add3A_544 = arith.constant 17 : i32
      %add3A_545 = arith.addi %mul3A_77, %add3A_544 : i32
      %get3A_546 = arith.index_cast %add3A_545 : i32 to index
      %get3A_547 = arith.constant 0 : index
      %get3A_548 = tpu.vector_load %arg4[%get3A_546, %get3A_547] {strides = array<i32>} : memref<256x128xf32, #tpu.memory_space<vmem>>, vector<1x16xf32>,
      %get3A_549 = vector.shape_cast %get3A_548 : vector<1x16xf32> to vector<16xf32>
      %add3A_550 = arith.addf %add3A_522, %get3A_549 : vector<16xf32>
      %add3A_551 = arith.constant 17 : i32
      %add3A_552 = arith.addi %mul3A_77, %add3A_551 : i32
      %get3A_553 = arith.index_cast %add3A_552 : i32 to index
      %get3A_554 = arith.constant 16 : index
      %get3A_555 = tpu.vector_load %arg4[%get3A_553, %get3A_554] {strides = array<i32>} : memref<256x128xf32, #tpu.memory_space<vmem>>, vector<1x16xf32>,
      %get3A_556 = vector.shape_cast %get3A_555 : vector<1x16xf32> to vector<16xf32>
      %add3A_557 = arith.addf %add3A_529, %get3A_556 : vector<16xf32>
      %add3A_558 = arith.constant 17 : i32
      %add3A_559 = arith.addi %mul3A_77, %add3A_558 : i32
      %get3A_560 = arith.index_cast %add3A_559 : i32 to index
      %get3A_561 = arith.constant 32 : index
      %get3A_562 = tpu.vector_load %arg4[%get3A_560, %get3A_561] {strides = array<i32>} : memref<256x128xf32, #tpu.memory_space<vmem>>, vector<1x16xf32>,
      %get3A_563 = vector.shape_cast %get3A_562 : vector<1x16xf32> to vector<16xf32>
      %add3A_564 = arith.addf %add3A_536, %get3A_563 : vector<16xf32>
      %add3A_565 = arith.constant 17 : i32
      %add3A_566 = arith.addi %mul3A_77, %add3A_565 : i32
      %get3A_567 = arith.index_cast %add3A_566 : i32 to index
      %get3A_568 = arith.constant 48 : index
      %get3A_569 = tpu.vector_load %arg4[%get3A_567, %get3A_568] {strides = array<i32>} : memref<256x128xf32, #tpu.memory_space<vmem>>, vector<1x16xf32>,
      %get3A_570 = vector.shape_cast %get3A_569 : vector<1x16xf32> to vector<16xf32>
      %add3A_571 = arith.addf %add3A_543, %get3A_570 : vector<16xf32>
      %add3A_572 = arith.constant 18 : i32
      %add3A_573 = arith.addi %mul3A_77, %add3A_572 : i32
      %get3A_574 = arith.index_cast %add3A_573 : i32 to index
      %get3A_575 = arith.constant 0 : index
      %get3A_576 = tpu.vector_load %arg4[%get3A_574, %get3A_575] {strides = array<i32>} : memref<256x128xf32, #tpu.memory_space<vmem>>, vector<1x16xf32>,
      %get3A_577 = vector.shape_cast %get3A_576 : vector<1x16xf32> to vector<16xf32>
      %add3A_578 = arith.addf %add3A_550, %get3A_577 : vector<16xf32>
      %add3A_579 = arith.constant 18 : i32
      %add3A_580 = arith.addi %mul3A_77, %add3A_579 : i32
      %get3A_581 = arith.index_cast %add3A_580 : i32 to index
      %get3A_582 = arith.constant 16 : index
      %get3A_583 = tpu.vector_load %arg4[%get3A_581, %get3A_582] {strides = array<i32>} : memref<256x128xf32, #tpu.memory_space<vmem>>, vector<1x16xf32>,
      %get3A_584 = vector.shape_cast %get3A_583 : vector<1x16xf32> to vector<16xf32>
      %add3A_585 = arith.addf %add3A_557, %get3A_584 : vector<16xf32>
      %add3A_586 = arith.constant 18 : i32
      %add3A_587 = arith.addi %mul3A_77, %add3A_586 : i32
      %get3A_588 = arith.index_cast %add3A_587 : i32 to index
      %get3A_589 = arith.constant 32 : index
      %get3A_590 = tpu.vector_load %arg4[%get3A_588, %get3A_589] {strides = array<i32>} : memref<256x128xf32, #tpu.memory_space<vmem>>, vector<1x16xf32>,
      %get3A_591 = vector.shape_cast %get3A_590 : vector<1x16xf32> to vector<16xf32>
      %add3A_592 = arith.addf %add3A_564, %get3A_591 : vector<16xf32>
      %add3A_593 = arith.constant 18 : i32
      %add3A_594 = arith.addi %mul3A_77, %add3A_593 : i32
      %get3A_595 = arith.index_cast %add3A_594 : i32 to index
      %get3A_596 = arith.constant 48 : index
      %get3A_597 = tpu.vector_load %arg4[%get3A_595, %get3A_596] {strides = array<i32>} : memref<256x128xf32, #tpu.memory_space<vmem>>, vector<1x16xf32>,
      %get3A_598 = vector.shape_cast %get3A_597 : vector<1x16xf32> to vector<16xf32>
      %add3A_599 = arith.addf %add3A_571, %get3A_598 : vector<16xf32>
      %add3A_600 = arith.constant 19 : i32
      %add3A_601 = arith.addi %mul3A_77, %add3A_600 : i32
      %get3A_602 = arith.index_cast %add3A_601 : i32 to index
      %get3A_603 = arith.constant 0 : index
      %get3A_604 = tpu.vector_load %arg4[%get3A_602, %get3A_603] {strides = array<i32>} : memref<256x128xf32, #tpu.memory_space<vmem>>, vector<1x16xf32>,
      %get3A_605 = vector.shape_cast %get3A_604 : vector<1x16xf32> to vector<16xf32>
      %add3A_606 = arith.addf %add3A_578, %get3A_605 : vector<16xf32>
      %add3A_607 = arith.constant 19 : i32
      %add3A_608 = arith.addi %mul3A_77, %add3A_607 : i32
      %get3A_609 = arith.index_cast %add3A_608 : i32 to index
      %get3A_610 = arith.constant 16 : index
      %get3A_611 = tpu.vector_load %arg4[%get3A_609, %get3A_610] {strides = array<i32>} : memref<256x128xf32, #tpu.memory_space<vmem>>, vector<1x16xf32>,
      %get3A_612 = vector.shape_cast %get3A_611 : vector<1x16xf32> to vector<16xf32>
      %add3A_613 = arith.addf %add3A_585, %get3A_612 : vector<16xf32>
      %add3A_614 = arith.constant 19 : i32
      %add3A_615 = arith.addi %mul3A_77, %add3A_614 : i32
      %get3A_616 = arith.index_cast %add3A_615 : i32 to index
      %get3A_617 = arith.constant 32 : index
      %get3A_618 = tpu.vector_load %arg4[%get3A_616, %get3A_617] {strides = array<i32>} : memref<256x128xf32, #tpu.memory_space<vmem>>, vector<1x16xf32>,
      %get3A_619 = vector.shape_cast %get3A_618 : vector<1x16xf32> to vector<16xf32>
      %add3A_620 = arith.addf %add3A_592, %get3A_619 : vector<16xf32>
      %add3A_621 = arith.constant 19 : i32
      %add3A_622 = arith.addi %mul3A_77, %add3A_621 : i32
      %get3A_623 = arith.index_cast %add3A_622 : i32 to index
      %get3A_624 = arith.constant 48 : index
      %get3A_625 = tpu.vector_load %arg4[%get3A_623, %get3A_624] {strides = array<i32>} : memref<256x128xf32, #tpu.memory_space<vmem>>, vector<1x16xf32>,
      %get3A_626 = vector.shape_cast %get3A_625 : vector<1x16xf32> to vector<16xf32>
      %add3A_627 = arith.addf %add3A_599, %get3A_626 : vector<16xf32>
      %add3A_628 = arith.constant 20 : i32
      %add3A_629 = arith.addi %mul3A_77, %add3A_628 : i32
      %get3A_630 = arith.index_cast %add3A_629 : i32 to index
      %get3A_631 = arith.constant 0 : index
      %get3A_632 = tpu.vector_load %arg4[%get3A_630, %get3A_631] {strides = array<i32>} : memref<256x128xf32, #tpu.memory_space<vmem>>, vector<1x16xf32>,
      %get3A_633 = vector.shape_cast %get3A_632 : vector<1x16xf32> to vector<16xf32>
      %add3A_634 = arith.addf %add3A_606, %get3A_633 : vector<16xf32>
      %add3A_635 = arith.constant 20 : i32
      %add3A_636 = arith.addi %mul3A_77, %add3A_635 : i32
      %get3A_637 = arith.index_cast %add3A_636 : i32 to index
      %get3A_638 = arith.constant 16 : index
      %get3A_639 = tpu.vector_load %arg4[%get3A_637, %get3A_638] {strides = array<i32>} : memref<256x128xf32, #tpu.memory_space<vmem>>, vector<1x16xf32>,
      %get3A_640 = vector.shape_cast %get3A_639 : vector<1x16xf32> to vector<16xf32>
      %add3A_641 = arith.addf %add3A_613, %get3A_640 : vector<16xf32>
      %add3A_642 = arith.constant 20 : i32
      %add3A_643 = arith.addi %mul3A_77, %add3A_642 : i32
      %get3A_644 = arith.index_cast %add3A_643 : i32 to index
      %get3A_645 = arith.constant 32 : index
      %get3A_646 = tpu.vector_load %arg4[%get3A_644, %get3A_645] {strides = array<i32>} : memref<256x128xf32, #tpu.memory_space<vmem>>, vector<1x16xf32>,
      %get3A_647 = vector.shape_cast %get3A_646 : vector<1x16xf32> to vector<16xf32>
      %add3A_648 = arith.addf %add3A_620, %get3A_647 : vector<16xf32>
      %add3A_649 = arith.constant 20 : i32
      %add3A_650 = arith.addi %mul3A_77, %add3A_649 : i32
      %get3A_651 = arith.index_cast %add3A_650 : i32 to index
      %get3A_652 = arith.constant 48 : index
      %get3A_653 = tpu.vector_load %arg4[%get3A_651, %get3A_652] {strides = array<i32>} : memref<256x128xf32, #tpu.memory_space<vmem>>, vector<1x16xf32>,
      %get3A_654 = vector.shape_cast %get3A_653 : vector<1x16xf32> to vector<16xf32>
      %add3A_655 = arith.addf %add3A_627, %get3A_654 : vector<16xf32>
      %add3A_656 = arith.constant 21 : i32
      %add3A_657 = arith.addi %mul3A_77, %add3A_656 : i32
      %get3A_658 = arith.index_cast %add3A_657 : i32 to index
      %get3A_659 = arith.constant 0 : index
      %get3A_660 = tpu.vector_load %arg4[%get3A_658, %get3A_659] {strides = array<i32>} : memref<256x128xf32, #tpu.memory_space<vmem>>, vector<1x16xf32>,
      %get3A_661 = vector.shape_cast %get3A_660 : vector<1x16xf32> to vector<16xf32>
      %add3A_662 = arith.addf %add3A_634, %get3A_661 : vector<16xf32>
      %add3A_663 = arith.constant 21 : i32
      %add3A_664 = arith.addi %mul3A_77, %add3A_663 : i32
      %get3A_665 = arith.index_cast %add3A_664 : i32 to index
      %get3A_666 = arith.constant 16 : index
      %get3A_667 = tpu.vector_load %arg4[%get3A_665, %get3A_666] {strides = array<i32>} : memref<256x128xf32, #tpu.memory_space<vmem>>, vector<1x16xf32>,
      %get3A_668 = vector.shape_cast %get3A_667 : vector<1x16xf32> to vector<16xf32>
      %add3A_669 = arith.addf %add3A_641, %get3A_668 : vector<16xf32>
      %add3A_670 = arith.constant 21 : i32
      %add3A_671 = arith.addi %mul3A_77, %add3A_670 : i32
      %get3A_672 = arith.index_cast %add3A_671 : i32 to index
      %get3A_673 = arith.constant 32 : index
      %get3A_674 = tpu.vector_load %arg4[%get3A_672, %get3A_673] {strides = array<i32>} : memref<256x128xf32, #tpu.memory_space<vmem>>, vector<1x16xf32>,
      %get3A_675 = vector.shape_cast %get3A_674 : vector<1x16xf32> to vector<16xf32>
      %add3A_676 = arith.addf %add3A_648, %get3A_675 : vector<16xf32>
      %add3A_677 = arith.constant 21 : i32
      %add3A_678 = arith.addi %mul3A_77, %add3A_677 : i32
      %get3A_679 = arith.index_cast %add3A_678 : i32 to index
      %get3A_680 = arith.constant 48 : index
      %get3A_681 = tpu.vector_load %arg4[%get3A_679, %get3A_680] {strides = array<i32>} : memref<256x128xf32, #tpu.memory_space<vmem>>, vector<1x16xf32>,
      %get3A_682 = vector.shape_cast %get3A_681 : vector<1x16xf32> to vector<16xf32>
      %add3A_683 = arith.addf %add3A_655, %get3A_682 : vector<16xf32>
      %add3A_684 = arith.constant 22 : i32
      %add3A_685 = arith.addi %mul3A_77, %add3A_684 : i32
      %get3A_686 = arith.index_cast %add3A_685 : i32 to index
      %get3A_687 = arith.constant 0 : index
      %get3A_688 = tpu.vector_load %arg4[%get3A_686, %get3A_687] {strides = array<i32>} : memref<256x128xf32, #tpu.memory_space<vmem>>, vector<1x16xf32>,
      %get3A_689 = vector.shape_cast %get3A_688 : vector<1x16xf32> to vector<16xf32>
      %add3A_690 = arith.addf %add3A_662, %get3A_689 : vector<16xf32>
      %add3A_691 = arith.constant 22 : i32
      %add3A_692 = arith.addi %mul3A_77, %add3A_691 : i32
      %get3A_693 = arith.index_cast %add3A_692 : i32 to index
      %get3A_694 = arith.constant 16 : index
      %get3A_695 = tpu.vector_load %arg4[%get3A_693, %get3A_694] {strides = array<i32>} : memref<256x128xf32, #tpu.memory_space<vmem>>, vector<1x16xf32>,
      %get3A_696 = vector.shape_cast %get3A_695 : vector<1x16xf32> to vector<16xf32>
      %add3A_697 = arith.addf %add3A_669, %get3A_696 : vector<16xf32>
      %add3A_698 = arith.constant 22 : i32
      %add3A_699 = arith.addi %mul3A_77, %add3A_698 : i32
      %get3A_700 = arith.index_cast %add3A_699 : i32 to index
      %get3A_701 = arith.constant 32 : index
      %get3A_702 = tpu.vector_load %arg4[%get3A_700, %get3A_701] {strides = array<i32>} : memref<256x128xf32, #tpu.memory_space<vmem>>, vector<1x16xf32>,
      %get3A_703 = vector.shape_cast %get3A_702 : vector<1x16xf32> to vector<16xf32>
      %add3A_704 = arith.addf %add3A_676, %get3A_703 : vector<16xf32>
      %add3A_705 = arith.constant 22 : i32
      %add3A_706 = arith.addi %mul3A_77, %add3A_705 : i32
      %get3A_707 = arith.index_cast %add3A_706 : i32 to index
      %get3A_708 = arith.constant 48 : index
      %get3A_709 = tpu.vector_load %arg4[%get3A_707, %get3A_708] {strides = array<i32>} : memref<256x128xf32, #tpu.memory_space<vmem>>, vector<1x16xf32>,
      %get3A_710 = vector.shape_cast %get3A_709 : vector<1x16xf32> to vector<16xf32>
      %add3A_711 = arith.addf %add3A_683, %get3A_710 : vector<16xf32>
      %add3A_712 = arith.constant 23 : i32
      %add3A_713 = arith.addi %mul3A_77, %add3A_712 : i32
      %get3A_714 = arith.index_cast %add3A_713 : i32 to index
      %get3A_715 = arith.constant 0 : index
      %get3A_716 = tpu.vector_load %arg4[%get3A_714, %get3A_715] {strides = array<i32>} : memref<256x128xf32, #tpu.memory_space<vmem>>, vector<1x16xf32>,
      %get3A_717 = vector.shape_cast %get3A_716 : vector<1x16xf32> to vector<16xf32>
      %add3A_718 = arith.addf %add3A_690, %get3A_717 : vector<16xf32>
      %add3A_719 = arith.constant 23 : i32
      %add3A_720 = arith.addi %mul3A_77, %add3A_719 : i32
      %get3A_721 = arith.index_cast %add3A_720 : i32 to index
      %get3A_722 = arith.constant 16 : index
      %get3A_723 = tpu.vector_load %arg4[%get3A_721, %get3A_722] {strides = array<i32>} : memref<256x128xf32, #tpu.memory_space<vmem>>, vector<1x16xf32>,
      %get3A_724 = vector.shape_cast %get3A_723 : vector<1x16xf32> to vector<16xf32>
      %add3A_725 = arith.addf %add3A_697, %get3A_724 : vector<16xf32>
      %add3A_726 = arith.constant 23 : i32
      %add3A_727 = arith.addi %mul3A_77, %add3A_726 : i32
      %get3A_728 = arith.index_cast %add3A_727 : i32 to index
      %get3A_729 = arith.constant 32 : index
      %get3A_730 = tpu.vector_load %arg4[%get3A_728, %get3A_729] {strides = array<i32>} : memref<256x128xf32, #tpu.memory_space<vmem>>, vector<1x16xf32>,
      %get3A_731 = vector.shape_cast %get3A_730 : vector<1x16xf32> to vector<16xf32>
      %add3A_732 = arith.addf %add3A_704, %get3A_731 : vector<16xf32>
      %add3A_733 = arith.constant 23 : i32
      %add3A_734 = arith.addi %mul3A_77, %add3A_733 : i32
      %get3A_735 = arith.index_cast %add3A_734 : i32 to index
      %get3A_736 = arith.constant 48 : index
      %get3A_737 = tpu.vector_load %arg4[%get3A_735, %get3A_736] {strides = array<i32>} : memref<256x128xf32, #tpu.memory_space<vmem>>, vector<1x16xf32>,
      %get3A_738 = vector.shape_cast %get3A_737 : vector<1x16xf32> to vector<16xf32>
      %add3A_739 = arith.addf %add3A_711, %get3A_738 : vector<16xf32>
      %add3A_740 = arith.constant 24 : i32
      %add3A_741 = arith.addi %mul3A_77, %add3A_740 : i32
      %get3A_742 = arith.index_cast %add3A_741 : i32 to index
      %get3A_743 = arith.constant 0 : index
      %get3A_744 = tpu.vector_load %arg4[%get3A_742, %get3A_743] {strides = array<i32>} : memref<256x128xf32, #tpu.memory_space<vmem>>, vector<1x16xf32>,
      %get3A_745 = vector.shape_cast %get3A_744 : vector<1x16xf32> to vector<16xf32>
      %add3A_746 = arith.addf %add3A_718, %get3A_745 : vector<16xf32>
      %add3A_747 = arith.constant 24 : i32
      %add3A_748 = arith.addi %mul3A_77, %add3A_747 : i32
      %get3A_749 = arith.index_cast %add3A_748 : i32 to index
      %get3A_750 = arith.constant 16 : index
      %get3A_751 = tpu.vector_load %arg4[%get3A_749, %get3A_750] {strides = array<i32>} : memref<256x128xf32, #tpu.memory_space<vmem>>, vector<1x16xf32>,
      %get3A_752 = vector.shape_cast %get3A_751 : vector<1x16xf32> to vector<16xf32>
      %add3A_753 = arith.addf %add3A_725, %get3A_752 : vector<16xf32>
      %add3A_754 = arith.constant 24 : i32
      %add3A_755 = arith.addi %mul3A_77, %add3A_754 : i32
      %get3A_756 = arith.index_cast %add3A_755 : i32 to index
      %get3A_757 = arith.constant 32 : index
      %get3A_758 = tpu.vector_load %arg4[%get3A_756, %get3A_757] {strides = array<i32>} : memref<256x128xf32, #tpu.memory_space<vmem>>, vector<1x16xf32>,
      %get3A_759 = vector.shape_cast %get3A_758 : vector<1x16xf32> to vector<16xf32>
      %add3A_760 = arith.addf %add3A_732, %get3A_759 : vector<16xf32>
      %add3A_761 = arith.constant 24 : i32
      %add3A_762 = arith.addi %mul3A_77, %add3A_761 : i32
      %get3A_763 = arith.index_cast %add3A_762 : i32 to index
      %get3A_764 = arith.constant 48 : index
      %get3A_765 = tpu.vector_load %arg4[%get3A_763, %get3A_764] {strides = array<i32>} : memref<256x128xf32, #tpu.memory_space<vmem>>, vector<1x16xf32>,
      %get3A_766 = vector.shape_cast %get3A_765 : vector<1x16xf32> to vector<16xf32>
      %add3A_767 = arith.addf %add3A_739, %get3A_766 : vector<16xf32>
      %add3A_768 = arith.constant 25 : i32
      %add3A_769 = arith.addi %mul3A_77, %add3A_768 : i32
      %get3A_770 = arith.index_cast %add3A_769 : i32 to index
      %get3A_771 = arith.constant 0 : index
      %get3A_772 = tpu.vector_load %arg4[%get3A_770, %get3A_771] {strides = array<i32>} : memref<256x128xf32, #tpu.memory_space<vmem>>, vector<1x16xf32>,
      %get3A_773 = vector.shape_cast %get3A_772 : vector<1x16xf32> to vector<16xf32>
      %add3A_774 = arith.addf %add3A_746, %get3A_773 : vector<16xf32>
      %add3A_775 = arith.constant 25 : i32
      %add3A_776 = arith.addi %mul3A_77, %add3A_775 : i32
      %get3A_777 = arith.index_cast %add3A_776 : i32 to index
      %get3A_778 = arith.constant 16 : index
      %get3A_779 = tpu.vector_load %arg4[%get3A_777, %get3A_778] {strides = array<i32>} : memref<256x128xf32, #tpu.memory_space<vmem>>, vector<1x16xf32>,
      %get3A_780 = vector.shape_cast %get3A_779 : vector<1x16xf32> to vector<16xf32>
      %add3A_781 = arith.addf %add3A_753, %get3A_780 : vector<16xf32>
      %add3A_782 = arith.constant 25 : i32
      %add3A_783 = arith.addi %mul3A_77, %add3A_782 : i32
      %get3A_784 = arith.index_cast %add3A_783 : i32 to index
      %get3A_785 = arith.constant 32 : index
      %get3A_786 = tpu.vector_load %arg4[%get3A_784, %get3A_785] {strides = array<i32>} : memref<256x128xf32, #tpu.memory_space<vmem>>, vector<1x16xf32>,
      %get3A_787 = vector.shape_cast %get3A_786 : vector<1x16xf32> to vector<16xf32>
      %add3A_788 = arith.addf %add3A_760, %get3A_787 : vector<16xf32>
      %add3A_789 = arith.constant 25 : i32
      %add3A_790 = arith.addi %mul3A_77, %add3A_789 : i32
      %get3A_791 = arith.index_cast %add3A_790 : i32 to index
      %get3A_792 = arith.constant 48 : index
      %get3A_793 = tpu.vector_load %arg4[%get3A_791, %get3A_792] {strides = array<i32>} : memref<256x128xf32, #tpu.memory_space<vmem>>, vector<1x16xf32>,
      %get3A_794 = vector.shape_cast %get3A_793 : vector<1x16xf32> to vector<16xf32>
      %add3A_795 = arith.addf %add3A_767, %get3A_794 : vector<16xf32>
      %add3A_796 = arith.constant 26 : i32
      %add3A_797 = arith.addi %mul3A_77, %add3A_796 : i32
      %get3A_798 = arith.index_cast %add3A_797 : i32 to index
      %get3A_799 = arith.constant 0 : index
      %get3A_800 = tpu.vector_load %arg4[%get3A_798, %get3A_799] {strides = array<i32>} : memref<256x128xf32, #tpu.memory_space<vmem>>, vector<1x16xf32>,
      %get3A_801 = vector.shape_cast %get3A_800 : vector<1x16xf32> to vector<16xf32>
      %add3A_802 = arith.addf %add3A_774, %get3A_801 : vector<16xf32>
      %add3A_803 = arith.constant 26 : i32
      %add3A_804 = arith.addi %mul3A_77, %add3A_803 : i32
      %get3A_805 = arith.index_cast %add3A_804 : i32 to index
      %get3A_806 = arith.constant 16 : index
      %get3A_807 = tpu.vector_load %arg4[%get3A_805, %get3A_806] {strides = array<i32>} : memref<256x128xf32, #tpu.memory_space<vmem>>, vector<1x16xf32>,
      %get3A_808 = vector.shape_cast %get3A_807 : vector<1x16xf32> to vector<16xf32>
      %add3A_809 = arith.addf %add3A_781, %get3A_808 : vector<16xf32>
      %add3A_810 = arith.constant 26 : i32
      %add3A_811 = arith.addi %mul3A_77, %add3A_810 : i32
      %get3A_812 = arith.index_cast %add3A_811 : i32 to index
      %get3A_813 = arith.constant 32 : index
      %get3A_814 = tpu.vector_load %arg4[%get3A_812, %get3A_813] {strides = array<i32>} : memref<256x128xf32, #tpu.memory_space<vmem>>, vector<1x16xf32>,
      %get3A_815 = vector.shape_cast %get3A_814 : vector<1x16xf32> to vector<16xf32>
      %add3A_816 = arith.addf %add3A_788, %get3A_815 : vector<16xf32>
      %add3A_817 = arith.constant 26 : i32
      %add3A_818 = arith.addi %mul3A_77, %add3A_817 : i32
      %get3A_819 = arith.index_cast %add3A_818 : i32 to index
      %get3A_820 = arith.constant 48 : index
      %get3A_821 = tpu.vector_load %arg4[%get3A_819, %get3A_820] {strides = array<i32>} : memref<256x128xf32, #tpu.memory_space<vmem>>, vector<1x16xf32>,
      %get3A_822 = vector.shape_cast %get3A_821 : vector<1x16xf32> to vector<16xf32>
      %add3A_823 = arith.addf %add3A_795, %get3A_822 : vector<16xf32>
      %add3A_824 = arith.constant 27 : i32
      %add3A_825 = arith.addi %mul3A_77, %add3A_824 : i32
      %get3A_826 = arith.index_cast %add3A_825 : i32 to index
      %get3A_827 = arith.constant 0 : index
      %get3A_828 = tpu.vector_load %arg4[%get3A_826, %get3A_827] {strides = array<i32>} : memref<256x128xf32, #tpu.memory_space<vmem>>, vector<1x16xf32>,
      %get3A_829 = vector.shape_cast %get3A_828 : vector<1x16xf32> to vector<16xf32>
      %add3A_830 = arith.addf %add3A_802, %get3A_829 : vector<16xf32>
      %add3A_831 = arith.constant 27 : i32
      %add3A_832 = arith.addi %mul3A_77, %add3A_831 : i32
      %get3A_833 = arith.index_cast %add3A_832 : i32 to index
      %get3A_834 = arith.constant 16 : index
      %get3A_835 = tpu.vector_load %arg4[%get3A_833, %get3A_834] {strides = array<i32>} : memref<256x128xf32, #tpu.memory_space<vmem>>, vector<1x16xf32>,
      %get3A_836 = vector.shape_cast %get3A_835 : vector<1x16xf32> to vector<16xf32>
      %add3A_837 = arith.addf %add3A_809, %get3A_836 : vector<16xf32>
      %add3A_838 = arith.constant 27 : i32
      %add3A_839 = arith.addi %mul3A_77, %add3A_838 : i32
      %get3A_840 = arith.index_cast %add3A_839 : i32 to index
      %get3A_841 = arith.constant 32 : index
      %get3A_842 = tpu.vector_load %arg4[%get3A_840, %get3A_841] {strides = array<i32>} : memref<256x128xf32, #tpu.memory_space<vmem>>, vector<1x16xf32>,
      %get3A_843 = vector.shape_cast %get3A_842 : vector<1x16xf32> to vector<16xf32>
      %add3A_844 = arith.addf %add3A_816, %get3A_843 : vector<16xf32>
      %add3A_845 = arith.constant 27 : i32
      %add3A_846 = arith.addi %mul3A_77, %add3A_845 : i32
      %get3A_847 = arith.index_cast %add3A_846 : i32 to index
      %get3A_848 = arith.constant 48 : index
      %get3A_849 = tpu.vector_load %arg4[%get3A_847, %get3A_848] {strides = array<i32>} : memref<256x128xf32, #tpu.memory_space<vmem>>, vector<1x16xf32>,
      %get3A_850 = vector.shape_cast %get3A_849 : vector<1x16xf32> to vector<16xf32>
      %add3A_851 = arith.addf %add3A_823, %get3A_850 : vector<16xf32>
      %add3A_852 = arith.constant 28 : i32
      %add3A_853 = arith.addi %mul3A_77, %add3A_852 : i32
      %get3A_854 = arith.index_cast %add3A_853 : i32 to index
      %get3A_855 = arith.constant 0 : index
      %get3A_856 = tpu.vector_load %arg4[%get3A_854, %get3A_855] {strides = array<i32>} : memref<256x128xf32, #tpu.memory_space<vmem>>, vector<1x16xf32>,
      %get3A_857 = vector.shape_cast %get3A_856 : vector<1x16xf32> to vector<16xf32>
      %add3A_858 = arith.addf %add3A_830, %get3A_857 : vector<16xf32>
      %add3A_859 = arith.constant 28 : i32
      %add3A_860 = arith.addi %mul3A_77, %add3A_859 : i32
      %get3A_861 = arith.index_cast %add3A_860 : i32 to index
      %get3A_862 = arith.constant 16 : index
      %get3A_863 = tpu.vector_load %arg4[%get3A_861, %get3A_862] {strides = array<i32>} : memref<256x128xf32, #tpu.memory_space<vmem>>, vector<1x16xf32>,
      %get3A_864 = vector.shape_cast %get3A_863 : vector<1x16xf32> to vector<16xf32>
      %add3A_865 = arith.addf %add3A_837, %get3A_864 : vector<16xf32>
      %add3A_866 = arith.constant 28 : i32
      %add3A_867 = arith.addi %mul3A_77, %add3A_866 : i32
      %get3A_868 = arith.index_cast %add3A_867 : i32 to index
      %get3A_869 = arith.constant 32 : index
      %get3A_870 = tpu.vector_load %arg4[%get3A_868, %get3A_869] {strides = array<i32>} : memref<256x128xf32, #tpu.memory_space<vmem>>, vector<1x16xf32>,
      %get3A_871 = vector.shape_cast %get3A_870 : vector<1x16xf32> to vector<16xf32>
      %add3A_872 = arith.addf %add3A_844, %get3A_871 : vector<16xf32>
      %add3A_873 = arith.constant 28 : i32
      %add3A_874 = arith.addi %mul3A_77, %add3A_873 : i32
      %get3A_875 = arith.index_cast %add3A_874 : i32 to index
      %get3A_876 = arith.constant 48 : index
      %get3A_877 = tpu.vector_load %arg4[%get3A_875, %get3A_876] {strides = array<i32>} : memref<256x128xf32, #tpu.memory_space<vmem>>, vector<1x16xf32>,
      %get3A_878 = vector.shape_cast %get3A_877 : vector<1x16xf32> to vector<16xf32>
      %add3A_879 = arith.addf %add3A_851, %get3A_878 : vector<16xf32>
      %add3A_880 = arith.constant 29 : i32
      %add3A_881 = arith.addi %mul3A_77, %add3A_880 : i32
      %get3A_882 = arith.index_cast %add3A_881 : i32 to index
      %get3A_883 = arith.constant 0 : index
      %get3A_884 = tpu.vector_load %arg4[%get3A_882, %get3A_883] {strides = array<i32>} : memref<256x128xf32, #tpu.memory_space<vmem>>, vector<1x16xf32>,
      %get3A_885 = vector.shape_cast %get3A_884 : vector<1x16xf32> to vector<16xf32>
      %add3A_886 = arith.addf %add3A_858, %get3A_885 : vector<16xf32>
      %add3A_887 = arith.constant 29 : i32
      %add3A_888 = arith.addi %mul3A_77, %add3A_887 : i32
      %get3A_889 = arith.index_cast %add3A_888 : i32 to index
      %get3A_890 = arith.constant 16 : index
      %get3A_891 = tpu.vector_load %arg4[%get3A_889, %get3A_890] {strides = array<i32>} : memref<256x128xf32, #tpu.memory_space<vmem>>, vector<1x16xf32>,
      %get3A_892 = vector.shape_cast %get3A_891 : vector<1x16xf32> to vector<16xf32>
      %add3A_893 = arith.addf %add3A_865, %get3A_892 : vector<16xf32>
      %add3A_894 = arith.constant 29 : i32
      %add3A_895 = arith.addi %mul3A_77, %add3A_894 : i32
      %get3A_896 = arith.index_cast %add3A_895 : i32 to index
      %get3A_897 = arith.constant 32 : index
      %get3A_898 = tpu.vector_load %arg4[%get3A_896, %get3A_897] {strides = array<i32>} : memref<256x128xf32, #tpu.memory_space<vmem>>, vector<1x16xf32>,
      %get3A_899 = vector.shape_cast %get3A_898 : vector<1x16xf32> to vector<16xf32>
      %add3A_900 = arith.addf %add3A_872, %get3A_899 : vector<16xf32>
      %add3A_901 = arith.constant 29 : i32
      %add3A_902 = arith.addi %mul3A_77, %add3A_901 : i32
      %get3A_903 = arith.index_cast %add3A_902 : i32 to index
      %get3A_904 = arith.constant 48 : index
      %get3A_905 = tpu.vector_load %arg4[%get3A_903, %get3A_904] {strides = array<i32>} : memref<256x128xf32, #tpu.memory_space<vmem>>, vector<1x16xf32>,
      %get3A_906 = vector.shape_cast %get3A_905 : vector<1x16xf32> to vector<16xf32>
      %add3A_907 = arith.addf %add3A_879, %get3A_906 : vector<16xf32>
      %add3A_908 = arith.constant 30 : i32
      %add3A_909 = arith.addi %mul3A_77, %add3A_908 : i32
      %get3A_910 = arith.index_cast %add3A_909 : i32 to index
      %get3A_911 = arith.constant 0 : index
      %get3A_912 = tpu.vector_load %arg4[%get3A_910, %get3A_911] {strides = array<i32>} : memref<256x128xf32, #tpu.memory_space<vmem>>, vector<1x16xf32>,
      %get3A_913 = vector.shape_cast %get3A_912 : vector<1x16xf32> to vector<16xf32>
      %add3A_914 = arith.addf %add3A_886, %get3A_913 : vector<16xf32>
      %add3A_915 = arith.constant 30 : i32
      %add3A_916 = arith.addi %mul3A_77, %add3A_915 : i32
      %get3A_917 = arith.index_cast %add3A_916 : i32 to index
      %get3A_918 = arith.constant 16 : index
      %get3A_919 = tpu.vector_load %arg4[%get3A_917, %get3A_918] {strides = array<i32>} : memref<256x128xf32, #tpu.memory_space<vmem>>, vector<1x16xf32>,
      %get3A_920 = vector.shape_cast %get3A_919 : vector<1x16xf32> to vector<16xf32>
      %add3A_921 = arith.addf %add3A_893, %get3A_920 : vector<16xf32>
      %add3A_922 = arith.constant 30 : i32
      %add3A_923 = arith.addi %mul3A_77, %add3A_922 : i32
      %get3A_924 = arith.index_cast %add3A_923 : i32 to index
      %get3A_925 = arith.constant 32 : index
      %get3A_926 = tpu.vector_load %arg4[%get3A_924, %get3A_925] {strides = array<i32>} : memref<256x128xf32, #tpu.memory_space<vmem>>, vector<1x16xf32>,
      %get3A_927 = vector.shape_cast %get3A_926 : vector<1x16xf32> to vector<16xf32>
      %add3A_928 = arith.addf %add3A_900, %get3A_927 : vector<16xf32>
      %add3A_929 = arith.constant 30 : i32
      %add3A_930 = arith.addi %mul3A_77, %add3A_929 : i32
      %get3A_931 = arith.index_cast %add3A_930 : i32 to index
      %get3A_932 = arith.constant 48 : index
      %get3A_933 = tpu.vector_load %arg4[%get3A_931, %get3A_932] {strides = array<i32>} : memref<256x128xf32, #tpu.memory_space<vmem>>, vector<1x16xf32>,
      %get3A_934 = vector.shape_cast %get3A_933 : vector<1x16xf32> to vector<16xf32>
      %add3A_935 = arith.addf %add3A_907, %get3A_934 : vector<16xf32>
      %add3A_936 = arith.constant 31 : i32
      %add3A_937 = arith.addi %mul3A_77, %add3A_936 : i32
      %get3A_938 = arith.index_cast %add3A_937 : i32 to index
      %get3A_939 = arith.constant 0 : index
      %get3A_940 = tpu.vector_load %arg4[%get3A_938, %get3A_939] {strides = array<i32>} : memref<256x128xf32, #tpu.memory_space<vmem>>, vector<1x16xf32>,
      %get3A_941 = vector.shape_cast %get3A_940 : vector<1x16xf32> to vector<16xf32>
      %add3A_942 = arith.addf %add3A_914, %get3A_941 : vector<16xf32>
      %add3A_943 = arith.constant 31 : i32
      %add3A_944 = arith.addi %mul3A_77, %add3A_943 : i32
      %get3A_945 = arith.index_cast %add3A_944 : i32 to index
      %get3A_946 = arith.constant 16 : index
      %get3A_947 = tpu.vector_load %arg4[%get3A_945, %get3A_946] {strides = array<i32>} : memref<256x128xf32, #tpu.memory_space<vmem>>, vector<1x16xf32>,
      %get3A_948 = vector.shape_cast %get3A_947 : vector<1x16xf32> to vector<16xf32>
      %add3A_949 = arith.addf %add3A_921, %get3A_948 : vector<16xf32>
      %add3A_950 = arith.constant 31 : i32
      %add3A_951 = arith.addi %mul3A_77, %add3A_950 : i32
      %get3A_952 = arith.index_cast %add3A_951 : i32 to index
      %get3A_953 = arith.constant 32 : index
      %get3A_954 = tpu.vector_load %arg4[%get3A_952, %get3A_953] {strides = array<i32>} : memref<256x128xf32, #tpu.memory_space<vmem>>, vector<1x16xf32>,
      %get3A_955 = vector.shape_cast %get3A_954 : vector<1x16xf32> to vector<16xf32>
      %add3A_956 = arith.addf %add3A_928, %get3A_955 : vector<16xf32>
      %add3A_957 = arith.constant 31 : i32
      %add3A_958 = arith.addi %mul3A_77, %add3A_957 : i32
      %get3A_959 = arith.index_cast %add3A_958 : i32 to index
      %get3A_960 = arith.constant 48 : index
      %get3A_961 = tpu.vector_load %arg4[%get3A_959, %get3A_960] {strides = array<i32>} : memref<256x128xf32, #tpu.memory_space<vmem>>, vector<1x16xf32>,
      %get3A_962 = vector.shape_cast %get3A_961 : vector<1x16xf32> to vector<16xf32>
      %add3A_963 = arith.addf %add3A_935, %get3A_962 : vector<16xf32>
      %swap3A = arith.index_cast %add3A_80 : i32 to index
      %swap3A_964 = arith.constant 0 : index
      %swap3A_965 = tpu.vector_load %arg7[%swap3A, %swap3A_964] {strides = array<i32>} : memref<16x128xf32, #tpu.memory_space<vmem>>, vector<1x16xf32>,
      %swap3A_966 = vector.shape_cast %swap3A_965 : vector<1x16xf32> to vector<16xf32>
      %swap3A_967 = vector.shape_cast %add3A_942 : vector<16xf32> to vector<1x16xf32>
      tpu.vector_store %arg7[%swap3A, %swap3A_964], %swap3A_967 {strides = array<i32>} : memref<16x128xf32, #tpu.memory_space<vmem>>, vector<1x16xf32>,
      %swap3A_968 = arith.index_cast %add3A_80 : i32 to index
      %swap3A_969 = arith.constant 16 : index
      %swap3A_970 = tpu.vector_load %arg7[%swap3A_968, %swap3A_969] {strides = array<i32>} : memref<16x128xf32, #tpu.memory_space<vmem>>, vector<1x16xf32>,
      %swap3A_971 = vector.shape_cast %swap3A_970 : vector<1x16xf32> to vector<16xf32>
      %swap3A_972 = vector.shape_cast %add3A_949 : vector<16xf32> to vector<1x16xf32>
      tpu.vector_store %arg7[%swap3A_968, %swap3A_969], %swap3A_972 {strides = array<i32>} : memref<16x128xf32, #tpu.memory_space<vmem>>, vector<1x16xf32>,
      %swap3A_973 = arith.index_cast %add3A_80 : i32 to index
      %swap3A_974 = arith.constant 32 : index
      %swap3A_975 = tpu.vector_load %arg7[%swap3A_973, %swap3A_974] {strides = array<i32>} : memref<16x128xf32, #tpu.memory_space<vmem>>, vector<1x16xf32>,
      %swap3A_976 = vector.shape_cast %swap3A_975 : vector<1x16xf32> to vector<16xf32>
      %swap3A_977 = vector.shape_cast %add3A_956 : vector<16xf32> to vector<1x16xf32>
      tpu.vector_store %arg7[%swap3A_973, %swap3A_974], %swap3A_977 {strides = array<i32>} : memref<16x128xf32, #tpu.memory_space<vmem>>, vector<1x16xf32>,
      %swap3A_978 = arith.index_cast %add3A_80 : i32 to index
      %swap3A_979 = arith.constant 48 : index
      %swap3A_980 = tpu.vector_load %arg7[%swap3A_978, %swap3A_979] {strides = array<i32>} : memref<16x128xf32, #tpu.memory_space<vmem>>, vector<1x16xf32>,
      %swap3A_981 = vector.shape_cast %swap3A_980 : vector<1x16xf32> to vector<16xf32>
      %swap3A_982 = vector.shape_cast %add3A_963 : vector<16xf32> to vector<1x16xf32>
      tpu.vector_store %arg7[%swap3A_978, %swap3A_979], %swap3A_982 {strides = array<i32>} : memref<16x128xf32, #tpu.memory_space<vmem>>, vector<1x16xf32>,
      %get3A_983 = arith.index_cast %mul3A_77 : i32 to index
      %get3A_984 = arith.constant 64 : index
      %get3A_985 = tpu.vector_load %arg4[%get3A_983, %get3A_984] {strides = array<i32>} : memref<256x128xf32, #tpu.memory_space<vmem>>, vector<1x16xf32>,
      %get3A_986 = vector.shape_cast %get3A_985 : vector<1x16xf32> to vector<16xf32>
      %get3A_987 = arith.index_cast %mul3A_77 : i32 to index
      %get3A_988 = arith.constant 80 : index
      %get3A_989 = tpu.vector_load %arg4[%get3A_987, %get3A_988] {strides = array<i32>} : memref<256x128xf32, #tpu.memory_space<vmem>>, vector<1x16xf32>,
      %get3A_990 = vector.shape_cast %get3A_989 : vector<1x16xf32> to vector<16xf32>
      %get3A_991 = arith.index_cast %mul3A_77 : i32 to index
      %get3A_992 = arith.constant 96 : index
      %get3A_993 = tpu.vector_load %arg4[%get3A_991, %get3A_992] {strides = array<i32>} : memref<256x128xf32, #tpu.memory_space<vmem>>, vector<1x16xf32>,
      %get3A_994 = vector.shape_cast %get3A_993 : vector<1x16xf32> to vector<16xf32>
      %get3A_995 = arith.index_cast %mul3A_77 : i32 to index
      %get3A_996 = arith.constant 112 : index
      %get3A_997 = tpu.vector_load %arg4[%get3A_995, %get3A_996] {strides = array<i32>} : memref<256x128xf32, #tpu.memory_space<vmem>>, vector<1x16xf32>,
      %get3A_998 = vector.shape_cast %get3A_997 : vector<1x16xf32> to vector<16xf32>
      %add3A_999 = arith.constant 1 : i32
      %add3A_1000 = arith.addi %mul3A_77, %add3A_999 : i32
      %get3A_1001 = arith.index_cast %add3A_1000 : i32 to index
      %get3A_1002 = arith.constant 64 : index
      %get3A_1003 = tpu.vector_load %arg4[%get3A_1001, %get3A_1002] {strides = array<i32>} : memref<256x128xf32, #tpu.memory_space<vmem>>, vector<1x16xf32>,
      %get3A_1004 = vector.shape_cast %get3A_1003 : vector<1x16xf32> to vector<16xf32>
      %add3A_1005 = arith.addf %get3A_986, %get3A_1004 : vector<16xf32>
      %add3A_1006 = arith.constant 1 : i32
      %add3A_1007 = arith.addi %mul3A_77, %add3A_1006 : i32
      %get3A_1008 = arith.index_cast %add3A_1007 : i32 to index
      %get3A_1009 = arith.constant 80 : index
      %get3A_1010 = tpu.vector_load %arg4[%get3A_1008, %get3A_1009] {strides = array<i32>} : memref<256x128xf32, #tpu.memory_space<vmem>>, vector<1x16xf32>,
      %get3A_1011 = vector.shape_cast %get3A_1010 : vector<1x16xf32> to vector<16xf32>
      %add3A_1012 = arith.addf %get3A_990, %get3A_1011 : vector<16xf32>
      %add3A_1013 = arith.constant 1 : i32
      %add3A_1014 = arith.addi %mul3A_77, %add3A_1013 : i32
      %get3A_1015 = arith.index_cast %add3A_1014 : i32 to index
      %get3A_1016 = arith.constant 96 : index
      %get3A_1017 = tpu.vector_load %arg4[%get3A_1015, %get3A_1016] {strides = array<i32>} : memref<256x128xf32, #tpu.memory_space<vmem>>, vector<1x16xf32>,
      %get3A_1018 = vector.shape_cast %get3A_1017 : vector<1x16xf32> to vector<16xf32>
      %add3A_1019 = arith.addf %get3A_994, %get3A_1018 : vector<16xf32>
      %add3A_1020 = arith.constant 1 : i32
      %add3A_1021 = arith.addi %mul3A_77, %add3A_1020 : i32
      %get3A_1022 = arith.index_cast %add3A_1021 : i32 to index
      %get3A_1023 = arith.constant 112 : index
      %get3A_1024 = tpu.vector_load %arg4[%get3A_1022, %get3A_1023] {strides = array<i32>} : memref<256x128xf32, #tpu.memory_space<vmem>>, vector<1x16xf32>,
      %get3A_1025 = vector.shape_cast %get3A_1024 : vector<1x16xf32> to vector<16xf32>
      %add3A_1026 = arith.addf %get3A_998, %get3A_1025 : vector<16xf32>
      %add3A_1027 = arith.constant 2 : i32
      %add3A_1028 = arith.addi %mul3A_77, %add3A_1027 : i32
      %get3A_1029 = arith.index_cast %add3A_1028 : i32 to index
      %get3A_1030 = arith.constant 64 : index
      %get3A_1031 = tpu.vector_load %arg4[%get3A_1029, %get3A_1030] {strides = array<i32>} : memref<256x128xf32, #tpu.memory_space<vmem>>, vector<1x16xf32>,
      %get3A_1032 = vector.shape_cast %get3A_1031 : vector<1x16xf32> to vector<16xf32>
      %add3A_1033 = arith.addf %add3A_1005, %get3A_1032 : vector<16xf32>
      %add3A_1034 = arith.constant 2 : i32
      %add3A_1035 = arith.addi %mul3A_77, %add3A_1034 : i32
      %get3A_1036 = arith.index_cast %add3A_1035 : i32 to index
      %get3A_1037 = arith.constant 80 : index
      %get3A_1038 = tpu.vector_load %arg4[%get3A_1036, %get3A_1037] {strides = array<i32>} : memref<256x128xf32, #tpu.memory_space<vmem>>, vector<1x16xf32>,
      %get3A_1039 = vector.shape_cast %get3A_1038 : vector<1x16xf32> to vector<16xf32>
      %add3A_1040 = arith.addf %add3A_1012, %get3A_1039 : vector<16xf32>
      %add3A_1041 = arith.constant 2 : i32
      %add3A_1042 = arith.addi %mul3A_77, %add3A_1041 : i32
      %get3A_1043 = arith.index_cast %add3A_1042 : i32 to index
      %get3A_1044 = arith.constant 96 : index
      %get3A_1045 = tpu.vector_load %arg4[%get3A_1043, %get3A_1044] {strides = array<i32>} : memref<256x128xf32, #tpu.memory_space<vmem>>, vector<1x16xf32>,
      %get3A_1046 = vector.shape_cast %get3A_1045 : vector<1x16xf32> to vector<16xf32>
      %add3A_1047 = arith.addf %add3A_1019, %get3A_1046 : vector<16xf32>
      %add3A_1048 = arith.constant 2 : i32
      %add3A_1049 = arith.addi %mul3A_77, %add3A_1048 : i32
      %get3A_1050 = arith.index_cast %add3A_1049 : i32 to index
      %get3A_1051 = arith.constant 112 : index
      %get3A_1052 = tpu.vector_load %arg4[%get3A_1050, %get3A_1051] {strides = array<i32>} : memref<256x128xf32, #tpu.memory_space<vmem>>, vector<1x16xf32>,
      %get3A_1053 = vector.shape_cast %get3A_1052 : vector<1x16xf32> to vector<16xf32>
      %add3A_1054 = arith.addf %add3A_1026, %get3A_1053 : vector<16xf32>
      %add3A_1055 = arith.constant 3 : i32
      %add3A_1056 = arith.addi %mul3A_77, %add3A_1055 : i32
      %get3A_1057 = arith.index_cast %add3A_1056 : i32 to index
      %get3A_1058 = arith.constant 64 : index
      %get3A_1059 = tpu.vector_load %arg4[%get3A_1057, %get3A_1058] {strides = array<i32>} : memref<256x128xf32, #tpu.memory_space<vmem>>, vector<1x16xf32>,
      %get3A_1060 = vector.shape_cast %get3A_1059 : vector<1x16xf32> to vector<16xf32>
      %add3A_1061 = arith.addf %add3A_1033, %get3A_1060 : vector<16xf32>
      %add3A_1062 = arith.constant 3 : i32
      %add3A_1063 = arith.addi %mul3A_77, %add3A_1062 : i32
      %get3A_1064 = arith.index_cast %add3A_1063 : i32 to index
      %get3A_1065 = arith.constant 80 : index
      %get3A_1066 = tpu.vector_load %arg4[%get3A_1064, %get3A_1065] {strides = array<i32>} : memref<256x128xf32, #tpu.memory_space<vmem>>, vector<1x16xf32>,
      %get3A_1067 = vector.shape_cast %get3A_1066 : vector<1x16xf32> to vector<16xf32>
      %add3A_1068 = arith.addf %add3A_1040, %get3A_1067 : vector<16xf32>
      %add3A_1069 = arith.constant 3 : i32
      %add3A_1070 = arith.addi %mul3A_77, %add3A_1069 : i32
      %get3A_1071 = arith.index_cast %add3A_1070 : i32 to index
      %get3A_1072 = arith.constant 96 : index
      %get3A_1073 = tpu.vector_load %arg4[%get3A_1071, %get3A_1072] {strides = array<i32>} : memref<256x128xf32, #tpu.memory_space<vmem>>, vector<1x16xf32>,
      %get3A_1074 = vector.shape_cast %get3A_1073 : vector<1x16xf32> to vector<16xf32>
      %add3A_1075 = arith.addf %add3A_1047, %get3A_1074 : vector<16xf32>
      %add3A_1076 = arith.constant 3 : i32
      %add3A_1077 = arith.addi %mul3A_77, %add3A_1076 : i32
      %get3A_1078 = arith.index_cast %add3A_1077 : i32 to index
      %get3A_1079 = arith.constant 112 : index
      %get3A_1080 = tpu.vector_load %arg4[%get3A_1078, %get3A_1079] {strides = array<i32>} : memref<256x128xf32, #tpu.memory_space<vmem>>, vector<1x16xf32>,
      %get3A_1081 = vector.shape_cast %get3A_1080 : vector<1x16xf32> to vector<16xf32>
      %add3A_1082 = arith.addf %add3A_1054, %get3A_1081 : vector<16xf32>
      %add3A_1083 = arith.constant 4 : i32
      %add3A_1084 = arith.addi %mul3A_77, %add3A_1083 : i32
      %get3A_1085 = arith.index_cast %add3A_1084 : i32 to index
      %get3A_1086 = arith.constant 64 : index
      %get3A_1087 = tpu.vector_load %arg4[%get3A_1085, %get3A_1086] {strides = array<i32>} : memref<256x128xf32, #tpu.memory_space<vmem>>, vector<1x16xf32>,
      %get3A_1088 = vector.shape_cast %get3A_1087 : vector<1x16xf32> to vector<16xf32>
      %add3A_1089 = arith.addf %add3A_1061, %get3A_1088 : vector<16xf32>
      %add3A_1090 = arith.constant 4 : i32
      %add3A_1091 = arith.addi %mul3A_77, %add3A_1090 : i32
      %get3A_1092 = arith.index_cast %add3A_1091 : i32 to index
      %get3A_1093 = arith.constant 80 : index
      %get3A_1094 = tpu.vector_load %arg4[%get3A_1092, %get3A_1093] {strides = array<i32>} : memref<256x128xf32, #tpu.memory_space<vmem>>, vector<1x16xf32>,
      %get3A_1095 = vector.shape_cast %get3A_1094 : vector<1x16xf32> to vector<16xf32>
      %add3A_1096 = arith.addf %add3A_1068, %get3A_1095 : vector<16xf32>
      %add3A_1097 = arith.constant 4 : i32
      %add3A_1098 = arith.addi %mul3A_77, %add3A_1097 : i32
      %get3A_1099 = arith.index_cast %add3A_1098 : i32 to index
      %get3A_1100 = arith.constant 96 : index
      %get3A_1101 = tpu.vector_load %arg4[%get3A_1099, %get3A_1100] {strides = array<i32>} : memref<256x128xf32, #tpu.memory_space<vmem>>, vector<1x16xf32>,
      %get3A_1102 = vector.shape_cast %get3A_1101 : vector<1x16xf32> to vector<16xf32>
      %add3A_1103 = arith.addf %add3A_1075, %get3A_1102 : vector<16xf32>
      %add3A_1104 = arith.constant 4 : i32
      %add3A_1105 = arith.addi %mul3A_77, %add3A_1104 : i32
      %get3A_1106 = arith.index_cast %add3A_1105 : i32 to index
      %get3A_1107 = arith.constant 112 : index
      %get3A_1108 = tpu.vector_load %arg4[%get3A_1106, %get3A_1107] {strides = array<i32>} : memref<256x128xf32, #tpu.memory_space<vmem>>, vector<1x16xf32>,
      %get3A_1109 = vector.shape_cast %get3A_1108 : vector<1x16xf32> to vector<16xf32>
      %add3A_1110 = arith.addf %add3A_1082, %get3A_1109 : vector<16xf32>
      %add3A_1111 = arith.constant 5 : i32
      %add3A_1112 = arith.addi %mul3A_77, %add3A_1111 : i32
      %get3A_1113 = arith.index_cast %add3A_1112 : i32 to index
      %get3A_1114 = arith.constant 64 : index
      %get3A_1115 = tpu.vector_load %arg4[%get3A_1113, %get3A_1114] {strides = array<i32>} : memref<256x128xf32, #tpu.memory_space<vmem>>, vector<1x16xf32>,
      %get3A_1116 = vector.shape_cast %get3A_1115 : vector<1x16xf32> to vector<16xf32>
      %add3A_1117 = arith.addf %add3A_1089, %get3A_1116 : vector<16xf32>
      %add3A_1118 = arith.constant 5 : i32
      %add3A_1119 = arith.addi %mul3A_77, %add3A_1118 : i32
      %get3A_1120 = arith.index_cast %add3A_1119 : i32 to index
      %get3A_1121 = arith.constant 80 : index
      %get3A_1122 = tpu.vector_load %arg4[%get3A_1120, %get3A_1121] {strides = array<i32>} : memref<256x128xf32, #tpu.memory_space<vmem>>, vector<1x16xf32>,
      %get3A_1123 = vector.shape_cast %get3A_1122 : vector<1x16xf32> to vector<16xf32>
      %add3A_1124 = arith.addf %add3A_1096, %get3A_1123 : vector<16xf32>
      %add3A_1125 = arith.constant 5 : i32
      %add3A_1126 = arith.addi %mul3A_77, %add3A_1125 : i32
      %get3A_1127 = arith.index_cast %add3A_1126 : i32 to index
      %get3A_1128 = arith.constant 96 : index
      %get3A_1129 = tpu.vector_load %arg4[%get3A_1127, %get3A_1128] {strides = array<i32>} : memref<256x128xf32, #tpu.memory_space<vmem>>, vector<1x16xf32>,
      %get3A_1130 = vector.shape_cast %get3A_1129 : vector<1x16xf32> to vector<16xf32>
      %add3A_1131 = arith.addf %add3A_1103, %get3A_1130 : vector<16xf32>
      %add3A_1132 = arith.constant 5 : i32
      %add3A_1133 = arith.addi %mul3A_77, %add3A_1132 : i32
      %get3A_1134 = arith.index_cast %add3A_1133 : i32 to index
      %get3A_1135 = arith.constant 112 : index
      %get3A_1136 = tpu.vector_load %arg4[%get3A_1134, %get3A_1135] {strides = array<i32>} : memref<256x128xf32, #tpu.memory_space<vmem>>, vector<1x16xf32>,
      %get3A_1137 = vector.shape_cast %get3A_1136 : vector<1x16xf32> to vector<16xf32>
      %add3A_1138 = arith.addf %add3A_1110, %get3A_1137 : vector<16xf32>
      %add3A_1139 = arith.constant 6 : i32
      %add3A_1140 = arith.addi %mul3A_77, %add3A_1139 : i32
      %get3A_1141 = arith.index_cast %add3A_1140 : i32 to index
      %get3A_1142 = arith.constant 64 : index
      %get3A_1143 = tpu.vector_load %arg4[%get3A_1141, %get3A_1142] {strides = array<i32>} : memref<256x128xf32, #tpu.memory_space<vmem>>, vector<1x16xf32>,
      %get3A_1144 = vector.shape_cast %get3A_1143 : vector<1x16xf32> to vector<16xf32>
      %add3A_1145 = arith.addf %add3A_1117, %get3A_1144 : vector<16xf32>
      %add3A_1146 = arith.constant 6 : i32
      %add3A_1147 = arith.addi %mul3A_77, %add3A_1146 : i32
      %get3A_1148 = arith.index_cast %add3A_1147 : i32 to index
      %get3A_1149 = arith.constant 80 : index
      %get3A_1150 = tpu.vector_load %arg4[%get3A_1148, %get3A_1149] {strides = array<i32>} : memref<256x128xf32, #tpu.memory_space<vmem>>, vector<1x16xf32>,
      %get3A_1151 = vector.shape_cast %get3A_1150 : vector<1x16xf32> to vector<16xf32>
      %add3A_1152 = arith.addf %add3A_1124, %get3A_1151 : vector<16xf32>
      %add3A_1153 = arith.constant 6 : i32
      %add3A_1154 = arith.addi %mul3A_77, %add3A_1153 : i32
      %get3A_1155 = arith.index_cast %add3A_1154 : i32 to index
      %get3A_1156 = arith.constant 96 : index
      %get3A_1157 = tpu.vector_load %arg4[%get3A_1155, %get3A_1156] {strides = array<i32>} : memref<256x128xf32, #tpu.memory_space<vmem>>, vector<1x16xf32>,
      %get3A_1158 = vector.shape_cast %get3A_1157 : vector<1x16xf32> to vector<16xf32>
      %add3A_1159 = arith.addf %add3A_1131, %get3A_1158 : vector<16xf32>
      %add3A_1160 = arith.constant 6 : i32
      %add3A_1161 = arith.addi %mul3A_77, %add3A_1160 : i32
      %get3A_1162 = arith.index_cast %add3A_1161 : i32 to index
      %get3A_1163 = arith.constant 112 : index
      %get3A_1164 = tpu.vector_load %arg4[%get3A_1162, %get3A_1163] {strides = array<i32>} : memref<256x128xf32, #tpu.memory_space<vmem>>, vector<1x16xf32>,
      %get3A_1165 = vector.shape_cast %get3A_1164 : vector<1x16xf32> to vector<16xf32>
      %add3A_1166 = arith.addf %add3A_1138, %get3A_1165 : vector<16xf32>
      %add3A_1167 = arith.constant 7 : i32
      %add3A_1168 = arith.addi %mul3A_77, %add3A_1167 : i32
      %get3A_1169 = arith.index_cast %add3A_1168 : i32 to index
      %get3A_1170 = arith.constant 64 : index
      %get3A_1171 = tpu.vector_load %arg4[%get3A_1169, %get3A_1170] {strides = array<i32>} : memref<256x128xf32, #tpu.memory_space<vmem>>, vector<1x16xf32>,
      %get3A_1172 = vector.shape_cast %get3A_1171 : vector<1x16xf32> to vector<16xf32>
      %add3A_1173 = arith.addf %add3A_1145, %get3A_1172 : vector<16xf32>
      %add3A_1174 = arith.constant 7 : i32
      %add3A_1175 = arith.addi %mul3A_77, %add3A_1174 : i32
      %get3A_1176 = arith.index_cast %add3A_1175 : i32 to index
      %get3A_1177 = arith.constant 80 : index
      %get3A_1178 = tpu.vector_load %arg4[%get3A_1176, %get3A_1177] {strides = array<i32>} : memref<256x128xf32, #tpu.memory_space<vmem>>, vector<1x16xf32>,
      %get3A_1179 = vector.shape_cast %get3A_1178 : vector<1x16xf32> to vector<16xf32>
      %add3A_1180 = arith.addf %add3A_1152, %get3A_1179 : vector<16xf32>
      %add3A_1181 = arith.constant 7 : i32
      %add3A_1182 = arith.addi %mul3A_77, %add3A_1181 : i32
      %get3A_1183 = arith.index_cast %add3A_1182 : i32 to index
      %get3A_1184 = arith.constant 96 : index
      %get3A_1185 = tpu.vector_load %arg4[%get3A_1183, %get3A_1184] {strides = array<i32>} : memref<256x128xf32, #tpu.memory_space<vmem>>, vector<1x16xf32>,
      %get3A_1186 = vector.shape_cast %get3A_1185 : vector<1x16xf32> to vector<16xf32>
      %add3A_1187 = arith.addf %add3A_1159, %get3A_1186 : vector<16xf32>
      %add3A_1188 = arith.constant 7 : i32
      %add3A_1189 = arith.addi %mul3A_77, %add3A_1188 : i32
      %get3A_1190 = arith.index_cast %add3A_1189 : i32 to index
      %get3A_1191 = arith.constant 112 : index
      %get3A_1192 = tpu.vector_load %arg4[%get3A_1190, %get3A_1191] {strides = array<i32>} : memref<256x128xf32, #tpu.memory_space<vmem>>, vector<1x16xf32>,
      %get3A_1193 = vector.shape_cast %get3A_1192 : vector<1x16xf32> to vector<16xf32>
      %add3A_1194 = arith.addf %add3A_1166, %get3A_1193 : vector<16xf32>
      %add3A_1195 = arith.constant 8 : i32
      %add3A_1196 = arith.addi %mul3A_77, %add3A_1195 : i32
      %get3A_1197 = arith.index_cast %add3A_1196 : i32 to index
      %get3A_1198 = arith.constant 64 : index
      %get3A_1199 = tpu.vector_load %arg4[%get3A_1197, %get3A_1198] {strides = array<i32>} : memref<256x128xf32, #tpu.memory_space<vmem>>, vector<1x16xf32>,
      %get3A_1200 = vector.shape_cast %get3A_1199 : vector<1x16xf32> to vector<16xf32>
      %add3A_1201 = arith.addf %add3A_1173, %get3A_1200 : vector<16xf32>
      %add3A_1202 = arith.constant 8 : i32
      %add3A_1203 = arith.addi %mul3A_77, %add3A_1202 : i32
      %get3A_1204 = arith.index_cast %add3A_1203 : i32 to index
      %get3A_1205 = arith.constant 80 : index
      %get3A_1206 = tpu.vector_load %arg4[%get3A_1204, %get3A_1205] {strides = array<i32>} : memref<256x128xf32, #tpu.memory_space<vmem>>, vector<1x16xf32>,
      %get3A_1207 = vector.shape_cast %get3A_1206 : vector<1x16xf32> to vector<16xf32>
      %add3A_1208 = arith.addf %add3A_1180, %get3A_1207 : vector<16xf32>
      %add3A_1209 = arith.constant 8 : i32
      %add3A_1210 = arith.addi %mul3A_77, %add3A_1209 : i32
      %get3A_1211 = arith.index_cast %add3A_1210 : i32 to index
      %get3A_1212 = arith.constant 96 : index
      %get3A_1213 = tpu.vector_load %arg4[%get3A_1211, %get3A_1212] {strides = array<i32>} : memref<256x128xf32, #tpu.memory_space<vmem>>, vector<1x16xf32>,
      %get3A_1214 = vector.shape_cast %get3A_1213 : vector<1x16xf32> to vector<16xf32>
      %add3A_1215 = arith.addf %add3A_1187, %get3A_1214 : vector<16xf32>
      %add3A_1216 = arith.constant 8 : i32
      %add3A_1217 = arith.addi %mul3A_77, %add3A_1216 : i32
      %get3A_1218 = arith.index_cast %add3A_1217 : i32 to index
      %get3A_1219 = arith.constant 112 : index
      %get3A_1220 = tpu.vector_load %arg4[%get3A_1218, %get3A_1219] {strides = array<i32>} : memref<256x128xf32, #tpu.memory_space<vmem>>, vector<1x16xf32>,
      %get3A_1221 = vector.shape_cast %get3A_1220 : vector<1x16xf32> to vector<16xf32>
      %add3A_1222 = arith.addf %add3A_1194, %get3A_1221 : vector<16xf32>
      %add3A_1223 = arith.constant 9 : i32
      %add3A_1224 = arith.addi %mul3A_77, %add3A_1223 : i32
      %get3A_1225 = arith.index_cast %add3A_1224 : i32 to index
      %get3A_1226 = arith.constant 64 : index
      %get3A_1227 = tpu.vector_load %arg4[%get3A_1225, %get3A_1226] {strides = array<i32>} : memref<256x128xf32, #tpu.memory_space<vmem>>, vector<1x16xf32>,
      %get3A_1228 = vector.shape_cast %get3A_1227 : vector<1x16xf32> to vector<16xf32>
      %add3A_1229 = arith.addf %add3A_1201, %get3A_1228 : vector<16xf32>
      %add3A_1230 = arith.constant 9 : i32
      %add3A_1231 = arith.addi %mul3A_77, %add3A_1230 : i32
      %get3A_1232 = arith.index_cast %add3A_1231 : i32 to index
      %get3A_1233 = arith.constant 80 : index
      %get3A_1234 = tpu.vector_load %arg4[%get3A_1232, %get3A_1233] {strides = array<i32>} : memref<256x128xf32, #tpu.memory_space<vmem>>, vector<1x16xf32>,
      %get3A_1235 = vector.shape_cast %get3A_1234 : vector<1x16xf32> to vector<16xf32>
      %add3A_1236 = arith.addf %add3A_1208, %get3A_1235 : vector<16xf32>
      %add3A_1237 = arith.constant 9 : i32
      %add3A_1238 = arith.addi %mul3A_77, %add3A_1237 : i32
      %get3A_1239 = arith.index_cast %add3A_1238 : i32 to index
      %get3A_1240 = arith.constant 96 : index
      %get3A_1241 = tpu.vector_load %arg4[%get3A_1239, %get3A_1240] {strides = array<i32>} : memref<256x128xf32, #tpu.memory_space<vmem>>, vector<1x16xf32>,
      %get3A_1242 = vector.shape_cast %get3A_1241 : vector<1x16xf32> to vector<16xf32>
      %add3A_1243 = arith.addf %add3A_1215, %get3A_1242 : vector<16xf32>
      %add3A_1244 = arith.constant 9 : i32
      %add3A_1245 = arith.addi %mul3A_77, %add3A_1244 : i32
      %get3A_1246 = arith.index_cast %add3A_1245 : i32 to index
      %get3A_1247 = arith.constant 112 : index
      %get3A_1248 = tpu.vector_load %arg4[%get3A_1246, %get3A_1247] {strides = array<i32>} : memref<256x128xf32, #tpu.memory_space<vmem>>, vector<1x16xf32>,
      %get3A_1249 = vector.shape_cast %get3A_1248 : vector<1x16xf32> to vector<16xf32>
      %add3A_1250 = arith.addf %add3A_1222, %get3A_1249 : vector<16xf32>
      %add3A_1251 = arith.constant 10 : i32
      %add3A_1252 = arith.addi %mul3A_77, %add3A_1251 : i32
      %get3A_1253 = arith.index_cast %add3A_1252 : i32 to index
      %get3A_1254 = arith.constant 64 : index
      %get3A_1255 = tpu.vector_load %arg4[%get3A_1253, %get3A_1254] {strides = array<i32>} : memref<256x128xf32, #tpu.memory_space<vmem>>, vector<1x16xf32>,
      %get3A_1256 = vector.shape_cast %get3A_1255 : vector<1x16xf32> to vector<16xf32>
      %add3A_1257 = arith.addf %add3A_1229, %get3A_1256 : vector<16xf32>
      %add3A_1258 = arith.constant 10 : i32
      %add3A_1259 = arith.addi %mul3A_77, %add3A_1258 : i32
      %get3A_1260 = arith.index_cast %add3A_1259 : i32 to index
      %get3A_1261 = arith.constant 80 : index
      %get3A_1262 = tpu.vector_load %arg4[%get3A_1260, %get3A_1261] {strides = array<i32>} : memref<256x128xf32, #tpu.memory_space<vmem>>, vector<1x16xf32>,
      %get3A_1263 = vector.shape_cast %get3A_1262 : vector<1x16xf32> to vector<16xf32>
      %add3A_1264 = arith.addf %add3A_1236, %get3A_1263 : vector<16xf32>
      %add3A_1265 = arith.constant 10 : i32
      %add3A_1266 = arith.addi %mul3A_77, %add3A_1265 : i32
      %get3A_1267 = arith.index_cast %add3A_1266 : i32 to index
      %get3A_1268 = arith.constant 96 : index
      %get3A_1269 = tpu.vector_load %arg4[%get3A_1267, %get3A_1268] {strides = array<i32>} : memref<256x128xf32, #tpu.memory_space<vmem>>, vector<1x16xf32>,
      %get3A_1270 = vector.shape_cast %get3A_1269 : vector<1x16xf32> to vector<16xf32>
      %add3A_1271 = arith.addf %add3A_1243, %get3A_1270 : vector<16xf32>
      %add3A_1272 = arith.constant 10 : i32
      %add3A_1273 = arith.addi %mul3A_77, %add3A_1272 : i32
      %get3A_1274 = arith.index_cast %add3A_1273 : i32 to index
      %get3A_1275 = arith.constant 112 : index
      %get3A_1276 = tpu.vector_load %arg4[%get3A_1274, %get3A_1275] {strides = array<i32>} : memref<256x128xf32, #tpu.memory_space<vmem>>, vector<1x16xf32>,
      %get3A_1277 = vector.shape_cast %get3A_1276 : vector<1x16xf32> to vector<16xf32>
      %add3A_1278 = arith.addf %add3A_1250, %get3A_1277 : vector<16xf32>
      %add3A_1279 = arith.constant 11 : i32
      %add3A_1280 = arith.addi %mul3A_77, %add3A_1279 : i32
      %get3A_1281 = arith.index_cast %add3A_1280 : i32 to index
      %get3A_1282 = arith.constant 64 : index
      %get3A_1283 = tpu.vector_load %arg4[%get3A_1281, %get3A_1282] {strides = array<i32>} : memref<256x128xf32, #tpu.memory_space<vmem>>, vector<1x16xf32>,
      %get3A_1284 = vector.shape_cast %get3A_1283 : vector<1x16xf32> to vector<16xf32>
      %add3A_1285 = arith.addf %add3A_1257, %get3A_1284 : vector<16xf32>
      %add3A_1286 = arith.constant 11 : i32
      %add3A_1287 = arith.addi %mul3A_77, %add3A_1286 : i32
      %get3A_1288 = arith.index_cast %add3A_1287 : i32 to index
      %get3A_1289 = arith.constant 80 : index
      %get3A_1290 = tpu.vector_load %arg4[%get3A_1288, %get3A_1289] {strides = array<i32>} : memref<256x128xf32, #tpu.memory_space<vmem>>, vector<1x16xf32>,
      %get3A_1291 = vector.shape_cast %get3A_1290 : vector<1x16xf32> to vector<16xf32>
      %add3A_1292 = arith.addf %add3A_1264, %get3A_1291 : vector<16xf32>
      %add3A_1293 = arith.constant 11 : i32
      %add3A_1294 = arith.addi %mul3A_77, %add3A_1293 : i32
      %get3A_1295 = arith.index_cast %add3A_1294 : i32 to index
      %get3A_1296 = arith.constant 96 : index
      %get3A_1297 = tpu.vector_load %arg4[%get3A_1295, %get3A_1296] {strides = array<i32>} : memref<256x128xf32, #tpu.memory_space<vmem>>, vector<1x16xf32>,
      %get3A_1298 = vector.shape_cast %get3A_1297 : vector<1x16xf32> to vector<16xf32>
      %add3A_1299 = arith.addf %add3A_1271, %get3A_1298 : vector<16xf32>
      %add3A_1300 = arith.constant 11 : i32
      %add3A_1301 = arith.addi %mul3A_77, %add3A_1300 : i32
      %get3A_1302 = arith.index_cast %add3A_1301 : i32 to index
      %get3A_1303 = arith.constant 112 : index
      %get3A_1304 = tpu.vector_load %arg4[%get3A_1302, %get3A_1303] {strides = array<i32>} : memref<256x128xf32, #tpu.memory_space<vmem>>, vector<1x16xf32>,
      %get3A_1305 = vector.shape_cast %get3A_1304 : vector<1x16xf32> to vector<16xf32>
      %add3A_1306 = arith.addf %add3A_1278, %get3A_1305 : vector<16xf32>
      %add3A_1307 = arith.constant 12 : i32
      %add3A_1308 = arith.addi %mul3A_77, %add3A_1307 : i32
      %get3A_1309 = arith.index_cast %add3A_1308 : i32 to index
      %get3A_1310 = arith.constant 64 : index
      %get3A_1311 = tpu.vector_load %arg4[%get3A_1309, %get3A_1310] {strides = array<i32>} : memref<256x128xf32, #tpu.memory_space<vmem>>, vector<1x16xf32>,
      %get3A_1312 = vector.shape_cast %get3A_1311 : vector<1x16xf32> to vector<16xf32>
      %add3A_1313 = arith.addf %add3A_1285, %get3A_1312 : vector<16xf32>
      %add3A_1314 = arith.constant 12 : i32
      %add3A_1315 = arith.addi %mul3A_77, %add3A_1314 : i32
      %get3A_1316 = arith.index_cast %add3A_1315 : i32 to index
      %get3A_1317 = arith.constant 80 : index
      %get3A_1318 = tpu.vector_load %arg4[%get3A_1316, %get3A_1317] {strides = array<i32>} : memref<256x128xf32, #tpu.memory_space<vmem>>, vector<1x16xf32>,
      %get3A_1319 = vector.shape_cast %get3A_1318 : vector<1x16xf32> to vector<16xf32>
      %add3A_1320 = arith.addf %add3A_1292, %get3A_1319 : vector<16xf32>
      %add3A_1321 = arith.constant 12 : i32
      %add3A_1322 = arith.addi %mul3A_77, %add3A_1321 : i32
      %get3A_1323 = arith.index_cast %add3A_1322 : i32 to index
      %get3A_1324 = arith.constant 96 : index
      %get3A_1325 = tpu.vector_load %arg4[%get3A_1323, %get3A_1324] {strides = array<i32>} : memref<256x128xf32, #tpu.memory_space<vmem>>, vector<1x16xf32>,
      %get3A_1326 = vector.shape_cast %get3A_1325 : vector<1x16xf32> to vector<16xf32>
      %add3A_1327 = arith.addf %add3A_1299, %get3A_1326 : vector<16xf32>
      %add3A_1328 = arith.constant 12 : i32
      %add3A_1329 = arith.addi %mul3A_77, %add3A_1328 : i32
      %get3A_1330 = arith.index_cast %add3A_1329 : i32 to index
      %get3A_1331 = arith.constant 112 : index
      %get3A_1332 = tpu.vector_load %arg4[%get3A_1330, %get3A_1331] {strides = array<i32>} : memref<256x128xf32, #tpu.memory_space<vmem>>, vector<1x16xf32>,
      %get3A_1333 = vector.shape_cast %get3A_1332 : vector<1x16xf32> to vector<16xf32>
      %add3A_1334 = arith.addf %add3A_1306, %get3A_1333 : vector<16xf32>
      %add3A_1335 = arith.constant 13 : i32
      %add3A_1336 = arith.addi %mul3A_77, %add3A_1335 : i32
      %get3A_1337 = arith.index_cast %add3A_1336 : i32 to index
      %get3A_1338 = arith.constant 64 : index
      %get3A_1339 = tpu.vector_load %arg4[%get3A_1337, %get3A_1338] {strides = array<i32>} : memref<256x128xf32, #tpu.memory_space<vmem>>, vector<1x16xf32>,
      %get3A_1340 = vector.shape_cast %get3A_1339 : vector<1x16xf32> to vector<16xf32>
      %add3A_1341 = arith.addf %add3A_1313, %get3A_1340 : vector<16xf32>
      %add3A_1342 = arith.constant 13 : i32
      %add3A_1343 = arith.addi %mul3A_77, %add3A_1342 : i32
      %get3A_1344 = arith.index_cast %add3A_1343 : i32 to index
      %get3A_1345 = arith.constant 80 : index
      %get3A_1346 = tpu.vector_load %arg4[%get3A_1344, %get3A_1345] {strides = array<i32>} : memref<256x128xf32, #tpu.memory_space<vmem>>, vector<1x16xf32>,
      %get3A_1347 = vector.shape_cast %get3A_1346 : vector<1x16xf32> to vector<16xf32>
      %add3A_1348 = arith.addf %add3A_1320, %get3A_1347 : vector<16xf32>
      %add3A_1349 = arith.constant 13 : i32
      %add3A_1350 = arith.addi %mul3A_77, %add3A_1349 : i32
      %get3A_1351 = arith.index_cast %add3A_1350 : i32 to index
      %get3A_1352 = arith.constant 96 : index
      %get3A_1353 = tpu.vector_load %arg4[%get3A_1351, %get3A_1352] {strides = array<i32>} : memref<256x128xf32, #tpu.memory_space<vmem>>, vector<1x16xf32>,
      %get3A_1354 = vector.shape_cast %get3A_1353 : vector<1x16xf32> to vector<16xf32>
      %add3A_1355 = arith.addf %add3A_1327, %get3A_1354 : vector<16xf32>
      %add3A_1356 = arith.constant 13 : i32
      %add3A_1357 = arith.addi %mul3A_77, %add3A_1356 : i32
      %get3A_1358 = arith.index_cast %add3A_1357 : i32 to index
      %get3A_1359 = arith.constant 112 : index
      %get3A_1360 = tpu.vector_load %arg4[%get3A_1358, %get3A_1359] {strides = array<i32>} : memref<256x128xf32, #tpu.memory_space<vmem>>, vector<1x16xf32>,
      %get3A_1361 = vector.shape_cast %get3A_1360 : vector<1x16xf32> to vector<16xf32>
      %add3A_1362 = arith.addf %add3A_1334, %get3A_1361 : vector<16xf32>
      %add3A_1363 = arith.constant 14 : i32
      %add3A_1364 = arith.addi %mul3A_77, %add3A_1363 : i32
      %get3A_1365 = arith.index_cast %add3A_1364 : i32 to index
      %get3A_1366 = arith.constant 64 : index
      %get3A_1367 = tpu.vector_load %arg4[%get3A_1365, %get3A_1366] {strides = array<i32>} : memref<256x128xf32, #tpu.memory_space<vmem>>, vector<1x16xf32>,
      %get3A_1368 = vector.shape_cast %get3A_1367 : vector<1x16xf32> to vector<16xf32>
      %add3A_1369 = arith.addf %add3A_1341, %get3A_1368 : vector<16xf32>
      %add3A_1370 = arith.constant 14 : i32
      %add3A_1371 = arith.addi %mul3A_77, %add3A_1370 : i32
      %get3A_1372 = arith.index_cast %add3A_1371 : i32 to index
      %get3A_1373 = arith.constant 80 : index
      %get3A_1374 = tpu.vector_load %arg4[%get3A_1372, %get3A_1373] {strides = array<i32>} : memref<256x128xf32, #tpu.memory_space<vmem>>, vector<1x16xf32>,
      %get3A_1375 = vector.shape_cast %get3A_1374 : vector<1x16xf32> to vector<16xf32>
      %add3A_1376 = arith.addf %add3A_1348, %get3A_1375 : vector<16xf32>
      %add3A_1377 = arith.constant 14 : i32
      %add3A_1378 = arith.addi %mul3A_77, %add3A_1377 : i32
      %get3A_1379 = arith.index_cast %add3A_1378 : i32 to index
      %get3A_1380 = arith.constant 96 : index
      %get3A_1381 = tpu.vector_load %arg4[%get3A_1379, %get3A_1380] {strides = array<i32>} : memref<256x128xf32, #tpu.memory_space<vmem>>, vector<1x16xf32>,
      %get3A_1382 = vector.shape_cast %get3A_1381 : vector<1x16xf32> to vector<16xf32>
      %add3A_1383 = arith.addf %add3A_1355, %get3A_1382 : vector<16xf32>
      %add3A_1384 = arith.constant 14 : i32
      %add3A_1385 = arith.addi %mul3A_77, %add3A_1384 : i32
      %get3A_1386 = arith.index_cast %add3A_1385 : i32 to index
      %get3A_1387 = arith.constant 112 : index
      %get3A_1388 = tpu.vector_load %arg4[%get3A_1386, %get3A_1387] {strides = array<i32>} : memref<256x128xf32, #tpu.memory_space<vmem>>, vector<1x16xf32>,
      %get3A_1389 = vector.shape_cast %get3A_1388 : vector<1x16xf32> to vector<16xf32>
      %add3A_1390 = arith.addf %add3A_1362, %get3A_1389 : vector<16xf32>
      %add3A_1391 = arith.constant 15 : i32
      %add3A_1392 = arith.addi %mul3A_77, %add3A_1391 : i32
      %get3A_1393 = arith.index_cast %add3A_1392 : i32 to index
      %get3A_1394 = arith.constant 64 : index
      %get3A_1395 = tpu.vector_load %arg4[%get3A_1393, %get3A_1394] {strides = array<i32>} : memref<256x128xf32, #tpu.memory_space<vmem>>, vector<1x16xf32>,
      %get3A_1396 = vector.shape_cast %get3A_1395 : vector<1x16xf32> to vector<16xf32>
      %add3A_1397 = arith.addf %add3A_1369, %get3A_1396 : vector<16xf32>
      %add3A_1398 = arith.constant 15 : i32
      %add3A_1399 = arith.addi %mul3A_77, %add3A_1398 : i32
      %get3A_1400 = arith.index_cast %add3A_1399 : i32 to index
      %get3A_1401 = arith.constant 80 : index
      %get3A_1402 = tpu.vector_load %arg4[%get3A_1400, %get3A_1401] {strides = array<i32>} : memref<256x128xf32, #tpu.memory_space<vmem>>, vector<1x16xf32>,
      %get3A_1403 = vector.shape_cast %get3A_1402 : vector<1x16xf32> to vector<16xf32>
      %add3A_1404 = arith.addf %add3A_1376, %get3A_1403 : vector<16xf32>
      %add3A_1405 = arith.constant 15 : i32
      %add3A_1406 = arith.addi %mul3A_77, %add3A_1405 : i32
      %get3A_1407 = arith.index_cast %add3A_1406 : i32 to index
      %get3A_1408 = arith.constant 96 : index
      %get3A_1409 = tpu.vector_load %arg4[%get3A_1407, %get3A_1408] {strides = array<i32>} : memref<256x128xf32, #tpu.memory_space<vmem>>, vector<1x16xf32>,
      %get3A_1410 = vector.shape_cast %get3A_1409 : vector<1x16xf32> to vector<16xf32>
      %add3A_1411 = arith.addf %add3A_1383, %get3A_1410 : vector<16xf32>
      %add3A_1412 = arith.constant 15 : i32
      %add3A_1413 = arith.addi %mul3A_77, %add3A_1412 : i32
      %get3A_1414 = arith.index_cast %add3A_1413 : i32 to index
      %get3A_1415 = arith.constant 112 : index
      %get3A_1416 = tpu.vector_load %arg4[%get3A_1414, %get3A_1415] {strides = array<i32>} : memref<256x128xf32, #tpu.memory_space<vmem>>, vector<1x16xf32>,
      %get3A_1417 = vector.shape_cast %get3A_1416 : vector<1x16xf32> to vector<16xf32>
      %add3A_1418 = arith.addf %add3A_1390, %get3A_1417 : vector<16xf32>
      %add3A_1419 = arith.constant 16 : i32
      %add3A_1420 = arith.addi %mul3A_77, %add3A_1419 : i32
      %get3A_1421 = arith.index_cast %add3A_1420 : i32 to index
      %get3A_1422 = arith.constant 64 : index
      %get3A_1423 = tpu.vector_load %arg4[%get3A_1421, %get3A_1422] {strides = array<i32>} : memref<256x128xf32, #tpu.memory_space<vmem>>, vector<1x16xf32>,
      %get3A_1424 = vector.shape_cast %get3A_1423 : vector<1x16xf32> to vector<16xf32>
      %add3A_1425 = arith.addf %add3A_1397, %get3A_1424 : vector<16xf32>
      %add3A_1426 = arith.constant 16 : i32
      %add3A_1427 = arith.addi %mul3A_77, %add3A_1426 : i32
      %get3A_1428 = arith.index_cast %add3A_1427 : i32 to index
      %get3A_1429 = arith.constant 80 : index
      %get3A_1430 = tpu.vector_load %arg4[%get3A_1428, %get3A_1429] {strides = array<i32>} : memref<256x128xf32, #tpu.memory_space<vmem>>, vector<1x16xf32>,
      %get3A_1431 = vector.shape_cast %get3A_1430 : vector<1x16xf32> to vector<16xf32>
      %add3A_1432 = arith.addf %add3A_1404, %get3A_1431 : vector<16xf32>
      %add3A_1433 = arith.constant 16 : i32
      %add3A_1434 = arith.addi %mul3A_77, %add3A_1433 : i32
      %get3A_1435 = arith.index_cast %add3A_1434 : i32 to index
      %get3A_1436 = arith.constant 96 : index
      %get3A_1437 = tpu.vector_load %arg4[%get3A_1435, %get3A_1436] {strides = array<i32>} : memref<256x128xf32, #tpu.memory_space<vmem>>, vector<1x16xf32>,
      %get3A_1438 = vector.shape_cast %get3A_1437 : vector<1x16xf32> to vector<16xf32>
      %add3A_1439 = arith.addf %add3A_1411, %get3A_1438 : vector<16xf32>
      %add3A_1440 = arith.constant 16 : i32
      %add3A_1441 = arith.addi %mul3A_77, %add3A_1440 : i32
      %get3A_1442 = arith.index_cast %add3A_1441 : i32 to index
      %get3A_1443 = arith.constant 112 : index
      %get3A_1444 = tpu.vector_load %arg4[%get3A_1442, %get3A_1443] {strides = array<i32>} : memref<256x128xf32, #tpu.memory_space<vmem>>, vector<1x16xf32>,
      %get3A_1445 = vector.shape_cast %get3A_1444 : vector<1x16xf32> to vector<16xf32>
      %add3A_1446 = arith.addf %add3A_1418, %get3A_1445 : vector<16xf32>
      %add3A_1447 = arith.constant 17 : i32
      %add3A_1448 = arith.addi %mul3A_77, %add3A_1447 : i32
      %get3A_1449 = arith.index_cast %add3A_1448 : i32 to index
      %get3A_1450 = arith.constant 64 : index
      %get3A_1451 = tpu.vector_load %arg4[%get3A_1449, %get3A_1450] {strides = array<i32>} : memref<256x128xf32, #tpu.memory_space<vmem>>, vector<1x16xf32>,
      %get3A_1452 = vector.shape_cast %get3A_1451 : vector<1x16xf32> to vector<16xf32>
      %add3A_1453 = arith.addf %add3A_1425, %get3A_1452 : vector<16xf32>
      %add3A_1454 = arith.constant 17 : i32
      %add3A_1455 = arith.addi %mul3A_77, %add3A_1454 : i32
      %get3A_1456 = arith.index_cast %add3A_1455 : i32 to index
      %get3A_1457 = arith.constant 80 : index
      %get3A_1458 = tpu.vector_load %arg4[%get3A_1456, %get3A_1457] {strides = array<i32>} : memref<256x128xf32, #tpu.memory_space<vmem>>, vector<1x16xf32>,
      %get3A_1459 = vector.shape_cast %get3A_1458 : vector<1x16xf32> to vector<16xf32>
      %add3A_1460 = arith.addf %add3A_1432, %get3A_1459 : vector<16xf32>
      %add3A_1461 = arith.constant 17 : i32
      %add3A_1462 = arith.addi %mul3A_77, %add3A_1461 : i32
      %get3A_1463 = arith.index_cast %add3A_1462 : i32 to index
      %get3A_1464 = arith.constant 96 : index
      %get3A_1465 = tpu.vector_load %arg4[%get3A_1463, %get3A_1464] {strides = array<i32>} : memref<256x128xf32, #tpu.memory_space<vmem>>, vector<1x16xf32>,
      %get3A_1466 = vector.shape_cast %get3A_1465 : vector<1x16xf32> to vector<16xf32>
      %add3A_1467 = arith.addf %add3A_1439, %get3A_1466 : vector<16xf32>
      %add3A_1468 = arith.constant 17 : i32
      %add3A_1469 = arith.addi %mul3A_77, %add3A_1468 : i32
      %get3A_1470 = arith.index_cast %add3A_1469 : i32 to index
      %get3A_1471 = arith.constant 112 : index
      %get3A_1472 = tpu.vector_load %arg4[%get3A_1470, %get3A_1471] {strides = array<i32>} : memref<256x128xf32, #tpu.memory_space<vmem>>, vector<1x16xf32>,
      %get3A_1473 = vector.shape_cast %get3A_1472 : vector<1x16xf32> to vector<16xf32>
      %add3A_1474 = arith.addf %add3A_1446, %get3A_1473 : vector<16xf32>
      %add3A_1475 = arith.constant 18 : i32
      %add3A_1476 = arith.addi %mul3A_77, %add3A_1475 : i32
      %get3A_1477 = arith.index_cast %add3A_1476 : i32 to index
      %get3A_1478 = arith.constant 64 : index
      %get3A_1479 = tpu.vector_load %arg4[%get3A_1477, %get3A_1478] {strides = array<i32>} : memref<256x128xf32, #tpu.memory_space<vmem>>, vector<1x16xf32>,
      %get3A_1480 = vector.shape_cast %get3A_1479 : vector<1x16xf32> to vector<16xf32>
      %add3A_1481 = arith.addf %add3A_1453, %get3A_1480 : vector<16xf32>
      %add3A_1482 = arith.constant 18 : i32
      %add3A_1483 = arith.addi %mul3A_77, %add3A_1482 : i32
      %get3A_1484 = arith.index_cast %add3A_1483 : i32 to index
      %get3A_1485 = arith.constant 80 : index
      %get3A_1486 = tpu.vector_load %arg4[%get3A_1484, %get3A_1485] {strides = array<i32>} : memref<256x128xf32, #tpu.memory_space<vmem>>, vector<1x16xf32>,
      %get3A_1487 = vector.shape_cast %get3A_1486 : vector<1x16xf32> to vector<16xf32>
      %add3A_1488 = arith.addf %add3A_1460, %get3A_1487 : vector<16xf32>
      %add3A_1489 = arith.constant 18 : i32
      %add3A_1490 = arith.addi %mul3A_77, %add3A_1489 : i32
      %get3A_1491 = arith.index_cast %add3A_1490 : i32 to index
      %get3A_1492 = arith.constant 96 : index
      %get3A_1493 = tpu.vector_load %arg4[%get3A_1491, %get3A_1492] {strides = array<i32>} : memref<256x128xf32, #tpu.memory_space<vmem>>, vector<1x16xf32>,
      %get3A_1494 = vector.shape_cast %get3A_1493 : vector<1x16xf32> to vector<16xf32>
      %add3A_1495 = arith.addf %add3A_1467, %get3A_1494 : vector<16xf32>
      %add3A_1496 = arith.constant 18 : i32
      %add3A_1497 = arith.addi %mul3A_77, %add3A_1496 : i32
      %get3A_1498 = arith.index_cast %add3A_1497 : i32 to index
      %get3A_1499 = arith.constant 112 : index
      %get3A_1500 = tpu.vector_load %arg4[%get3A_1498, %get3A_1499] {strides = array<i32>} : memref<256x128xf32, #tpu.memory_space<vmem>>, vector<1x16xf32>,
      %get3A_1501 = vector.shape_cast %get3A_1500 : vector<1x16xf32> to vector<16xf32>
      %add3A_1502 = arith.addf %add3A_1474, %get3A_1501 : vector<16xf32>
      %add3A_1503 = arith.constant 19 : i32
      %add3A_1504 = arith.addi %mul3A_77, %add3A_1503 : i32
      %get3A_1505 = arith.index_cast %add3A_1504 : i32 to index
      %get3A_1506 = arith.constant 64 : index
      %get3A_1507 = tpu.vector_load %arg4[%get3A_1505, %get3A_1506] {strides = array<i32>} : memref<256x128xf32, #tpu.memory_space<vmem>>, vector<1x16xf32>,
      %get3A_1508 = vector.shape_cast %get3A_1507 : vector<1x16xf32> to vector<16xf32>
      %add3A_1509 = arith.addf %add3A_1481, %get3A_1508 : vector<16xf32>
      %add3A_1510 = arith.constant 19 : i32
      %add3A_1511 = arith.addi %mul3A_77, %add3A_1510 : i32
      %get3A_1512 = arith.index_cast %add3A_1511 : i32 to index
      %get3A_1513 = arith.constant 80 : index
      %get3A_1514 = tpu.vector_load %arg4[%get3A_1512, %get3A_1513] {strides = array<i32>} : memref<256x128xf32, #tpu.memory_space<vmem>>, vector<1x16xf32>,
      %get3A_1515 = vector.shape_cast %get3A_1514 : vector<1x16xf32> to vector<16xf32>
      %add3A_1516 = arith.addf %add3A_1488, %get3A_1515 : vector<16xf32>
      %add3A_1517 = arith.constant 19 : i32
      %add3A_1518 = arith.addi %mul3A_77, %add3A_1517 : i32
      %get3A_1519 = arith.index_cast %add3A_1518 : i32 to index
      %get3A_1520 = arith.constant 96 : index
      %get3A_1521 = tpu.vector_load %arg4[%get3A_1519, %get3A_1520] {strides = array<i32>} : memref<256x128xf32, #tpu.memory_space<vmem>>, vector<1x16xf32>,
      %get3A_1522 = vector.shape_cast %get3A_1521 : vector<1x16xf32> to vector<16xf32>
      %add3A_1523 = arith.addf %add3A_1495, %get3A_1522 : vector<16xf32>
      %add3A_1524 = arith.constant 19 : i32
      %add3A_1525 = arith.addi %mul3A_77, %add3A_1524 : i32
      %get3A_1526 = arith.index_cast %add3A_1525 : i32 to index
      %get3A_1527 = arith.constant 112 : index
      %get3A_1528 = tpu.vector_load %arg4[%get3A_1526, %get3A_1527] {strides = array<i32>} : memref<256x128xf32, #tpu.memory_space<vmem>>, vector<1x16xf32>,
      %get3A_1529 = vector.shape_cast %get3A_1528 : vector<1x16xf32> to vector<16xf32>
      %add3A_1530 = arith.addf %add3A_1502, %get3A_1529 : vector<16xf32>
      %add3A_1531 = arith.constant 20 : i32
      %add3A_1532 = arith.addi %mul3A_77, %add3A_1531 : i32
      %get3A_1533 = arith.index_cast %add3A_1532 : i32 to index
      %get3A_1534 = arith.constant 64 : index
      %get3A_1535 = tpu.vector_load %arg4[%get3A_1533, %get3A_1534] {strides = array<i32>} : memref<256x128xf32, #tpu.memory_space<vmem>>, vector<1x16xf32>,
      %get3A_1536 = vector.shape_cast %get3A_1535 : vector<1x16xf32> to vector<16xf32>
      %add3A_1537 = arith.addf %add3A_1509, %get3A_1536 : vector<16xf32>
      %add3A_1538 = arith.constant 20 : i32
      %add3A_1539 = arith.addi %mul3A_77, %add3A_1538 : i32
      %get3A_1540 = arith.index_cast %add3A_1539 : i32 to index
      %get3A_1541 = arith.constant 80 : index
      %get3A_1542 = tpu.vector_load %arg4[%get3A_1540, %get3A_1541] {strides = array<i32>} : memref<256x128xf32, #tpu.memory_space<vmem>>, vector<1x16xf32>,
      %get3A_1543 = vector.shape_cast %get3A_1542 : vector<1x16xf32> to vector<16xf32>
      %add3A_1544 = arith.addf %add3A_1516, %get3A_1543 : vector<16xf32>
      %add3A_1545 = arith.constant 20 : i32
      %add3A_1546 = arith.addi %mul3A_77, %add3A_1545 : i32
      %get3A_1547 = arith.index_cast %add3A_1546 : i32 to index
      %get3A_1548 = arith.constant 96 : index
      %get3A_1549 = tpu.vector_load %arg4[%get3A_1547, %get3A_1548] {strides = array<i32>} : memref<256x128xf32, #tpu.memory_space<vmem>>, vector<1x16xf32>,
      %get3A_1550 = vector.shape_cast %get3A_1549 : vector<1x16xf32> to vector<16xf32>
      %add3A_1551 = arith.addf %add3A_1523, %get3A_1550 : vector<16xf32>
      %add3A_1552 = arith.constant 20 : i32
      %add3A_1553 = arith.addi %mul3A_77, %add3A_1552 : i32
      %get3A_1554 = arith.index_cast %add3A_1553 : i32 to index
      %get3A_1555 = arith.constant 112 : index
      %get3A_1556 = tpu.vector_load %arg4[%get3A_1554, %get3A_1555] {strides = array<i32>} : memref<256x128xf32, #tpu.memory_space<vmem>>, vector<1x16xf32>,
      %get3A_1557 = vector.shape_cast %get3A_1556 : vector<1x16xf32> to vector<16xf32>
      %add3A_1558 = arith.addf %add3A_1530, %get3A_1557 : vector<16xf32>
      %add3A_1559 = arith.constant 21 : i32
      %add3A_1560 = arith.addi %mul3A_77, %add3A_1559 : i32
      %get3A_1561 = arith.index_cast %add3A_1560 : i32 to index
      %get3A_1562 = arith.constant 64 : index
      %get3A_1563 = tpu.vector_load %arg4[%get3A_1561, %get3A_1562] {strides = array<i32>} : memref<256x128xf32, #tpu.memory_space<vmem>>, vector<1x16xf32>,
      %get3A_1564 = vector.shape_cast %get3A_1563 : vector<1x16xf32> to vector<16xf32>
      %add3A_1565 = arith.addf %add3A_1537, %get3A_1564 : vector<16xf32>
      %add3A_1566 = arith.constant 21 : i32
      %add3A_1567 = arith.addi %mul3A_77, %add3A_1566 : i32
      %get3A_1568 = arith.index_cast %add3A_1567 : i32 to index
      %get3A_1569 = arith.constant 80 : index
      %get3A_1570 = tpu.vector_load %arg4[%get3A_1568, %get3A_1569] {strides = array<i32>} : memref<256x128xf32, #tpu.memory_space<vmem>>, vector<1x16xf32>,
      %get3A_1571 = vector.shape_cast %get3A_1570 : vector<1x16xf32> to vector<16xf32>
      %add3A_1572 = arith.addf %add3A_1544, %get3A_1571 : vector<16xf32>
      %add3A_1573 = arith.constant 21 : i32
      %add3A_1574 = arith.addi %mul3A_77, %add3A_1573 : i32
      %get3A_1575 = arith.index_cast %add3A_1574 : i32 to index
      %get3A_1576 = arith.constant 96 : index
      %get3A_1577 = tpu.vector_load %arg4[%get3A_1575, %get3A_1576] {strides = array<i32>} : memref<256x128xf32, #tpu.memory_space<vmem>>, vector<1x16xf32>,
      %get3A_1578 = vector.shape_cast %get3A_1577 : vector<1x16xf32> to vector<16xf32>
      %add3A_1579 = arith.addf %add3A_1551, %get3A_1578 : vector<16xf32>
      %add3A_1580 = arith.constant 21 : i32
      %add3A_1581 = arith.addi %mul3A_77, %add3A_1580 : i32
      %get3A_1582 = arith.index_cast %add3A_1581 : i32 to index
      %get3A_1583 = arith.constant 112 : index
      %get3A_1584 = tpu.vector_load %arg4[%get3A_1582, %get3A_1583] {strides = array<i32>} : memref<256x128xf32, #tpu.memory_space<vmem>>, vector<1x16xf32>,
      %get3A_1585 = vector.shape_cast %get3A_1584 : vector<1x16xf32> to vector<16xf32>
      %add3A_1586 = arith.addf %add3A_1558, %get3A_1585 : vector<16xf32>
      %add3A_1587 = arith.constant 22 : i32
      %add3A_1588 = arith.addi %mul3A_77, %add3A_1587 : i32
      %get3A_1589 = arith.index_cast %add3A_1588 : i32 to index
      %get3A_1590 = arith.constant 64 : index
      %get3A_1591 = tpu.vector_load %arg4[%get3A_1589, %get3A_1590] {strides = array<i32>} : memref<256x128xf32, #tpu.memory_space<vmem>>, vector<1x16xf32>,
      %get3A_1592 = vector.shape_cast %get3A_1591 : vector<1x16xf32> to vector<16xf32>
      %add3A_1593 = arith.addf %add3A_1565, %get3A_1592 : vector<16xf32>
      %add3A_1594 = arith.constant 22 : i32
      %add3A_1595 = arith.addi %mul3A_77, %add3A_1594 : i32
      %get3A_1596 = arith.index_cast %add3A_1595 : i32 to index
      %get3A_1597 = arith.constant 80 : index
      %get3A_1598 = tpu.vector_load %arg4[%get3A_1596, %get3A_1597] {strides = array<i32>} : memref<256x128xf32, #tpu.memory_space<vmem>>, vector<1x16xf32>,
      %get3A_1599 = vector.shape_cast %get3A_1598 : vector<1x16xf32> to vector<16xf32>
      %add3A_1600 = arith.addf %add3A_1572, %get3A_1599 : vector<16xf32>
      %add3A_1601 = arith.constant 22 : i32
      %add3A_1602 = arith.addi %mul3A_77, %add3A_1601 : i32
      %get3A_1603 = arith.index_cast %add3A_1602 : i32 to index
      %get3A_1604 = arith.constant 96 : index
      %get3A_1605 = tpu.vector_load %arg4[%get3A_1603, %get3A_1604] {strides = array<i32>} : memref<256x128xf32, #tpu.memory_space<vmem>>, vector<1x16xf32>,
      %get3A_1606 = vector.shape_cast %get3A_1605 : vector<1x16xf32> to vector<16xf32>
      %add3A_1607 = arith.addf %add3A_1579, %get3A_1606 : vector<16xf32>
      %add3A_1608 = arith.constant 22 : i32
      %add3A_1609 = arith.addi %mul3A_77, %add3A_1608 : i32
      %get3A_1610 = arith.index_cast %add3A_1609 : i32 to index
      %get3A_1611 = arith.constant 112 : index
      %get3A_1612 = tpu.vector_load %arg4[%get3A_1610, %get3A_1611] {strides = array<i32>} : memref<256x128xf32, #tpu.memory_space<vmem>>, vector<1x16xf32>,
      %get3A_1613 = vector.shape_cast %get3A_1612 : vector<1x16xf32> to vector<16xf32>
      %add3A_1614 = arith.addf %add3A_1586, %get3A_1613 : vector<16xf32>
      %add3A_1615 = arith.constant 23 : i32
      %add3A_1616 = arith.addi %mul3A_77, %add3A_1615 : i32
      %get3A_1617 = arith.index_cast %add3A_1616 : i32 to index
      %get3A_1618 = arith.constant 64 : index
      %get3A_1619 = tpu.vector_load %arg4[%get3A_1617, %get3A_1618] {strides = array<i32>} : memref<256x128xf32, #tpu.memory_space<vmem>>, vector<1x16xf32>,
      %get3A_1620 = vector.shape_cast %get3A_1619 : vector<1x16xf32> to vector<16xf32>
      %add3A_1621 = arith.addf %add3A_1593, %get3A_1620 : vector<16xf32>
      %add3A_1622 = arith.constant 23 : i32
      %add3A_1623 = arith.addi %mul3A_77, %add3A_1622 : i32
      %get3A_1624 = arith.index_cast %add3A_1623 : i32 to index
      %get3A_1625 = arith.constant 80 : index
      %get3A_1626 = tpu.vector_load %arg4[%get3A_1624, %get3A_1625] {strides = array<i32>} : memref<256x128xf32, #tpu.memory_space<vmem>>, vector<1x16xf32>,
      %get3A_1627 = vector.shape_cast %get3A_1626 : vector<1x16xf32> to vector<16xf32>
      %add3A_1628 = arith.addf %add3A_1600, %get3A_1627 : vector<16xf32>
      %add3A_1629 = arith.constant 23 : i32
      %add3A_1630 = arith.addi %mul3A_77, %add3A_1629 : i32
      %get3A_1631 = arith.index_cast %add3A_1630 : i32 to index
      %get3A_1632 = arith.constant 96 : index
      %get3A_1633 = tpu.vector_load %arg4[%get3A_1631, %get3A_1632] {strides = array<i32>} : memref<256x128xf32, #tpu.memory_space<vmem>>, vector<1x16xf32>,
      %get3A_1634 = vector.shape_cast %get3A_1633 : vector<1x16xf32> to vector<16xf32>
      %add3A_1635 = arith.addf %add3A_1607, %get3A_1634 : vector<16xf32>
      %add3A_1636 = arith.constant 23 : i32
      %add3A_1637 = arith.addi %mul3A_77, %add3A_1636 : i32
      %get3A_1638 = arith.index_cast %add3A_1637 : i32 to index
      %get3A_1639 = arith.constant 112 : index
      %get3A_1640 = tpu.vector_load %arg4[%get3A_1638, %get3A_1639] {strides = array<i32>} : memref<256x128xf32, #tpu.memory_space<vmem>>, vector<1x16xf32>,
      %get3A_1641 = vector.shape_cast %get3A_1640 : vector<1x16xf32> to vector<16xf32>
      %add3A_1642 = arith.addf %add3A_1614, %get3A_1641 : vector<16xf32>
      %add3A_1643 = arith.constant 24 : i32
      %add3A_1644 = arith.addi %mul3A_77, %add3A_1643 : i32
      %get3A_1645 = arith.index_cast %add3A_1644 : i32 to index
      %get3A_1646 = arith.constant 64 : index
      %get3A_1647 = tpu.vector_load %arg4[%get3A_1645, %get3A_1646] {strides = array<i32>} : memref<256x128xf32, #tpu.memory_space<vmem>>, vector<1x16xf32>,
      %get3A_1648 = vector.shape_cast %get3A_1647 : vector<1x16xf32> to vector<16xf32>
      %add3A_1649 = arith.addf %add3A_1621, %get3A_1648 : vector<16xf32>
      %add3A_1650 = arith.constant 24 : i32
      %add3A_1651 = arith.addi %mul3A_77, %add3A_1650 : i32
      %get3A_1652 = arith.index_cast %add3A_1651 : i32 to index
      %get3A_1653 = arith.constant 80 : index
      %get3A_1654 = tpu.vector_load %arg4[%get3A_1652, %get3A_1653] {strides = array<i32>} : memref<256x128xf32, #tpu.memory_space<vmem>>, vector<1x16xf32>,
      %get3A_1655 = vector.shape_cast %get3A_1654 : vector<1x16xf32> to vector<16xf32>
      %add3A_1656 = arith.addf %add3A_1628, %get3A_1655 : vector<16xf32>
      %add3A_1657 = arith.constant 24 : i32
      %add3A_1658 = arith.addi %mul3A_77, %add3A_1657 : i32
      %get3A_1659 = arith.index_cast %add3A_1658 : i32 to index
      %get3A_1660 = arith.constant 96 : index
      %get3A_1661 = tpu.vector_load %arg4[%get3A_1659, %get3A_1660] {strides = array<i32>} : memref<256x128xf32, #tpu.memory_space<vmem>>, vector<1x16xf32>,
      %get3A_1662 = vector.shape_cast %get3A_1661 : vector<1x16xf32> to vector<16xf32>
      %add3A_1663 = arith.addf %add3A_1635, %get3A_1662 : vector<16xf32>
      %add3A_1664 = arith.constant 24 : i32
      %add3A_1665 = arith.addi %mul3A_77, %add3A_1664 : i32
      %get3A_1666 = arith.index_cast %add3A_1665 : i32 to index
      %get3A_1667 = arith.constant 112 : index
      %get3A_1668 = tpu.vector_load %arg4[%get3A_1666, %get3A_1667] {strides = array<i32>} : memref<256x128xf32, #tpu.memory_space<vmem>>, vector<1x16xf32>,
      %get3A_1669 = vector.shape_cast %get3A_1668 : vector<1x16xf32> to vector<16xf32>
      %add3A_1670 = arith.addf %add3A_1642, %get3A_1669 : vector<16xf32>
      %add3A_1671 = arith.constant 25 : i32
      %add3A_1672 = arith.addi %mul3A_77, %add3A_1671 : i32
      %get3A_1673 = arith.index_cast %add3A_1672 : i32 to index
      %get3A_1674 = arith.constant 64 : index
      %get3A_1675 = tpu.vector_load %arg4[%get3A_1673, %get3A_1674] {strides = array<i32>} : memref<256x128xf32, #tpu.memory_space<vmem>>, vector<1x16xf32>,
      %get3A_1676 = vector.shape_cast %get3A_1675 : vector<1x16xf32> to vector<16xf32>
      %add3A_1677 = arith.addf %add3A_1649, %get3A_1676 : vector<16xf32>
      %add3A_1678 = arith.constant 25 : i32
      %add3A_1679 = arith.addi %mul3A_77, %add3A_1678 : i32
      %get3A_1680 = arith.index_cast %add3A_1679 : i32 to index
      %get3A_1681 = arith.constant 80 : index
      %get3A_1682 = tpu.vector_load %arg4[%get3A_1680, %get3A_1681] {strides = array<i32>} : memref<256x128xf32, #tpu.memory_space<vmem>>, vector<1x16xf32>,
      %get3A_1683 = vector.shape_cast %get3A_1682 : vector<1x16xf32> to vector<16xf32>
      %add3A_1684 = arith.addf %add3A_1656, %get3A_1683 : vector<16xf32>
      %add3A_1685 = arith.constant 25 : i32
      %add3A_1686 = arith.addi %mul3A_77, %add3A_1685 : i32
      %get3A_1687 = arith.index_cast %add3A_1686 : i32 to index
      %get3A_1688 = arith.constant 96 : index
      %get3A_1689 = tpu.vector_load %arg4[%get3A_1687, %get3A_1688] {strides = array<i32>} : memref<256x128xf32, #tpu.memory_space<vmem>>, vector<1x16xf32>,
      %get3A_1690 = vector.shape_cast %get3A_1689 : vector<1x16xf32> to vector<16xf32>
      %add3A_1691 = arith.addf %add3A_1663, %get3A_1690 : vector<16xf32>
      %add3A_1692 = arith.constant 25 : i32
      %add3A_1693 = arith.addi %mul3A_77, %add3A_1692 : i32
      %get3A_1694 = arith.index_cast %add3A_1693 : i32 to index
      %get3A_1695 = arith.constant 112 : index
      %get3A_1696 = tpu.vector_load %arg4[%get3A_1694, %get3A_1695] {strides = array<i32>} : memref<256x128xf32, #tpu.memory_space<vmem>>, vector<1x16xf32>,
      %get3A_1697 = vector.shape_cast %get3A_1696 : vector<1x16xf32> to vector<16xf32>
      %add3A_1698 = arith.addf %add3A_1670, %get3A_1697 : vector<16xf32>
      %add3A_1699 = arith.constant 26 : i32
      %add3A_1700 = arith.addi %mul3A_77, %add3A_1699 : i32
      %get3A_1701 = arith.index_cast %add3A_1700 : i32 to index
      %get3A_1702 = arith.constant 64 : index
      %get3A_1703 = tpu.vector_load %arg4[%get3A_1701, %get3A_1702] {strides = array<i32>} : memref<256x128xf32, #tpu.memory_space<vmem>>, vector<1x16xf32>,
      %get3A_1704 = vector.shape_cast %get3A_1703 : vector<1x16xf32> to vector<16xf32>
      %add3A_1705 = arith.addf %add3A_1677, %get3A_1704 : vector<16xf32>
      %add3A_1706 = arith.constant 26 : i32
      %add3A_1707 = arith.addi %mul3A_77, %add3A_1706 : i32
      %get3A_1708 = arith.index_cast %add3A_1707 : i32 to index
      %get3A_1709 = arith.constant 80 : index
      %get3A_1710 = tpu.vector_load %arg4[%get3A_1708, %get3A_1709] {strides = array<i32>} : memref<256x128xf32, #tpu.memory_space<vmem>>, vector<1x16xf32>,
      %get3A_1711 = vector.shape_cast %get3A_1710 : vector<1x16xf32> to vector<16xf32>
      %add3A_1712 = arith.addf %add3A_1684, %get3A_1711 : vector<16xf32>
      %add3A_1713 = arith.constant 26 : i32
      %add3A_1714 = arith.addi %mul3A_77, %add3A_1713 : i32
      %get3A_1715 = arith.index_cast %add3A_1714 : i32 to index
      %get3A_1716 = arith.constant 96 : index
      %get3A_1717 = tpu.vector_load %arg4[%get3A_1715, %get3A_1716] {strides = array<i32>} : memref<256x128xf32, #tpu.memory_space<vmem>>, vector<1x16xf32>,
      %get3A_1718 = vector.shape_cast %get3A_1717 : vector<1x16xf32> to vector<16xf32>
      %add3A_1719 = arith.addf %add3A_1691, %get3A_1718 : vector<16xf32>
      %add3A_1720 = arith.constant 26 : i32
      %add3A_1721 = arith.addi %mul3A_77, %add3A_1720 : i32
      %get3A_1722 = arith.index_cast %add3A_1721 : i32 to index
      %get3A_1723 = arith.constant 112 : index
      %get3A_1724 = tpu.vector_load %arg4[%get3A_1722, %get3A_1723] {strides = array<i32>} : memref<256x128xf32, #tpu.memory_space<vmem>>, vector<1x16xf32>,
      %get3A_1725 = vector.shape_cast %get3A_1724 : vector<1x16xf32> to vector<16xf32>
      %add3A_1726 = arith.addf %add3A_1698, %get3A_1725 : vector<16xf32>
      %add3A_1727 = arith.constant 27 : i32
      %add3A_1728 = arith.addi %mul3A_77, %add3A_1727 : i32
      %get3A_1729 = arith.index_cast %add3A_1728 : i32 to index
      %get3A_1730 = arith.constant 64 : index
      %get3A_1731 = tpu.vector_load %arg4[%get3A_1729, %get3A_1730] {strides = array<i32>} : memref<256x128xf32, #tpu.memory_space<vmem>>, vector<1x16xf32>,
      %get3A_1732 = vector.shape_cast %get3A_1731 : vector<1x16xf32> to vector<16xf32>
      %add3A_1733 = arith.addf %add3A_1705, %get3A_1732 : vector<16xf32>
      %add3A_1734 = arith.constant 27 : i32
      %add3A_1735 = arith.addi %mul3A_77, %add3A_1734 : i32
      %get3A_1736 = arith.index_cast %add3A_1735 : i32 to index
      %get3A_1737 = arith.constant 80 : index
      %get3A_1738 = tpu.vector_load %arg4[%get3A_1736, %get3A_1737] {strides = array<i32>} : memref<256x128xf32, #tpu.memory_space<vmem>>, vector<1x16xf32>,
      %get3A_1739 = vector.shape_cast %get3A_1738 : vector<1x16xf32> to vector<16xf32>
      %add3A_1740 = arith.addf %add3A_1712, %get3A_1739 : vector<16xf32>
      %add3A_1741 = arith.constant 27 : i32
      %add3A_1742 = arith.addi %mul3A_77, %add3A_1741 : i32
      %get3A_1743 = arith.index_cast %add3A_1742 : i32 to index
      %get3A_1744 = arith.constant 96 : index
      %get3A_1745 = tpu.vector_load %arg4[%get3A_1743, %get3A_1744] {strides = array<i32>} : memref<256x128xf32, #tpu.memory_space<vmem>>, vector<1x16xf32>,
      %get3A_1746 = vector.shape_cast %get3A_1745 : vector<1x16xf32> to vector<16xf32>
      %add3A_1747 = arith.addf %add3A_1719, %get3A_1746 : vector<16xf32>
      %add3A_1748 = arith.constant 27 : i32
      %add3A_1749 = arith.addi %mul3A_77, %add3A_1748 : i32
      %get3A_1750 = arith.index_cast %add3A_1749 : i32 to index
      %get3A_1751 = arith.constant 112 : index
      %get3A_1752 = tpu.vector_load %arg4[%get3A_1750, %get3A_1751] {strides = array<i32>} : memref<256x128xf32, #tpu.memory_space<vmem>>, vector<1x16xf32>,
      %get3A_1753 = vector.shape_cast %get3A_1752 : vector<1x16xf32> to vector<16xf32>
      %add3A_1754 = arith.addf %add3A_1726, %get3A_1753 : vector<16xf32>
      %add3A_1755 = arith.constant 28 : i32
      %add3A_1756 = arith.addi %mul3A_77, %add3A_1755 : i32
      %get3A_1757 = arith.index_cast %add3A_1756 : i32 to index
      %get3A_1758 = arith.constant 64 : index
      %get3A_1759 = tpu.vector_load %arg4[%get3A_1757, %get3A_1758] {strides = array<i32>} : memref<256x128xf32, #tpu.memory_space<vmem>>, vector<1x16xf32>,
      %get3A_1760 = vector.shape_cast %get3A_1759 : vector<1x16xf32> to vector<16xf32>
      %add3A_1761 = arith.addf %add3A_1733, %get3A_1760 : vector<16xf32>
      %add3A_1762 = arith.constant 28 : i32
      %add3A_1763 = arith.addi %mul3A_77, %add3A_1762 : i32
      %get3A_1764 = arith.index_cast %add3A_1763 : i32 to index
      %get3A_1765 = arith.constant 80 : index
      %get3A_1766 = tpu.vector_load %arg4[%get3A_1764, %get3A_1765] {strides = array<i32>} : memref<256x128xf32, #tpu.memory_space<vmem>>, vector<1x16xf32>,
      %get3A_1767 = vector.shape_cast %get3A_1766 : vector<1x16xf32> to vector<16xf32>
      %add3A_1768 = arith.addf %add3A_1740, %get3A_1767 : vector<16xf32>
      %add3A_1769 = arith.constant 28 : i32
      %add3A_1770 = arith.addi %mul3A_77, %add3A_1769 : i32
      %get3A_1771 = arith.index_cast %add3A_1770 : i32 to index
      %get3A_1772 = arith.constant 96 : index
      %get3A_1773 = tpu.vector_load %arg4[%get3A_1771, %get3A_1772] {strides = array<i32>} : memref<256x128xf32, #tpu.memory_space<vmem>>, vector<1x16xf32>,
      %get3A_1774 = vector.shape_cast %get3A_1773 : vector<1x16xf32> to vector<16xf32>
      %add3A_1775 = arith.addf %add3A_1747, %get3A_1774 : vector<16xf32>
      %add3A_1776 = arith.constant 28 : i32
      %add3A_1777 = arith.addi %mul3A_77, %add3A_1776 : i32
      %get3A_1778 = arith.index_cast %add3A_1777 : i32 to index
      %get3A_1779 = arith.constant 112 : index
      %get3A_1780 = tpu.vector_load %arg4[%get3A_1778, %get3A_1779] {strides = array<i32>} : memref<256x128xf32, #tpu.memory_space<vmem>>, vector<1x16xf32>,
      %get3A_1781 = vector.shape_cast %get3A_1780 : vector<1x16xf32> to vector<16xf32>
      %add3A_1782 = arith.addf %add3A_1754, %get3A_1781 : vector<16xf32>
      %add3A_1783 = arith.constant 29 : i32
      %add3A_1784 = arith.addi %mul3A_77, %add3A_1783 : i32
      %get3A_1785 = arith.index_cast %add3A_1784 : i32 to index
      %get3A_1786 = arith.constant 64 : index
      %get3A_1787 = tpu.vector_load %arg4[%get3A_1785, %get3A_1786] {strides = array<i32>} : memref<256x128xf32, #tpu.memory_space<vmem>>, vector<1x16xf32>,
      %get3A_1788 = vector.shape_cast %get3A_1787 : vector<1x16xf32> to vector<16xf32>
      %add3A_1789 = arith.addf %add3A_1761, %get3A_1788 : vector<16xf32>
      %add3A_1790 = arith.constant 29 : i32
      %add3A_1791 = arith.addi %mul3A_77, %add3A_1790 : i32
      %get3A_1792 = arith.index_cast %add3A_1791 : i32 to index
      %get3A_1793 = arith.constant 80 : index
      %get3A_1794 = tpu.vector_load %arg4[%get3A_1792, %get3A_1793] {strides = array<i32>} : memref<256x128xf32, #tpu.memory_space<vmem>>, vector<1x16xf32>,
      %get3A_1795 = vector.shape_cast %get3A_1794 : vector<1x16xf32> to vector<16xf32>
      %add3A_1796 = arith.addf %add3A_1768, %get3A_1795 : vector<16xf32>
      %add3A_1797 = arith.constant 29 : i32
      %add3A_1798 = arith.addi %mul3A_77, %add3A_1797 : i32
      %get3A_1799 = arith.index_cast %add3A_1798 : i32 to index
      %get3A_1800 = arith.constant 96 : index
      %get3A_1801 = tpu.vector_load %arg4[%get3A_1799, %get3A_1800] {strides = array<i32>} : memref<256x128xf32, #tpu.memory_space<vmem>>, vector<1x16xf32>,
      %get3A_1802 = vector.shape_cast %get3A_1801 : vector<1x16xf32> to vector<16xf32>
      %add3A_1803 = arith.addf %add3A_1775, %get3A_1802 : vector<16xf32>
      %add3A_1804 = arith.constant 29 : i32
      %add3A_1805 = arith.addi %mul3A_77, %add3A_1804 : i32
      %get3A_1806 = arith.index_cast %add3A_1805 : i32 to index
      %get3A_1807 = arith.constant 112 : index
      %get3A_1808 = tpu.vector_load %arg4[%get3A_1806, %get3A_1807] {strides = array<i32>} : memref<256x128xf32, #tpu.memory_space<vmem>>, vector<1x16xf32>,
      %get3A_1809 = vector.shape_cast %get3A_1808 : vector<1x16xf32> to vector<16xf32>
      %add3A_1810 = arith.addf %add3A_1782, %get3A_1809 : vector<16xf32>
      %add3A_1811 = arith.constant 30 : i32
      %add3A_1812 = arith.addi %mul3A_77, %add3A_1811 : i32
      %get3A_1813 = arith.index_cast %add3A_1812 : i32 to index
      %get3A_1814 = arith.constant 64 : index
      %get3A_1815 = tpu.vector_load %arg4[%get3A_1813, %get3A_1814] {strides = array<i32>} : memref<256x128xf32, #tpu.memory_space<vmem>>, vector<1x16xf32>,
      %get3A_1816 = vector.shape_cast %get3A_1815 : vector<1x16xf32> to vector<16xf32>
      %add3A_1817 = arith.addf %add3A_1789, %get3A_1816 : vector<16xf32>
      %add3A_1818 = arith.constant 30 : i32
      %add3A_1819 = arith.addi %mul3A_77, %add3A_1818 : i32
      %get3A_1820 = arith.index_cast %add3A_1819 : i32 to index
      %get3A_1821 = arith.constant 80 : index
      %get3A_1822 = tpu.vector_load %arg4[%get3A_1820, %get3A_1821] {strides = array<i32>} : memref<256x128xf32, #tpu.memory_space<vmem>>, vector<1x16xf32>,
      %get3A_1823 = vector.shape_cast %get3A_1822 : vector<1x16xf32> to vector<16xf32>
      %add3A_1824 = arith.addf %add3A_1796, %get3A_1823 : vector<16xf32>
      %add3A_1825 = arith.constant 30 : i32
      %add3A_1826 = arith.addi %mul3A_77, %add3A_1825 : i32
      %get3A_1827 = arith.index_cast %add3A_1826 : i32 to index
      %get3A_1828 = arith.constant 96 : index
      %get3A_1829 = tpu.vector_load %arg4[%get3A_1827, %get3A_1828] {strides = array<i32>} : memref<256x128xf32, #tpu.memory_space<vmem>>, vector<1x16xf32>,
      %get3A_1830 = vector.shape_cast %get3A_1829 : vector<1x16xf32> to vector<16xf32>
      %add3A_1831 = arith.addf %add3A_1803, %get3A_1830 : vector<16xf32>
      %add3A_1832 = arith.constant 30 : i32
      %add3A_1833 = arith.addi %mul3A_77, %add3A_1832 : i32
      %get3A_1834 = arith.index_cast %add3A_1833 : i32 to index
      %get3A_1835 = arith.constant 112 : index
      %get3A_1836 = tpu.vector_load %arg4[%get3A_1834, %get3A_1835] {strides = array<i32>} : memref<256x128xf32, #tpu.memory_space<vmem>>, vector<1x16xf32>,
      %get3A_1837 = vector.shape_cast %get3A_1836 : vector<1x16xf32> to vector<16xf32>
      %add3A_1838 = arith.addf %add3A_1810, %get3A_1837 : vector<16xf32>
      %add3A_1839 = arith.constant 31 : i32
      %add3A_1840 = arith.addi %mul3A_77, %add3A_1839 : i32
      %get3A_1841 = arith.index_cast %add3A_1840 : i32 to index
      %get3A_1842 = arith.constant 64 : index
      %get3A_1843 = tpu.vector_load %arg4[%get3A_1841, %get3A_1842] {strides = array<i32>} : memref<256x128xf32, #tpu.memory_space<vmem>>, vector<1x16xf32>,
      %get3A_1844 = vector.shape_cast %get3A_1843 : vector<1x16xf32> to vector<16xf32>
      %add3A_1845 = arith.addf %add3A_1817, %get3A_1844 : vector<16xf32>
      %add3A_1846 = arith.constant 31 : i32
      %add3A_1847 = arith.addi %mul3A_77, %add3A_1846 : i32
      %get3A_1848 = arith.index_cast %add3A_1847 : i32 to index
      %get3A_1849 = arith.constant 80 : index
      %get3A_1850 = tpu.vector_load %arg4[%get3A_1848, %get3A_1849] {strides = array<i32>} : memref<256x128xf32, #tpu.memory_space<vmem>>, vector<1x16xf32>,
      %get3A_1851 = vector.shape_cast %get3A_1850 : vector<1x16xf32> to vector<16xf32>
      %add3A_1852 = arith.addf %add3A_1824, %get3A_1851 : vector<16xf32>
      %add3A_1853 = arith.constant 31 : i32
      %add3A_1854 = arith.addi %mul3A_77, %add3A_1853 : i32
      %get3A_1855 = arith.index_cast %add3A_1854 : i32 to index
      %get3A_1856 = arith.constant 96 : index
      %get3A_1857 = tpu.vector_load %arg4[%get3A_1855, %get3A_1856] {strides = array<i32>} : memref<256x128xf32, #tpu.memory_space<vmem>>, vector<1x16xf32>,
      %get3A_1858 = vector.shape_cast %get3A_1857 : vector<1x16xf32> to vector<16xf32>
      %add3A_1859 = arith.addf %add3A_1831, %get3A_1858 : vector<16xf32>
      %add3A_1860 = arith.constant 31 : i32
      %add3A_1861 = arith.addi %mul3A_77, %add3A_1860 : i32
      %get3A_1862 = arith.index_cast %add3A_1861 : i32 to index
      %get3A_1863 = arith.constant 112 : index
      %get3A_1864 = tpu.vector_load %arg4[%get3A_1862, %get3A_1863] {strides = array<i32>} : memref<256x128xf32, #tpu.memory_space<vmem>>, vector<1x16xf32>,
      %get3A_1865 = vector.shape_cast %get3A_1864 : vector<1x16xf32> to vector<16xf32>
      %add3A_1866 = arith.addf %add3A_1838, %get3A_1865 : vector<16xf32>
      %swap3A_1867 = arith.index_cast %add3A_80 : i32 to index
      %swap3A_1868 = arith.constant 64 : index
      %swap3A_1869 = tpu.vector_load %arg7[%swap3A_1867, %swap3A_1868] {strides = array<i32>} : memref<16x128xf32, #tpu.memory_space<vmem>>, vector<1x16xf32>,
      %swap3A_1870 = vector.shape_cast %swap3A_1869 : vector<1x16xf32> to vector<16xf32>
      %swap3A_1871 = vector.shape_cast %add3A_1845 : vector<16xf32> to vector<1x16xf32>
      tpu.vector_store %arg7[%swap3A_1867, %swap3A_1868], %swap3A_1871 {strides = array<i32>} : memref<16x128xf32, #tpu.memory_space<vmem>>, vector<1x16xf32>,
      %swap3A_1872 = arith.index_cast %add3A_80 : i32 to index
      %swap3A_1873 = arith.constant 80 : index
      %swap3A_1874 = tpu.vector_load %arg7[%swap3A_1872, %swap3A_1873] {strides = array<i32>} : memref<16x128xf32, #tpu.memory_space<vmem>>, vector<1x16xf32>,
      %swap3A_1875 = vector.shape_cast %swap3A_1874 : vector<1x16xf32> to vector<16xf32>
      %swap3A_1876 = vector.shape_cast %add3A_1852 : vector<16xf32> to vector<1x16xf32>
      tpu.vector_store %arg7[%swap3A_1872, %swap3A_1873], %swap3A_1876 {strides = array<i32>} : memref<16x128xf32, #tpu.memory_space<vmem>>, vector<1x16xf32>,
      %swap3A_1877 = arith.index_cast %add3A_80 : i32 to index
      %swap3A_1878 = arith.constant 96 : index
      %swap3A_1879 = tpu.vector_load %arg7[%swap3A_1877, %swap3A_1878] {strides = array<i32>} : memref<16x128xf32, #tpu.memory_space<vmem>>, vector<1x16xf32>,
      %swap3A_1880 = vector.shape_cast %swap3A_1879 : vector<1x16xf32> to vector<16xf32>
      %swap3A_1881 = vector.shape_cast %add3A_1859 : vector<16xf32> to vector<1x16xf32>
      tpu.vector_store %arg7[%swap3A_1877, %swap3A_1878], %swap3A_1881 {strides = array<i32>} : memref<16x128xf32, #tpu.memory_space<vmem>>, vector<1x16xf32>,
      %swap3A_1882 = arith.index_cast %add3A_80 : i32 to index
      %swap3A_1883 = arith.constant 112 : index
      %swap3A_1884 = tpu.vector_load %arg7[%swap3A_1882, %swap3A_1883] {strides = array<i32>} : memref<16x128xf32, #tpu.memory_space<vmem>>, vector<1x16xf32>,
      %swap3A_1885 = vector.shape_cast %swap3A_1884 : vector<1x16xf32> to vector<16xf32>
      %swap3A_1886 = vector.shape_cast %add3A_1866 : vector<16xf32> to vector<1x16xf32>
      tpu.vector_store %arg7[%swap3A_1882, %swap3A_1883], %swap3A_1886 {strides = array<i32>} : memref<16x128xf32, #tpu.memory_space<vmem>>, vector<1x16xf32>,
    }
    %scan3A_39 = arith.constant 8 : i32
    %add3A_40 = arith.constant 0 : i32
    %add3A_41 = arith.addi %add3A_21, %add3A_40 : i32
    %add3A_42 = arith.constant 2 : i32
    %add3A_43 = arith.addi %add3A_41, %add3A_42 : i32
    %lt3A = arith.constant 2 : i32
    %lt3A_44 = arith.cmpi slt, %add3A_43, %lt3A : i32
    %convert_element_type3A = arith.extui %lt3A_44 : i1 to i32
    %cond3A = arith.constant 0 : i32
    %cond3A_45 = arith.cmpi ne, %convert_element_type3A, %cond3A : i32
    scf.if %cond3A_45 {
      %add3A_75 = arith.constant 0 : i32
      %add3A_76 = arith.addi %add3A_21, %add3A_75 : i32
      %add3A_77 = arith.constant 2 : i32
      %add3A_78 = arith.addi %add3A_76, %add3A_77 : i32
      %mul3A_79 = arith.constant 8 : i32
      %mul3A_80 = arith.muli %add3A_78, %mul3A_79 : i32
      %add3A_81 = arith.addi %mul3A_2, %mul3A_80 : i32
      %mul3A_82 = arith.constant 32 : i32
      %mul3A_83 = arith.muli %add3A_81, %mul3A_82 : i32
      %dma_start3A_84 = arith.constant 0 : i32
      %dma_start3A_85 = tpu.memref_slice %arg2[%mul3A_83, %dma_start3A_84] : memref<131072x128xf32, #tpu.memory_space<hbm>> -> memref<256x128xf32, #tpu.memory_space<hbm>>
      %dma_start3A_86 = arith.constant 0 : i32
      %dma_start3A_87 = tpu.memref_slice %arg2[%mul3A_83, %dma_start3A_86] : memref<131072x128xf32, #tpu.memory_space<hbm>> -> memref<256x128xf32, #tpu.memory_space<hbm>>
      tpu.enqueue_dma source(%dma_start3A_87 : memref<256x128xf32, #tpu.memory_space<hbm>>) target(%arg4 : memref<256x128xf32, #tpu.memory_space<vmem>>) target_semaphore(%arg8 : memref<!tpu.dma_semaphore, #tpu.memory_space<semaphore_mem>>)
    } else {
    }
    %add3A_46 = arith.constant 1 : i32
    %add3A_47 = arith.addi %add3A_21, %add3A_46 : i32
    %mul3A_48 = arith.constant 8 : i32
    %mul3A_49 = arith.muli %add3A_47, %mul3A_48 : i32
    %add3A_50 = arith.addi %mul3A_2, %mul3A_49 : i32
    %mul3A_51 = arith.constant 32 : i32
    %mul3A_52 = arith.muli %add3A_50, %mul3A_51 : i32
    %dma_wait3A_53 = arith.constant 0 : i32
    %dma_wait3A_54 = tpu.memref_slice %arg2[%mul3A_52, %dma_wait3A_53] : memref<131072x128xf32, #tpu.memory_space<hbm>> -> memref<256x128xf32, #tpu.memory_space<hbm>>
    %dma_wait3A_55 = arith.constant 0 : i32
    %dma_wait3A_56 = tpu.memref_slice %arg2[%mul3A_52, %dma_wait3A_55] : memref<131072x128xf32, #tpu.memory_space<hbm>> -> memref<256x128xf32, #tpu.memory_space<hbm>>
    tpu.wait_dma2 semaphore(%arg9 : memref<!tpu.dma_semaphore, #tpu.memory_space<semaphore_mem>>) src(%dma_wait3A_56 : memref<256x128xf32, #tpu.memory_space<hbm>>) dst(%arg5 : memref<256x128xf32, #tpu.memory_space<vmem>>)
    %add3A_57 = arith.constant 1 : i32
    %add3A_58 = arith.addi %add3A_21, %add3A_57 : i32
    %scan3A_59 = arith.constant 0 : i32
    %scan3A_60 = arith.constant 0 : i32
    %scan3A_61 = arith.constant 8 : i32
    %scan3A_62 = arith.addi %scan3A_60, %scan3A_61 : i32
    %scan3A_63 = arith.constant 1 : i32
    scf.for %scan3A_75 = %scan3A_60 to %scan3A_62 step %scan3A_63  : i32 {
      %mul3A_76 = arith.constant 32 : i32
      %mul3A_77 = arith.muli %scan3A_75, %mul3A_76 : i32
      %mul3A_78 = arith.constant 8 : i32
      %mul3A_79 = arith.muli %add3A_58, %mul3A_78 : i32
      %add3A_80 = arith.addi %mul3A_79, %scan3A_75 : i32
      %get3A = arith.index_cast %mul3A_77 : i32 to index
      %get3A_81 = arith.constant 0 : index
      %get3A_82 = tpu.vector_load %arg5[%get3A, %get3A_81] {strides = array<i32>} : memref<256x128xf32, #tpu.memory_space<vmem>>, vector<1x16xf32>,
      %get3A_83 = vector.shape_cast %get3A_82 : vector<1x16xf32> to vector<16xf32>
      %get3A_84 = arith.index_cast %mul3A_77 : i32 to index
      %get3A_85 = arith.constant 16 : index
      %get3A_86 = tpu.vector_load %arg5[%get3A_84, %get3A_85] {strides = array<i32>} : memref<256x128xf32, #tpu.memory_space<vmem>>, vector<1x16xf32>,
      %get3A_87 = vector.shape_cast %get3A_86 : vector<1x16xf32> to vector<16xf32>
      %get3A_88 = arith.index_cast %mul3A_77 : i32 to index
      %get3A_89 = arith.constant 32 : index
      %get3A_90 = tpu.vector_load %arg5[%get3A_88, %get3A_89] {strides = array<i32>} : memref<256x128xf32, #tpu.memory_space<vmem>>, vector<1x16xf32>,
      %get3A_91 = vector.shape_cast %get3A_90 : vector<1x16xf32> to vector<16xf32>
      %get3A_92 = arith.index_cast %mul3A_77 : i32 to index
      %get3A_93 = arith.constant 48 : index
      %get3A_94 = tpu.vector_load %arg5[%get3A_92, %get3A_93] {strides = array<i32>} : memref<256x128xf32, #tpu.memory_space<vmem>>, vector<1x16xf32>,
      %get3A_95 = vector.shape_cast %get3A_94 : vector<1x16xf32> to vector<16xf32>
      %add3A_96 = arith.constant 1 : i32
      %add3A_97 = arith.addi %mul3A_77, %add3A_96 : i32
      %get3A_98 = arith.index_cast %add3A_97 : i32 to index
      %get3A_99 = arith.constant 0 : index
      %get3A_100 = tpu.vector_load %arg5[%get3A_98, %get3A_99] {strides = array<i32>} : memref<256x128xf32, #tpu.memory_space<vmem>>, vector<1x16xf32>,
      %get3A_101 = vector.shape_cast %get3A_100 : vector<1x16xf32> to vector<16xf32>
      %add3A_102 = arith.addf %get3A_83, %get3A_101 : vector<16xf32>
      %add3A_103 = arith.constant 1 : i32
      %add3A_104 = arith.addi %mul3A_77, %add3A_103 : i32
      %get3A_105 = arith.index_cast %add3A_104 : i32 to index
      %get3A_106 = arith.constant 16 : index
      %get3A_107 = tpu.vector_load %arg5[%get3A_105, %get3A_106] {strides = array<i32>} : memref<256x128xf32, #tpu.memory_space<vmem>>, vector<1x16xf32>,
      %get3A_108 = vector.shape_cast %get3A_107 : vector<1x16xf32> to vector<16xf32>
      %add3A_109 = arith.addf %get3A_87, %get3A_108 : vector<16xf32>
      %add3A_110 = arith.constant 1 : i32
      %add3A_111 = arith.addi %mul3A_77, %add3A_110 : i32
      %get3A_112 = arith.index_cast %add3A_111 : i32 to index
      %get3A_113 = arith.constant 32 : index
      %get3A_114 = tpu.vector_load %arg5[%get3A_112, %get3A_113] {strides = array<i32>} : memref<256x128xf32, #tpu.memory_space<vmem>>, vector<1x16xf32>,
      %get3A_115 = vector.shape_cast %get3A_114 : vector<1x16xf32> to vector<16xf32>
      %add3A_116 = arith.addf %get3A_91, %get3A_115 : vector<16xf32>
      %add3A_117 = arith.constant 1 : i32
      %add3A_118 = arith.addi %mul3A_77, %add3A_117 : i32
      %get3A_119 = arith.index_cast %add3A_118 : i32 to index
      %get3A_120 = arith.constant 48 : index
      %get3A_121 = tpu.vector_load %arg5[%get3A_119, %get3A_120] {strides = array<i32>} : memref<256x128xf32, #tpu.memory_space<vmem>>, vector<1x16xf32>,
      %get3A_122 = vector.shape_cast %get3A_121 : vector<1x16xf32> to vector<16xf32>
      %add3A_123 = arith.addf %get3A_95, %get3A_122 : vector<16xf32>
      %add3A_124 = arith.constant 2 : i32
      %add3A_125 = arith.addi %mul3A_77, %add3A_124 : i32
      %get3A_126 = arith.index_cast %add3A_125 : i32 to index
      %get3A_127 = arith.constant 0 : index
      %get3A_128 = tpu.vector_load %arg5[%get3A_126, %get3A_127] {strides = array<i32>} : memref<256x128xf32, #tpu.memory_space<vmem>>, vector<1x16xf32>,
      %get3A_129 = vector.shape_cast %get3A_128 : vector<1x16xf32> to vector<16xf32>
      %add3A_130 = arith.addf %add3A_102, %get3A_129 : vector<16xf32>
      %add3A_131 = arith.constant 2 : i32
      %add3A_132 = arith.addi %mul3A_77, %add3A_131 : i32
      %get3A_133 = arith.index_cast %add3A_132 : i32 to index
      %get3A_134 = arith.constant 16 : index
      %get3A_135 = tpu.vector_load %arg5[%get3A_133, %get3A_134] {strides = array<i32>} : memref<256x128xf32, #tpu.memory_space<vmem>>, vector<1x16xf32>,
      %get3A_136 = vector.shape_cast %get3A_135 : vector<1x16xf32> to vector<16xf32>
      %add3A_137 = arith.addf %add3A_109, %get3A_136 : vector<16xf32>
      %add3A_138 = arith.constant 2 : i32
      %add3A_139 = arith.addi %mul3A_77, %add3A_138 : i32
      %get3A_140 = arith.index_cast %add3A_139 : i32 to index
      %get3A_141 = arith.constant 32 : index
      %get3A_142 = tpu.vector_load %arg5[%get3A_140, %get3A_141] {strides = array<i32>} : memref<256x128xf32, #tpu.memory_space<vmem>>, vector<1x16xf32>,
      %get3A_143 = vector.shape_cast %get3A_142 : vector<1x16xf32> to vector<16xf32>
      %add3A_144 = arith.addf %add3A_116, %get3A_143 : vector<16xf32>
      %add3A_145 = arith.constant 2 : i32
      %add3A_146 = arith.addi %mul3A_77, %add3A_145 : i32
      %get3A_147 = arith.index_cast %add3A_146 : i32 to index
      %get3A_148 = arith.constant 48 : index
      %get3A_149 = tpu.vector_load %arg5[%get3A_147, %get3A_148] {strides = array<i32>} : memref<256x128xf32, #tpu.memory_space<vmem>>, vector<1x16xf32>,
      %get3A_150 = vector.shape_cast %get3A_149 : vector<1x16xf32> to vector<16xf32>
      %add3A_151 = arith.addf %add3A_123, %get3A_150 : vector<16xf32>
      %add3A_152 = arith.constant 3 : i32
      %add3A_153 = arith.addi %mul3A_77, %add3A_152 : i32
      %get3A_154 = arith.index_cast %add3A_153 : i32 to index
      %get3A_155 = arith.constant 0 : index
      %get3A_156 = tpu.vector_load %arg5[%get3A_154, %get3A_155] {strides = array<i32>} : memref<256x128xf32, #tpu.memory_space<vmem>>, vector<1x16xf32>,
      %get3A_157 = vector.shape_cast %get3A_156 : vector<1x16xf32> to vector<16xf32>
      %add3A_158 = arith.addf %add3A_130, %get3A_157 : vector<16xf32>
      %add3A_159 = arith.constant 3 : i32
      %add3A_160 = arith.addi %mul3A_77, %add3A_159 : i32
      %get3A_161 = arith.index_cast %add3A_160 : i32 to index
      %get3A_162 = arith.constant 16 : index
      %get3A_163 = tpu.vector_load %arg5[%get3A_161, %get3A_162] {strides = array<i32>} : memref<256x128xf32, #tpu.memory_space<vmem>>, vector<1x16xf32>,
      %get3A_164 = vector.shape_cast %get3A_163 : vector<1x16xf32> to vector<16xf32>
      %add3A_165 = arith.addf %add3A_137, %get3A_164 : vector<16xf32>
      %add3A_166 = arith.constant 3 : i32
      %add3A_167 = arith.addi %mul3A_77, %add3A_166 : i32
      %get3A_168 = arith.index_cast %add3A_167 : i32 to index
      %get3A_169 = arith.constant 32 : index
      %get3A_170 = tpu.vector_load %arg5[%get3A_168, %get3A_169] {strides = array<i32>} : memref<256x128xf32, #tpu.memory_space<vmem>>, vector<1x16xf32>,
      %get3A_171 = vector.shape_cast %get3A_170 : vector<1x16xf32> to vector<16xf32>
      %add3A_172 = arith.addf %add3A_144, %get3A_171 : vector<16xf32>
      %add3A_173 = arith.constant 3 : i32
      %add3A_174 = arith.addi %mul3A_77, %add3A_173 : i32
      %get3A_175 = arith.index_cast %add3A_174 : i32 to index
      %get3A_176 = arith.constant 48 : index
      %get3A_177 = tpu.vector_load %arg5[%get3A_175, %get3A_176] {strides = array<i32>} : memref<256x128xf32, #tpu.memory_space<vmem>>, vector<1x16xf32>,
      %get3A_178 = vector.shape_cast %get3A_177 : vector<1x16xf32> to vector<16xf32>
      %add3A_179 = arith.addf %add3A_151, %get3A_178 : vector<16xf32>
      %add3A_180 = arith.constant 4 : i32
      %add3A_181 = arith.addi %mul3A_77, %add3A_180 : i32
      %get3A_182 = arith.index_cast %add3A_181 : i32 to index
      %get3A_183 = arith.constant 0 : index
      %get3A_184 = tpu.vector_load %arg5[%get3A_182, %get3A_183] {strides = array<i32>} : memref<256x128xf32, #tpu.memory_space<vmem>>, vector<1x16xf32>,
      %get3A_185 = vector.shape_cast %get3A_184 : vector<1x16xf32> to vector<16xf32>
      %add3A_186 = arith.addf %add3A_158, %get3A_185 : vector<16xf32>
      %add3A_187 = arith.constant 4 : i32
      %add3A_188 = arith.addi %mul3A_77, %add3A_187 : i32
      %get3A_189 = arith.index_cast %add3A_188 : i32 to index
      %get3A_190 = arith.constant 16 : index
      %get3A_191 = tpu.vector_load %arg5[%get3A_189, %get3A_190] {strides = array<i32>} : memref<256x128xf32, #tpu.memory_space<vmem>>, vector<1x16xf32>,
      %get3A_192 = vector.shape_cast %get3A_191 : vector<1x16xf32> to vector<16xf32>
      %add3A_193 = arith.addf %add3A_165, %get3A_192 : vector<16xf32>
      %add3A_194 = arith.constant 4 : i32
      %add3A_195 = arith.addi %mul3A_77, %add3A_194 : i32
      %get3A_196 = arith.index_cast %add3A_195 : i32 to index
      %get3A_197 = arith.constant 32 : index
      %get3A_198 = tpu.vector_load %arg5[%get3A_196, %get3A_197] {strides = array<i32>} : memref<256x128xf32, #tpu.memory_space<vmem>>, vector<1x16xf32>,
      %get3A_199 = vector.shape_cast %get3A_198 : vector<1x16xf32> to vector<16xf32>
      %add3A_200 = arith.addf %add3A_172, %get3A_199 : vector<16xf32>
      %add3A_201 = arith.constant 4 : i32
      %add3A_202 = arith.addi %mul3A_77, %add3A_201 : i32
      %get3A_203 = arith.index_cast %add3A_202 : i32 to index
      %get3A_204 = arith.constant 48 : index
      %get3A_205 = tpu.vector_load %arg5[%get3A_203, %get3A_204] {strides = array<i32>} : memref<256x128xf32, #tpu.memory_space<vmem>>, vector<1x16xf32>,
      %get3A_206 = vector.shape_cast %get3A_205 : vector<1x16xf32> to vector<16xf32>
      %add3A_207 = arith.addf %add3A_179, %get3A_206 : vector<16xf32>
      %add3A_208 = arith.constant 5 : i32
      %add3A_209 = arith.addi %mul3A_77, %add3A_208 : i32
      %get3A_210 = arith.index_cast %add3A_209 : i32 to index
      %get3A_211 = arith.constant 0 : index
      %get3A_212 = tpu.vector_load %arg5[%get3A_210, %get3A_211] {strides = array<i32>} : memref<256x128xf32, #tpu.memory_space<vmem>>, vector<1x16xf32>,
      %get3A_213 = vector.shape_cast %get3A_212 : vector<1x16xf32> to vector<16xf32>
      %add3A_214 = arith.addf %add3A_186, %get3A_213 : vector<16xf32>
      %add3A_215 = arith.constant 5 : i32
      %add3A_216 = arith.addi %mul3A_77, %add3A_215 : i32
      %get3A_217 = arith.index_cast %add3A_216 : i32 to index
      %get3A_218 = arith.constant 16 : index
      %get3A_219 = tpu.vector_load %arg5[%get3A_217, %get3A_218] {strides = array<i32>} : memref<256x128xf32, #tpu.memory_space<vmem>>, vector<1x16xf32>,
      %get3A_220 = vector.shape_cast %get3A_219 : vector<1x16xf32> to vector<16xf32>
      %add3A_221 = arith.addf %add3A_193, %get3A_220 : vector<16xf32>
      %add3A_222 = arith.constant 5 : i32
      %add3A_223 = arith.addi %mul3A_77, %add3A_222 : i32
      %get3A_224 = arith.index_cast %add3A_223 : i32 to index
      %get3A_225 = arith.constant 32 : index
      %get3A_226 = tpu.vector_load %arg5[%get3A_224, %get3A_225] {strides = array<i32>} : memref<256x128xf32, #tpu.memory_space<vmem>>, vector<1x16xf32>,
      %get3A_227 = vector.shape_cast %get3A_226 : vector<1x16xf32> to vector<16xf32>
      %add3A_228 = arith.addf %add3A_200, %get3A_227 : vector<16xf32>
      %add3A_229 = arith.constant 5 : i32
      %add3A_230 = arith.addi %mul3A_77, %add3A_229 : i32
      %get3A_231 = arith.index_cast %add3A_230 : i32 to index
      %get3A_232 = arith.constant 48 : index
      %get3A_233 = tpu.vector_load %arg5[%get3A_231, %get3A_232] {strides = array<i32>} : memref<256x128xf32, #tpu.memory_space<vmem>>, vector<1x16xf32>,
      %get3A_234 = vector.shape_cast %get3A_233 : vector<1x16xf32> to vector<16xf32>
      %add3A_235 = arith.addf %add3A_207, %get3A_234 : vector<16xf32>
      %add3A_236 = arith.constant 6 : i32
      %add3A_237 = arith.addi %mul3A_77, %add3A_236 : i32
      %get3A_238 = arith.index_cast %add3A_237 : i32 to index
      %get3A_239 = arith.constant 0 : index
      %get3A_240 = tpu.vector_load %arg5[%get3A_238, %get3A_239] {strides = array<i32>} : memref<256x128xf32, #tpu.memory_space<vmem>>, vector<1x16xf32>,
      %get3A_241 = vector.shape_cast %get3A_240 : vector<1x16xf32> to vector<16xf32>
      %add3A_242 = arith.addf %add3A_214, %get3A_241 : vector<16xf32>
      %add3A_243 = arith.constant 6 : i32
      %add3A_244 = arith.addi %mul3A_77, %add3A_243 : i32
      %get3A_245 = arith.index_cast %add3A_244 : i32 to index
      %get3A_246 = arith.constant 16 : index
      %get3A_247 = tpu.vector_load %arg5[%get3A_245, %get3A_246] {strides = array<i32>} : memref<256x128xf32, #tpu.memory_space<vmem>>, vector<1x16xf32>,
      %get3A_248 = vector.shape_cast %get3A_247 : vector<1x16xf32> to vector<16xf32>
      %add3A_249 = arith.addf %add3A_221, %get3A_248 : vector<16xf32>
      %add3A_250 = arith.constant 6 : i32
      %add3A_251 = arith.addi %mul3A_77, %add3A_250 : i32
      %get3A_252 = arith.index_cast %add3A_251 : i32 to index
      %get3A_253 = arith.constant 32 : index
      %get3A_254 = tpu.vector_load %arg5[%get3A_252, %get3A_253] {strides = array<i32>} : memref<256x128xf32, #tpu.memory_space<vmem>>, vector<1x16xf32>,
      %get3A_255 = vector.shape_cast %get3A_254 : vector<1x16xf32> to vector<16xf32>
      %add3A_256 = arith.addf %add3A_228, %get3A_255 : vector<16xf32>
      %add3A_257 = arith.constant 6 : i32
      %add3A_258 = arith.addi %mul3A_77, %add3A_257 : i32
      %get3A_259 = arith.index_cast %add3A_258 : i32 to index
      %get3A_260 = arith.constant 48 : index
      %get3A_261 = tpu.vector_load %arg5[%get3A_259, %get3A_260] {strides = array<i32>} : memref<256x128xf32, #tpu.memory_space<vmem>>, vector<1x16xf32>,
      %get3A_262 = vector.shape_cast %get3A_261 : vector<1x16xf32> to vector<16xf32>
      %add3A_263 = arith.addf %add3A_235, %get3A_262 : vector<16xf32>
      %add3A_264 = arith.constant 7 : i32
      %add3A_265 = arith.addi %mul3A_77, %add3A_264 : i32
      %get3A_266 = arith.index_cast %add3A_265 : i32 to index
      %get3A_267 = arith.constant 0 : index
      %get3A_268 = tpu.vector_load %arg5[%get3A_266, %get3A_267] {strides = array<i32>} : memref<256x128xf32, #tpu.memory_space<vmem>>, vector<1x16xf32>,
      %get3A_269 = vector.shape_cast %get3A_268 : vector<1x16xf32> to vector<16xf32>
      %add3A_270 = arith.addf %add3A_242, %get3A_269 : vector<16xf32>
      %add3A_271 = arith.constant 7 : i32
      %add3A_272 = arith.addi %mul3A_77, %add3A_271 : i32
      %get3A_273 = arith.index_cast %add3A_272 : i32 to index
      %get3A_274 = arith.constant 16 : index
      %get3A_275 = tpu.vector_load %arg5[%get3A_273, %get3A_274] {strides = array<i32>} : memref<256x128xf32, #tpu.memory_space<vmem>>, vector<1x16xf32>,
      %get3A_276 = vector.shape_cast %get3A_275 : vector<1x16xf32> to vector<16xf32>
      %add3A_277 = arith.addf %add3A_249, %get3A_276 : vector<16xf32>
      %add3A_278 = arith.constant 7 : i32
      %add3A_279 = arith.addi %mul3A_77, %add3A_278 : i32
      %get3A_280 = arith.index_cast %add3A_279 : i32 to index
      %get3A_281 = arith.constant 32 : index
      %get3A_282 = tpu.vector_load %arg5[%get3A_280, %get3A_281] {strides = array<i32>} : memref<256x128xf32, #tpu.memory_space<vmem>>, vector<1x16xf32>,
      %get3A_283 = vector.shape_cast %get3A_282 : vector<1x16xf32> to vector<16xf32>
      %add3A_284 = arith.addf %add3A_256, %get3A_283 : vector<16xf32>
      %add3A_285 = arith.constant 7 : i32
      %add3A_286 = arith.addi %mul3A_77, %add3A_285 : i32
      %get3A_287 = arith.index_cast %add3A_286 : i32 to index
      %get3A_288 = arith.constant 48 : index
      %get3A_289 = tpu.vector_load %arg5[%get3A_287, %get3A_288] {strides = array<i32>} : memref<256x128xf32, #tpu.memory_space<vmem>>, vector<1x16xf32>,
      %get3A_290 = vector.shape_cast %get3A_289 : vector<1x16xf32> to vector<16xf32>
      %add3A_291 = arith.addf %add3A_263, %get3A_290 : vector<16xf32>
      %add3A_292 = arith.constant 8 : i32
      %add3A_293 = arith.addi %mul3A_77, %add3A_292 : i32
      %get3A_294 = arith.index_cast %add3A_293 : i32 to index
      %get3A_295 = arith.constant 0 : index
      %get3A_296 = tpu.vector_load %arg5[%get3A_294, %get3A_295] {strides = array<i32>} : memref<256x128xf32, #tpu.memory_space<vmem>>, vector<1x16xf32>,
      %get3A_297 = vector.shape_cast %get3A_296 : vector<1x16xf32> to vector<16xf32>
      %add3A_298 = arith.addf %add3A_270, %get3A_297 : vector<16xf32>
      %add3A_299 = arith.constant 8 : i32
      %add3A_300 = arith.addi %mul3A_77, %add3A_299 : i32
      %get3A_301 = arith.index_cast %add3A_300 : i32 to index
      %get3A_302 = arith.constant 16 : index
      %get3A_303 = tpu.vector_load %arg5[%get3A_301, %get3A_302] {strides = array<i32>} : memref<256x128xf32, #tpu.memory_space<vmem>>, vector<1x16xf32>,
      %get3A_304 = vector.shape_cast %get3A_303 : vector<1x16xf32> to vector<16xf32>
      %add3A_305 = arith.addf %add3A_277, %get3A_304 : vector<16xf32>
      %add3A_306 = arith.constant 8 : i32
      %add3A_307 = arith.addi %mul3A_77, %add3A_306 : i32
      %get3A_308 = arith.index_cast %add3A_307 : i32 to index
      %get3A_309 = arith.constant 32 : index
      %get3A_310 = tpu.vector_load %arg5[%get3A_308, %get3A_309] {strides = array<i32>} : memref<256x128xf32, #tpu.memory_space<vmem>>, vector<1x16xf32>,
      %get3A_311 = vector.shape_cast %get3A_310 : vector<1x16xf32> to vector<16xf32>
      %add3A_312 = arith.addf %add3A_284, %get3A_311 : vector<16xf32>
      %add3A_313 = arith.constant 8 : i32
      %add3A_314 = arith.addi %mul3A_77, %add3A_313 : i32
      %get3A_315 = arith.index_cast %add3A_314 : i32 to index
      %get3A_316 = arith.constant 48 : index
      %get3A_317 = tpu.vector_load %arg5[%get3A_315, %get3A_316] {strides = array<i32>} : memref<256x128xf32, #tpu.memory_space<vmem>>, vector<1x16xf32>,
      %get3A_318 = vector.shape_cast %get3A_317 : vector<1x16xf32> to vector<16xf32>
      %add3A_319 = arith.addf %add3A_291, %get3A_318 : vector<16xf32>
      %add3A_320 = arith.constant 9 : i32
      %add3A_321 = arith.addi %mul3A_77, %add3A_320 : i32
      %get3A_322 = arith.index_cast %add3A_321 : i32 to index
      %get3A_323 = arith.constant 0 : index
      %get3A_324 = tpu.vector_load %arg5[%get3A_322, %get3A_323] {strides = array<i32>} : memref<256x128xf32, #tpu.memory_space<vmem>>, vector<1x16xf32>,
      %get3A_325 = vector.shape_cast %get3A_324 : vector<1x16xf32> to vector<16xf32>
      %add3A_326 = arith.addf %add3A_298, %get3A_325 : vector<16xf32>
      %add3A_327 = arith.constant 9 : i32
      %add3A_328 = arith.addi %mul3A_77, %add3A_327 : i32
      %get3A_329 = arith.index_cast %add3A_328 : i32 to index
      %get3A_330 = arith.constant 16 : index
      %get3A_331 = tpu.vector_load %arg5[%get3A_329, %get3A_330] {strides = array<i32>} : memref<256x128xf32, #tpu.memory_space<vmem>>, vector<1x16xf32>,
      %get3A_332 = vector.shape_cast %get3A_331 : vector<1x16xf32> to vector<16xf32>
      %add3A_333 = arith.addf %add3A_305, %get3A_332 : vector<16xf32>
      %add3A_334 = arith.constant 9 : i32
      %add3A_335 = arith.addi %mul3A_77, %add3A_334 : i32
      %get3A_336 = arith.index_cast %add3A_335 : i32 to index
      %get3A_337 = arith.constant 32 : index
      %get3A_338 = tpu.vector_load %arg5[%get3A_336, %get3A_337] {strides = array<i32>} : memref<256x128xf32, #tpu.memory_space<vmem>>, vector<1x16xf32>,
      %get3A_339 = vector.shape_cast %get3A_338 : vector<1x16xf32> to vector<16xf32>
      %add3A_340 = arith.addf %add3A_312, %get3A_339 : vector<16xf32>
      %add3A_341 = arith.constant 9 : i32
      %add3A_342 = arith.addi %mul3A_77, %add3A_341 : i32
      %get3A_343 = arith.index_cast %add3A_342 : i32 to index
      %get3A_344 = arith.constant 48 : index
      %get3A_345 = tpu.vector_load %arg5[%get3A_343, %get3A_344] {strides = array<i32>} : memref<256x128xf32, #tpu.memory_space<vmem>>, vector<1x16xf32>,
      %get3A_346 = vector.shape_cast %get3A_345 : vector<1x16xf32> to vector<16xf32>
      %add3A_347 = arith.addf %add3A_319, %get3A_346 : vector<16xf32>
      %add3A_348 = arith.constant 10 : i32
      %add3A_349 = arith.addi %mul3A_77, %add3A_348 : i32
      %get3A_350 = arith.index_cast %add3A_349 : i32 to index
      %get3A_351 = arith.constant 0 : index
      %get3A_352 = tpu.vector_load %arg5[%get3A_350, %get3A_351] {strides = array<i32>} : memref<256x128xf32, #tpu.memory_space<vmem>>, vector<1x16xf32>,
      %get3A_353 = vector.shape_cast %get3A_352 : vector<1x16xf32> to vector<16xf32>
      %add3A_354 = arith.addf %add3A_326, %get3A_353 : vector<16xf32>
      %add3A_355 = arith.constant 10 : i32
      %add3A_356 = arith.addi %mul3A_77, %add3A_355 : i32
      %get3A_357 = arith.index_cast %add3A_356 : i32 to index
      %get3A_358 = arith.constant 16 : index
      %get3A_359 = tpu.vector_load %arg5[%get3A_357, %get3A_358] {strides = array<i32>} : memref<256x128xf32, #tpu.memory_space<vmem>>, vector<1x16xf32>,
      %get3A_360 = vector.shape_cast %get3A_359 : vector<1x16xf32> to vector<16xf32>
      %add3A_361 = arith.addf %add3A_333, %get3A_360 : vector<16xf32>
      %add3A_362 = arith.constant 10 : i32
      %add3A_363 = arith.addi %mul3A_77, %add3A_362 : i32
      %get3A_364 = arith.index_cast %add3A_363 : i32 to index
      %get3A_365 = arith.constant 32 : index
      %get3A_366 = tpu.vector_load %arg5[%get3A_364, %get3A_365] {strides = array<i32>} : memref<256x128xf32, #tpu.memory_space<vmem>>, vector<1x16xf32>,
      %get3A_367 = vector.shape_cast %get3A_366 : vector<1x16xf32> to vector<16xf32>
      %add3A_368 = arith.addf %add3A_340, %get3A_367 : vector<16xf32>
      %add3A_369 = arith.constant 10 : i32
      %add3A_370 = arith.addi %mul3A_77, %add3A_369 : i32
      %get3A_371 = arith.index_cast %add3A_370 : i32 to index
      %get3A_372 = arith.constant 48 : index
      %get3A_373 = tpu.vector_load %arg5[%get3A_371, %get3A_372] {strides = array<i32>} : memref<256x128xf32, #tpu.memory_space<vmem>>, vector<1x16xf32>,
      %get3A_374 = vector.shape_cast %get3A_373 : vector<1x16xf32> to vector<16xf32>
      %add3A_375 = arith.addf %add3A_347, %get3A_374 : vector<16xf32>
      %add3A_376 = arith.constant 11 : i32
      %add3A_377 = arith.addi %mul3A_77, %add3A_376 : i32
      %get3A_378 = arith.index_cast %add3A_377 : i32 to index
      %get3A_379 = arith.constant 0 : index
      %get3A_380 = tpu.vector_load %arg5[%get3A_378, %get3A_379] {strides = array<i32>} : memref<256x128xf32, #tpu.memory_space<vmem>>, vector<1x16xf32>,
      %get3A_381 = vector.shape_cast %get3A_380 : vector<1x16xf32> to vector<16xf32>
      %add3A_382 = arith.addf %add3A_354, %get3A_381 : vector<16xf32>
      %add3A_383 = arith.constant 11 : i32
      %add3A_384 = arith.addi %mul3A_77, %add3A_383 : i32
      %get3A_385 = arith.index_cast %add3A_384 : i32 to index
      %get3A_386 = arith.constant 16 : index
      %get3A_387 = tpu.vector_load %arg5[%get3A_385, %get3A_386] {strides = array<i32>} : memref<256x128xf32, #tpu.memory_space<vmem>>, vector<1x16xf32>,
      %get3A_388 = vector.shape_cast %get3A_387 : vector<1x16xf32> to vector<16xf32>
      %add3A_389 = arith.addf %add3A_361, %get3A_388 : vector<16xf32>
      %add3A_390 = arith.constant 11 : i32
      %add3A_391 = arith.addi %mul3A_77, %add3A_390 : i32
      %get3A_392 = arith.index_cast %add3A_391 : i32 to index
      %get3A_393 = arith.constant 32 : index
      %get3A_394 = tpu.vector_load %arg5[%get3A_392, %get3A_393] {strides = array<i32>} : memref<256x128xf32, #tpu.memory_space<vmem>>, vector<1x16xf32>,
      %get3A_395 = vector.shape_cast %get3A_394 : vector<1x16xf32> to vector<16xf32>
      %add3A_396 = arith.addf %add3A_368, %get3A_395 : vector<16xf32>
      %add3A_397 = arith.constant 11 : i32
      %add3A_398 = arith.addi %mul3A_77, %add3A_397 : i32
      %get3A_399 = arith.index_cast %add3A_398 : i32 to index
      %get3A_400 = arith.constant 48 : index
      %get3A_401 = tpu.vector_load %arg5[%get3A_399, %get3A_400] {strides = array<i32>} : memref<256x128xf32, #tpu.memory_space<vmem>>, vector<1x16xf32>,
      %get3A_402 = vector.shape_cast %get3A_401 : vector<1x16xf32> to vector<16xf32>
      %add3A_403 = arith.addf %add3A_375, %get3A_402 : vector<16xf32>
      %add3A_404 = arith.constant 12 : i32
      %add3A_405 = arith.addi %mul3A_77, %add3A_404 : i32
      %get3A_406 = arith.index_cast %add3A_405 : i32 to index
      %get3A_407 = arith.constant 0 : index
      %get3A_408 = tpu.vector_load %arg5[%get3A_406, %get3A_407] {strides = array<i32>} : memref<256x128xf32, #tpu.memory_space<vmem>>, vector<1x16xf32>,
      %get3A_409 = vector.shape_cast %get3A_408 : vector<1x16xf32> to vector<16xf32>
      %add3A_410 = arith.addf %add3A_382, %get3A_409 : vector<16xf32>
      %add3A_411 = arith.constant 12 : i32
      %add3A_412 = arith.addi %mul3A_77, %add3A_411 : i32
      %get3A_413 = arith.index_cast %add3A_412 : i32 to index
      %get3A_414 = arith.constant 16 : index
      %get3A_415 = tpu.vector_load %arg5[%get3A_413, %get3A_414] {strides = array<i32>} : memref<256x128xf32, #tpu.memory_space<vmem>>, vector<1x16xf32>,
      %get3A_416 = vector.shape_cast %get3A_415 : vector<1x16xf32> to vector<16xf32>
      %add3A_417 = arith.addf %add3A_389, %get3A_416 : vector<16xf32>
      %add3A_418 = arith.constant 12 : i32
      %add3A_419 = arith.addi %mul3A_77, %add3A_418 : i32
      %get3A_420 = arith.index_cast %add3A_419 : i32 to index
      %get3A_421 = arith.constant 32 : index
      %get3A_422 = tpu.vector_load %arg5[%get3A_420, %get3A_421] {strides = array<i32>} : memref<256x128xf32, #tpu.memory_space<vmem>>, vector<1x16xf32>,
      %get3A_423 = vector.shape_cast %get3A_422 : vector<1x16xf32> to vector<16xf32>
      %add3A_424 = arith.addf %add3A_396, %get3A_423 : vector<16xf32>
      %add3A_425 = arith.constant 12 : i32
      %add3A_426 = arith.addi %mul3A_77, %add3A_425 : i32
      %get3A_427 = arith.index_cast %add3A_426 : i32 to index
      %get3A_428 = arith.constant 48 : index
      %get3A_429 = tpu.vector_load %arg5[%get3A_427, %get3A_428] {strides = array<i32>} : memref<256x128xf32, #tpu.memory_space<vmem>>, vector<1x16xf32>,
      %get3A_430 = vector.shape_cast %get3A_429 : vector<1x16xf32> to vector<16xf32>
      %add3A_431 = arith.addf %add3A_403, %get3A_430 : vector<16xf32>
      %add3A_432 = arith.constant 13 : i32
      %add3A_433 = arith.addi %mul3A_77, %add3A_432 : i32
      %get3A_434 = arith.index_cast %add3A_433 : i32 to index
      %get3A_435 = arith.constant 0 : index
      %get3A_436 = tpu.vector_load %arg5[%get3A_434, %get3A_435] {strides = array<i32>} : memref<256x128xf32, #tpu.memory_space<vmem>>, vector<1x16xf32>,
      %get3A_437 = vector.shape_cast %get3A_436 : vector<1x16xf32> to vector<16xf32>
      %add3A_438 = arith.addf %add3A_410, %get3A_437 : vector<16xf32>
      %add3A_439 = arith.constant 13 : i32
      %add3A_440 = arith.addi %mul3A_77, %add3A_439 : i32
      %get3A_441 = arith.index_cast %add3A_440 : i32 to index
      %get3A_442 = arith.constant 16 : index
      %get3A_443 = tpu.vector_load %arg5[%get3A_441, %get3A_442] {strides = array<i32>} : memref<256x128xf32, #tpu.memory_space<vmem>>, vector<1x16xf32>,
      %get3A_444 = vector.shape_cast %get3A_443 : vector<1x16xf32> to vector<16xf32>
      %add3A_445 = arith.addf %add3A_417, %get3A_444 : vector<16xf32>
      %add3A_446 = arith.constant 13 : i32
      %add3A_447 = arith.addi %mul3A_77, %add3A_446 : i32
      %get3A_448 = arith.index_cast %add3A_447 : i32 to index
      %get3A_449 = arith.constant 32 : index
      %get3A_450 = tpu.vector_load %arg5[%get3A_448, %get3A_449] {strides = array<i32>} : memref<256x128xf32, #tpu.memory_space<vmem>>, vector<1x16xf32>,
      %get3A_451 = vector.shape_cast %get3A_450 : vector<1x16xf32> to vector<16xf32>
      %add3A_452 = arith.addf %add3A_424, %get3A_451 : vector<16xf32>
      %add3A_453 = arith.constant 13 : i32
      %add3A_454 = arith.addi %mul3A_77, %add3A_453 : i32
      %get3A_455 = arith.index_cast %add3A_454 : i32 to index
      %get3A_456 = arith.constant 48 : index
      %get3A_457 = tpu.vector_load %arg5[%get3A_455, %get3A_456] {strides = array<i32>} : memref<256x128xf32, #tpu.memory_space<vmem>>, vector<1x16xf32>,
      %get3A_458 = vector.shape_cast %get3A_457 : vector<1x16xf32> to vector<16xf32>
      %add3A_459 = arith.addf %add3A_431, %get3A_458 : vector<16xf32>
      %add3A_460 = arith.constant 14 : i32
      %add3A_461 = arith.addi %mul3A_77, %add3A_460 : i32
      %get3A_462 = arith.index_cast %add3A_461 : i32 to index
      %get3A_463 = arith.constant 0 : index
      %get3A_464 = tpu.vector_load %arg5[%get3A_462, %get3A_463] {strides = array<i32>} : memref<256x128xf32, #tpu.memory_space<vmem>>, vector<1x16xf32>,
      %get3A_465 = vector.shape_cast %get3A_464 : vector<1x16xf32> to vector<16xf32>
      %add3A_466 = arith.addf %add3A_438, %get3A_465 : vector<16xf32>
      %add3A_467 = arith.constant 14 : i32
      %add3A_468 = arith.addi %mul3A_77, %add3A_467 : i32
      %get3A_469 = arith.index_cast %add3A_468 : i32 to index
      %get3A_470 = arith.constant 16 : index
      %get3A_471 = tpu.vector_load %arg5[%get3A_469, %get3A_470] {strides = array<i32>} : memref<256x128xf32, #tpu.memory_space<vmem>>, vector<1x16xf32>,
      %get3A_472 = vector.shape_cast %get3A_471 : vector<1x16xf32> to vector<16xf32>
      %add3A_473 = arith.addf %add3A_445, %get3A_472 : vector<16xf32>
      %add3A_474 = arith.constant 14 : i32
      %add3A_475 = arith.addi %mul3A_77, %add3A_474 : i32
      %get3A_476 = arith.index_cast %add3A_475 : i32 to index
      %get3A_477 = arith.constant 32 : index
      %get3A_478 = tpu.vector_load %arg5[%get3A_476, %get3A_477] {strides = array<i32>} : memref<256x128xf32, #tpu.memory_space<vmem>>, vector<1x16xf32>,
      %get3A_479 = vector.shape_cast %get3A_478 : vector<1x16xf32> to vector<16xf32>
      %add3A_480 = arith.addf %add3A_452, %get3A_479 : vector<16xf32>
      %add3A_481 = arith.constant 14 : i32
      %add3A_482 = arith.addi %mul3A_77, %add3A_481 : i32
      %get3A_483 = arith.index_cast %add3A_482 : i32 to index
      %get3A_484 = arith.constant 48 : index
      %get3A_485 = tpu.vector_load %arg5[%get3A_483, %get3A_484] {strides = array<i32>} : memref<256x128xf32, #tpu.memory_space<vmem>>, vector<1x16xf32>,
      %get3A_486 = vector.shape_cast %get3A_485 : vector<1x16xf32> to vector<16xf32>
      %add3A_487 = arith.addf %add3A_459, %get3A_486 : vector<16xf32>
      %add3A_488 = arith.constant 15 : i32
      %add3A_489 = arith.addi %mul3A_77, %add3A_488 : i32
      %get3A_490 = arith.index_cast %add3A_489 : i32 to index
      %get3A_491 = arith.constant 0 : index
      %get3A_492 = tpu.vector_load %arg5[%get3A_490, %get3A_491] {strides = array<i32>} : memref<256x128xf32, #tpu.memory_space<vmem>>, vector<1x16xf32>,
      %get3A_493 = vector.shape_cast %get3A_492 : vector<1x16xf32> to vector<16xf32>
      %add3A_494 = arith.addf %add3A_466, %get3A_493 : vector<16xf32>
      %add3A_495 = arith.constant 15 : i32
      %add3A_496 = arith.addi %mul3A_77, %add3A_495 : i32
      %get3A_497 = arith.index_cast %add3A_496 : i32 to index
      %get3A_498 = arith.constant 16 : index
      %get3A_499 = tpu.vector_load %arg5[%get3A_497, %get3A_498] {strides = array<i32>} : memref<256x128xf32, #tpu.memory_space<vmem>>, vector<1x16xf32>,
      %get3A_500 = vector.shape_cast %get3A_499 : vector<1x16xf32> to vector<16xf32>
      %add3A_501 = arith.addf %add3A_473, %get3A_500 : vector<16xf32>
      %add3A_502 = arith.constant 15 : i32
      %add3A_503 = arith.addi %mul3A_77, %add3A_502 : i32
      %get3A_504 = arith.index_cast %add3A_503 : i32 to index
      %get3A_505 = arith.constant 32 : index
      %get3A_506 = tpu.vector_load %arg5[%get3A_504, %get3A_505] {strides = array<i32>} : memref<256x128xf32, #tpu.memory_space<vmem>>, vector<1x16xf32>,
      %get3A_507 = vector.shape_cast %get3A_506 : vector<1x16xf32> to vector<16xf32>
      %add3A_508 = arith.addf %add3A_480, %get3A_507 : vector<16xf32>
      %add3A_509 = arith.constant 15 : i32
      %add3A_510 = arith.addi %mul3A_77, %add3A_509 : i32
      %get3A_511 = arith.index_cast %add3A_510 : i32 to index
      %get3A_512 = arith.constant 48 : index
      %get3A_513 = tpu.vector_load %arg5[%get3A_511, %get3A_512] {strides = array<i32>} : memref<256x128xf32, #tpu.memory_space<vmem>>, vector<1x16xf32>,
      %get3A_514 = vector.shape_cast %get3A_513 : vector<1x16xf32> to vector<16xf32>
      %add3A_515 = arith.addf %add3A_487, %get3A_514 : vector<16xf32>
      %add3A_516 = arith.constant 16 : i32
      %add3A_517 = arith.addi %mul3A_77, %add3A_516 : i32
      %get3A_518 = arith.index_cast %add3A_517 : i32 to index
      %get3A_519 = arith.constant 0 : index
      %get3A_520 = tpu.vector_load %arg5[%get3A_518, %get3A_519] {strides = array<i32>} : memref<256x128xf32, #tpu.memory_space<vmem>>, vector<1x16xf32>,
      %get3A_521 = vector.shape_cast %get3A_520 : vector<1x16xf32> to vector<16xf32>
      %add3A_522 = arith.addf %add3A_494, %get3A_521 : vector<16xf32>
      %add3A_523 = arith.constant 16 : i32
      %add3A_524 = arith.addi %mul3A_77, %add3A_523 : i32
      %get3A_525 = arith.index_cast %add3A_524 : i32 to index
      %get3A_526 = arith.constant 16 : index
      %get3A_527 = tpu.vector_load %arg5[%get3A_525, %get3A_526] {strides = array<i32>} : memref<256x128xf32, #tpu.memory_space<vmem>>, vector<1x16xf32>,
      %get3A_528 = vector.shape_cast %get3A_527 : vector<1x16xf32> to vector<16xf32>
      %add3A_529 = arith.addf %add3A_501, %get3A_528 : vector<16xf32>
      %add3A_530 = arith.constant 16 : i32
      %add3A_531 = arith.addi %mul3A_77, %add3A_530 : i32
      %get3A_532 = arith.index_cast %add3A_531 : i32 to index
      %get3A_533 = arith.constant 32 : index
      %get3A_534 = tpu.vector_load %arg5[%get3A_532, %get3A_533] {strides = array<i32>} : memref<256x128xf32, #tpu.memory_space<vmem>>, vector<1x16xf32>,
      %get3A_535 = vector.shape_cast %get3A_534 : vector<1x16xf32> to vector<16xf32>
      %add3A_536 = arith.addf %add3A_508, %get3A_535 : vector<16xf32>
      %add3A_537 = arith.constant 16 : i32
      %add3A_538 = arith.addi %mul3A_77, %add3A_537 : i32
      %get3A_539 = arith.index_cast %add3A_538 : i32 to index
      %get3A_540 = arith.constant 48 : index
      %get3A_541 = tpu.vector_load %arg5[%get3A_539, %get3A_540] {strides = array<i32>} : memref<256x128xf32, #tpu.memory_space<vmem>>, vector<1x16xf32>,
      %get3A_542 = vector.shape_cast %get3A_541 : vector<1x16xf32> to vector<16xf32>
      %add3A_543 = arith.addf %add3A_515, %get3A_542 : vector<16xf32>
      %add3A_544 = arith.constant 17 : i32
      %add3A_545 = arith.addi %mul3A_77, %add3A_544 : i32
      %get3A_546 = arith.index_cast %add3A_545 : i32 to index
      %get3A_547 = arith.constant 0 : index
      %get3A_548 = tpu.vector_load %arg5[%get3A_546, %get3A_547] {strides = array<i32>} : memref<256x128xf32, #tpu.memory_space<vmem>>, vector<1x16xf32>,
      %get3A_549 = vector.shape_cast %get3A_548 : vector<1x16xf32> to vector<16xf32>
      %add3A_550 = arith.addf %add3A_522, %get3A_549 : vector<16xf32>
      %add3A_551 = arith.constant 17 : i32
      %add3A_552 = arith.addi %mul3A_77, %add3A_551 : i32
      %get3A_553 = arith.index_cast %add3A_552 : i32 to index
      %get3A_554 = arith.constant 16 : index
      %get3A_555 = tpu.vector_load %arg5[%get3A_553, %get3A_554] {strides = array<i32>} : memref<256x128xf32, #tpu.memory_space<vmem>>, vector<1x16xf32>,
      %get3A_556 = vector.shape_cast %get3A_555 : vector<1x16xf32> to vector<16xf32>
      %add3A_557 = arith.addf %add3A_529, %get3A_556 : vector<16xf32>
      %add3A_558 = arith.constant 17 : i32
      %add3A_559 = arith.addi %mul3A_77, %add3A_558 : i32
      %get3A_560 = arith.index_cast %add3A_559 : i32 to index
      %get3A_561 = arith.constant 32 : index
      %get3A_562 = tpu.vector_load %arg5[%get3A_560, %get3A_561] {strides = array<i32>} : memref<256x128xf32, #tpu.memory_space<vmem>>, vector<1x16xf32>,
      %get3A_563 = vector.shape_cast %get3A_562 : vector<1x16xf32> to vector<16xf32>
      %add3A_564 = arith.addf %add3A_536, %get3A_563 : vector<16xf32>
      %add3A_565 = arith.constant 17 : i32
      %add3A_566 = arith.addi %mul3A_77, %add3A_565 : i32
      %get3A_567 = arith.index_cast %add3A_566 : i32 to index
      %get3A_568 = arith.constant 48 : index
      %get3A_569 = tpu.vector_load %arg5[%get3A_567, %get3A_568] {strides = array<i32>} : memref<256x128xf32, #tpu.memory_space<vmem>>, vector<1x16xf32>,
      %get3A_570 = vector.shape_cast %get3A_569 : vector<1x16xf32> to vector<16xf32>
      %add3A_571 = arith.addf %add3A_543, %get3A_570 : vector<16xf32>
      %add3A_572 = arith.constant 18 : i32
      %add3A_573 = arith.addi %mul3A_77, %add3A_572 : i32
      %get3A_574 = arith.index_cast %add3A_573 : i32 to index
      %get3A_575 = arith.constant 0 : index
      %get3A_576 = tpu.vector_load %arg5[%get3A_574, %get3A_575] {strides = array<i32>} : memref<256x128xf32, #tpu.memory_space<vmem>>, vector<1x16xf32>,
      %get3A_577 = vector.shape_cast %get3A_576 : vector<1x16xf32> to vector<16xf32>
      %add3A_578 = arith.addf %add3A_550, %get3A_577 : vector<16xf32>
      %add3A_579 = arith.constant 18 : i32
      %add3A_580 = arith.addi %mul3A_77, %add3A_579 : i32
      %get3A_581 = arith.index_cast %add3A_580 : i32 to index
      %get3A_582 = arith.constant 16 : index
      %get3A_583 = tpu.vector_load %arg5[%get3A_581, %get3A_582] {strides = array<i32>} : memref<256x128xf32, #tpu.memory_space<vmem>>, vector<1x16xf32>,
      %get3A_584 = vector.shape_cast %get3A_583 : vector<1x16xf32> to vector<16xf32>
      %add3A_585 = arith.addf %add3A_557, %get3A_584 : vector<16xf32>
      %add3A_586 = arith.constant 18 : i32
      %add3A_587 = arith.addi %mul3A_77, %add3A_586 : i32
      %get3A_588 = arith.index_cast %add3A_587 : i32 to index
      %get3A_589 = arith.constant 32 : index
      %get3A_590 = tpu.vector_load %arg5[%get3A_588, %get3A_589] {strides = array<i32>} : memref<256x128xf32, #tpu.memory_space<vmem>>, vector<1x16xf32>,
      %get3A_591 = vector.shape_cast %get3A_590 : vector<1x16xf32> to vector<16xf32>
      %add3A_592 = arith.addf %add3A_564, %get3A_591 : vector<16xf32>
      %add3A_593 = arith.constant 18 : i32
      %add3A_594 = arith.addi %mul3A_77, %add3A_593 : i32
      %get3A_595 = arith.index_cast %add3A_594 : i32 to index
      %get3A_596 = arith.constant 48 : index
      %get3A_597 = tpu.vector_load %arg5[%get3A_595, %get3A_596] {strides = array<i32>} : memref<256x128xf32, #tpu.memory_space<vmem>>, vector<1x16xf32>,
      %get3A_598 = vector.shape_cast %get3A_597 : vector<1x16xf32> to vector<16xf32>
      %add3A_599 = arith.addf %add3A_571, %get3A_598 : vector<16xf32>
      %add3A_600 = arith.constant 19 : i32
      %add3A_601 = arith.addi %mul3A_77, %add3A_600 : i32
      %get3A_602 = arith.index_cast %add3A_601 : i32 to index
      %get3A_603 = arith.constant 0 : index
      %get3A_604 = tpu.vector_load %arg5[%get3A_602, %get3A_603] {strides = array<i32>} : memref<256x128xf32, #tpu.memory_space<vmem>>, vector<1x16xf32>,
      %get3A_605 = vector.shape_cast %get3A_604 : vector<1x16xf32> to vector<16xf32>
      %add3A_606 = arith.addf %add3A_578, %get3A_605 : vector<16xf32>
      %add3A_607 = arith.constant 19 : i32
      %add3A_608 = arith.addi %mul3A_77, %add3A_607 : i32
      %get3A_609 = arith.index_cast %add3A_608 : i32 to index
      %get3A_610 = arith.constant 16 : index
      %get3A_611 = tpu.vector_load %arg5[%get3A_609, %get3A_610] {strides = array<i32>} : memref<256x128xf32, #tpu.memory_space<vmem>>, vector<1x16xf32>,
      %get3A_612 = vector.shape_cast %get3A_611 : vector<1x16xf32> to vector<16xf32>
      %add3A_613 = arith.addf %add3A_585, %get3A_612 : vector<16xf32>
      %add3A_614 = arith.constant 19 : i32
      %add3A_615 = arith.addi %mul3A_77, %add3A_614 : i32
      %get3A_616 = arith.index_cast %add3A_615 : i32 to index
      %get3A_617 = arith.constant 32 : index
      %get3A_618 = tpu.vector_load %arg5[%get3A_616, %get3A_617] {strides = array<i32>} : memref<256x128xf32, #tpu.memory_space<vmem>>, vector<1x16xf32>,
      %get3A_619 = vector.shape_cast %get3A_618 : vector<1x16xf32> to vector<16xf32>
      %add3A_620 = arith.addf %add3A_592, %get3A_619 : vector<16xf32>
      %add3A_621 = arith.constant 19 : i32
      %add3A_622 = arith.addi %mul3A_77, %add3A_621 : i32
      %get3A_623 = arith.index_cast %add3A_622 : i32 to index
      %get3A_624 = arith.constant 48 : index
      %get3A_625 = tpu.vector_load %arg5[%get3A_623, %get3A_624] {strides = array<i32>} : memref<256x128xf32, #tpu.memory_space<vmem>>, vector<1x16xf32>,
      %get3A_626 = vector.shape_cast %get3A_625 : vector<1x16xf32> to vector<16xf32>
      %add3A_627 = arith.addf %add3A_599, %get3A_626 : vector<16xf32>
      %add3A_628 = arith.constant 20 : i32
      %add3A_629 = arith.addi %mul3A_77, %add3A_628 : i32
      %get3A_630 = arith.index_cast %add3A_629 : i32 to index
      %get3A_631 = arith.constant 0 : index
      %get3A_632 = tpu.vector_load %arg5[%get3A_630, %get3A_631] {strides = array<i32>} : memref<256x128xf32, #tpu.memory_space<vmem>>, vector<1x16xf32>,
      %get3A_633 = vector.shape_cast %get3A_632 : vector<1x16xf32> to vector<16xf32>
      %add3A_634 = arith.addf %add3A_606, %get3A_633 : vector<16xf32>
      %add3A_635 = arith.constant 20 : i32
      %add3A_636 = arith.addi %mul3A_77, %add3A_635 : i32
      %get3A_637 = arith.index_cast %add3A_636 : i32 to index
      %get3A_638 = arith.constant 16 : index
      %get3A_639 = tpu.vector_load %arg5[%get3A_637, %get3A_638] {strides = array<i32>} : memref<256x128xf32, #tpu.memory_space<vmem>>, vector<1x16xf32>,
      %get3A_640 = vector.shape_cast %get3A_639 : vector<1x16xf32> to vector<16xf32>
      %add3A_641 = arith.addf %add3A_613, %get3A_640 : vector<16xf32>
      %add3A_642 = arith.constant 20 : i32
      %add3A_643 = arith.addi %mul3A_77, %add3A_642 : i32
      %get3A_644 = arith.index_cast %add3A_643 : i32 to index
      %get3A_645 = arith.constant 32 : index
      %get3A_646 = tpu.vector_load %arg5[%get3A_644, %get3A_645] {strides = array<i32>} : memref<256x128xf32, #tpu.memory_space<vmem>>, vector<1x16xf32>,
      %get3A_647 = vector.shape_cast %get3A_646 : vector<1x16xf32> to vector<16xf32>
      %add3A_648 = arith.addf %add3A_620, %get3A_647 : vector<16xf32>
      %add3A_649 = arith.constant 20 : i32
      %add3A_650 = arith.addi %mul3A_77, %add3A_649 : i32
      %get3A_651 = arith.index_cast %add3A_650 : i32 to index
      %get3A_652 = arith.constant 48 : index
      %get3A_653 = tpu.vector_load %arg5[%get3A_651, %get3A_652] {strides = array<i32>} : memref<256x128xf32, #tpu.memory_space<vmem>>, vector<1x16xf32>,
      %get3A_654 = vector.shape_cast %get3A_653 : vector<1x16xf32> to vector<16xf32>
      %add3A_655 = arith.addf %add3A_627, %get3A_654 : vector<16xf32>
      %add3A_656 = arith.constant 21 : i32
      %add3A_657 = arith.addi %mul3A_77, %add3A_656 : i32
      %get3A_658 = arith.index_cast %add3A_657 : i32 to index
      %get3A_659 = arith.constant 0 : index
      %get3A_660 = tpu.vector_load %arg5[%get3A_658, %get3A_659] {strides = array<i32>} : memref<256x128xf32, #tpu.memory_space<vmem>>, vector<1x16xf32>,
      %get3A_661 = vector.shape_cast %get3A_660 : vector<1x16xf32> to vector<16xf32>
      %add3A_662 = arith.addf %add3A_634, %get3A_661 : vector<16xf32>
      %add3A_663 = arith.constant 21 : i32
      %add3A_664 = arith.addi %mul3A_77, %add3A_663 : i32
      %get3A_665 = arith.index_cast %add3A_664 : i32 to index
      %get3A_666 = arith.constant 16 : index
      %get3A_667 = tpu.vector_load %arg5[%get3A_665, %get3A_666] {strides = array<i32>} : memref<256x128xf32, #tpu.memory_space<vmem>>, vector<1x16xf32>,
      %get3A_668 = vector.shape_cast %get3A_667 : vector<1x16xf32> to vector<16xf32>
      %add3A_669 = arith.addf %add3A_641, %get3A_668 : vector<16xf32>
      %add3A_670 = arith.constant 21 : i32
      %add3A_671 = arith.addi %mul3A_77, %add3A_670 : i32
      %get3A_672 = arith.index_cast %add3A_671 : i32 to index
      %get3A_673 = arith.constant 32 : index
      %get3A_674 = tpu.vector_load %arg5[%get3A_672, %get3A_673] {strides = array<i32>} : memref<256x128xf32, #tpu.memory_space<vmem>>, vector<1x16xf32>,
      %get3A_675 = vector.shape_cast %get3A_674 : vector<1x16xf32> to vector<16xf32>
      %add3A_676 = arith.addf %add3A_648, %get3A_675 : vector<16xf32>
      %add3A_677 = arith.constant 21 : i32
      %add3A_678 = arith.addi %mul3A_77, %add3A_677 : i32
      %get3A_679 = arith.index_cast %add3A_678 : i32 to index
      %get3A_680 = arith.constant 48 : index
      %get3A_681 = tpu.vector_load %arg5[%get3A_679, %get3A_680] {strides = array<i32>} : memref<256x128xf32, #tpu.memory_space<vmem>>, vector<1x16xf32>,
      %get3A_682 = vector.shape_cast %get3A_681 : vector<1x16xf32> to vector<16xf32>
      %add3A_683 = arith.addf %add3A_655, %get3A_682 : vector<16xf32>
      %add3A_684 = arith.constant 22 : i32
      %add3A_685 = arith.addi %mul3A_77, %add3A_684 : i32
      %get3A_686 = arith.index_cast %add3A_685 : i32 to index
      %get3A_687 = arith.constant 0 : index
      %get3A_688 = tpu.vector_load %arg5[%get3A_686, %get3A_687] {strides = array<i32>} : memref<256x128xf32, #tpu.memory_space<vmem>>, vector<1x16xf32>,
      %get3A_689 = vector.shape_cast %get3A_688 : vector<1x16xf32> to vector<16xf32>
      %add3A_690 = arith.addf %add3A_662, %get3A_689 : vector<16xf32>
      %add3A_691 = arith.constant 22 : i32
      %add3A_692 = arith.addi %mul3A_77, %add3A_691 : i32
      %get3A_693 = arith.index_cast %add3A_692 : i32 to index
      %get3A_694 = arith.constant 16 : index
      %get3A_695 = tpu.vector_load %arg5[%get3A_693, %get3A_694] {strides = array<i32>} : memref<256x128xf32, #tpu.memory_space<vmem>>, vector<1x16xf32>,
      %get3A_696 = vector.shape_cast %get3A_695 : vector<1x16xf32> to vector<16xf32>
      %add3A_697 = arith.addf %add3A_669, %get3A_696 : vector<16xf32>
      %add3A_698 = arith.constant 22 : i32
      %add3A_699 = arith.addi %mul3A_77, %add3A_698 : i32
      %get3A_700 = arith.index_cast %add3A_699 : i32 to index
      %get3A_701 = arith.constant 32 : index
      %get3A_702 = tpu.vector_load %arg5[%get3A_700, %get3A_701] {strides = array<i32>} : memref<256x128xf32, #tpu.memory_space<vmem>>, vector<1x16xf32>,
      %get3A_703 = vector.shape_cast %get3A_702 : vector<1x16xf32> to vector<16xf32>
      %add3A_704 = arith.addf %add3A_676, %get3A_703 : vector<16xf32>
      %add3A_705 = arith.constant 22 : i32
      %add3A_706 = arith.addi %mul3A_77, %add3A_705 : i32
      %get3A_707 = arith.index_cast %add3A_706 : i32 to index
      %get3A_708 = arith.constant 48 : index
      %get3A_709 = tpu.vector_load %arg5[%get3A_707, %get3A_708] {strides = array<i32>} : memref<256x128xf32, #tpu.memory_space<vmem>>, vector<1x16xf32>,
      %get3A_710 = vector.shape_cast %get3A_709 : vector<1x16xf32> to vector<16xf32>
      %add3A_711 = arith.addf %add3A_683, %get3A_710 : vector<16xf32>
      %add3A_712 = arith.constant 23 : i32
      %add3A_713 = arith.addi %mul3A_77, %add3A_712 : i32
      %get3A_714 = arith.index_cast %add3A_713 : i32 to index
      %get3A_715 = arith.constant 0 : index
      %get3A_716 = tpu.vector_load %arg5[%get3A_714, %get3A_715] {strides = array<i32>} : memref<256x128xf32, #tpu.memory_space<vmem>>, vector<1x16xf32>,
      %get3A_717 = vector.shape_cast %get3A_716 : vector<1x16xf32> to vector<16xf32>
      %add3A_718 = arith.addf %add3A_690, %get3A_717 : vector<16xf32>
      %add3A_719 = arith.constant 23 : i32
      %add3A_720 = arith.addi %mul3A_77, %add3A_719 : i32
      %get3A_721 = arith.index_cast %add3A_720 : i32 to index
      %get3A_722 = arith.constant 16 : index
      %get3A_723 = tpu.vector_load %arg5[%get3A_721, %get3A_722] {strides = array<i32>} : memref<256x128xf32, #tpu.memory_space<vmem>>, vector<1x16xf32>,
      %get3A_724 = vector.shape_cast %get3A_723 : vector<1x16xf32> to vector<16xf32>
      %add3A_725 = arith.addf %add3A_697, %get3A_724 : vector<16xf32>
      %add3A_726 = arith.constant 23 : i32
      %add3A_727 = arith.addi %mul3A_77, %add3A_726 : i32
      %get3A_728 = arith.index_cast %add3A_727 : i32 to index
      %get3A_729 = arith.constant 32 : index
      %get3A_730 = tpu.vector_load %arg5[%get3A_728, %get3A_729] {strides = array<i32>} : memref<256x128xf32, #tpu.memory_space<vmem>>, vector<1x16xf32>,
      %get3A_731 = vector.shape_cast %get3A_730 : vector<1x16xf32> to vector<16xf32>
      %add3A_732 = arith.addf %add3A_704, %get3A_731 : vector<16xf32>
      %add3A_733 = arith.constant 23 : i32
      %add3A_734 = arith.addi %mul3A_77, %add3A_733 : i32
      %get3A_735 = arith.index_cast %add3A_734 : i32 to index
      %get3A_736 = arith.constant 48 : index
      %get3A_737 = tpu.vector_load %arg5[%get3A_735, %get3A_736] {strides = array<i32>} : memref<256x128xf32, #tpu.memory_space<vmem>>, vector<1x16xf32>,
      %get3A_738 = vector.shape_cast %get3A_737 : vector<1x16xf32> to vector<16xf32>
      %add3A_739 = arith.addf %add3A_711, %get3A_738 : vector<16xf32>
      %add3A_740 = arith.constant 24 : i32
      %add3A_741 = arith.addi %mul3A_77, %add3A_740 : i32
      %get3A_742 = arith.index_cast %add3A_741 : i32 to index
      %get3A_743 = arith.constant 0 : index
      %get3A_744 = tpu.vector_load %arg5[%get3A_742, %get3A_743] {strides = array<i32>} : memref<256x128xf32, #tpu.memory_space<vmem>>, vector<1x16xf32>,
      %get3A_745 = vector.shape_cast %get3A_744 : vector<1x16xf32> to vector<16xf32>
      %add3A_746 = arith.addf %add3A_718, %get3A_745 : vector<16xf32>
      %add3A_747 = arith.constant 24 : i32
      %add3A_748 = arith.addi %mul3A_77, %add3A_747 : i32
      %get3A_749 = arith.index_cast %add3A_748 : i32 to index
      %get3A_750 = arith.constant 16 : index
      %get3A_751 = tpu.vector_load %arg5[%get3A_749, %get3A_750] {strides = array<i32>} : memref<256x128xf32, #tpu.memory_space<vmem>>, vector<1x16xf32>,
      %get3A_752 = vector.shape_cast %get3A_751 : vector<1x16xf32> to vector<16xf32>
      %add3A_753 = arith.addf %add3A_725, %get3A_752 : vector<16xf32>
      %add3A_754 = arith.constant 24 : i32
      %add3A_755 = arith.addi %mul3A_77, %add3A_754 : i32
      %get3A_756 = arith.index_cast %add3A_755 : i32 to index
      %get3A_757 = arith.constant 32 : index
      %get3A_758 = tpu.vector_load %arg5[%get3A_756, %get3A_757] {strides = array<i32>} : memref<256x128xf32, #tpu.memory_space<vmem>>, vector<1x16xf32>,
      %get3A_759 = vector.shape_cast %get3A_758 : vector<1x16xf32> to vector<16xf32>
      %add3A_760 = arith.addf %add3A_732, %get3A_759 : vector<16xf32>
      %add3A_761 = arith.constant 24 : i32
      %add3A_762 = arith.addi %mul3A_77, %add3A_761 : i32
      %get3A_763 = arith.index_cast %add3A_762 : i32 to index
      %get3A_764 = arith.constant 48 : index
      %get3A_765 = tpu.vector_load %arg5[%get3A_763, %get3A_764] {strides = array<i32>} : memref<256x128xf32, #tpu.memory_space<vmem>>, vector<1x16xf32>,
      %get3A_766 = vector.shape_cast %get3A_765 : vector<1x16xf32> to vector<16xf32>
      %add3A_767 = arith.addf %add3A_739, %get3A_766 : vector<16xf32>
      %add3A_768 = arith.constant 25 : i32
      %add3A_769 = arith.addi %mul3A_77, %add3A_768 : i32
      %get3A_770 = arith.index_cast %add3A_769 : i32 to index
      %get3A_771 = arith.constant 0 : index
      %get3A_772 = tpu.vector_load %arg5[%get3A_770, %get3A_771] {strides = array<i32>} : memref<256x128xf32, #tpu.memory_space<vmem>>, vector<1x16xf32>,
      %get3A_773 = vector.shape_cast %get3A_772 : vector<1x16xf32> to vector<16xf32>
      %add3A_774 = arith.addf %add3A_746, %get3A_773 : vector<16xf32>
      %add3A_775 = arith.constant 25 : i32
      %add3A_776 = arith.addi %mul3A_77, %add3A_775 : i32
      %get3A_777 = arith.index_cast %add3A_776 : i32 to index
      %get3A_778 = arith.constant 16 : index
      %get3A_779 = tpu.vector_load %arg5[%get3A_777, %get3A_778] {strides = array<i32>} : memref<256x128xf32, #tpu.memory_space<vmem>>, vector<1x16xf32>,
      %get3A_780 = vector.shape_cast %get3A_779 : vector<1x16xf32> to vector<16xf32>
      %add3A_781 = arith.addf %add3A_753, %get3A_780 : vector<16xf32>
      %add3A_782 = arith.constant 25 : i32
      %add3A_783 = arith.addi %mul3A_77, %add3A_782 : i32
      %get3A_784 = arith.index_cast %add3A_783 : i32 to index
      %get3A_785 = arith.constant 32 : index
      %get3A_786 = tpu.vector_load %arg5[%get3A_784, %get3A_785] {strides = array<i32>} : memref<256x128xf32, #tpu.memory_space<vmem>>, vector<1x16xf32>,
      %get3A_787 = vector.shape_cast %get3A_786 : vector<1x16xf32> to vector<16xf32>
      %add3A_788 = arith.addf %add3A_760, %get3A_787 : vector<16xf32>
      %add3A_789 = arith.constant 25 : i32
      %add3A_790 = arith.addi %mul3A_77, %add3A_789 : i32
      %get3A_791 = arith.index_cast %add3A_790 : i32 to index
      %get3A_792 = arith.constant 48 : index
      %get3A_793 = tpu.vector_load %arg5[%get3A_791, %get3A_792] {strides = array<i32>} : memref<256x128xf32, #tpu.memory_space<vmem>>, vector<1x16xf32>,
      %get3A_794 = vector.shape_cast %get3A_793 : vector<1x16xf32> to vector<16xf32>
      %add3A_795 = arith.addf %add3A_767, %get3A_794 : vector<16xf32>
      %add3A_796 = arith.constant 26 : i32
      %add3A_797 = arith.addi %mul3A_77, %add3A_796 : i32
      %get3A_798 = arith.index_cast %add3A_797 : i32 to index
      %get3A_799 = arith.constant 0 : index
      %get3A_800 = tpu.vector_load %arg5[%get3A_798, %get3A_799] {strides = array<i32>} : memref<256x128xf32, #tpu.memory_space<vmem>>, vector<1x16xf32>,
      %get3A_801 = vector.shape_cast %get3A_800 : vector<1x16xf32> to vector<16xf32>
      %add3A_802 = arith.addf %add3A_774, %get3A_801 : vector<16xf32>
      %add3A_803 = arith.constant 26 : i32
      %add3A_804 = arith.addi %mul3A_77, %add3A_803 : i32
      %get3A_805 = arith.index_cast %add3A_804 : i32 to index
      %get3A_806 = arith.constant 16 : index
      %get3A_807 = tpu.vector_load %arg5[%get3A_805, %get3A_806] {strides = array<i32>} : memref<256x128xf32, #tpu.memory_space<vmem>>, vector<1x16xf32>,
      %get3A_808 = vector.shape_cast %get3A_807 : vector<1x16xf32> to vector<16xf32>
      %add3A_809 = arith.addf %add3A_781, %get3A_808 : vector<16xf32>
      %add3A_810 = arith.constant 26 : i32
      %add3A_811 = arith.addi %mul3A_77, %add3A_810 : i32
      %get3A_812 = arith.index_cast %add3A_811 : i32 to index
      %get3A_813 = arith.constant 32 : index
      %get3A_814 = tpu.vector_load %arg5[%get3A_812, %get3A_813] {strides = array<i32>} : memref<256x128xf32, #tpu.memory_space<vmem>>, vector<1x16xf32>,
      %get3A_815 = vector.shape_cast %get3A_814 : vector<1x16xf32> to vector<16xf32>
      %add3A_816 = arith.addf %add3A_788, %get3A_815 : vector<16xf32>
      %add3A_817 = arith.constant 26 : i32
      %add3A_818 = arith.addi %mul3A_77, %add3A_817 : i32
      %get3A_819 = arith.index_cast %add3A_818 : i32 to index
      %get3A_820 = arith.constant 48 : index
      %get3A_821 = tpu.vector_load %arg5[%get3A_819, %get3A_820] {strides = array<i32>} : memref<256x128xf32, #tpu.memory_space<vmem>>, vector<1x16xf32>,
      %get3A_822 = vector.shape_cast %get3A_821 : vector<1x16xf32> to vector<16xf32>
      %add3A_823 = arith.addf %add3A_795, %get3A_822 : vector<16xf32>
      %add3A_824 = arith.constant 27 : i32
      %add3A_825 = arith.addi %mul3A_77, %add3A_824 : i32
      %get3A_826 = arith.index_cast %add3A_825 : i32 to index
      %get3A_827 = arith.constant 0 : index
      %get3A_828 = tpu.vector_load %arg5[%get3A_826, %get3A_827] {strides = array<i32>} : memref<256x128xf32, #tpu.memory_space<vmem>>, vector<1x16xf32>,
      %get3A_829 = vector.shape_cast %get3A_828 : vector<1x16xf32> to vector<16xf32>
      %add3A_830 = arith.addf %add3A_802, %get3A_829 : vector<16xf32>
      %add3A_831 = arith.constant 27 : i32
      %add3A_832 = arith.addi %mul3A_77, %add3A_831 : i32
      %get3A_833 = arith.index_cast %add3A_832 : i32 to index
      %get3A_834 = arith.constant 16 : index
      %get3A_835 = tpu.vector_load %arg5[%get3A_833, %get3A_834] {strides = array<i32>} : memref<256x128xf32, #tpu.memory_space<vmem>>, vector<1x16xf32>,
      %get3A_836 = vector.shape_cast %get3A_835 : vector<1x16xf32> to vector<16xf32>
      %add3A_837 = arith.addf %add3A_809, %get3A_836 : vector<16xf32>
      %add3A_838 = arith.constant 27 : i32
      %add3A_839 = arith.addi %mul3A_77, %add3A_838 : i32
      %get3A_840 = arith.index_cast %add3A_839 : i32 to index
      %get3A_841 = arith.constant 32 : index
      %get3A_842 = tpu.vector_load %arg5[%get3A_840, %get3A_841] {strides = array<i32>} : memref<256x128xf32, #tpu.memory_space<vmem>>, vector<1x16xf32>,
      %get3A_843 = vector.shape_cast %get3A_842 : vector<1x16xf32> to vector<16xf32>
      %add3A_844 = arith.addf %add3A_816, %get3A_843 : vector<16xf32>
      %add3A_845 = arith.constant 27 : i32
      %add3A_846 = arith.addi %mul3A_77, %add3A_845 : i32
      %get3A_847 = arith.index_cast %add3A_846 : i32 to index
      %get3A_848 = arith.constant 48 : index
      %get3A_849 = tpu.vector_load %arg5[%get3A_847, %get3A_848] {strides = array<i32>} : memref<256x128xf32, #tpu.memory_space<vmem>>, vector<1x16xf32>,
      %get3A_850 = vector.shape_cast %get3A_849 : vector<1x16xf32> to vector<16xf32>
      %add3A_851 = arith.addf %add3A_823, %get3A_850 : vector<16xf32>
      %add3A_852 = arith.constant 28 : i32
      %add3A_853 = arith.addi %mul3A_77, %add3A_852 : i32
      %get3A_854 = arith.index_cast %add3A_853 : i32 to index
      %get3A_855 = arith.constant 0 : index
      %get3A_856 = tpu.vector_load %arg5[%get3A_854, %get3A_855] {strides = array<i32>} : memref<256x128xf32, #tpu.memory_space<vmem>>, vector<1x16xf32>,
      %get3A_857 = vector.shape_cast %get3A_856 : vector<1x16xf32> to vector<16xf32>
      %add3A_858 = arith.addf %add3A_830, %get3A_857 : vector<16xf32>
      %add3A_859 = arith.constant 28 : i32
      %add3A_860 = arith.addi %mul3A_77, %add3A_859 : i32
      %get3A_861 = arith.index_cast %add3A_860 : i32 to index
      %get3A_862 = arith.constant 16 : index
      %get3A_863 = tpu.vector_load %arg5[%get3A_861, %get3A_862] {strides = array<i32>} : memref<256x128xf32, #tpu.memory_space<vmem>>, vector<1x16xf32>,
      %get3A_864 = vector.shape_cast %get3A_863 : vector<1x16xf32> to vector<16xf32>
      %add3A_865 = arith.addf %add3A_837, %get3A_864 : vector<16xf32>
      %add3A_866 = arith.constant 28 : i32
      %add3A_867 = arith.addi %mul3A_77, %add3A_866 : i32
      %get3A_868 = arith.index_cast %add3A_867 : i32 to index
      %get3A_869 = arith.constant 32 : index
      %get3A_870 = tpu.vector_load %arg5[%get3A_868, %get3A_869] {strides = array<i32>} : memref<256x128xf32, #tpu.memory_space<vmem>>, vector<1x16xf32>,
      %get3A_871 = vector.shape_cast %get3A_870 : vector<1x16xf32> to vector<16xf32>
      %add3A_872 = arith.addf %add3A_844, %get3A_871 : vector<16xf32>
      %add3A_873 = arith.constant 28 : i32
      %add3A_874 = arith.addi %mul3A_77, %add3A_873 : i32
      %get3A_875 = arith.index_cast %add3A_874 : i32 to index
      %get3A_876 = arith.constant 48 : index
      %get3A_877 = tpu.vector_load %arg5[%get3A_875, %get3A_876] {strides = array<i32>} : memref<256x128xf32, #tpu.memory_space<vmem>>, vector<1x16xf32>,
      %get3A_878 = vector.shape_cast %get3A_877 : vector<1x16xf32> to vector<16xf32>
      %add3A_879 = arith.addf %add3A_851, %get3A_878 : vector<16xf32>
      %add3A_880 = arith.constant 29 : i32
      %add3A_881 = arith.addi %mul3A_77, %add3A_880 : i32
      %get3A_882 = arith.index_cast %add3A_881 : i32 to index
      %get3A_883 = arith.constant 0 : index
      %get3A_884 = tpu.vector_load %arg5[%get3A_882, %get3A_883] {strides = array<i32>} : memref<256x128xf32, #tpu.memory_space<vmem>>, vector<1x16xf32>,
      %get3A_885 = vector.shape_cast %get3A_884 : vector<1x16xf32> to vector<16xf32>
      %add3A_886 = arith.addf %add3A_858, %get3A_885 : vector<16xf32>
      %add3A_887 = arith.constant 29 : i32
      %add3A_888 = arith.addi %mul3A_77, %add3A_887 : i32
      %get3A_889 = arith.index_cast %add3A_888 : i32 to index
      %get3A_890 = arith.constant 16 : index
      %get3A_891 = tpu.vector_load %arg5[%get3A_889, %get3A_890] {strides = array<i32>} : memref<256x128xf32, #tpu.memory_space<vmem>>, vector<1x16xf32>,
      %get3A_892 = vector.shape_cast %get3A_891 : vector<1x16xf32> to vector<16xf32>
      %add3A_893 = arith.addf %add3A_865, %get3A_892 : vector<16xf32>
      %add3A_894 = arith.constant 29 : i32
      %add3A_895 = arith.addi %mul3A_77, %add3A_894 : i32
      %get3A_896 = arith.index_cast %add3A_895 : i32 to index
      %get3A_897 = arith.constant 32 : index
      %get3A_898 = tpu.vector_load %arg5[%get3A_896, %get3A_897] {strides = array<i32>} : memref<256x128xf32, #tpu.memory_space<vmem>>, vector<1x16xf32>,
      %get3A_899 = vector.shape_cast %get3A_898 : vector<1x16xf32> to vector<16xf32>
      %add3A_900 = arith.addf %add3A_872, %get3A_899 : vector<16xf32>
      %add3A_901 = arith.constant 29 : i32
      %add3A_902 = arith.addi %mul3A_77, %add3A_901 : i32
      %get3A_903 = arith.index_cast %add3A_902 : i32 to index
      %get3A_904 = arith.constant 48 : index
      %get3A_905 = tpu.vector_load %arg5[%get3A_903, %get3A_904] {strides = array<i32>} : memref<256x128xf32, #tpu.memory_space<vmem>>, vector<1x16xf32>,
      %get3A_906 = vector.shape_cast %get3A_905 : vector<1x16xf32> to vector<16xf32>
      %add3A_907 = arith.addf %add3A_879, %get3A_906 : vector<16xf32>
      %add3A_908 = arith.constant 30 : i32
      %add3A_909 = arith.addi %mul3A_77, %add3A_908 : i32
      %get3A_910 = arith.index_cast %add3A_909 : i32 to index
      %get3A_911 = arith.constant 0 : index
      %get3A_912 = tpu.vector_load %arg5[%get3A_910, %get3A_911] {strides = array<i32>} : memref<256x128xf32, #tpu.memory_space<vmem>>, vector<1x16xf32>,
      %get3A_913 = vector.shape_cast %get3A_912 : vector<1x16xf32> to vector<16xf32>
      %add3A_914 = arith.addf %add3A_886, %get3A_913 : vector<16xf32>
      %add3A_915 = arith.constant 30 : i32
      %add3A_916 = arith.addi %mul3A_77, %add3A_915 : i32
      %get3A_917 = arith.index_cast %add3A_916 : i32 to index
      %get3A_918 = arith.constant 16 : index
      %get3A_919 = tpu.vector_load %arg5[%get3A_917, %get3A_918] {strides = array<i32>} : memref<256x128xf32, #tpu.memory_space<vmem>>, vector<1x16xf32>,
      %get3A_920 = vector.shape_cast %get3A_919 : vector<1x16xf32> to vector<16xf32>
      %add3A_921 = arith.addf %add3A_893, %get3A_920 : vector<16xf32>
      %add3A_922 = arith.constant 30 : i32
      %add3A_923 = arith.addi %mul3A_77, %add3A_922 : i32
      %get3A_924 = arith.index_cast %add3A_923 : i32 to index
      %get3A_925 = arith.constant 32 : index
      %get3A_926 = tpu.vector_load %arg5[%get3A_924, %get3A_925] {strides = array<i32>} : memref<256x128xf32, #tpu.memory_space<vmem>>, vector<1x16xf32>,
      %get3A_927 = vector.shape_cast %get3A_926 : vector<1x16xf32> to vector<16xf32>
      %add3A_928 = arith.addf %add3A_900, %get3A_927 : vector<16xf32>
      %add3A_929 = arith.constant 30 : i32
      %add3A_930 = arith.addi %mul3A_77, %add3A_929 : i32
      %get3A_931 = arith.index_cast %add3A_930 : i32 to index
      %get3A_932 = arith.constant 48 : index
      %get3A_933 = tpu.vector_load %arg5[%get3A_931, %get3A_932] {strides = array<i32>} : memref<256x128xf32, #tpu.memory_space<vmem>>, vector<1x16xf32>,
      %get3A_934 = vector.shape_cast %get3A_933 : vector<1x16xf32> to vector<16xf32>
      %add3A_935 = arith.addf %add3A_907, %get3A_934 : vector<16xf32>
      %add3A_936 = arith.constant 31 : i32
      %add3A_937 = arith.addi %mul3A_77, %add3A_936 : i32
      %get3A_938 = arith.index_cast %add3A_937 : i32 to index
      %get3A_939 = arith.constant 0 : index
      %get3A_940 = tpu.vector_load %arg5[%get3A_938, %get3A_939] {strides = array<i32>} : memref<256x128xf32, #tpu.memory_space<vmem>>, vector<1x16xf32>,
      %get3A_941 = vector.shape_cast %get3A_940 : vector<1x16xf32> to vector<16xf32>
      %add3A_942 = arith.addf %add3A_914, %get3A_941 : vector<16xf32>
      %add3A_943 = arith.constant 31 : i32
      %add3A_944 = arith.addi %mul3A_77, %add3A_943 : i32
      %get3A_945 = arith.index_cast %add3A_944 : i32 to index
      %get3A_946 = arith.constant 16 : index
      %get3A_947 = tpu.vector_load %arg5[%get3A_945, %get3A_946] {strides = array<i32>} : memref<256x128xf32, #tpu.memory_space<vmem>>, vector<1x16xf32>,
      %get3A_948 = vector.shape_cast %get3A_947 : vector<1x16xf32> to vector<16xf32>
      %add3A_949 = arith.addf %add3A_921, %get3A_948 : vector<16xf32>
      %add3A_950 = arith.constant 31 : i32
      %add3A_951 = arith.addi %mul3A_77, %add3A_950 : i32
      %get3A_952 = arith.index_cast %add3A_951 : i32 to index
      %get3A_953 = arith.constant 32 : index
      %get3A_954 = tpu.vector_load %arg5[%get3A_952, %get3A_953] {strides = array<i32>} : memref<256x128xf32, #tpu.memory_space<vmem>>, vector<1x16xf32>,
      %get3A_955 = vector.shape_cast %get3A_954 : vector<1x16xf32> to vector<16xf32>
      %add3A_956 = arith.addf %add3A_928, %get3A_955 : vector<16xf32>
      %add3A_957 = arith.constant 31 : i32
      %add3A_958 = arith.addi %mul3A_77, %add3A_957 : i32
      %get3A_959 = arith.index_cast %add3A_958 : i32 to index
      %get3A_960 = arith.constant 48 : index
      %get3A_961 = tpu.vector_load %arg5[%get3A_959, %get3A_960] {strides = array<i32>} : memref<256x128xf32, #tpu.memory_space<vmem>>, vector<1x16xf32>,
      %get3A_962 = vector.shape_cast %get3A_961 : vector<1x16xf32> to vector<16xf32>
      %add3A_963 = arith.addf %add3A_935, %get3A_962 : vector<16xf32>
      %swap3A = arith.index_cast %add3A_80 : i32 to index
      %swap3A_964 = arith.constant 0 : index
      %swap3A_965 = tpu.vector_load %arg7[%swap3A, %swap3A_964] {strides = array<i32>} : memref<16x128xf32, #tpu.memory_space<vmem>>, vector<1x16xf32>,
      %swap3A_966 = vector.shape_cast %swap3A_965 : vector<1x16xf32> to vector<16xf32>
      %swap3A_967 = vector.shape_cast %add3A_942 : vector<16xf32> to vector<1x16xf32>
      tpu.vector_store %arg7[%swap3A, %swap3A_964], %swap3A_967 {strides = array<i32>} : memref<16x128xf32, #tpu.memory_space<vmem>>, vector<1x16xf32>,
      %swap3A_968 = arith.index_cast %add3A_80 : i32 to index
      %swap3A_969 = arith.constant 16 : index
      %swap3A_970 = tpu.vector_load %arg7[%swap3A_968, %swap3A_969] {strides = array<i32>} : memref<16x128xf32, #tpu.memory_space<vmem>>, vector<1x16xf32>,
      %swap3A_971 = vector.shape_cast %swap3A_970 : vector<1x16xf32> to vector<16xf32>
      %swap3A_972 = vector.shape_cast %add3A_949 : vector<16xf32> to vector<1x16xf32>
      tpu.vector_store %arg7[%swap3A_968, %swap3A_969], %swap3A_972 {strides = array<i32>} : memref<16x128xf32, #tpu.memory_space<vmem>>, vector<1x16xf32>,
      %swap3A_973 = arith.index_cast %add3A_80 : i32 to index
      %swap3A_974 = arith.constant 32 : index
      %swap3A_975 = tpu.vector_load %arg7[%swap3A_973, %swap3A_974] {strides = array<i32>} : memref<16x128xf32, #tpu.memory_space<vmem>>, vector<1x16xf32>,
      %swap3A_976 = vector.shape_cast %swap3A_975 : vector<1x16xf32> to vector<16xf32>
      %swap3A_977 = vector.shape_cast %add3A_956 : vector<16xf32> to vector<1x16xf32>
      tpu.vector_store %arg7[%swap3A_973, %swap3A_974], %swap3A_977 {strides = array<i32>} : memref<16x128xf32, #tpu.memory_space<vmem>>, vector<1x16xf32>,
      %swap3A_978 = arith.index_cast %add3A_80 : i32 to index
      %swap3A_979 = arith.constant 48 : index
      %swap3A_980 = tpu.vector_load %arg7[%swap3A_978, %swap3A_979] {strides = array<i32>} : memref<16x128xf32, #tpu.memory_space<vmem>>, vector<1x16xf32>,
      %swap3A_981 = vector.shape_cast %swap3A_980 : vector<1x16xf32> to vector<16xf32>
      %swap3A_982 = vector.shape_cast %add3A_963 : vector<16xf32> to vector<1x16xf32>
      tpu.vector_store %arg7[%swap3A_978, %swap3A_979], %swap3A_982 {strides = array<i32>} : memref<16x128xf32, #tpu.memory_space<vmem>>, vector<1x16xf32>,
      %get3A_983 = arith.index_cast %mul3A_77 : i32 to index
      %get3A_984 = arith.constant 64 : index
      %get3A_985 = tpu.vector_load %arg5[%get3A_983, %get3A_984] {strides = array<i32>} : memref<256x128xf32, #tpu.memory_space<vmem>>, vector<1x16xf32>,
      %get3A_986 = vector.shape_cast %get3A_985 : vector<1x16xf32> to vector<16xf32>
      %get3A_987 = arith.index_cast %mul3A_77 : i32 to index
      %get3A_988 = arith.constant 80 : index
      %get3A_989 = tpu.vector_load %arg5[%get3A_987, %get3A_988] {strides = array<i32>} : memref<256x128xf32, #tpu.memory_space<vmem>>, vector<1x16xf32>,
      %get3A_990 = vector.shape_cast %get3A_989 : vector<1x16xf32> to vector<16xf32>
      %get3A_991 = arith.index_cast %mul3A_77 : i32 to index
      %get3A_992 = arith.constant 96 : index
      %get3A_993 = tpu.vector_load %arg5[%get3A_991, %get3A_992] {strides = array<i32>} : memref<256x128xf32, #tpu.memory_space<vmem>>, vector<1x16xf32>,
      %get3A_994 = vector.shape_cast %get3A_993 : vector<1x16xf32> to vector<16xf32>
      %get3A_995 = arith.index_cast %mul3A_77 : i32 to index
      %get3A_996 = arith.constant 112 : index
      %get3A_997 = tpu.vector_load %arg5[%get3A_995, %get3A_996] {strides = array<i32>} : memref<256x128xf32, #tpu.memory_space<vmem>>, vector<1x16xf32>,
      %get3A_998 = vector.shape_cast %get3A_997 : vector<1x16xf32> to vector<16xf32>
      %add3A_999 = arith.constant 1 : i32
      %add3A_1000 = arith.addi %mul3A_77, %add3A_999 : i32
      %get3A_1001 = arith.index_cast %add3A_1000 : i32 to index
      %get3A_1002 = arith.constant 64 : index
      %get3A_1003 = tpu.vector_load %arg5[%get3A_1001, %get3A_1002] {strides = array<i32>} : memref<256x128xf32, #tpu.memory_space<vmem>>, vector<1x16xf32>,
      %get3A_1004 = vector.shape_cast %get3A_1003 : vector<1x16xf32> to vector<16xf32>
      %add3A_1005 = arith.addf %get3A_986, %get3A_1004 : vector<16xf32>
      %add3A_1006 = arith.constant 1 : i32
      %add3A_1007 = arith.addi %mul3A_77, %add3A_1006 : i32
      %get3A_1008 = arith.index_cast %add3A_1007 : i32 to index
      %get3A_1009 = arith.constant 80 : index
      %get3A_1010 = tpu.vector_load %arg5[%get3A_1008, %get3A_1009] {strides = array<i32>} : memref<256x128xf32, #tpu.memory_space<vmem>>, vector<1x16xf32>,
      %get3A_1011 = vector.shape_cast %get3A_1010 : vector<1x16xf32> to vector<16xf32>
      %add3A_1012 = arith.addf %get3A_990, %get3A_1011 : vector<16xf32>
      %add3A_1013 = arith.constant 1 : i32
      %add3A_1014 = arith.addi %mul3A_77, %add3A_1013 : i32
      %get3A_1015 = arith.index_cast %add3A_1014 : i32 to index
      %get3A_1016 = arith.constant 96 : index
      %get3A_1017 = tpu.vector_load %arg5[%get3A_1015, %get3A_1016] {strides = array<i32>} : memref<256x128xf32, #tpu.memory_space<vmem>>, vector<1x16xf32>,
      %get3A_1018 = vector.shape_cast %get3A_1017 : vector<1x16xf32> to vector<16xf32>
      %add3A_1019 = arith.addf %get3A_994, %get3A_1018 : vector<16xf32>
      %add3A_1020 = arith.constant 1 : i32
      %add3A_1021 = arith.addi %mul3A_77, %add3A_1020 : i32
      %get3A_1022 = arith.index_cast %add3A_1021 : i32 to index
      %get3A_1023 = arith.constant 112 : index
      %get3A_1024 = tpu.vector_load %arg5[%get3A_1022, %get3A_1023] {strides = array<i32>} : memref<256x128xf32, #tpu.memory_space<vmem>>, vector<1x16xf32>,
      %get3A_1025 = vector.shape_cast %get3A_1024 : vector<1x16xf32> to vector<16xf32>
      %add3A_1026 = arith.addf %get3A_998, %get3A_1025 : vector<16xf32>
      %add3A_1027 = arith.constant 2 : i32
      %add3A_1028 = arith.addi %mul3A_77, %add3A_1027 : i32
      %get3A_1029 = arith.index_cast %add3A_1028 : i32 to index
      %get3A_1030 = arith.constant 64 : index
      %get3A_1031 = tpu.vector_load %arg5[%get3A_1029, %get3A_1030] {strides = array<i32>} : memref<256x128xf32, #tpu.memory_space<vmem>>, vector<1x16xf32>,
      %get3A_1032 = vector.shape_cast %get3A_1031 : vector<1x16xf32> to vector<16xf32>
      %add3A_1033 = arith.addf %add3A_1005, %get3A_1032 : vector<16xf32>
      %add3A_1034 = arith.constant 2 : i32
      %add3A_1035 = arith.addi %mul3A_77, %add3A_1034 : i32
      %get3A_1036 = arith.index_cast %add3A_1035 : i32 to index
      %get3A_1037 = arith.constant 80 : index
      %get3A_1038 = tpu.vector_load %arg5[%get3A_1036, %get3A_1037] {strides = array<i32>} : memref<256x128xf32, #tpu.memory_space<vmem>>, vector<1x16xf32>,
      %get3A_1039 = vector.shape_cast %get3A_1038 : vector<1x16xf32> to vector<16xf32>
      %add3A_1040 = arith.addf %add3A_1012, %get3A_1039 : vector<16xf32>
      %add3A_1041 = arith.constant 2 : i32
      %add3A_1042 = arith.addi %mul3A_77, %add3A_1041 : i32
      %get3A_1043 = arith.index_cast %add3A_1042 : i32 to index
      %get3A_1044 = arith.constant 96 : index
      %get3A_1045 = tpu.vector_load %arg5[%get3A_1043, %get3A_1044] {strides = array<i32>} : memref<256x128xf32, #tpu.memory_space<vmem>>, vector<1x16xf32>,
      %get3A_1046 = vector.shape_cast %get3A_1045 : vector<1x16xf32> to vector<16xf32>
      %add3A_1047 = arith.addf %add3A_1019, %get3A_1046 : vector<16xf32>
      %add3A_1048 = arith.constant 2 : i32
      %add3A_1049 = arith.addi %mul3A_77, %add3A_1048 : i32
      %get3A_1050 = arith.index_cast %add3A_1049 : i32 to index
      %get3A_1051 = arith.constant 112 : index
      %get3A_1052 = tpu.vector_load %arg5[%get3A_1050, %get3A_1051] {strides = array<i32>} : memref<256x128xf32, #tpu.memory_space<vmem>>, vector<1x16xf32>,
      %get3A_1053 = vector.shape_cast %get3A_1052 : vector<1x16xf32> to vector<16xf32>
      %add3A_1054 = arith.addf %add3A_1026, %get3A_1053 : vector<16xf32>
      %add3A_1055 = arith.constant 3 : i32
      %add3A_1056 = arith.addi %mul3A_77, %add3A_1055 : i32
      %get3A_1057 = arith.index_cast %add3A_1056 : i32 to index
      %get3A_1058 = arith.constant 64 : index
      %get3A_1059 = tpu.vector_load %arg5[%get3A_1057, %get3A_1058] {strides = array<i32>} : memref<256x128xf32, #tpu.memory_space<vmem>>, vector<1x16xf32>,
      %get3A_1060 = vector.shape_cast %get3A_1059 : vector<1x16xf32> to vector<16xf32>
      %add3A_1061 = arith.addf %add3A_1033, %get3A_1060 : vector<16xf32>
      %add3A_1062 = arith.constant 3 : i32
      %add3A_1063 = arith.addi %mul3A_77, %add3A_1062 : i32
      %get3A_1064 = arith.index_cast %add3A_1063 : i32 to index
      %get3A_1065 = arith.constant 80 : index
      %get3A_1066 = tpu.vector_load %arg5[%get3A_1064, %get3A_1065] {strides = array<i32>} : memref<256x128xf32, #tpu.memory_space<vmem>>, vector<1x16xf32>,
      %get3A_1067 = vector.shape_cast %get3A_1066 : vector<1x16xf32> to vector<16xf32>
      %add3A_1068 = arith.addf %add3A_1040, %get3A_1067 : vector<16xf32>
      %add3A_1069 = arith.constant 3 : i32
      %add3A_1070 = arith.addi %mul3A_77, %add3A_1069 : i32
      %get3A_1071 = arith.index_cast %add3A_1070 : i32 to index
      %get3A_1072 = arith.constant 96 : index
      %get3A_1073 = tpu.vector_load %arg5[%get3A_1071, %get3A_1072] {strides = array<i32>} : memref<256x128xf32, #tpu.memory_space<vmem>>, vector<1x16xf32>,
      %get3A_1074 = vector.shape_cast %get3A_1073 : vector<1x16xf32> to vector<16xf32>
      %add3A_1075 = arith.addf %add3A_1047, %get3A_1074 : vector<16xf32>
      %add3A_1076 = arith.constant 3 : i32
      %add3A_1077 = arith.addi %mul3A_77, %add3A_1076 : i32
      %get3A_1078 = arith.index_cast %add3A_1077 : i32 to index
      %get3A_1079 = arith.constant 112 : index
      %get3A_1080 = tpu.vector_load %arg5[%get3A_1078, %get3A_1079] {strides = array<i32>} : memref<256x128xf32, #tpu.memory_space<vmem>>, vector<1x16xf32>,
      %get3A_1081 = vector.shape_cast %get3A_1080 : vector<1x16xf32> to vector<16xf32>
      %add3A_1082 = arith.addf %add3A_1054, %get3A_1081 : vector<16xf32>
      %add3A_1083 = arith.constant 4 : i32
      %add3A_1084 = arith.addi %mul3A_77, %add3A_1083 : i32
      %get3A_1085 = arith.index_cast %add3A_1084 : i32 to index
      %get3A_1086 = arith.constant 64 : index
      %get3A_1087 = tpu.vector_load %arg5[%get3A_1085, %get3A_1086] {strides = array<i32>} : memref<256x128xf32, #tpu.memory_space<vmem>>, vector<1x16xf32>,
      %get3A_1088 = vector.shape_cast %get3A_1087 : vector<1x16xf32> to vector<16xf32>
      %add3A_1089 = arith.addf %add3A_1061, %get3A_1088 : vector<16xf32>
      %add3A_1090 = arith.constant 4 : i32
      %add3A_1091 = arith.addi %mul3A_77, %add3A_1090 : i32
      %get3A_1092 = arith.index_cast %add3A_1091 : i32 to index
      %get3A_1093 = arith.constant 80 : index
      %get3A_1094 = tpu.vector_load %arg5[%get3A_1092, %get3A_1093] {strides = array<i32>} : memref<256x128xf32, #tpu.memory_space<vmem>>, vector<1x16xf32>,
      %get3A_1095 = vector.shape_cast %get3A_1094 : vector<1x16xf32> to vector<16xf32>
      %add3A_1096 = arith.addf %add3A_1068, %get3A_1095 : vector<16xf32>
      %add3A_1097 = arith.constant 4 : i32
      %add3A_1098 = arith.addi %mul3A_77, %add3A_1097 : i32
      %get3A_1099 = arith.index_cast %add3A_1098 : i32 to index
      %get3A_1100 = arith.constant 96 : index
      %get3A_1101 = tpu.vector_load %arg5[%get3A_1099, %get3A_1100] {strides = array<i32>} : memref<256x128xf32, #tpu.memory_space<vmem>>, vector<1x16xf32>,
      %get3A_1102 = vector.shape_cast %get3A_1101 : vector<1x16xf32> to vector<16xf32>
      %add3A_1103 = arith.addf %add3A_1075, %get3A_1102 : vector<16xf32>
      %add3A_1104 = arith.constant 4 : i32
      %add3A_1105 = arith.addi %mul3A_77, %add3A_1104 : i32
      %get3A_1106 = arith.index_cast %add3A_1105 : i32 to index
      %get3A_1107 = arith.constant 112 : index
      %get3A_1108 = tpu.vector_load %arg5[%get3A_1106, %get3A_1107] {strides = array<i32>} : memref<256x128xf32, #tpu.memory_space<vmem>>, vector<1x16xf32>,
      %get3A_1109 = vector.shape_cast %get3A_1108 : vector<1x16xf32> to vector<16xf32>
      %add3A_1110 = arith.addf %add3A_1082, %get3A_1109 : vector<16xf32>
      %add3A_1111 = arith.constant 5 : i32
      %add3A_1112 = arith.addi %mul3A_77, %add3A_1111 : i32
      %get3A_1113 = arith.index_cast %add3A_1112 : i32 to index
      %get3A_1114 = arith.constant 64 : index
      %get3A_1115 = tpu.vector_load %arg5[%get3A_1113, %get3A_1114] {strides = array<i32>} : memref<256x128xf32, #tpu.memory_space<vmem>>, vector<1x16xf32>,
      %get3A_1116 = vector.shape_cast %get3A_1115 : vector<1x16xf32> to vector<16xf32>
      %add3A_1117 = arith.addf %add3A_1089, %get3A_1116 : vector<16xf32>
      %add3A_1118 = arith.constant 5 : i32
      %add3A_1119 = arith.addi %mul3A_77, %add3A_1118 : i32
      %get3A_1120 = arith.index_cast %add3A_1119 : i32 to index
      %get3A_1121 = arith.constant 80 : index
      %get3A_1122 = tpu.vector_load %arg5[%get3A_1120, %get3A_1121] {strides = array<i32>} : memref<256x128xf32, #tpu.memory_space<vmem>>, vector<1x16xf32>,
      %get3A_1123 = vector.shape_cast %get3A_1122 : vector<1x16xf32> to vector<16xf32>
      %add3A_1124 = arith.addf %add3A_1096, %get3A_1123 : vector<16xf32>
      %add3A_1125 = arith.constant 5 : i32
      %add3A_1126 = arith.addi %mul3A_77, %add3A_1125 : i32
      %get3A_1127 = arith.index_cast %add3A_1126 : i32 to index
      %get3A_1128 = arith.constant 96 : index
      %get3A_1129 = tpu.vector_load %arg5[%get3A_1127, %get3A_1128] {strides = array<i32>} : memref<256x128xf32, #tpu.memory_space<vmem>>, vector<1x16xf32>,
      %get3A_1130 = vector.shape_cast %get3A_1129 : vector<1x16xf32> to vector<16xf32>
      %add3A_1131 = arith.addf %add3A_1103, %get3A_1130 : vector<16xf32>
      %add3A_1132 = arith.constant 5 : i32
      %add3A_1133 = arith.addi %mul3A_77, %add3A_1132 : i32
      %get3A_1134 = arith.index_cast %add3A_1133 : i32 to index
      %get3A_1135 = arith.constant 112 : index
      %get3A_1136 = tpu.vector_load %arg5[%get3A_1134, %get3A_1135] {strides = array<i32>} : memref<256x128xf32, #tpu.memory_space<vmem>>, vector<1x16xf32>,
      %get3A_1137 = vector.shape_cast %get3A_1136 : vector<1x16xf32> to vector<16xf32>
      %add3A_1138 = arith.addf %add3A_1110, %get3A_1137 : vector<16xf32>
      %add3A_1139 = arith.constant 6 : i32
      %add3A_1140 = arith.addi %mul3A_77, %add3A_1139 : i32
      %get3A_1141 = arith.index_cast %add3A_1140 : i32 to index
      %get3A_1142 = arith.constant 64 : index
      %get3A_1143 = tpu.vector_load %arg5[%get3A_1141, %get3A_1142] {strides = array<i32>} : memref<256x128xf32, #tpu.memory_space<vmem>>, vector<1x16xf32>,
      %get3A_1144 = vector.shape_cast %get3A_1143 : vector<1x16xf32> to vector<16xf32>
      %add3A_1145 = arith.addf %add3A_1117, %get3A_1144 : vector<16xf32>
      %add3A_1146 = arith.constant 6 : i32
      %add3A_1147 = arith.addi %mul3A_77, %add3A_1146 : i32
      %get3A_1148 = arith.index_cast %add3A_1147 : i32 to index
      %get3A_1149 = arith.constant 80 : index
      %get3A_1150 = tpu.vector_load %arg5[%get3A_1148, %get3A_1149] {strides = array<i32>} : memref<256x128xf32, #tpu.memory_space<vmem>>, vector<1x16xf32>,
      %get3A_1151 = vector.shape_cast %get3A_1150 : vector<1x16xf32> to vector<16xf32>
      %add3A_1152 = arith.addf %add3A_1124, %get3A_1151 : vector<16xf32>
      %add3A_1153 = arith.constant 6 : i32
      %add3A_1154 = arith.addi %mul3A_77, %add3A_1153 : i32
      %get3A_1155 = arith.index_cast %add3A_1154 : i32 to index
      %get3A_1156 = arith.constant 96 : index
      %get3A_1157 = tpu.vector_load %arg5[%get3A_1155, %get3A_1156] {strides = array<i32>} : memref<256x128xf32, #tpu.memory_space<vmem>>, vector<1x16xf32>,
      %get3A_1158 = vector.shape_cast %get3A_1157 : vector<1x16xf32> to vector<16xf32>
      %add3A_1159 = arith.addf %add3A_1131, %get3A_1158 : vector<16xf32>
      %add3A_1160 = arith.constant 6 : i32
      %add3A_1161 = arith.addi %mul3A_77, %add3A_1160 : i32
      %get3A_1162 = arith.index_cast %add3A_1161 : i32 to index
      %get3A_1163 = arith.constant 112 : index
      %get3A_1164 = tpu.vector_load %arg5[%get3A_1162, %get3A_1163] {strides = array<i32>} : memref<256x128xf32, #tpu.memory_space<vmem>>, vector<1x16xf32>,
      %get3A_1165 = vector.shape_cast %get3A_1164 : vector<1x16xf32> to vector<16xf32>
      %add3A_1166 = arith.addf %add3A_1138, %get3A_1165 : vector<16xf32>
      %add3A_1167 = arith.constant 7 : i32
      %add3A_1168 = arith.addi %mul3A_77, %add3A_1167 : i32
      %get3A_1169 = arith.index_cast %add3A_1168 : i32 to index
      %get3A_1170 = arith.constant 64 : index
      %get3A_1171 = tpu.vector_load %arg5[%get3A_1169, %get3A_1170] {strides = array<i32>} : memref<256x128xf32, #tpu.memory_space<vmem>>, vector<1x16xf32>,
      %get3A_1172 = vector.shape_cast %get3A_1171 : vector<1x16xf32> to vector<16xf32>
      %add3A_1173 = arith.addf %add3A_1145, %get3A_1172 : vector<16xf32>
      %add3A_1174 = arith.constant 7 : i32
      %add3A_1175 = arith.addi %mul3A_77, %add3A_1174 : i32
      %get3A_1176 = arith.index_cast %add3A_1175 : i32 to index
      %get3A_1177 = arith.constant 80 : index
      %get3A_1178 = tpu.vector_load %arg5[%get3A_1176, %get3A_1177] {strides = array<i32>} : memref<256x128xf32, #tpu.memory_space<vmem>>, vector<1x16xf32>,
      %get3A_1179 = vector.shape_cast %get3A_1178 : vector<1x16xf32> to vector<16xf32>
      %add3A_1180 = arith.addf %add3A_1152, %get3A_1179 : vector<16xf32>
      %add3A_1181 = arith.constant 7 : i32
      %add3A_1182 = arith.addi %mul3A_77, %add3A_1181 : i32
      %get3A_1183 = arith.index_cast %add3A_1182 : i32 to index
      %get3A_1184 = arith.constant 96 : index
      %get3A_1185 = tpu.vector_load %arg5[%get3A_1183, %get3A_1184] {strides = array<i32>} : memref<256x128xf32, #tpu.memory_space<vmem>>, vector<1x16xf32>,
      %get3A_1186 = vector.shape_cast %get3A_1185 : vector<1x16xf32> to vector<16xf32>
      %add3A_1187 = arith.addf %add3A_1159, %get3A_1186 : vector<16xf32>
      %add3A_1188 = arith.constant 7 : i32
      %add3A_1189 = arith.addi %mul3A_77, %add3A_1188 : i32
      %get3A_1190 = arith.index_cast %add3A_1189 : i32 to index
      %get3A_1191 = arith.constant 112 : index
      %get3A_1192 = tpu.vector_load %arg5[%get3A_1190, %get3A_1191] {strides = array<i32>} : memref<256x128xf32, #tpu.memory_space<vmem>>, vector<1x16xf32>,
      %get3A_1193 = vector.shape_cast %get3A_1192 : vector<1x16xf32> to vector<16xf32>
      %add3A_1194 = arith.addf %add3A_1166, %get3A_1193 : vector<16xf32>
      %add3A_1195 = arith.constant 8 : i32
      %add3A_1196 = arith.addi %mul3A_77, %add3A_1195 : i32
      %get3A_1197 = arith.index_cast %add3A_1196 : i32 to index
      %get3A_1198 = arith.constant 64 : index
      %get3A_1199 = tpu.vector_load %arg5[%get3A_1197, %get3A_1198] {strides = array<i32>} : memref<256x128xf32, #tpu.memory_space<vmem>>, vector<1x16xf32>,
      %get3A_1200 = vector.shape_cast %get3A_1199 : vector<1x16xf32> to vector<16xf32>
      %add3A_1201 = arith.addf %add3A_1173, %get3A_1200 : vector<16xf32>
      %add3A_1202 = arith.constant 8 : i32
      %add3A_1203 = arith.addi %mul3A_77, %add3A_1202 : i32
      %get3A_1204 = arith.index_cast %add3A_1203 : i32 to index
      %get3A_1205 = arith.constant 80 : index
      %get3A_1206 = tpu.vector_load %arg5[%get3A_1204, %get3A_1205] {strides = array<i32>} : memref<256x128xf32, #tpu.memory_space<vmem>>, vector<1x16xf32>,
      %get3A_1207 = vector.shape_cast %get3A_1206 : vector<1x16xf32> to vector<16xf32>
      %add3A_1208 = arith.addf %add3A_1180, %get3A_1207 : vector<16xf32>
      %add3A_1209 = arith.constant 8 : i32
      %add3A_1210 = arith.addi %mul3A_77, %add3A_1209 : i32
      %get3A_1211 = arith.index_cast %add3A_1210 : i32 to index
      %get3A_1212 = arith.constant 96 : index
      %get3A_1213 = tpu.vector_load %arg5[%get3A_1211, %get3A_1212] {strides = array<i32>} : memref<256x128xf32, #tpu.memory_space<vmem>>, vector<1x16xf32>,
      %get3A_1214 = vector.shape_cast %get3A_1213 : vector<1x16xf32> to vector<16xf32>
      %add3A_1215 = arith.addf %add3A_1187, %get3A_1214 : vector<16xf32>
      %add3A_1216 = arith.constant 8 : i32
      %add3A_1217 = arith.addi %mul3A_77, %add3A_1216 : i32
      %get3A_1218 = arith.index_cast %add3A_1217 : i32 to index
      %get3A_1219 = arith.constant 112 : index
      %get3A_1220 = tpu.vector_load %arg5[%get3A_1218, %get3A_1219] {strides = array<i32>} : memref<256x128xf32, #tpu.memory_space<vmem>>, vector<1x16xf32>,
      %get3A_1221 = vector.shape_cast %get3A_1220 : vector<1x16xf32> to vector<16xf32>
      %add3A_1222 = arith.addf %add3A_1194, %get3A_1221 : vector<16xf32>
      %add3A_1223 = arith.constant 9 : i32
      %add3A_1224 = arith.addi %mul3A_77, %add3A_1223 : i32
      %get3A_1225 = arith.index_cast %add3A_1224 : i32 to index
      %get3A_1226 = arith.constant 64 : index
      %get3A_1227 = tpu.vector_load %arg5[%get3A_1225, %get3A_1226] {strides = array<i32>} : memref<256x128xf32, #tpu.memory_space<vmem>>, vector<1x16xf32>,
      %get3A_1228 = vector.shape_cast %get3A_1227 : vector<1x16xf32> to vector<16xf32>
      %add3A_1229 = arith.addf %add3A_1201, %get3A_1228 : vector<16xf32>
      %add3A_1230 = arith.constant 9 : i32
      %add3A_1231 = arith.addi %mul3A_77, %add3A_1230 : i32
      %get3A_1232 = arith.index_cast %add3A_1231 : i32 to index
      %get3A_1233 = arith.constant 80 : index
      %get3A_1234 = tpu.vector_load %arg5[%get3A_1232, %get3A_1233] {strides = array<i32>} : memref<256x128xf32, #tpu.memory_space<vmem>>, vector<1x16xf32>,
      %get3A_1235 = vector.shape_cast %get3A_1234 : vector<1x16xf32> to vector<16xf32>
      %add3A_1236 = arith.addf %add3A_1208, %get3A_1235 : vector<16xf32>
      %add3A_1237 = arith.constant 9 : i32
      %add3A_1238 = arith.addi %mul3A_77, %add3A_1237 : i32
      %get3A_1239 = arith.index_cast %add3A_1238 : i32 to index
      %get3A_1240 = arith.constant 96 : index
      %get3A_1241 = tpu.vector_load %arg5[%get3A_1239, %get3A_1240] {strides = array<i32>} : memref<256x128xf32, #tpu.memory_space<vmem>>, vector<1x16xf32>,
      %get3A_1242 = vector.shape_cast %get3A_1241 : vector<1x16xf32> to vector<16xf32>
      %add3A_1243 = arith.addf %add3A_1215, %get3A_1242 : vector<16xf32>
      %add3A_1244 = arith.constant 9 : i32
      %add3A_1245 = arith.addi %mul3A_77, %add3A_1244 : i32
      %get3A_1246 = arith.index_cast %add3A_1245 : i32 to index
      %get3A_1247 = arith.constant 112 : index
      %get3A_1248 = tpu.vector_load %arg5[%get3A_1246, %get3A_1247] {strides = array<i32>} : memref<256x128xf32, #tpu.memory_space<vmem>>, vector<1x16xf32>,
      %get3A_1249 = vector.shape_cast %get3A_1248 : vector<1x16xf32> to vector<16xf32>
      %add3A_1250 = arith.addf %add3A_1222, %get3A_1249 : vector<16xf32>
      %add3A_1251 = arith.constant 10 : i32
      %add3A_1252 = arith.addi %mul3A_77, %add3A_1251 : i32
      %get3A_1253 = arith.index_cast %add3A_1252 : i32 to index
      %get3A_1254 = arith.constant 64 : index
      %get3A_1255 = tpu.vector_load %arg5[%get3A_1253, %get3A_1254] {strides = array<i32>} : memref<256x128xf32, #tpu.memory_space<vmem>>, vector<1x16xf32>,
      %get3A_1256 = vector.shape_cast %get3A_1255 : vector<1x16xf32> to vector<16xf32>
      %add3A_1257 = arith.addf %add3A_1229, %get3A_1256 : vector<16xf32>
      %add3A_1258 = arith.constant 10 : i32
      %add3A_1259 = arith.addi %mul3A_77, %add3A_1258 : i32
      %get3A_1260 = arith.index_cast %add3A_1259 : i32 to index
      %get3A_1261 = arith.constant 80 : index
      %get3A_1262 = tpu.vector_load %arg5[%get3A_1260, %get3A_1261] {strides = array<i32>} : memref<256x128xf32, #tpu.memory_space<vmem>>, vector<1x16xf32>,
      %get3A_1263 = vector.shape_cast %get3A_1262 : vector<1x16xf32> to vector<16xf32>
      %add3A_1264 = arith.addf %add3A_1236, %get3A_1263 : vector<16xf32>
      %add3A_1265 = arith.constant 10 : i32
      %add3A_1266 = arith.addi %mul3A_77, %add3A_1265 : i32
      %get3A_1267 = arith.index_cast %add3A_1266 : i32 to index
      %get3A_1268 = arith.constant 96 : index
      %get3A_1269 = tpu.vector_load %arg5[%get3A_1267, %get3A_1268] {strides = array<i32>} : memref<256x128xf32, #tpu.memory_space<vmem>>, vector<1x16xf32>,
      %get3A_1270 = vector.shape_cast %get3A_1269 : vector<1x16xf32> to vector<16xf32>
      %add3A_1271 = arith.addf %add3A_1243, %get3A_1270 : vector<16xf32>
      %add3A_1272 = arith.constant 10 : i32
      %add3A_1273 = arith.addi %mul3A_77, %add3A_1272 : i32
      %get3A_1274 = arith.index_cast %add3A_1273 : i32 to index
      %get3A_1275 = arith.constant 112 : index
      %get3A_1276 = tpu.vector_load %arg5[%get3A_1274, %get3A_1275] {strides = array<i32>} : memref<256x128xf32, #tpu.memory_space<vmem>>, vector<1x16xf32>,
      %get3A_1277 = vector.shape_cast %get3A_1276 : vector<1x16xf32> to vector<16xf32>
      %add3A_1278 = arith.addf %add3A_1250, %get3A_1277 : vector<16xf32>
      %add3A_1279 = arith.constant 11 : i32
      %add3A_1280 = arith.addi %mul3A_77, %add3A_1279 : i32
      %get3A_1281 = arith.index_cast %add3A_1280 : i32 to index
      %get3A_1282 = arith.constant 64 : index
      %get3A_1283 = tpu.vector_load %arg5[%get3A_1281, %get3A_1282] {strides = array<i32>} : memref<256x128xf32, #tpu.memory_space<vmem>>, vector<1x16xf32>,
      %get3A_1284 = vector.shape_cast %get3A_1283 : vector<1x16xf32> to vector<16xf32>
      %add3A_1285 = arith.addf %add3A_1257, %get3A_1284 : vector<16xf32>
      %add3A_1286 = arith.constant 11 : i32
      %add3A_1287 = arith.addi %mul3A_77, %add3A_1286 : i32
      %get3A_1288 = arith.index_cast %add3A_1287 : i32 to index
      %get3A_1289 = arith.constant 80 : index
      %get3A_1290 = tpu.vector_load %arg5[%get3A_1288, %get3A_1289] {strides = array<i32>} : memref<256x128xf32, #tpu.memory_space<vmem>>, vector<1x16xf32>,
      %get3A_1291 = vector.shape_cast %get3A_1290 : vector<1x16xf32> to vector<16xf32>
      %add3A_1292 = arith.addf %add3A_1264, %get3A_1291 : vector<16xf32>
      %add3A_1293 = arith.constant 11 : i32
      %add3A_1294 = arith.addi %mul3A_77, %add3A_1293 : i32
      %get3A_1295 = arith.index_cast %add3A_1294 : i32 to index
      %get3A_1296 = arith.constant 96 : index
      %get3A_1297 = tpu.vector_load %arg5[%get3A_1295, %get3A_1296] {strides = array<i32>} : memref<256x128xf32, #tpu.memory_space<vmem>>, vector<1x16xf32>,
      %get3A_1298 = vector.shape_cast %get3A_1297 : vector<1x16xf32> to vector<16xf32>
      %add3A_1299 = arith.addf %add3A_1271, %get3A_1298 : vector<16xf32>
      %add3A_1300 = arith.constant 11 : i32
      %add3A_1301 = arith.addi %mul3A_77, %add3A_1300 : i32
      %get3A_1302 = arith.index_cast %add3A_1301 : i32 to index
      %get3A_1303 = arith.constant 112 : index
      %get3A_1304 = tpu.vector_load %arg5[%get3A_1302, %get3A_1303] {strides = array<i32>} : memref<256x128xf32, #tpu.memory_space<vmem>>, vector<1x16xf32>,
      %get3A_1305 = vector.shape_cast %get3A_1304 : vector<1x16xf32> to vector<16xf32>
      %add3A_1306 = arith.addf %add3A_1278, %get3A_1305 : vector<16xf32>
      %add3A_1307 = arith.constant 12 : i32
      %add3A_1308 = arith.addi %mul3A_77, %add3A_1307 : i32
      %get3A_1309 = arith.index_cast %add3A_1308 : i32 to index
      %get3A_1310 = arith.constant 64 : index
      %get3A_1311 = tpu.vector_load %arg5[%get3A_1309, %get3A_1310] {strides = array<i32>} : memref<256x128xf32, #tpu.memory_space<vmem>>, vector<1x16xf32>,
      %get3A_1312 = vector.shape_cast %get3A_1311 : vector<1x16xf32> to vector<16xf32>
      %add3A_1313 = arith.addf %add3A_1285, %get3A_1312 : vector<16xf32>
      %add3A_1314 = arith.constant 12 : i32
      %add3A_1315 = arith.addi %mul3A_77, %add3A_1314 : i32
      %get3A_1316 = arith.index_cast %add3A_1315 : i32 to index
      %get3A_1317 = arith.constant 80 : index
      %get3A_1318 = tpu.vector_load %arg5[%get3A_1316, %get3A_1317] {strides = array<i32>} : memref<256x128xf32, #tpu.memory_space<vmem>>, vector<1x16xf32>,
      %get3A_1319 = vector.shape_cast %get3A_1318 : vector<1x16xf32> to vector<16xf32>
      %add3A_1320 = arith.addf %add3A_1292, %get3A_1319 : vector<16xf32>
      %add3A_1321 = arith.constant 12 : i32
      %add3A_1322 = arith.addi %mul3A_77, %add3A_1321 : i32
      %get3A_1323 = arith.index_cast %add3A_1322 : i32 to index
      %get3A_1324 = arith.constant 96 : index
      %get3A_1325 = tpu.vector_load %arg5[%get3A_1323, %get3A_1324] {strides = array<i32>} : memref<256x128xf32, #tpu.memory_space<vmem>>, vector<1x16xf32>,
      %get3A_1326 = vector.shape_cast %get3A_1325 : vector<1x16xf32> to vector<16xf32>
      %add3A_1327 = arith.addf %add3A_1299, %get3A_1326 : vector<16xf32>
      %add3A_1328 = arith.constant 12 : i32
      %add3A_1329 = arith.addi %mul3A_77, %add3A_1328 : i32
      %get3A_1330 = arith.index_cast %add3A_1329 : i32 to index
      %get3A_1331 = arith.constant 112 : index
      %get3A_1332 = tpu.vector_load %arg5[%get3A_1330, %get3A_1331] {strides = array<i32>} : memref<256x128xf32, #tpu.memory_space<vmem>>, vector<1x16xf32>,
      %get3A_1333 = vector.shape_cast %get3A_1332 : vector<1x16xf32> to vector<16xf32>
      %add3A_1334 = arith.addf %add3A_1306, %get3A_1333 : vector<16xf32>
      %add3A_1335 = arith.constant 13 : i32
      %add3A_1336 = arith.addi %mul3A_77, %add3A_1335 : i32
      %get3A_1337 = arith.index_cast %add3A_1336 : i32 to index
      %get3A_1338 = arith.constant 64 : index
      %get3A_1339 = tpu.vector_load %arg5[%get3A_1337, %get3A_1338] {strides = array<i32>} : memref<256x128xf32, #tpu.memory_space<vmem>>, vector<1x16xf32>,
      %get3A_1340 = vector.shape_cast %get3A_1339 : vector<1x16xf32> to vector<16xf32>
      %add3A_1341 = arith.addf %add3A_1313, %get3A_1340 : vector<16xf32>
      %add3A_1342 = arith.constant 13 : i32
      %add3A_1343 = arith.addi %mul3A_77, %add3A_1342 : i32
      %get3A_1344 = arith.index_cast %add3A_1343 : i32 to index
      %get3A_1345 = arith.constant 80 : index
      %get3A_1346 = tpu.vector_load %arg5[%get3A_1344, %get3A_1345] {strides = array<i32>} : memref<256x128xf32, #tpu.memory_space<vmem>>, vector<1x16xf32>,
      %get3A_1347 = vector.shape_cast %get3A_1346 : vector<1x16xf32> to vector<16xf32>
      %add3A_1348 = arith.addf %add3A_1320, %get3A_1347 : vector<16xf32>
      %add3A_1349 = arith.constant 13 : i32
      %add3A_1350 = arith.addi %mul3A_77, %add3A_1349 : i32
      %get3A_1351 = arith.index_cast %add3A_1350 : i32 to index
      %get3A_1352 = arith.constant 96 : index
      %get3A_1353 = tpu.vector_load %arg5[%get3A_1351, %get3A_1352] {strides = array<i32>} : memref<256x128xf32, #tpu.memory_space<vmem>>, vector<1x16xf32>,
      %get3A_1354 = vector.shape_cast %get3A_1353 : vector<1x16xf32> to vector<16xf32>
      %add3A_1355 = arith.addf %add3A_1327, %get3A_1354 : vector<16xf32>
      %add3A_1356 = arith.constant 13 : i32
      %add3A_1357 = arith.addi %mul3A_77, %add3A_1356 : i32
      %get3A_1358 = arith.index_cast %add3A_1357 : i32 to index
      %get3A_1359 = arith.constant 112 : index
      %get3A_1360 = tpu.vector_load %arg5[%get3A_1358, %get3A_1359] {strides = array<i32>} : memref<256x128xf32, #tpu.memory_space<vmem>>, vector<1x16xf32>,
      %get3A_1361 = vector.shape_cast %get3A_1360 : vector<1x16xf32> to vector<16xf32>
      %add3A_1362 = arith.addf %add3A_1334, %get3A_1361 : vector<16xf32>
      %add3A_1363 = arith.constant 14 : i32
      %add3A_1364 = arith.addi %mul3A_77, %add3A_1363 : i32
      %get3A_1365 = arith.index_cast %add3A_1364 : i32 to index
      %get3A_1366 = arith.constant 64 : index
      %get3A_1367 = tpu.vector_load %arg5[%get3A_1365, %get3A_1366] {strides = array<i32>} : memref<256x128xf32, #tpu.memory_space<vmem>>, vector<1x16xf32>,
      %get3A_1368 = vector.shape_cast %get3A_1367 : vector<1x16xf32> to vector<16xf32>
      %add3A_1369 = arith.addf %add3A_1341, %get3A_1368 : vector<16xf32>
      %add3A_1370 = arith.constant 14 : i32
      %add3A_1371 = arith.addi %mul3A_77, %add3A_1370 : i32
      %get3A_1372 = arith.index_cast %add3A_1371 : i32 to index
      %get3A_1373 = arith.constant 80 : index
      %get3A_1374 = tpu.vector_load %arg5[%get3A_1372, %get3A_1373] {strides = array<i32>} : memref<256x128xf32, #tpu.memory_space<vmem>>, vector<1x16xf32>,
      %get3A_1375 = vector.shape_cast %get3A_1374 : vector<1x16xf32> to vector<16xf32>
      %add3A_1376 = arith.addf %add3A_1348, %get3A_1375 : vector<16xf32>
      %add3A_1377 = arith.constant 14 : i32
      %add3A_1378 = arith.addi %mul3A_77, %add3A_1377 : i32
      %get3A_1379 = arith.index_cast %add3A_1378 : i32 to index
      %get3A_1380 = arith.constant 96 : index
      %get3A_1381 = tpu.vector_load %arg5[%get3A_1379, %get3A_1380] {strides = array<i32>} : memref<256x128xf32, #tpu.memory_space<vmem>>, vector<1x16xf32>,
      %get3A_1382 = vector.shape_cast %get3A_1381 : vector<1x16xf32> to vector<16xf32>
      %add3A_1383 = arith.addf %add3A_1355, %get3A_1382 : vector<16xf32>
      %add3A_1384 = arith.constant 14 : i32
      %add3A_1385 = arith.addi %mul3A_77, %add3A_1384 : i32
      %get3A_1386 = arith.index_cast %add3A_1385 : i32 to index
      %get3A_1387 = arith.constant 112 : index
      %get3A_1388 = tpu.vector_load %arg5[%get3A_1386, %get3A_1387] {strides = array<i32>} : memref<256x128xf32, #tpu.memory_space<vmem>>, vector<1x16xf32>,
      %get3A_1389 = vector.shape_cast %get3A_1388 : vector<1x16xf32> to vector<16xf32>
      %add3A_1390 = arith.addf %add3A_1362, %get3A_1389 : vector<16xf32>
      %add3A_1391 = arith.constant 15 : i32
      %add3A_1392 = arith.addi %mul3A_77, %add3A_1391 : i32
      %get3A_1393 = arith.index_cast %add3A_1392 : i32 to index
      %get3A_1394 = arith.constant 64 : index
      %get3A_1395 = tpu.vector_load %arg5[%get3A_1393, %get3A_1394] {strides = array<i32>} : memref<256x128xf32, #tpu.memory_space<vmem>>, vector<1x16xf32>,
      %get3A_1396 = vector.shape_cast %get3A_1395 : vector<1x16xf32> to vector<16xf32>
      %add3A_1397 = arith.addf %add3A_1369, %get3A_1396 : vector<16xf32>
      %add3A_1398 = arith.constant 15 : i32
      %add3A_1399 = arith.addi %mul3A_77, %add3A_1398 : i32
      %get3A_1400 = arith.index_cast %add3A_1399 : i32 to index
      %get3A_1401 = arith.constant 80 : index
      %get3A_1402 = tpu.vector_load %arg5[%get3A_1400, %get3A_1401] {strides = array<i32>} : memref<256x128xf32, #tpu.memory_space<vmem>>, vector<1x16xf32>,
      %get3A_1403 = vector.shape_cast %get3A_1402 : vector<1x16xf32> to vector<16xf32>
      %add3A_1404 = arith.addf %add3A_1376, %get3A_1403 : vector<16xf32>
      %add3A_1405 = arith.constant 15 : i32
      %add3A_1406 = arith.addi %mul3A_77, %add3A_1405 : i32
      %get3A_1407 = arith.index_cast %add3A_1406 : i32 to index
      %get3A_1408 = arith.constant 96 : index
      %get3A_1409 = tpu.vector_load %arg5[%get3A_1407, %get3A_1408] {strides = array<i32>} : memref<256x128xf32, #tpu.memory_space<vmem>>, vector<1x16xf32>,
      %get3A_1410 = vector.shape_cast %get3A_1409 : vector<1x16xf32> to vector<16xf32>
      %add3A_1411 = arith.addf %add3A_1383, %get3A_1410 : vector<16xf32>
      %add3A_1412 = arith.constant 15 : i32
      %add3A_1413 = arith.addi %mul3A_77, %add3A_1412 : i32
      %get3A_1414 = arith.index_cast %add3A_1413 : i32 to index
      %get3A_1415 = arith.constant 112 : index
      %get3A_1416 = tpu.vector_load %arg5[%get3A_1414, %get3A_1415] {strides = array<i32>} : memref<256x128xf32, #tpu.memory_space<vmem>>, vector<1x16xf32>,
      %get3A_1417 = vector.shape_cast %get3A_1416 : vector<1x16xf32> to vector<16xf32>
      %add3A_1418 = arith.addf %add3A_1390, %get3A_1417 : vector<16xf32>
      %add3A_1419 = arith.constant 16 : i32
      %add3A_1420 = arith.addi %mul3A_77, %add3A_1419 : i32
      %get3A_1421 = arith.index_cast %add3A_1420 : i32 to index
      %get3A_1422 = arith.constant 64 : index
      %get3A_1423 = tpu.vector_load %arg5[%get3A_1421, %get3A_1422] {strides = array<i32>} : memref<256x128xf32, #tpu.memory_space<vmem>>, vector<1x16xf32>,
      %get3A_1424 = vector.shape_cast %get3A_1423 : vector<1x16xf32> to vector<16xf32>
      %add3A_1425 = arith.addf %add3A_1397, %get3A_1424 : vector<16xf32>
      %add3A_1426 = arith.constant 16 : i32
      %add3A_1427 = arith.addi %mul3A_77, %add3A_1426 : i32
      %get3A_1428 = arith.index_cast %add3A_1427 : i32 to index
      %get3A_1429 = arith.constant 80 : index
      %get3A_1430 = tpu.vector_load %arg5[%get3A_1428, %get3A_1429] {strides = array<i32>} : memref<256x128xf32, #tpu.memory_space<vmem>>, vector<1x16xf32>,
      %get3A_1431 = vector.shape_cast %get3A_1430 : vector<1x16xf32> to vector<16xf32>
      %add3A_1432 = arith.addf %add3A_1404, %get3A_1431 : vector<16xf32>
      %add3A_1433 = arith.constant 16 : i32
      %add3A_1434 = arith.addi %mul3A_77, %add3A_1433 : i32
      %get3A_1435 = arith.index_cast %add3A_1434 : i32 to index
      %get3A_1436 = arith.constant 96 : index
      %get3A_1437 = tpu.vector_load %arg5[%get3A_1435, %get3A_1436] {strides = array<i32>} : memref<256x128xf32, #tpu.memory_space<vmem>>, vector<1x16xf32>,
      %get3A_1438 = vector.shape_cast %get3A_1437 : vector<1x16xf32> to vector<16xf32>
      %add3A_1439 = arith.addf %add3A_1411, %get3A_1438 : vector<16xf32>
      %add3A_1440 = arith.constant 16 : i32
      %add3A_1441 = arith.addi %mul3A_77, %add3A_1440 : i32
      %get3A_1442 = arith.index_cast %add3A_1441 : i32 to index
      %get3A_1443 = arith.constant 112 : index
      %get3A_1444 = tpu.vector_load %arg5[%get3A_1442, %get3A_1443] {strides = array<i32>} : memref<256x128xf32, #tpu.memory_space<vmem>>, vector<1x16xf32>,
      %get3A_1445 = vector.shape_cast %get3A_1444 : vector<1x16xf32> to vector<16xf32>
      %add3A_1446 = arith.addf %add3A_1418, %get3A_1445 : vector<16xf32>
      %add3A_1447 = arith.constant 17 : i32
      %add3A_1448 = arith.addi %mul3A_77, %add3A_1447 : i32
      %get3A_1449 = arith.index_cast %add3A_1448 : i32 to index
      %get3A_1450 = arith.constant 64 : index
      %get3A_1451 = tpu.vector_load %arg5[%get3A_1449, %get3A_1450] {strides = array<i32>} : memref<256x128xf32, #tpu.memory_space<vmem>>, vector<1x16xf32>,
      %get3A_1452 = vector.shape_cast %get3A_1451 : vector<1x16xf32> to vector<16xf32>
      %add3A_1453 = arith.addf %add3A_1425, %get3A_1452 : vector<16xf32>
      %add3A_1454 = arith.constant 17 : i32
      %add3A_1455 = arith.addi %mul3A_77, %add3A_1454 : i32
      %get3A_1456 = arith.index_cast %add3A_1455 : i32 to index
      %get3A_1457 = arith.constant 80 : index
      %get3A_1458 = tpu.vector_load %arg5[%get3A_1456, %get3A_1457] {strides = array<i32>} : memref<256x128xf32, #tpu.memory_space<vmem>>, vector<1x16xf32>,
      %get3A_1459 = vector.shape_cast %get3A_1458 : vector<1x16xf32> to vector<16xf32>
      %add3A_1460 = arith.addf %add3A_1432, %get3A_1459 : vector<16xf32>
      %add3A_1461 = arith.constant 17 : i32
      %add3A_1462 = arith.addi %mul3A_77, %add3A_1461 : i32
      %get3A_1463 = arith.index_cast %add3A_1462 : i32 to index
      %get3A_1464 = arith.constant 96 : index
      %get3A_1465 = tpu.vector_load %arg5[%get3A_1463, %get3A_1464] {strides = array<i32>} : memref<256x128xf32, #tpu.memory_space<vmem>>, vector<1x16xf32>,
      %get3A_1466 = vector.shape_cast %get3A_1465 : vector<1x16xf32> to vector<16xf32>
      %add3A_1467 = arith.addf %add3A_1439, %get3A_1466 : vector<16xf32>
      %add3A_1468 = arith.constant 17 : i32
      %add3A_1469 = arith.addi %mul3A_77, %add3A_1468 : i32
      %get3A_1470 = arith.index_cast %add3A_1469 : i32 to index
      %get3A_1471 = arith.constant 112 : index
      %get3A_1472 = tpu.vector_load %arg5[%get3A_1470, %get3A_1471] {strides = array<i32>} : memref<256x128xf32, #tpu.memory_space<vmem>>, vector<1x16xf32>,
      %get3A_1473 = vector.shape_cast %get3A_1472 : vector<1x16xf32> to vector<16xf32>
      %add3A_1474 = arith.addf %add3A_1446, %get3A_1473 : vector<16xf32>
      %add3A_1475 = arith.constant 18 : i32
      %add3A_1476 = arith.addi %mul3A_77, %add3A_1475 : i32
      %get3A_1477 = arith.index_cast %add3A_1476 : i32 to index
      %get3A_1478 = arith.constant 64 : index
      %get3A_1479 = tpu.vector_load %arg5[%get3A_1477, %get3A_1478] {strides = array<i32>} : memref<256x128xf32, #tpu.memory_space<vmem>>, vector<1x16xf32>,
      %get3A_1480 = vector.shape_cast %get3A_1479 : vector<1x16xf32> to vector<16xf32>
      %add3A_1481 = arith.addf %add3A_1453, %get3A_1480 : vector<16xf32>
      %add3A_1482 = arith.constant 18 : i32
      %add3A_1483 = arith.addi %mul3A_77, %add3A_1482 : i32
      %get3A_1484 = arith.index_cast %add3A_1483 : i32 to index
      %get3A_1485 = arith.constant 80 : index
      %get3A_1486 = tpu.vector_load %arg5[%get3A_1484, %get3A_1485] {strides = array<i32>} : memref<256x128xf32, #tpu.memory_space<vmem>>, vector<1x16xf32>,
      %get3A_1487 = vector.shape_cast %get3A_1486 : vector<1x16xf32> to vector<16xf32>
      %add3A_1488 = arith.addf %add3A_1460, %get3A_1487 : vector<16xf32>
      %add3A_1489 = arith.constant 18 : i32
      %add3A_1490 = arith.addi %mul3A_77, %add3A_1489 : i32
      %get3A_1491 = arith.index_cast %add3A_1490 : i32 to index
      %get3A_1492 = arith.constant 96 : index
      %get3A_1493 = tpu.vector_load %arg5[%get3A_1491, %get3A_1492] {strides = array<i32>} : memref<256x128xf32, #tpu.memory_space<vmem>>, vector<1x16xf32>,
      %get3A_1494 = vector.shape_cast %get3A_1493 : vector<1x16xf32> to vector<16xf32>
      %add3A_1495 = arith.addf %add3A_1467, %get3A_1494 : vector<16xf32>
      %add3A_1496 = arith.constant 18 : i32
      %add3A_1497 = arith.addi %mul3A_77, %add3A_1496 : i32
      %get3A_1498 = arith.index_cast %add3A_1497 : i32 to index
      %get3A_1499 = arith.constant 112 : index
      %get3A_1500 = tpu.vector_load %arg5[%get3A_1498, %get3A_1499] {strides = array<i32>} : memref<256x128xf32, #tpu.memory_space<vmem>>, vector<1x16xf32>,
      %get3A_1501 = vector.shape_cast %get3A_1500 : vector<1x16xf32> to vector<16xf32>
      %add3A_1502 = arith.addf %add3A_1474, %get3A_1501 : vector<16xf32>
      %add3A_1503 = arith.constant 19 : i32
      %add3A_1504 = arith.addi %mul3A_77, %add3A_1503 : i32
      %get3A_1505 = arith.index_cast %add3A_1504 : i32 to index
      %get3A_1506 = arith.constant 64 : index
      %get3A_1507 = tpu.vector_load %arg5[%get3A_1505, %get3A_1506] {strides = array<i32>} : memref<256x128xf32, #tpu.memory_space<vmem>>, vector<1x16xf32>,
      %get3A_1508 = vector.shape_cast %get3A_1507 : vector<1x16xf32> to vector<16xf32>
      %add3A_1509 = arith.addf %add3A_1481, %get3A_1508 : vector<16xf32>
      %add3A_1510 = arith.constant 19 : i32
      %add3A_1511 = arith.addi %mul3A_77, %add3A_1510 : i32
      %get3A_1512 = arith.index_cast %add3A_1511 : i32 to index
      %get3A_1513 = arith.constant 80 : index
      %get3A_1514 = tpu.vector_load %arg5[%get3A_1512, %get3A_1513] {strides = array<i32>} : memref<256x128xf32, #tpu.memory_space<vmem>>, vector<1x16xf32>,
      %get3A_1515 = vector.shape_cast %get3A_1514 : vector<1x16xf32> to vector<16xf32>
      %add3A_1516 = arith.addf %add3A_1488, %get3A_1515 : vector<16xf32>
      %add3A_1517 = arith.constant 19 : i32
      %add3A_1518 = arith.addi %mul3A_77, %add3A_1517 : i32
      %get3A_1519 = arith.index_cast %add3A_1518 : i32 to index
      %get3A_1520 = arith.constant 96 : index
      %get3A_1521 = tpu.vector_load %arg5[%get3A_1519, %get3A_1520] {strides = array<i32>} : memref<256x128xf32, #tpu.memory_space<vmem>>, vector<1x16xf32>,
      %get3A_1522 = vector.shape_cast %get3A_1521 : vector<1x16xf32> to vector<16xf32>
      %add3A_1523 = arith.addf %add3A_1495, %get3A_1522 : vector<16xf32>
      %add3A_1524 = arith.constant 19 : i32
      %add3A_1525 = arith.addi %mul3A_77, %add3A_1524 : i32
      %get3A_1526 = arith.index_cast %add3A_1525 : i32 to index
      %get3A_1527 = arith.constant 112 : index
      %get3A_1528 = tpu.vector_load %arg5[%get3A_1526, %get3A_1527] {strides = array<i32>} : memref<256x128xf32, #tpu.memory_space<vmem>>, vector<1x16xf32>,
      %get3A_1529 = vector.shape_cast %get3A_1528 : vector<1x16xf32> to vector<16xf32>
      %add3A_1530 = arith.addf %add3A_1502, %get3A_1529 : vector<16xf32>
      %add3A_1531 = arith.constant 20 : i32
      %add3A_1532 = arith.addi %mul3A_77, %add3A_1531 : i32
      %get3A_1533 = arith.index_cast %add3A_1532 : i32 to index
      %get3A_1534 = arith.constant 64 : index
      %get3A_1535 = tpu.vector_load %arg5[%get3A_1533, %get3A_1534] {strides = array<i32>} : memref<256x128xf32, #tpu.memory_space<vmem>>, vector<1x16xf32>,
      %get3A_1536 = vector.shape_cast %get3A_1535 : vector<1x16xf32> to vector<16xf32>
      %add3A_1537 = arith.addf %add3A_1509, %get3A_1536 : vector<16xf32>
      %add3A_1538 = arith.constant 20 : i32
      %add3A_1539 = arith.addi %mul3A_77, %add3A_1538 : i32
      %get3A_1540 = arith.index_cast %add3A_1539 : i32 to index
      %get3A_1541 = arith.constant 80 : index
      %get3A_1542 = tpu.vector_load %arg5[%get3A_1540, %get3A_1541] {strides = array<i32>} : memref<256x128xf32, #tpu.memory_space<vmem>>, vector<1x16xf32>,
      %get3A_1543 = vector.shape_cast %get3A_1542 : vector<1x16xf32> to vector<16xf32>
      %add3A_1544 = arith.addf %add3A_1516, %get3A_1543 : vector<16xf32>
      %add3A_1545 = arith.constant 20 : i32
      %add3A_1546 = arith.addi %mul3A_77, %add3A_1545 : i32
      %get3A_1547 = arith.index_cast %add3A_1546 : i32 to index
      %get3A_1548 = arith.constant 96 : index
      %get3A_1549 = tpu.vector_load %arg5[%get3A_1547, %get3A_1548] {strides = array<i32>} : memref<256x128xf32, #tpu.memory_space<vmem>>, vector<1x16xf32>,
      %get3A_1550 = vector.shape_cast %get3A_1549 : vector<1x16xf32> to vector<16xf32>
      %add3A_1551 = arith.addf %add3A_1523, %get3A_1550 : vector<16xf32>
      %add3A_1552 = arith.constant 20 : i32
      %add3A_1553 = arith.addi %mul3A_77, %add3A_1552 : i32
      %get3A_1554 = arith.index_cast %add3A_1553 : i32 to index
      %get3A_1555 = arith.constant 112 : index
      %get3A_1556 = tpu.vector_load %arg5[%get3A_1554, %get3A_1555] {strides = array<i32>} : memref<256x128xf32, #tpu.memory_space<vmem>>, vector<1x16xf32>,
      %get3A_1557 = vector.shape_cast %get3A_1556 : vector<1x16xf32> to vector<16xf32>
      %add3A_1558 = arith.addf %add3A_1530, %get3A_1557 : vector<16xf32>
      %add3A_1559 = arith.constant 21 : i32
      %add3A_1560 = arith.addi %mul3A_77, %add3A_1559 : i32
      %get3A_1561 = arith.index_cast %add3A_1560 : i32 to index
      %get3A_1562 = arith.constant 64 : index
      %get3A_1563 = tpu.vector_load %arg5[%get3A_1561, %get3A_1562] {strides = array<i32>} : memref<256x128xf32, #tpu.memory_space<vmem>>, vector<1x16xf32>,
      %get3A_1564 = vector.shape_cast %get3A_1563 : vector<1x16xf32> to vector<16xf32>
      %add3A_1565 = arith.addf %add3A_1537, %get3A_1564 : vector<16xf32>
      %add3A_1566 = arith.constant 21 : i32
      %add3A_1567 = arith.addi %mul3A_77, %add3A_1566 : i32
      %get3A_1568 = arith.index_cast %add3A_1567 : i32 to index
      %get3A_1569 = arith.constant 80 : index
      %get3A_1570 = tpu.vector_load %arg5[%get3A_1568, %get3A_1569] {strides = array<i32>} : memref<256x128xf32, #tpu.memory_space<vmem>>, vector<1x16xf32>,
      %get3A_1571 = vector.shape_cast %get3A_1570 : vector<1x16xf32> to vector<16xf32>
      %add3A_1572 = arith.addf %add3A_1544, %get3A_1571 : vector<16xf32>
      %add3A_1573 = arith.constant 21 : i32
      %add3A_1574 = arith.addi %mul3A_77, %add3A_1573 : i32
      %get3A_1575 = arith.index_cast %add3A_1574 : i32 to index
      %get3A_1576 = arith.constant 96 : index
      %get3A_1577 = tpu.vector_load %arg5[%get3A_1575, %get3A_1576] {strides = array<i32>} : memref<256x128xf32, #tpu.memory_space<vmem>>, vector<1x16xf32>,
      %get3A_1578 = vector.shape_cast %get3A_1577 : vector<1x16xf32> to vector<16xf32>
      %add3A_1579 = arith.addf %add3A_1551, %get3A_1578 : vector<16xf32>
      %add3A_1580 = arith.constant 21 : i32
      %add3A_1581 = arith.addi %mul3A_77, %add3A_1580 : i32
      %get3A_1582 = arith.index_cast %add3A_1581 : i32 to index
      %get3A_1583 = arith.constant 112 : index
      %get3A_1584 = tpu.vector_load %arg5[%get3A_1582, %get3A_1583] {strides = array<i32>} : memref<256x128xf32, #tpu.memory_space<vmem>>, vector<1x16xf32>,
      %get3A_1585 = vector.shape_cast %get3A_1584 : vector<1x16xf32> to vector<16xf32>
      %add3A_1586 = arith.addf %add3A_1558, %get3A_1585 : vector<16xf32>
      %add3A_1587 = arith.constant 22 : i32
      %add3A_1588 = arith.addi %mul3A_77, %add3A_1587 : i32
      %get3A_1589 = arith.index_cast %add3A_1588 : i32 to index
      %get3A_1590 = arith.constant 64 : index
      %get3A_1591 = tpu.vector_load %arg5[%get3A_1589, %get3A_1590] {strides = array<i32>} : memref<256x128xf32, #tpu.memory_space<vmem>>, vector<1x16xf32>,
      %get3A_1592 = vector.shape_cast %get3A_1591 : vector<1x16xf32> to vector<16xf32>
      %add3A_1593 = arith.addf %add3A_1565, %get3A_1592 : vector<16xf32>
      %add3A_1594 = arith.constant 22 : i32
      %add3A_1595 = arith.addi %mul3A_77, %add3A_1594 : i32
      %get3A_1596 = arith.index_cast %add3A_1595 : i32 to index
      %get3A_1597 = arith.constant 80 : index
      %get3A_1598 = tpu.vector_load %arg5[%get3A_1596, %get3A_1597] {strides = array<i32>} : memref<256x128xf32, #tpu.memory_space<vmem>>, vector<1x16xf32>,
      %get3A_1599 = vector.shape_cast %get3A_1598 : vector<1x16xf32> to vector<16xf32>
      %add3A_1600 = arith.addf %add3A_1572, %get3A_1599 : vector<16xf32>
      %add3A_1601 = arith.constant 22 : i32
      %add3A_1602 = arith.addi %mul3A_77, %add3A_1601 : i32
      %get3A_1603 = arith.index_cast %add3A_1602 : i32 to index
      %get3A_1604 = arith.constant 96 : index
      %get3A_1605 = tpu.vector_load %arg5[%get3A_1603, %get3A_1604] {strides = array<i32>} : memref<256x128xf32, #tpu.memory_space<vmem>>, vector<1x16xf32>,
      %get3A_1606 = vector.shape_cast %get3A_1605 : vector<1x16xf32> to vector<16xf32>
      %add3A_1607 = arith.addf %add3A_1579, %get3A_1606 : vector<16xf32>
      %add3A_1608 = arith.constant 22 : i32
      %add3A_1609 = arith.addi %mul3A_77, %add3A_1608 : i32
      %get3A_1610 = arith.index_cast %add3A_1609 : i32 to index
      %get3A_1611 = arith.constant 112 : index
      %get3A_1612 = tpu.vector_load %arg5[%get3A_1610, %get3A_1611] {strides = array<i32>} : memref<256x128xf32, #tpu.memory_space<vmem>>, vector<1x16xf32>,
      %get3A_1613 = vector.shape_cast %get3A_1612 : vector<1x16xf32> to vector<16xf32>
      %add3A_1614 = arith.addf %add3A_1586, %get3A_1613 : vector<16xf32>
      %add3A_1615 = arith.constant 23 : i32
      %add3A_1616 = arith.addi %mul3A_77, %add3A_1615 : i32
      %get3A_1617 = arith.index_cast %add3A_1616 : i32 to index
      %get3A_1618 = arith.constant 64 : index
      %get3A_1619 = tpu.vector_load %arg5[%get3A_1617, %get3A_1618] {strides = array<i32>} : memref<256x128xf32, #tpu.memory_space<vmem>>, vector<1x16xf32>,
      %get3A_1620 = vector.shape_cast %get3A_1619 : vector<1x16xf32> to vector<16xf32>
      %add3A_1621 = arith.addf %add3A_1593, %get3A_1620 : vector<16xf32>
      %add3A_1622 = arith.constant 23 : i32
      %add3A_1623 = arith.addi %mul3A_77, %add3A_1622 : i32
      %get3A_1624 = arith.index_cast %add3A_1623 : i32 to index
      %get3A_1625 = arith.constant 80 : index
      %get3A_1626 = tpu.vector_load %arg5[%get3A_1624, %get3A_1625] {strides = array<i32>} : memref<256x128xf32, #tpu.memory_space<vmem>>, vector<1x16xf32>,
      %get3A_1627 = vector.shape_cast %get3A_1626 : vector<1x16xf32> to vector<16xf32>
      %add3A_1628 = arith.addf %add3A_1600, %get3A_1627 : vector<16xf32>
      %add3A_1629 = arith.constant 23 : i32
      %add3A_1630 = arith.addi %mul3A_77, %add3A_1629 : i32
      %get3A_1631 = arith.index_cast %add3A_1630 : i32 to index
      %get3A_1632 = arith.constant 96 : index
      %get3A_1633 = tpu.vector_load %arg5[%get3A_1631, %get3A_1632] {strides = array<i32>} : memref<256x128xf32, #tpu.memory_space<vmem>>, vector<1x16xf32>,
      %get3A_1634 = vector.shape_cast %get3A_1633 : vector<1x16xf32> to vector<16xf32>
      %add3A_1635 = arith.addf %add3A_1607, %get3A_1634 : vector<16xf32>
      %add3A_1636 = arith.constant 23 : i32
      %add3A_1637 = arith.addi %mul3A_77, %add3A_1636 : i32
      %get3A_1638 = arith.index_cast %add3A_1637 : i32 to index
      %get3A_1639 = arith.constant 112 : index
      %get3A_1640 = tpu.vector_load %arg5[%get3A_1638, %get3A_1639] {strides = array<i32>} : memref<256x128xf32, #tpu.memory_space<vmem>>, vector<1x16xf32>,
      %get3A_1641 = vector.shape_cast %get3A_1640 : vector<1x16xf32> to vector<16xf32>
      %add3A_1642 = arith.addf %add3A_1614, %get3A_1641 : vector<16xf32>
      %add3A_1643 = arith.constant 24 : i32
      %add3A_1644 = arith.addi %mul3A_77, %add3A_1643 : i32
      %get3A_1645 = arith.index_cast %add3A_1644 : i32 to index
      %get3A_1646 = arith.constant 64 : index
      %get3A_1647 = tpu.vector_load %arg5[%get3A_1645, %get3A_1646] {strides = array<i32>} : memref<256x128xf32, #tpu.memory_space<vmem>>, vector<1x16xf32>,
      %get3A_1648 = vector.shape_cast %get3A_1647 : vector<1x16xf32> to vector<16xf32>
      %add3A_1649 = arith.addf %add3A_1621, %get3A_1648 : vector<16xf32>
      %add3A_1650 = arith.constant 24 : i32
      %add3A_1651 = arith.addi %mul3A_77, %add3A_1650 : i32
      %get3A_1652 = arith.index_cast %add3A_1651 : i32 to index
      %get3A_1653 = arith.constant 80 : index
      %get3A_1654 = tpu.vector_load %arg5[%get3A_1652, %get3A_1653] {strides = array<i32>} : memref<256x128xf32, #tpu.memory_space<vmem>>, vector<1x16xf32>,
      %get3A_1655 = vector.shape_cast %get3A_1654 : vector<1x16xf32> to vector<16xf32>
      %add3A_1656 = arith.addf %add3A_1628, %get3A_1655 : vector<16xf32>
      %add3A_1657 = arith.constant 24 : i32
      %add3A_1658 = arith.addi %mul3A_77, %add3A_1657 : i32
      %get3A_1659 = arith.index_cast %add3A_1658 : i32 to index
      %get3A_1660 = arith.constant 96 : index
      %get3A_1661 = tpu.vector_load %arg5[%get3A_1659, %get3A_1660] {strides = array<i32>} : memref<256x128xf32, #tpu.memory_space<vmem>>, vector<1x16xf32>,
      %get3A_1662 = vector.shape_cast %get3A_1661 : vector<1x16xf32> to vector<16xf32>
      %add3A_1663 = arith.addf %add3A_1635, %get3A_1662 : vector<16xf32>
      %add3A_1664 = arith.constant 24 : i32
      %add3A_1665 = arith.addi %mul3A_77, %add3A_1664 : i32
      %get3A_1666 = arith.index_cast %add3A_1665 : i32 to index
      %get3A_1667 = arith.constant 112 : index
      %get3A_1668 = tpu.vector_load %arg5[%get3A_1666, %get3A_1667] {strides = array<i32>} : memref<256x128xf32, #tpu.memory_space<vmem>>, vector<1x16xf32>,
      %get3A_1669 = vector.shape_cast %get3A_1668 : vector<1x16xf32> to vector<16xf32>
      %add3A_1670 = arith.addf %add3A_1642, %get3A_1669 : vector<16xf32>
      %add3A_1671 = arith.constant 25 : i32
      %add3A_1672 = arith.addi %mul3A_77, %add3A_1671 : i32
      %get3A_1673 = arith.index_cast %add3A_1672 : i32 to index
      %get3A_1674 = arith.constant 64 : index
      %get3A_1675 = tpu.vector_load %arg5[%get3A_1673, %get3A_1674] {strides = array<i32>} : memref<256x128xf32, #tpu.memory_space<vmem>>, vector<1x16xf32>,
      %get3A_1676 = vector.shape_cast %get3A_1675 : vector<1x16xf32> to vector<16xf32>
      %add3A_1677 = arith.addf %add3A_1649, %get3A_1676 : vector<16xf32>
      %add3A_1678 = arith.constant 25 : i32
      %add3A_1679 = arith.addi %mul3A_77, %add3A_1678 : i32
      %get3A_1680 = arith.index_cast %add3A_1679 : i32 to index
      %get3A_1681 = arith.constant 80 : index
      %get3A_1682 = tpu.vector_load %arg5[%get3A_1680, %get3A_1681] {strides = array<i32>} : memref<256x128xf32, #tpu.memory_space<vmem>>, vector<1x16xf32>,
      %get3A_1683 = vector.shape_cast %get3A_1682 : vector<1x16xf32> to vector<16xf32>
      %add3A_1684 = arith.addf %add3A_1656, %get3A_1683 : vector<16xf32>
      %add3A_1685 = arith.constant 25 : i32
      %add3A_1686 = arith.addi %mul3A_77, %add3A_1685 : i32
      %get3A_1687 = arith.index_cast %add3A_1686 : i32 to index
      %get3A_1688 = arith.constant 96 : index
      %get3A_1689 = tpu.vector_load %arg5[%get3A_1687, %get3A_1688] {strides = array<i32>} : memref<256x128xf32, #tpu.memory_space<vmem>>, vector<1x16xf32>,
      %get3A_1690 = vector.shape_cast %get3A_1689 : vector<1x16xf32> to vector<16xf32>
      %add3A_1691 = arith.addf %add3A_1663, %get3A_1690 : vector<16xf32>
      %add3A_1692 = arith.constant 25 : i32
      %add3A_1693 = arith.addi %mul3A_77, %add3A_1692 : i32
      %get3A_1694 = arith.index_cast %add3A_1693 : i32 to index
      %get3A_1695 = arith.constant 112 : index
      %get3A_1696 = tpu.vector_load %arg5[%get3A_1694, %get3A_1695] {strides = array<i32>} : memref<256x128xf32, #tpu.memory_space<vmem>>, vector<1x16xf32>,
      %get3A_1697 = vector.shape_cast %get3A_1696 : vector<1x16xf32> to vector<16xf32>
      %add3A_1698 = arith.addf %add3A_1670, %get3A_1697 : vector<16xf32>
      %add3A_1699 = arith.constant 26 : i32
      %add3A_1700 = arith.addi %mul3A_77, %add3A_1699 : i32
      %get3A_1701 = arith.index_cast %add3A_1700 : i32 to index
      %get3A_1702 = arith.constant 64 : index
      %get3A_1703 = tpu.vector_load %arg5[%get3A_1701, %get3A_1702] {strides = array<i32>} : memref<256x128xf32, #tpu.memory_space<vmem>>, vector<1x16xf32>,
      %get3A_1704 = vector.shape_cast %get3A_1703 : vector<1x16xf32> to vector<16xf32>
      %add3A_1705 = arith.addf %add3A_1677, %get3A_1704 : vector<16xf32>
      %add3A_1706 = arith.constant 26 : i32
      %add3A_1707 = arith.addi %mul3A_77, %add3A_1706 : i32
      %get3A_1708 = arith.index_cast %add3A_1707 : i32 to index
      %get3A_1709 = arith.constant 80 : index
      %get3A_1710 = tpu.vector_load %arg5[%get3A_1708, %get3A_1709] {strides = array<i32>} : memref<256x128xf32, #tpu.memory_space<vmem>>, vector<1x16xf32>,
      %get3A_1711 = vector.shape_cast %get3A_1710 : vector<1x16xf32> to vector<16xf32>
      %add3A_1712 = arith.addf %add3A_1684, %get3A_1711 : vector<16xf32>
      %add3A_1713 = arith.constant 26 : i32
      %add3A_1714 = arith.addi %mul3A_77, %add3A_1713 : i32
      %get3A_1715 = arith.index_cast %add3A_1714 : i32 to index
      %get3A_1716 = arith.constant 96 : index
      %get3A_1717 = tpu.vector_load %arg5[%get3A_1715, %get3A_1716] {strides = array<i32>} : memref<256x128xf32, #tpu.memory_space<vmem>>, vector<1x16xf32>,
      %get3A_1718 = vector.shape_cast %get3A_1717 : vector<1x16xf32> to vector<16xf32>
      %add3A_1719 = arith.addf %add3A_1691, %get3A_1718 : vector<16xf32>
      %add3A_1720 = arith.constant 26 : i32
      %add3A_1721 = arith.addi %mul3A_77, %add3A_1720 : i32
      %get3A_1722 = arith.index_cast %add3A_1721 : i32 to index
      %get3A_1723 = arith.constant 112 : index
      %get3A_1724 = tpu.vector_load %arg5[%get3A_1722, %get3A_1723] {strides = array<i32>} : memref<256x128xf32, #tpu.memory_space<vmem>>, vector<1x16xf32>,
      %get3A_1725 = vector.shape_cast %get3A_1724 : vector<1x16xf32> to vector<16xf32>
      %add3A_1726 = arith.addf %add3A_1698, %get3A_1725 : vector<16xf32>
      %add3A_1727 = arith.constant 27 : i32
      %add3A_1728 = arith.addi %mul3A_77, %add3A_1727 : i32
      %get3A_1729 = arith.index_cast %add3A_1728 : i32 to index
      %get3A_1730 = arith.constant 64 : index
      %get3A_1731 = tpu.vector_load %arg5[%get3A_1729, %get3A_1730] {strides = array<i32>} : memref<256x128xf32, #tpu.memory_space<vmem>>, vector<1x16xf32>,
      %get3A_1732 = vector.shape_cast %get3A_1731 : vector<1x16xf32> to vector<16xf32>
      %add3A_1733 = arith.addf %add3A_1705, %get3A_1732 : vector<16xf32>
      %add3A_1734 = arith.constant 27 : i32
      %add3A_1735 = arith.addi %mul3A_77, %add3A_1734 : i32
      %get3A_1736 = arith.index_cast %add3A_1735 : i32 to index
      %get3A_1737 = arith.constant 80 : index
      %get3A_1738 = tpu.vector_load %arg5[%get3A_1736, %get3A_1737] {strides = array<i32>} : memref<256x128xf32, #tpu.memory_space<vmem>>, vector<1x16xf32>,
      %get3A_1739 = vector.shape_cast %get3A_1738 : vector<1x16xf32> to vector<16xf32>
      %add3A_1740 = arith.addf %add3A_1712, %get3A_1739 : vector<16xf32>
      %add3A_1741 = arith.constant 27 : i32
      %add3A_1742 = arith.addi %mul3A_77, %add3A_1741 : i32
      %get3A_1743 = arith.index_cast %add3A_1742 : i32 to index
      %get3A_1744 = arith.constant 96 : index
      %get3A_1745 = tpu.vector_load %arg5[%get3A_1743, %get3A_1744] {strides = array<i32>} : memref<256x128xf32, #tpu.memory_space<vmem>>, vector<1x16xf32>,
      %get3A_1746 = vector.shape_cast %get3A_1745 : vector<1x16xf32> to vector<16xf32>
      %add3A_1747 = arith.addf %add3A_1719, %get3A_1746 : vector<16xf32>
      %add3A_1748 = arith.constant 27 : i32
      %add3A_1749 = arith.addi %mul3A_77, %add3A_1748 : i32
      %get3A_1750 = arith.index_cast %add3A_1749 : i32 to index
      %get3A_1751 = arith.constant 112 : index
      %get3A_1752 = tpu.vector_load %arg5[%get3A_1750, %get3A_1751] {strides = array<i32>} : memref<256x128xf32, #tpu.memory_space<vmem>>, vector<1x16xf32>,
      %get3A_1753 = vector.shape_cast %get3A_1752 : vector<1x16xf32> to vector<16xf32>
      %add3A_1754 = arith.addf %add3A_1726, %get3A_1753 : vector<16xf32>
      %add3A_1755 = arith.constant 28 : i32
      %add3A_1756 = arith.addi %mul3A_77, %add3A_1755 : i32
      %get3A_1757 = arith.index_cast %add3A_1756 : i32 to index
      %get3A_1758 = arith.constant 64 : index
      %get3A_1759 = tpu.vector_load %arg5[%get3A_1757, %get3A_1758] {strides = array<i32>} : memref<256x128xf32, #tpu.memory_space<vmem>>, vector<1x16xf32>,
      %get3A_1760 = vector.shape_cast %get3A_1759 : vector<1x16xf32> to vector<16xf32>
      %add3A_1761 = arith.addf %add3A_1733, %get3A_1760 : vector<16xf32>
      %add3A_1762 = arith.constant 28 : i32
      %add3A_1763 = arith.addi %mul3A_77, %add3A_1762 : i32
      %get3A_1764 = arith.index_cast %add3A_1763 : i32 to index
      %get3A_1765 = arith.constant 80 : index
      %get3A_1766 = tpu.vector_load %arg5[%get3A_1764, %get3A_1765] {strides = array<i32>} : memref<256x128xf32, #tpu.memory_space<vmem>>, vector<1x16xf32>,
      %get3A_1767 = vector.shape_cast %get3A_1766 : vector<1x16xf32> to vector<16xf32>
      %add3A_1768 = arith.addf %add3A_1740, %get3A_1767 : vector<16xf32>
      %add3A_1769 = arith.constant 28 : i32
      %add3A_1770 = arith.addi %mul3A_77, %add3A_1769 : i32
      %get3A_1771 = arith.index_cast %add3A_1770 : i32 to index
      %get3A_1772 = arith.constant 96 : index
      %get3A_1773 = tpu.vector_load %arg5[%get3A_1771, %get3A_1772] {strides = array<i32>} : memref<256x128xf32, #tpu.memory_space<vmem>>, vector<1x16xf32>,
      %get3A_1774 = vector.shape_cast %get3A_1773 : vector<1x16xf32> to vector<16xf32>
      %add3A_1775 = arith.addf %add3A_1747, %get3A_1774 : vector<16xf32>
      %add3A_1776 = arith.constant 28 : i32
      %add3A_1777 = arith.addi %mul3A_77, %add3A_1776 : i32
      %get3A_1778 = arith.index_cast %add3A_1777 : i32 to index
      %get3A_1779 = arith.constant 112 : index
      %get3A_1780 = tpu.vector_load %arg5[%get3A_1778, %get3A_1779] {strides = array<i32>} : memref<256x128xf32, #tpu.memory_space<vmem>>, vector<1x16xf32>,
      %get3A_1781 = vector.shape_cast %get3A_1780 : vector<1x16xf32> to vector<16xf32>
      %add3A_1782 = arith.addf %add3A_1754, %get3A_1781 : vector<16xf32>
      %add3A_1783 = arith.constant 29 : i32
      %add3A_1784 = arith.addi %mul3A_77, %add3A_1783 : i32
      %get3A_1785 = arith.index_cast %add3A_1784 : i32 to index
      %get3A_1786 = arith.constant 64 : index
      %get3A_1787 = tpu.vector_load %arg5[%get3A_1785, %get3A_1786] {strides = array<i32>} : memref<256x128xf32, #tpu.memory_space<vmem>>, vector<1x16xf32>,
      %get3A_1788 = vector.shape_cast %get3A_1787 : vector<1x16xf32> to vector<16xf32>
      %add3A_1789 = arith.addf %add3A_1761, %get3A_1788 : vector<16xf32>
      %add3A_1790 = arith.constant 29 : i32
      %add3A_1791 = arith.addi %mul3A_77, %add3A_1790 : i32
      %get3A_1792 = arith.index_cast %add3A_1791 : i32 to index
      %get3A_1793 = arith.constant 80 : index
      %get3A_1794 = tpu.vector_load %arg5[%get3A_1792, %get3A_1793] {strides = array<i32>} : memref<256x128xf32, #tpu.memory_space<vmem>>, vector<1x16xf32>,
      %get3A_1795 = vector.shape_cast %get3A_1794 : vector<1x16xf32> to vector<16xf32>
      %add3A_1796 = arith.addf %add3A_1768, %get3A_1795 : vector<16xf32>
      %add3A_1797 = arith.constant 29 : i32
      %add3A_1798 = arith.addi %mul3A_77, %add3A_1797 : i32
      %get3A_1799 = arith.index_cast %add3A_1798 : i32 to index
      %get3A_1800 = arith.constant 96 : index
      %get3A_1801 = tpu.vector_load %arg5[%get3A_1799, %get3A_1800] {strides = array<i32>} : memref<256x128xf32, #tpu.memory_space<vmem>>, vector<1x16xf32>,
      %get3A_1802 = vector.shape_cast %get3A_1801 : vector<1x16xf32> to vector<16xf32>
      %add3A_1803 = arith.addf %add3A_1775, %get3A_1802 : vector<16xf32>
      %add3A_1804 = arith.constant 29 : i32
      %add3A_1805 = arith.addi %mul3A_77, %add3A_1804 : i32
      %get3A_1806 = arith.index_cast %add3A_1805 : i32 to index
      %get3A_1807 = arith.constant 112 : index
      %get3A_1808 = tpu.vector_load %arg5[%get3A_1806, %get3A_1807] {strides = array<i32>} : memref<256x128xf32, #tpu.memory_space<vmem>>, vector<1x16xf32>,
      %get3A_1809 = vector.shape_cast %get3A_1808 : vector<1x16xf32> to vector<16xf32>
      %add3A_1810 = arith.addf %add3A_1782, %get3A_1809 : vector<16xf32>
      %add3A_1811 = arith.constant 30 : i32
      %add3A_1812 = arith.addi %mul3A_77, %add3A_1811 : i32
      %get3A_1813 = arith.index_cast %add3A_1812 : i32 to index
      %get3A_1814 = arith.constant 64 : index
      %get3A_1815 = tpu.vector_load %arg5[%get3A_1813, %get3A_1814] {strides = array<i32>} : memref<256x128xf32, #tpu.memory_space<vmem>>, vector<1x16xf32>,
      %get3A_1816 = vector.shape_cast %get3A_1815 : vector<1x16xf32> to vector<16xf32>
      %add3A_1817 = arith.addf %add3A_1789, %get3A_1816 : vector<16xf32>
      %add3A_1818 = arith.constant 30 : i32
      %add3A_1819 = arith.addi %mul3A_77, %add3A_1818 : i32
      %get3A_1820 = arith.index_cast %add3A_1819 : i32 to index
      %get3A_1821 = arith.constant 80 : index
      %get3A_1822 = tpu.vector_load %arg5[%get3A_1820, %get3A_1821] {strides = array<i32>} : memref<256x128xf32, #tpu.memory_space<vmem>>, vector<1x16xf32>,
      %get3A_1823 = vector.shape_cast %get3A_1822 : vector<1x16xf32> to vector<16xf32>
      %add3A_1824 = arith.addf %add3A_1796, %get3A_1823 : vector<16xf32>
      %add3A_1825 = arith.constant 30 : i32
      %add3A_1826 = arith.addi %mul3A_77, %add3A_1825 : i32
      %get3A_1827 = arith.index_cast %add3A_1826 : i32 to index
      %get3A_1828 = arith.constant 96 : index
      %get3A_1829 = tpu.vector_load %arg5[%get3A_1827, %get3A_1828] {strides = array<i32>} : memref<256x128xf32, #tpu.memory_space<vmem>>, vector<1x16xf32>,
      %get3A_1830 = vector.shape_cast %get3A_1829 : vector<1x16xf32> to vector<16xf32>
      %add3A_1831 = arith.addf %add3A_1803, %get3A_1830 : vector<16xf32>
      %add3A_1832 = arith.constant 30 : i32
      %add3A_1833 = arith.addi %mul3A_77, %add3A_1832 : i32
      %get3A_1834 = arith.index_cast %add3A_1833 : i32 to index
      %get3A_1835 = arith.constant 112 : index
      %get3A_1836 = tpu.vector_load %arg5[%get3A_1834, %get3A_1835] {strides = array<i32>} : memref<256x128xf32, #tpu.memory_space<vmem>>, vector<1x16xf32>,
      %get3A_1837 = vector.shape_cast %get3A_1836 : vector<1x16xf32> to vector<16xf32>
      %add3A_1838 = arith.addf %add3A_1810, %get3A_1837 : vector<16xf32>
      %add3A_1839 = arith.constant 31 : i32
      %add3A_1840 = arith.addi %mul3A_77, %add3A_1839 : i32
      %get3A_1841 = arith.index_cast %add3A_1840 : i32 to index
      %get3A_1842 = arith.constant 64 : index
      %get3A_1843 = tpu.vector_load %arg5[%get3A_1841, %get3A_1842] {strides = array<i32>} : memref<256x128xf32, #tpu.memory_space<vmem>>, vector<1x16xf32>,
      %get3A_1844 = vector.shape_cast %get3A_1843 : vector<1x16xf32> to vector<16xf32>
      %add3A_1845 = arith.addf %add3A_1817, %get3A_1844 : vector<16xf32>
      %add3A_1846 = arith.constant 31 : i32
      %add3A_1847 = arith.addi %mul3A_77, %add3A_1846 : i32
      %get3A_1848 = arith.index_cast %add3A_1847 : i32 to index
      %get3A_1849 = arith.constant 80 : index
      %get3A_1850 = tpu.vector_load %arg5[%get3A_1848, %get3A_1849] {strides = array<i32>} : memref<256x128xf32, #tpu.memory_space<vmem>>, vector<1x16xf32>,
      %get3A_1851 = vector.shape_cast %get3A_1850 : vector<1x16xf32> to vector<16xf32>
      %add3A_1852 = arith.addf %add3A_1824, %get3A_1851 : vector<16xf32>
      %add3A_1853 = arith.constant 31 : i32
      %add3A_1854 = arith.addi %mul3A_77, %add3A_1853 : i32
      %get3A_1855 = arith.index_cast %add3A_1854 : i32 to index
      %get3A_1856 = arith.constant 96 : index
      %get3A_1857 = tpu.vector_load %arg5[%get3A_1855, %get3A_1856] {strides = array<i32>} : memref<256x128xf32, #tpu.memory_space<vmem>>, vector<1x16xf32>,
      %get3A_1858 = vector.shape_cast %get3A_1857 : vector<1x16xf32> to vector<16xf32>
      %add3A_1859 = arith.addf %add3A_1831, %get3A_1858 : vector<16xf32>
      %add3A_1860 = arith.constant 31 : i32
      %add3A_1861 = arith.addi %mul3A_77, %add3A_1860 : i32
      %get3A_1862 = arith.index_cast %add3A_1861 : i32 to index
      %get3A_1863 = arith.constant 112 : index
      %get3A_1864 = tpu.vector_load %arg5[%get3A_1862, %get3A_1863] {strides = array<i32>} : memref<256x128xf32, #tpu.memory_space<vmem>>, vector<1x16xf32>,
      %get3A_1865 = vector.shape_cast %get3A_1864 : vector<1x16xf32> to vector<16xf32>
      %add3A_1866 = arith.addf %add3A_1838, %get3A_1865 : vector<16xf32>
      %swap3A_1867 = arith.index_cast %add3A_80 : i32 to index
      %swap3A_1868 = arith.constant 64 : index
      %swap3A_1869 = tpu.vector_load %arg7[%swap3A_1867, %swap3A_1868] {strides = array<i32>} : memref<16x128xf32, #tpu.memory_space<vmem>>, vector<1x16xf32>,
      %swap3A_1870 = vector.shape_cast %swap3A_1869 : vector<1x16xf32> to vector<16xf32>
      %swap3A_1871 = vector.shape_cast %add3A_1845 : vector<16xf32> to vector<1x16xf32>
      tpu.vector_store %arg7[%swap3A_1867, %swap3A_1868], %swap3A_1871 {strides = array<i32>} : memref<16x128xf32, #tpu.memory_space<vmem>>, vector<1x16xf32>,
      %swap3A_1872 = arith.index_cast %add3A_80 : i32 to index
      %swap3A_1873 = arith.constant 80 : index
      %swap3A_1874 = tpu.vector_load %arg7[%swap3A_1872, %swap3A_1873] {strides = array<i32>} : memref<16x128xf32, #tpu.memory_space<vmem>>, vector<1x16xf32>,
      %swap3A_1875 = vector.shape_cast %swap3A_1874 : vector<1x16xf32> to vector<16xf32>
      %swap3A_1876 = vector.shape_cast %add3A_1852 : vector<16xf32> to vector<1x16xf32>
      tpu.vector_store %arg7[%swap3A_1872, %swap3A_1873], %swap3A_1876 {strides = array<i32>} : memref<16x128xf32, #tpu.memory_space<vmem>>, vector<1x16xf32>,
      %swap3A_1877 = arith.index_cast %add3A_80 : i32 to index
      %swap3A_1878 = arith.constant 96 : index
      %swap3A_1879 = tpu.vector_load %arg7[%swap3A_1877, %swap3A_1878] {strides = array<i32>} : memref<16x128xf32, #tpu.memory_space<vmem>>, vector<1x16xf32>,
      %swap3A_1880 = vector.shape_cast %swap3A_1879 : vector<1x16xf32> to vector<16xf32>
      %swap3A_1881 = vector.shape_cast %add3A_1859 : vector<16xf32> to vector<1x16xf32>
      tpu.vector_store %arg7[%swap3A_1877, %swap3A_1878], %swap3A_1881 {strides = array<i32>} : memref<16x128xf32, #tpu.memory_space<vmem>>, vector<1x16xf32>,
      %swap3A_1882 = arith.index_cast %add3A_80 : i32 to index
      %swap3A_1883 = arith.constant 112 : index
      %swap3A_1884 = tpu.vector_load %arg7[%swap3A_1882, %swap3A_1883] {strides = array<i32>} : memref<16x128xf32, #tpu.memory_space<vmem>>, vector<1x16xf32>,
      %swap3A_1885 = vector.shape_cast %swap3A_1884 : vector<1x16xf32> to vector<16xf32>
      %swap3A_1886 = vector.shape_cast %add3A_1866 : vector<16xf32> to vector<1x16xf32>
      tpu.vector_store %arg7[%swap3A_1882, %swap3A_1883], %swap3A_1886 {strides = array<i32>} : memref<16x128xf32, #tpu.memory_space<vmem>>, vector<1x16xf32>,
    }
    %scan3A_64 = arith.constant 8 : i32
    %add3A_65 = arith.constant 1 : i32
    %add3A_66 = arith.addi %add3A_21, %add3A_65 : i32
    %add3A_67 = arith.constant 2 : i32
    %add3A_68 = arith.addi %add3A_66, %add3A_67 : i32
    %lt3A_69 = arith.constant 2 : i32
    %lt3A_70 = arith.cmpi slt, %add3A_68, %lt3A_69 : i32
    %convert_element_type3A_71 = arith.extui %lt3A_70 : i1 to i32
    %cond3A_72 = arith.constant 0 : i32
    %cond3A_73 = arith.cmpi ne, %convert_element_type3A_71, %cond3A_72 : i32
    scf.if %cond3A_73 {
      %add3A_75 = arith.constant 1 : i32
      %add3A_76 = arith.addi %add3A_21, %add3A_75 : i32
      %add3A_77 = arith.constant 2 : i32
      %add3A_78 = arith.addi %add3A_76, %add3A_77 : i32
      %mul3A_79 = arith.constant 8 : i32
      %mul3A_80 = arith.muli %add3A_78, %mul3A_79 : i32
      %add3A_81 = arith.addi %mul3A_2, %mul3A_80 : i32
      %mul3A_82 = arith.constant 32 : i32
      %mul3A_83 = arith.muli %add3A_81, %mul3A_82 : i32
      %dma_start3A_84 = arith.constant 0 : i32
      %dma_start3A_85 = tpu.memref_slice %arg2[%mul3A_83, %dma_start3A_84] : memref<131072x128xf32, #tpu.memory_space<hbm>> -> memref<256x128xf32, #tpu.memory_space<hbm>>
      %dma_start3A_86 = arith.constant 0 : i32
      %dma_start3A_87 = tpu.memref_slice %arg2[%mul3A_83, %dma_start3A_86] : memref<131072x128xf32, #tpu.memory_space<hbm>> -> memref<256x128xf32, #tpu.memory_space<hbm>>
      tpu.enqueue_dma source(%dma_start3A_87 : memref<256x128xf32, #tpu.memory_space<hbm>>) target(%arg5 : memref<256x128xf32, #tpu.memory_space<vmem>>) target_semaphore(%arg9 : memref<!tpu.dma_semaphore, #tpu.memory_space<semaphore_mem>>)
    } else {
    }
    %scan3A_74 = arith.constant 1 : i32
    "tpu.region"() ({
      %run_scoped3A = tpu.sem_alloc : memref<!tpu.dma_semaphore, #tpu.memory_space<semaphore_mem>>
      %dma_start3A_75 = arith.constant 0 : i32
      %dma_start3A_76 = tpu.memref_slice %arg3[%mul3A_2, %dma_start3A_75] : memref<512x128xf32, #tpu.memory_space<hbm>> -> memref<16x128xf32, #tpu.memory_space<hbm>>
      %dma_start3A_77 = arith.constant 0 : i32
      %dma_start3A_78 = tpu.memref_slice %arg3[%mul3A_2, %dma_start3A_77] : memref<512x128xf32, #tpu.memory_space<hbm>> -> memref<16x128xf32, #tpu.memory_space<hbm>>
      tpu.enqueue_dma source(%arg7 : memref<16x128xf32, #tpu.memory_space<vmem>>) target(%dma_start3A_78 : memref<16x128xf32, #tpu.memory_space<hbm>>) target_semaphore(%run_scoped3A : memref<!tpu.dma_semaphore, #tpu.memory_space<semaphore_mem>>)
      %dma_wait3A_79 = arith.constant 0 : i32
      %dma_wait3A_80 = tpu.memref_slice %arg3[%mul3A_2, %dma_wait3A_79] : memref<512x128xf32, #tpu.memory_space<hbm>> -> memref<16x128xf32, #tpu.memory_space<hbm>>
      %dma_wait3A_81 = arith.constant 0 : i32
      %dma_wait3A_82 = tpu.memref_slice %arg3[%mul3A_2, %dma_wait3A_81] : memref<512x128xf32, #tpu.memory_space<hbm>> -> memref<16x128xf32, #tpu.memory_space<hbm>>
      tpu.wait_dma2 semaphore(%run_scoped3A : memref<!tpu.dma_semaphore, #tpu.memory_space<semaphore_mem>>) src(%arg7 : memref<16x128xf32, #tpu.memory_space<vmem>>) dst(%dma_wait3A_82 : memref<16x128xf32, #tpu.memory_space<hbm>>)
      tpu.yield
    }) : () -> ()
    return
  }
}

module attributes {stable_mosaic.version = 14 : i64} {
  func.func @body(%arg0: i32, %arg1: memref<512x32x128xf32, #tpu.memory_space<vmem>>, %arg2: memref<128x128xf32, #tpu.memory_space<vmem>>, %arg3: memref<1x128xf32, #tpu.memory_space<vmem>>, %arg4: memref<512x128xf32, #tpu.memory_space<vmem>>) attributes {dimension_semantics = [#tpu.dimension_semantics<arbitrary>], iteration_bounds = array<i64: 7>, scalar_prefetch = 0 : i64, scratch_operands = 0 : i64, tpu.core_type = #tpu.core_type<tc>, window_params = [{transform_indices = @transform_0, window_bounds = array<i64: 512, 32, 128>}, {pipeline_mode = #tpu.pipeline_mode<synchronous>, transform_indices = @transform_1, window_bounds = array<i64: 128, 128>}, {pipeline_mode = #tpu.pipeline_mode<synchronous>, transform_indices = @transform_2, window_bounds = array<i64: 1, 128>}, {transform_indices = @transform_3, window_bounds = array<i64: 512, 128>}]} {
    %get3A = arith.constant 0 : index
    %get3A_0 = arith.constant 0 : index
    %get3A_1 = arith.constant 0 : index
    %get3A_2 = vector.load %arg1[%get3A, %get3A_0, %get3A_1] : memref<512x32x128xf32, #tpu.memory_space<vmem>>, vector<512x32x128xf32>
    %reduce_sum3A = arith.constant dense<0.000000e+00> : vector<512x128xf32>
    %reduce_sum3A_3 = vector.multi_reduction <add>, %get3A_2, %reduce_sum3A [1] : vector<512x32x128xf32> to vector<512x128xf32>
    %get3A_4 = arith.constant 0 : index
    %get3A_5 = arith.constant 0 : index
    %get3A_6 = vector.load %arg2[%get3A_4, %get3A_5] : memref<128x128xf32, #tpu.memory_space<vmem>>, vector<128x128xf32>
    %dot_general3A = arith.constant dense<0.000000e+00> : vector<512x128xf32>
    %dot_general3A_7 = tpu.matmul %reduce_sum3A_3, %get3A_6, %dot_general3A {dimension_numbers = #tpu.dot_dimension_numbers<[1], [1], [0], [0], [0, 0, 1, 0], [], []>, transpose_lhs_hint = false} : vector<512x128xf32>, vector<128x128xf32>, vector<512x128xf32> -> vector<512x128xf32>
    %get3A_8 = arith.constant 0 : index
    %get3A_9 = arith.constant 0 : index
    %get3A_10 = vector.load %arg3[%get3A_8, %get3A_9] : memref<1x128xf32, #tpu.memory_space<vmem>>, vector<1x128xf32>
    %mul3A = arith.constant 3.200000e+01 : f32
    %mul3A_11 = vector.broadcast %mul3A : f32 to vector<1x128xf32>
    %mul3A_12 = arith.mulf %mul3A_11, %get3A_10 : vector<1x128xf32>
    %add3A = vector.broadcast %mul3A_12 : vector<1x128xf32> to vector<512x128xf32>
    %add3A_13 = arith.addf %dot_general3A_7, %add3A : vector<512x128xf32>
    %swap3A = arith.constant 0 : index
    %swap3A_14 = arith.constant 0 : index
    %swap3A_15 = vector.load %arg4[%swap3A, %swap3A_14] : memref<512x128xf32, #tpu.memory_space<vmem>>, vector<512x128xf32>
    tpu.vector_store %arg4[%swap3A, %swap3A_14], %add3A_13 {strides = array<i32>} : memref<512x128xf32, #tpu.memory_space<vmem>>, vector<512x128xf32>,
    return
  }
  func.func @transform_0(%arg0: i32) -> (i32, i32, i32) {
    %add3A = arith.constant 1 : i32
    %add3A_0 = arith.addi %arg0, %add3A : i32
    %c0_i32 = arith.constant 0 : i32
    %c0_i32_1 = arith.constant 0 : i32
    %c0_i32_2 = arith.constant 0 : i32
    return %add3A_0, %c0_i32, %c0_i32_1 : i32, i32, i32
  }
  func.func @transform_1(%arg0: i32) -> (i32, i32) {
    %c0_i32 = arith.constant 0 : i32
    %c0_i32_0 = arith.constant 0 : i32
    %c0_i32_1 = arith.constant 0 : i32
    return %c0_i32, %c0_i32_0 : i32, i32
  }
  func.func @transform_2(%arg0: i32) -> (i32, i32) {
    %c0_i32 = arith.constant 0 : i32
    %c0_i32_0 = arith.constant 0 : i32
    %c0_i32_1 = arith.constant 0 : i32
    return %c0_i32, %c0_i32_0 : i32, i32
  }
  func.func @transform_3(%arg0: i32) -> (i32, i32) {
    %add3A = arith.constant 1 : i32
    %add3A_0 = arith.addi %arg0, %add3A : i32
    %c0_i32 = arith.constant 0 : i32
    %c0_i32_1 = arith.constant 0 : i32
    return %add3A_0, %c0_i32 : i32, i32
  }
}

module attributes {stable_mosaic.version = 14 : i64} {
  func.func @mm(%arg0: i32, %arg1: memref<512x128xf32, #tpu.memory_space<vmem>>, %arg2: memref<128x128xf32, #tpu.memory_space<vmem>>, %arg3: memref<1x128xf32, #tpu.memory_space<vmem>>, %arg4: memref<4096x128xf32, #tpu.memory_space<any>>, %arg5: memref<512x128xf32, #tpu.memory_space<vmem>>) attributes {dimension_semantics = [#tpu.dimension_semantics<arbitrary>], iteration_bounds = array<i64: 1>, scalar_prefetch = 0 : i64, scratch_operands = 0 : i64, tpu.core_type = #tpu.core_type<tc>, window_params = [{pipeline_mode = #tpu.pipeline_mode<synchronous>, transform_indices = @transform_0, window_bounds = array<i64: 512, 128>}, {pipeline_mode = #tpu.pipeline_mode<synchronous>, transform_indices = @transform_1, window_bounds = array<i64: 128, 128>}, {pipeline_mode = #tpu.pipeline_mode<synchronous>, transform_indices = @transform_2, window_bounds = array<i64: 1, 128>}, {}, {transform_indices = @transform_4, window_bounds = array<i64: 512, 128>}]} {
    %get3A = arith.constant 0 : index
    %get3A_0 = arith.constant 0 : index
    %get3A_1 = vector.load %arg1[%get3A, %get3A_0] : memref<512x128xf32, #tpu.memory_space<vmem>>, vector<512x128xf32>
    %get3A_2 = arith.constant 0 : index
    %get3A_3 = arith.constant 0 : index
    %get3A_4 = vector.load %arg2[%get3A_2, %get3A_3] : memref<128x128xf32, #tpu.memory_space<vmem>>, vector<128x128xf32>
    %dot_general3A = arith.constant dense<0.000000e+00> : vector<512x128xf32>
    %dot_general3A_5 = tpu.matmul %get3A_1, %get3A_4, %dot_general3A {dimension_numbers = #tpu.dot_dimension_numbers<[1], [1], [0], [0], [0, 0, 1, 0], [], []>, transpose_lhs_hint = false} : vector<512x128xf32>, vector<128x128xf32>, vector<512x128xf32> -> vector<512x128xf32>
    %get3A_6 = arith.constant 0 : index
    %get3A_7 = arith.constant 0 : index
    %get3A_8 = vector.load %arg3[%get3A_6, %get3A_7] : memref<1x128xf32, #tpu.memory_space<vmem>>, vector<1x128xf32>
    %mul3A = arith.constant 3.200000e+01 : f32
    %mul3A_9 = vector.broadcast %mul3A : f32 to vector<1x128xf32>
    %mul3A_10 = arith.mulf %mul3A_9, %get3A_8 : vector<1x128xf32>
    %add3A = vector.broadcast %mul3A_10 : vector<1x128xf32> to vector<512x128xf32>
    %add3A_11 = arith.addf %dot_general3A_5, %add3A : vector<512x128xf32>
    %swap3A = arith.constant 0 : index
    %swap3A_12 = arith.constant 0 : index
    %swap3A_13 = vector.load %arg5[%swap3A, %swap3A_12] : memref<512x128xf32, #tpu.memory_space<vmem>>, vector<512x128xf32>
    tpu.vector_store %arg5[%swap3A, %swap3A_12], %add3A_11 {strides = array<i32>} : memref<512x128xf32, #tpu.memory_space<vmem>>, vector<512x128xf32>,
    return
  }
  func.func @transform_0(%arg0: i32) -> (i32, i32) {
    %c0_i32 = arith.constant 0 : i32
    %c0_i32_0 = arith.constant 0 : i32
    %c0_i32_1 = arith.constant 0 : i32
    return %c0_i32, %c0_i32_0 : i32, i32
  }
  func.func @transform_1(%arg0: i32) -> (i32, i32) {
    %c0_i32 = arith.constant 0 : i32
    %c0_i32_0 = arith.constant 0 : i32
    %c0_i32_1 = arith.constant 0 : i32
    return %c0_i32, %c0_i32_0 : i32, i32
  }
  func.func @transform_2(%arg0: i32) -> (i32, i32) {
    %c0_i32 = arith.constant 0 : i32
    %c0_i32_0 = arith.constant 0 : i32
    %c0_i32_1 = arith.constant 0 : i32
    return %c0_i32, %c0_i32_0 : i32, i32
  }
  func.func @transform_4(%arg0: i32) -> (i32, i32) {
    %c0_i32 = arith.constant 0 : i32
    %c0_i32_0 = arith.constant 0 : i32
    %c0_i32_1 = arith.constant 0 : i32
    return %c0_i32, %c0_i32_0 : i32, i32
  }
}

</mosaic_0001>

<sc_bundles>
// kernel: kernel.5.cloned.1.call-start
scs
__scs_entry_jumppad:
0x0: {  	(pc) =	sbr.rel $0x88, $3  }
0x1: {  	(tag) =	ssettag $0x0;
	lr =	simm.s32 $0x1  }
0x2: {  	[smem:$0x3F9E] =	sst lr;
	_ =	strace $0xD0000000  }
0x3: {  	_ = 	snop  }
0x4: {  	_ = 	snop  }
0x5: {  	_ = 	snop  }
0x6: {  	_ = 	snop  }
0x7: {  	_ = 	snop  }
__scs_overlays_trampoline_lowered:
0x8: {  	[smem:$0x3FAD] =	sst s0  }
0x9: {  	[smem:$0x3FAE] =	sst s1  }
0xa: {  	[smem:$0x3FAF] =	sst s2  }
0xb: {  	[smem:$0x3FB0] =	sst s3  }
0xc: {  	[smem:$0x3FB1] =	sst s4  }
0xd: {  	[smem:$0x3FB2] =	sst s5  }
0xe: {  	[smem:$0x3FB3] =	sst s6  }
0xf: {  	[smem:$0x3FB4] =	sst s7  }
0x10: {  	[smem:$0x3FB5] =	sst s8  }
0x11: {  	[smem:$0x3FB6] =	sst s9;
	s0 =	simm.s32 @!p0 $0x0  }
0x12: {  	s1 =	sld [smem:$0x3F9C];
	s0 =	simm.s32 @p0 $0x1  }
0x13: {  	[smem:$0x3FB7] =	sst s0;
	s0 =	simm.s32 @!p1 $0x0  }
0x14: {  	s2 =	sld [smem:$0x3F9B];
	s0 =	simm.s32 @p1 $0x1  }
0x15: {  	[smem:$0x3FB8] =	sst s0;
	s0 =	simm.s32 @!p2 $0x0  }
0x16: {  	s3 =	sld [smem:$0x3FDB];
	s0 =	simm.s32 @p2 $0x1  }
0x17: {  	s4 =	simm.s32 $0x1BF5;
	[smem:$0x3FBA] =	sst s0  }
0x18: {  	s0 =	sld [smem:$0x3F9D];
	_ =	swait.ge [sflag:s4], $0x0  }
0x19: {  	s7 =	sld [smem:$0x3F9E]  }
0x1a: {  	s8 =	sadd.s32 $0xFFFFE003, lr  }
0x1b: {  	s9 =	sadd.s32 $0xFFFFFEF7, lr;
	s5 =	simm.s32 $0xFFFFFFFF;
	p2 =	slt.u32 s8, $0xFFFFF086  }
0x1c: {  	p1 =	slt.u32 s9, $0xF7A;
	s5 =	simm.s32 @!p2 $0x0  }
0x1d: {  	s5 =	simm.s32 @p1 $0x1;
	p0 =	seq.s32 s7, s2  }
0x1e: {  	s7 =	smul.u32 @!p0 $0xF7A, s2;
	p2 =	seq.s32 @!p0 s5, $0x0  }
0x1f: {  	s9 =	smul.u32 $0xF7A, s1;
	s8 =	simm.s32 @!p0 $0x1BF5;
	p2 =	por !p2, p0  }
0x20: {  	[sflag:s8] =	ssyncset.s32 @!p0 $0xFFFFF086;
	s6 =	sadd.s32 @!p0 s3, s7;
	s7 =	simm.s32 @!p0 $0x108  }
0x21: {  	s3 =	sadd.s32 s3, s9;
	s6 =	sadd.s32 @!p0 $0x88, s6;
	s7 =	simm.s32 @p2 $0x1082  }
0x22: {  	[simem:s7], [sflag:s8] =	dma.local @!p0 [hbm:s6], $0xF7A  }
0x23: {  	s9 =	sor.u32 $0xD0000000, s2;
	s6 =	simm.s32 $0x108;
	_ =	swait.ge @!p0 [sflag:s8], $0x0  }
0x24: {  	s3 =	sadd.s32 $0x88, s3;
	s6 =	simm.s32 @!p1 $0x1082;
	[sflag:s4] =	ssyncset.s32 $0xFFFFF086  }
0x25: {  	[simem:s6], [sflag:s4] =	dma.local [hbm:s3], $0xF7A  }
0x26: {  	[smem:$0x3F9E] =	sst s1;
	(tag) =	ssettag s2;
	_ =	strace s9  }
0x27: {  	s1 =	sld [smem:$0x3FAE]  }
0x28: {  	s2 =	sld [smem:$0x3FAF]  }
0x29: {  	s4 =	sld [smem:$0x3FB1]  }
0x2a: {  	p0 =	seq.s32 s5, $0x0;
	s5 =	sld [smem:$0x3FB2]  }
0x2b: {  	s6 =	sld [smem:$0x3FB3]  }
0x2c: {  	s7 =	sld [smem:$0x3FB4]  }
0x2d: {  	s3 =	simm.s32 $0x108;
	s8 =	sld [smem:$0x3FB5]  }
0x2e: {  	s3 =	simm.s32 @!p0 $0x1082;
	s9 =	sld [smem:$0x3FB6]  }
0x2f: {  	lr =	sadd.s32 s0, s3;
	s0 =	sld [smem:$0x3FAD]  }
0x30: {  	s3 =	sld [smem:$0x3FB0]  }
0x31: {  	[smem:$0x3FB9] =	sst s10  }
0x32: {  	s10 =	sld [smem:$0x3FB7];
	_ =	sdelay $0x3  }
0x33: {  	p0 =	seq.s32 s10, $0x1;
	s10 =	sld [smem:$0x3FB9];
	_ =	sdelay $0x3  }
0x34: {  	[smem:$0x3FB9] =	sst s10  }
0x35: {  	s10 =	sld [smem:$0x3FB8];
	_ =	sdelay $0x3  }
0x36: {  	p1 =	seq.s32 s10, $0x1;
	s10 =	sld [smem:$0x3FB9];
	_ =	sdelay $0x3  }
0x37: {  	[smem:$0x3FB9] =	sst s10  }
0x38: {  	s10 =	sld [smem:$0x3FBA]  }
0x39: {  	_ = 	snop;
	(pc) =	sbr.ind lr, $3  }
0x3a: {  	_ = 	snop  }
0x3b: {  	_ = 	snop  }
0x3c: {  	p2 =	seq.s32 s10, $0x1;
	s10 =	sld [smem:$0x3FB9]  }
0x3d: {  	_ =	shalt  }
0x3e: {  	_ =	shalt  }
0x3f: {  	_ =	shalt  }
0x40: {  	_ =	shalt  }
0x41: {  	_ =	shalt  }
0x42: {  	_ =	shalt  }
0x43: {  	_ =	shalt  }
0x44: {  	_ =	shalt  }
0x45: {  	_ =	shalt  }
0x46: {  	_ =	shalt  }
0x47: {  	_ =	shalt  }
0x48: {  	_ =	shalt  }
0x49: {  	_ =	shalt  }
0x4a: {  	_ =	shalt  }
0x4b: {  	_ =	shalt  }
0x4c: {  	_ =	shalt  }
0x4d: {  	_ =	shalt  }
0x4e: {  	_ =	shalt  }
0x4f: {  	_ =	shalt  }
0x50: {  	_ =	shalt  }
0x51: {  	_ =	shalt  }
0x52: {  	_ =	shalt  }
0x53: {  	_ =	shalt  }
0x54: {  	_ =	shalt  }
0x55: {  	_ =	shalt  }
0x56: {  	_ =	shalt  }
0x57: {  	_ =	shalt  }
0x58: {  	_ =	shalt  }
0x59: {  	_ =	shalt  }
0x5a: {  	_ =	shalt  }
0x5b: {  	_ =	shalt  }
0x5c: {  	_ =	shalt  }
0x5d: {  	_ =	shalt  }
0x5e: {  	_ =	shalt  }
0x5f: {  	_ =	shalt  }
0x60: {  	_ =	shalt  }
0x61: {  	_ =	shalt  }
0x62: {  	_ =	shalt  }
0x63: {  	_ =	shalt  }
0x64: {  	_ =	shalt  }
0x65: {  	_ =	shalt  }
0x66: {  	_ =	shalt  }
0x67: {  	_ =	shalt  }
0x68: {  	_ =	shalt  }
0x69: {  	_ =	shalt  }
0x6a: {  	_ =	shalt  }
0x6b: {  	_ =	shalt  }
0x6c: {  	_ =	shalt  }
0x6d: {  	_ =	shalt  }
0x6e: {  	_ =	shalt  }
0x6f: {  	_ =	shalt  }
0x70: {  	_ =	shalt  }
0x71: {  	_ =	shalt  }
0x72: {  	_ =	shalt  }
0x73: {  	_ =	shalt  }
0x74: {  	_ =	shalt  }
0x75: {  	_ =	shalt  }
0x76: {  	_ =	shalt  }
0x77: {  	_ =	shalt  }
0x78: {  	_ =	shalt  }
0x79: {  	_ =	shalt  }
0x7a: {  	_ =	shalt  }
0x7b: {  	_ =	shalt  }
0x7c: {  	_ =	shalt  }
0x7d: {  	_ =	shalt  }
0x7e: {  	_ =	shalt  }
0x7f: {  	_ =	shalt  }
0x80: {  	_ =	shalt  }
0x81: {  	_ =	shalt  }
0x82: {  	_ =	shalt  }
0x83: {  	_ =	shalt  }
0x84: {  	_ =	shalt  }
0x85: {  	_ =	shalt  }
0x86: {  	_ =	shalt  }
0x87: {  	_ =	shalt  }
.Lfunc_end0:
.L_simem_size_0:
called_computation_lowered:
.L_overlay_start_0:
0x88: {  	s2 =	sld [smem:$0x3FD9]  }
0x89: {  	s3 =	sld [smem:$0x3FFE];
	_ =	sdelay $0x1  }
0x8a: {  	s1 =	srdreg.scid  }
0x8b: {  	s0 =	sand.u32 $0x1, s1  }
0x8c: {  	s17 =	sshll.u32 s0, $0xA;
	s2 =	sadd.s32 s3, s2  }
0x8d: {  	s2 =	sadd.s32 s2, s17  }
0x8e: {  	[smem:$0x3FC5] =	sst s2  }
0x8f: {  	_ = 	snop  }
0x90: {  	s2 =	sld [smem:$0x3FC9];
	(tm) =	ssettm $0x1  }
0x91: {  	s18 =	sld [smem:$0x3FFB];
	_ =	sdelay $0x3  }
0x92: {  	_ =	strace s18  }
0x93: {  	s3 =	sld [smem:$0x3FFC];
	_ =	sdelay $0x3  }
0x94: {  	_ =	strace s3  }
0x95: {  	s3 =	sld [smem:$0x3FFD];
	_ =	sdelay $0x3  }
0x96: {  	_ =	strace s3  }
0x97: {  	_ =	strace $0x8FFFFFFF  }
0x98: {  	s19 =	sld [smem:$0x3FDB];
	_ =	sdelay $0x1  }
0x99: {  	s4 =	simm.s32 $_scs_section_size  }
0x9a: {  	s5 =	simm.s32 $_size__tile_overlayer_lowered;
	s6 =	simm.s32 $_tile_overlayer_lowered  }
0x9b: {  	s22 =	simm.s32 $0x1BFF;
	s21 =	sshll.u32 s6, $0x1;
	s3 =	sadd.s32 s4, s19  }
0x9c: {  	s7 =	simm.s32 $0x0;
	s20 =	sshll.u32 s5, $0x1;
	s5 =	sadd.s32 s21, s3  }
0x9d: {  	[timem:s7], [sflag:s22] =	dma.local [hbm:s5], s20  }
0x9e: {  	_ =	swait.ge [sflag:s22], s20  }
0x9f: {  	s4 =	ssub.s32 $0x0, s20;
	[sflag:s22] =	ssyncset.done $0x0  }
0xa0: {  	[sflag:s22] =	ssyncadd.s32 s4;
	_ =	sdelay $0x1  }
0xa1: {  	s23 =	simm.s32 $0x1B8B  }
0xa2: {  	_ =	swait.ge [sflag:s23], $0x1  }
0xa3: {  	[sflag:s23] =	ssyncset.done $0x0  }
0xa4: {  	s25 =	simm.s32 $0x1B8E;
	s24 =	sld [smem:$0x3FFE];
	[sflag:s23] =	ssyncadd.s32 $0xFFFFFFFF  }
0xa5: {  	s26 =	simm.s32 $execute0_lowered;
	[smem:$0x3FD2] =	sst s25  }
0xa6: {  	s5 =	sshll.u32 s26, $0x1;
	_ =	strace $0x80000046;
	[dreg:$0x1] =	wrdreg $0xFFFFFFFF  }
0xa7: {  	s28 =	simm.s32 $_size_execute0_lowered;
	s3 =	sadd.s32 s3, s5;
	[dreg:$0x0] =	wrdreg $0x0  }
0xa8: {  	s5 =	sshll.u32 s28, $0x1;
	[dreg:$0x2] =	wrdreg s3  }
0xa9: {  	[dreg:$0x3] =	wrdreg s5  }
0xaa: {  	[dreg:$0x4] =	wrdreg $0xC0  }
0xab: {  	_ =	task [dreg:s7], $0x5FFFF  }
0xac: {  	[dreg:$0x1] =	wrdreg $0xFFFFFFFF  }
0xad: {  	[dreg:$0x0] =	wrdreg $0x60  }
0xae: {  	[dreg:$0x2] =	wrdreg s2  }
0xaf: {  	[dreg:$0x3] =	wrdreg s24  }
0xb0: {  	[dreg:$0x4] =	wrdreg $0x9  }
0xb1: {  	_ =	task.clear_ibuf [dreg:s7], $0x5FFFF;
	_ =	strace $0x90000046  }
0xb2: {  	s29 =	simm.s32 $0x9;
	_ =	strace $0x80000048  }
0xb3: {  	_ =	swait.ge [sflag:s29], $0x1  }
0xb4: {  	[sflag:s29] =	ssyncadd.s32 $0xFFFFFFFF  }
0xb5: {  	_ =	strace $0x90000048  }
0xb6: {  	_ =	sfence  }
0xb7: {  	s30 =	sld [smem:$0x0];
	_ =	sdelay $0x2  }
0xb8: {  	s31 =	sshll.u32 s1, $0xD;
	s1 =	sshrl.u32 s1, $0x2  }
0xb9: {  	s3 =	sand.u32 $0x4000, s31;
	s1 =	sadd.s32 s1, s30  }
0xba: {  	s0 =	sor.u32 s3, s0;
	s1 =	sshll.u32 s1, $0x11  }
0xbb: {  	s0 =	sor.u32 s1, s0  }
0xbc: {  	s0 =	sadd.s32 $0x8F2B, s0  }
0xbd: {  	[sflag:s0] =	ssyncadd.remote.s32 $0x1  }
0xbe: {  	_ =	sfence.sel $0xFFFF  }
0xbf: {  	[dreg:$0x0] =	wrdreg $0xFFFFFFFF;
	(pc) =	sbr.abs _section_cstart, $3  }
0xc0: {  	[dreg:$0x1] =	wrdreg $0xFFFFFFFF  }
0xc1: {  	_ =	task.clear_ibuf [dreg:s7], $0x2FFFF;
	_ =	strace $0x9FFFFFFF  }
0xc2: {  	(tm) =	ssettm $0x7FFFFFFF  }
0xc3: {  	_ =	shalt  }
tec
execute0_lowered:
.L_overlay_start_1:
0x0: {  	(tag) =	ssettag $0x1  }
0x1: {  	s3 =	rddreg [dreg:$0x0]  }
0x2: {  	s4 =	rddreg [dreg:$0x1]  }
0x3: {  	s0 =	rddreg [dreg:$0x2]  }
0x4: {  	s2 =	simm.s32 $0x0;
	s5 =	srdreg.scid;
	s1 =	stileid.u32  }
0x5: {  	s9 =	simm.s32 $0x2;
	s10 =	simm.s32 $0x10000;
	s11 =	simm.s32 $0x3  }
0x6: {  	[smem:$0x7FF] =	sst s2;
	s5 =	sand.u32 $0x1, s5;
	s6 =	sshll.u32 s1, $0x1  }
0x7: {  	s12 =	simm.s32 $0x0;
	_ =	strace $0x80000047;
	s6 =	sor.u32 s5, s6  }
0x8: {  	s5 =	ssub.s32 $0x2, s5;
	s7 =	sshll.u32 s6, $0x8;
	s6 =	sshll.u32 s6, $0xD  }
0x9: {  	s8 =	sshrl.u32 s5, $0x1;
	s7 =	sadd.s32 s7, s4;
	s3 =	sadd.s32 s3, s6  }
0xa: {  	s8 =	ssub.s32 s5, s8;
	s4 =	sadd.s32 $0x1000, s3;
	s5 =	sadd.s32 $0xA00, s7  }
0xb: {  	s6 =	smax.u32 s8, $0x1;
	s7 =	simm.s32 $0x8000;
	s8 =	simm.s32 $0x1  }
.LBB2_1:
0xc: {  	[tilespmem:s2], [sflag:$0x1] =	stream.linear.gather [hbm4b:s3+s2], $0x8000, $0x38;
	[tilespmem:$0x10800] =	vst v63  }
0xd: {  	_ = 	snop  }
0xe: {  	[tilespmem:s7], [sflag:$0x2] =	stream.linear.gather [hbm4b:s4+s2], $0x8000, $0x38;
	[tilespmem:$0x10800] =	vst v63  }
0xf: {  	_ =	swait.ge [sflag:s8], $0x8000  }
0x10: {  	[sflag:s8] =	ssyncset.done $0x0  }
0x11: {  	s13 =	simm.s32 $0x0;
	[sflag:s8] =	ssyncadd.s32 $0xFFFF8000  }
.LBB2_2:
0x12: {  	s14 =	sshll.u32 s13, $0xC  }
0x13: {  	s14 =	sand.u32 $0x3FFFF000, s14  }
0x14: {  	v0 =	vld [tilespmem:s14+$0x0]  }
0x15: {  	v1 =	vld [tilespmem:s14+$0x10]  }
0x16: {  	v2 =	vld [tilespmem:s14+$0x20]  }
0x17: {  	v3 =	vld [tilespmem:s14+$0x30]  }
0x18: {  	v4 =	vld [tilespmem:s14+$0x80]  }
0x19: {  	v5 =	vld [tilespmem:s14+$0x90]  }
0x1a: {  	v6 =	vld [tilespmem:s14+$0xA0]  }
0x1b: {  	v7 =	vld [tilespmem:s14+$0xB0]  }
0x1c: {  	v8 =	vld [tilespmem:s14+$0x100]  }
0x1d: {  	v9 =	vld [tilespmem:s14+$0x110]  }
0x1e: {  	v10 =	vld [tilespmem:s14+$0x120]  }
0x1f: {  	v11 =	vld [tilespmem:s14+$0x130]  }
0x20: {  	v12 =	vld [tilespmem:s14+$0x180]  }
0x21: {  	v13 =	vld [tilespmem:s14+$0x190]  }
0x22: {  	v14 =	vld [tilespmem:s14+$0x1A0]  }
0x23: {  	v15 =	vld [tilespmem:s14+$0x1B0]  }
0x24: {  	v16 =	vld [tilespmem:s14+$0x200]  }
0x25: {  	v17 =	vld [tilespmem:s14+$0x210]  }
0x26: {  	v18 =	vld [tilespmem:s14+$0x220]  }
0x27: {  	v19 =	vld [tilespmem:s14+$0x230]  }
0x28: {  	v20 =	vld [tilespmem:s14+$0x280]  }
0x29: {  	v21 =	vld [tilespmem:s14+$0x290]  }
0x2a: {  	v22 =	vld [tilespmem:s14+$0x2A0]  }
0x2b: {  	v23 =	vld [tilespmem:s14+$0x2B0]  }
0x2c: {  	v24 =	vld [tilespmem:s14+$0x300]  }
0x2d: {  	v25 =	vld [tilespmem:s14+$0x310]  }
0x2e: {  	v26 =	vld [tilespmem:s14+$0x320]  }
0x2f: {  	v27 =	vld [tilespmem:s14+$0x330]  }
0x30: {  	v28 =	vld [tilespmem:s14+$0x380]  }
0x31: {  	v29 =	vld [tilespmem:s14+$0x390]  }
0x32: {  	v30 =	vld [tilespmem:s14+$0x3A0]  }
0x33: {  	v31 =	vld [tilespmem:s14+$0x3B0]  }
0x34: {  	v32 =	vld [tilespmem:s14+$0x400]  }
0x35: {  	v33 =	vld [tilespmem:s14+$0x410]  }
0x36: {  	v34 =	vld [tilespmem:s14+$0x420]  }
0x37: {  	v35 =	vld [tilespmem:s14+$0x430]  }
0x38: {  	v36 =	vld [tilespmem:s14+$0x480]  }
0x39: {  	v37 =	vld [tilespmem:s14+$0x490]  }
0x3a: {  	v38 =	vld [tilespmem:s14+$0x4A0]  }
0x3b: {  	v39 =	vld [tilespmem:s14+$0x4B0]  }
0x3c: {  	v40 =	vld [tilespmem:s14+$0x500]  }
0x3d: {  	v41 =	vld [tilespmem:s14+$0x510]  }
0x3e: {  	v42 =	vld [tilespmem:s14+$0x520]  }
0x3f: {  	v43 =	vld [tilespmem:s14+$0x530]  }
0x40: {  	v44 =	vld [tilespmem:s14+$0x580]  }
0x41: {  	v45 =	vld [tilespmem:s14+$0x590]  }
0x42: {  	v46 =	vld [tilespmem:s14+$0x5A0]  }
0x43: {  	v47 =	vld [tilespmem:s14+$0x5B0]  }
0x44: {  	v48 =	vld [tilespmem:s14+$0x600]  }
0x45: {  	v49 =	vld [tilespmem:s14+$0x610]  }
0x46: {  	v50 =	vld [tilespmem:s14+$0x620]  }
0x47: {  	v51 =	vld [tilespmem:s14+$0x630]  }
0x48: {  	v52 =	vld [tilespmem:s14+$0x680]  }
0x49: {  	v53 =	vld [tilespmem:s14+$0x690]  }
0x4a: {  	v54 =	vld [tilespmem:s14+$0x6A0]  }
0x4b: {  	v55 =	vld [tilespmem:s14+$0x6B0]  }
0x4c: {  	v56 =	vld [tilespmem:s14+$0x700]  }
0x4d: {  	v57 =	vld [tilespmem:s14+$0x710]  }
0x4e: {  	v58 =	vld [tilespmem:s14+$0x720]  }
0x4f: {  	v59 =	vld [tilespmem:s14+$0x7A0]  }
0x50: {  	v62 =	vld [tilespmem:s14+$0x7B0]  }
0x51: {  	v63 =	vld [tilespmem:s14+$0x730]  }
0x52: {  	v60 =	vld [tilespmem:s14+$0x780]  }
0x53: {  	v61 =	vld [tilespmem:s14+$0x790]  }
0x54: {  	[tilespmem:$0x1FF60] =	vst v59;
	v59 =	vld [tilespmem:s14+$0x800]  }
0x55: {  	[tilespmem:$0x1FF70] =	vst v62;
	v62 =	vld [tilespmem:s14+$0x810]  }
0x56: {  	v0 =	vadd.f32 v4, v0;
	v4 =	vld [tilespmem:s14+$0x890]  }
0x57: {  	v1 =	vadd.f32 v5, v1;
	v5 =	vld [tilespmem:s14+$0x8A0]  }
0x58: {  	v2 =	vadd.f32 v6, v2;
	v6 =	vld [tilespmem:s14+$0x8B0]  }
0x59: {  	v3 =	vadd.f32 v7, v3;
	v7 =	vld [tilespmem:s14+$0x900]  }
0x5a: {  	v0 =	vadd.f32 v8, v0;
	v8 =	vld [tilespmem:s14+$0x910]  }
0x5b: {  	v1 =	vadd.f32 v9, v1;
	v9 =	vld [tilespmem:s14+$0x920]  }
0x5c: {  	v2 =	vadd.f32 v10, v2;
	v10 =	vld [tilespmem:s14+$0x930]  }
0x5d: {  	v3 =	vadd.f32 v11, v3;
	v11 =	vld [tilespmem:s14+$0x980]  }
0x5e: {  	v0 =	vadd.f32 v12, v0;
	v12 =	vld [tilespmem:s14+$0x990]  }
0x5f: {  	v1 =	vadd.f32 v13, v1;
	v13 =	vld [tilespmem:s14+$0x9A0]  }
0x60: {  	v2 =	vadd.f32 v14, v2;
	v14 =	vld [tilespmem:s14+$0x9B0]  }
0x61: {  	v3 =	vadd.f32 v15, v3;
	v15 =	vld [tilespmem:s14+$0xA00]  }
0x62: {  	[tilespmem:$0x1FF80] =	vst v62;
	v62 =	vld [tilespmem:s14+$0x820];
	v0 =	vadd.f32 v16, v0  }
0x63: {  	v1 =	vadd.f32 v17, v1;
	v16 =	vld [tilespmem:s14+$0xA10]  }
0x64: {  	v2 =	vadd.f32 v18, v2;
	v17 =	vld [tilespmem:s14+$0xA20];
	v0 =	vadd.f32 v20, v0  }
0x65: {  	v3 =	vadd.f32 v19, v3;
	v18 =	vld [tilespmem:s14+$0xA30];
	v1 =	vadd.f32 v21, v1  }
0x66: {  	v19 =	vld [tilespmem:s14+$0xA80];
	v2 =	vadd.f32 v22, v2;
	v0 =	vadd.f32 v24, v0  }
0x67: {  	v3 =	vadd.f32 v23, v3;
	v20 =	vld [tilespmem:s14+$0xA90];
	v1 =	vadd.f32 v25, v1  }
0x68: {  	v21 =	vld [tilespmem:s14+$0xAA0];
	v2 =	vadd.f32 v26, v2;
	v0 =	vadd.f32 v28, v0  }
0x69: {  	v22 =	vld [tilespmem:s14+$0xAB0];
	v3 =	vadd.f32 v27, v3;
	v1 =	vadd.f32 v29, v1  }
0x6a: {  	[tilespmem:$0x1FF90] =	vst v62;
	v62 =	vld [tilespmem:s14+$0x830];
	v2 =	vadd.f32 v30, v2;
	v0 =	vadd.f32 v32, v0  }
0x6b: {  	v23 =	vld [tilespmem:s14+$0xB00];
	v3 =	vadd.f32 v31, v3;
	v1 =	vadd.f32 v33, v1  }
0x6c: {  	v24 =	vld [tilespmem:s14+$0xB10];
	v2 =	vadd.f32 v34, v2;
	v0 =	vadd.f32 v36, v0  }
0x6d: {  	v25 =	vld [tilespmem:s14+$0xB20];
	v3 =	vadd.f32 v35, v3;
	v1 =	vadd.f32 v37, v1  }
0x6e: {  	v26 =	vld [tilespmem:s14+$0xB30];
	v2 =	vadd.f32 v38, v2;
	v0 =	vadd.f32 v40, v0  }
0x6f: {  	[tilespmem:$0x1FFA0] =	vst v62;
	v62 =	vld [tilespmem:s14+$0x880];
	v3 =	vadd.f32 v39, v3;
	v1 =	vadd.f32 v41, v1  }
0x70: {  	v37 =	vld [tilespmem:s14+$0xD00];
	v2 =	vadd.f32 v42, v2;
	v0 =	vadd.f32 v44, v0  }
0x71: {  	v38 =	vld [tilespmem:s14+$0xD10];
	v3 =	vadd.f32 v43, v3;
	v1 =	vadd.f32 v45, v1  }
0x72: {  	v39 =	vld [tilespmem:s14+$0xD20];
	v2 =	vadd.f32 v46, v2;
	v0 =	vadd.f32 v48, v0  }
0x73: {  	v40 =	vld [tilespmem:s14+$0xD30];
	v3 =	vadd.f32 v47, v3;
	v1 =	vadd.f32 v49, v1  }
0x74: {  	v41 =	vld [tilespmem:s14+$0xD80];
	v2 =	vadd.f32 v50, v2;
	v0 =	vadd.f32 v52, v0  }
0x75: {  	v42 =	vld [tilespmem:s14+$0xD90];
	v3 =	vadd.f32 v51, v3;
	v1 =	vadd.f32 v53, v1  }
0x76: {  	v2 =	vadd.f32 v54, v2;
	v54 =	vld [tilespmem:$0x1FF60];
	v0 =	vadd.f32 v56, v0  }
0x77: {  	v1 =	vadd.f32 v57, v1;
	v56 =	vld [tilespmem:$0x1FF70]  }
0x78: {  	v3 =	vadd.f32 v55, v3;
	v57 =	vld [tilespmem:$0x1FF80];
	v0 =	vadd.f32 v60, v0  }
0x79: {  	v1 =	vadd.f32 v61, v1;
	v61 =	vld [tilespmem:$0x1FFA0]  }
0x7a: {  	v3 =	vadd.f32 v63, v3;
	v0 =	vadd.f32 v59, v0;
	v59 =	vld [tilespmem:$0x1FF90]  }
0x7b: {  	v43 =	vld [tilespmem:s14+$0xDA0];
	v2 =	vadd.f32 v58, v2  }
0x7c: {  	v47 =	vld [tilespmem:s14+$0xB80];
	v3 =	vadd.f32 v56, v3  }
0x7d: {  	v44 =	vld [tilespmem:s14+$0xDB0];
	v2 =	vadd.f32 v54, v2;
	v1 =	vadd.f32 v57, v1  }
0x7e: {  	v45 =	vld [tilespmem:s14+$0xE00];
	v0 =	vadd.f32 v62, v0;
	v3 =	vadd.f32 v61, v3  }
0x7f: {  	v46 =	vld [tilespmem:s14+$0xE10];
	v1 =	vadd.f32 v4, v1;
	v2 =	vadd.f32 v59, v2  }
0x80: {  	v48 =	vld [tilespmem:s14+$0xB90];
	v0 =	vadd.f32 v7, v0;
	v3 =	vadd.f32 v6, v3  }
0x81: {  	v49 =	vld [tilespmem:s14+$0xBA0];
	v1 =	vadd.f32 v8, v1;
	v2 =	vadd.f32 v5, v2  }
0x82: {  	v50 =	vld [tilespmem:s14+$0xBB0];
	v0 =	vadd.f32 v11, v0;
	v3 =	vadd.f32 v10, v3  }
0x83: {  	v51 =	vld [tilespmem:s14+$0xC00];
	v1 =	vadd.f32 v12, v1;
	v2 =	vadd.f32 v9, v2  }
0x84: {  	v52 =	vld [tilespmem:s14+$0xC10];
	v0 =	vadd.f32 v15, v0;
	v3 =	vadd.f32 v14, v3  }
0x85: {  	v53 =	vld [tilespmem:s14+$0xC20];
	v1 =	vadd.f32 v16, v1;
	v2 =	vadd.f32 v13, v2  }
0x86: {  	v55 =	vld [tilespmem:s14+$0xC30];
	v0 =	vadd.f32 v19, v0;
	v3 =	vadd.f32 v18, v3  }
0x87: {  	v58 =	vld [tilespmem:s14+$0xC80];
	v1 =	vadd.f32 v20, v1;
	v2 =	vadd.f32 v17, v2  }
0x88: {  	v63 =	vld [tilespmem:s14+$0xCB0];
	v0 =	vadd.f32 v23, v0;
	v3 =	vadd.f32 v22, v3  }
0x89: {  	v60 =	vld [tilespmem:s14+$0xC90];
	v1 =	vadd.f32 v24, v1;
	v2 =	vadd.f32 v21, v2  }
0x8a: {  	v54 =	vld [tilespmem:s14+$0xF10];
	v0 =	vadd.f32 v47, v0;
	v3 =	vadd.f32 v26, v3  }
0x8b: {  	v56 =	vld [tilespmem:s14+$0xF30];
	v1 =	vadd.f32 v48, v1;
	v2 =	vadd.f32 v25, v2  }
0x8c: {  	v62 =	vld [tilespmem:s14+$0xCA0];
	v0 =	vadd.f32 v51, v0;
	v3 =	vadd.f32 v50, v3  }
0x8d: {  	v57 =	vld [tilespmem:s14+$0xF80];
	v1 =	vadd.f32 v52, v1;
	v2 =	vadd.f32 v49, v2  }
0x8e: {  	v47 =	vld [tilespmem:s14+$0xE20];
	v0 =	vadd.f32 v58, v0;
	v3 =	vadd.f32 v55, v3  }
0x8f: {  	v48 =	vld [tilespmem:s14+$0xE30];
	v1 =	vadd.f32 v60, v1;
	v2 =	vadd.f32 v53, v2  }
0x90: {  	v50 =	vld [tilespmem:s14+$0xE90];
	v0 =	vadd.f32 v37, v0;
	v3 =	vadd.f32 v63, v3  }
0x91: {  	v49 =	vld [tilespmem:s14+$0xE80];
	v1 =	vadd.f32 v38, v1;
	v2 =	vadd.f32 v62, v2  }
0x92: {  	v52 =	vld [tilespmem:s14+$0xEB0];
	v0 =	vadd.f32 v41, v0;
	v3 =	vadd.f32 v40, v3  }
0x93: {  	v53 =	vld [tilespmem:s14+$0xF00];
	v1 =	vadd.f32 v42, v1;
	v2 =	vadd.f32 v39, v2  }
0x94: {  	v51 =	vld [tilespmem:s14+$0xEA0];
	v0 =	vadd.f32 v45, v0;
	v3 =	vadd.f32 v44, v3  }
0x95: {  	v58 =	vld [tilespmem:s14+$0xF90];
	v1 =	vadd.f32 v46, v1;
	v2 =	vadd.f32 v43, v2  }
0x96: {  	v55 =	vld [tilespmem:s14+$0xF20];
	v0 =	vadd.f32 v49, v0;
	v3 =	vadd.f32 v48, v3  }
0x97: {  	v60 =	vld [tilespmem:s14+$0xFB0];
	v1 =	vadd.f32 v50, v1;
	v2 =	vadd.f32 v47, v2  }
0x98: {  	v59 =	vld [tilespmem:s14+$0xFA0];
	v0 =	vadd.f32 v53, v0;
	v3 =	vadd.f32 v52, v3  }
0x99: {  	v1 =	vadd.f32 v54, v1;
	v2 =	vadd.f32 v51, v2  }
0x9a: {  	s15 =	sshll.u32 s13, $0x7;
	v0 =	vadd.f32 v57, v0;
	v3 =	vadd.f32 v56, v3  }
0x9b: {  	s15 =	sand.u32 $0x3FFFFF80, s15;
	v1 =	vadd.f32 v58, v1;
	v2 =	vadd.f32 v55, v2  }
0x9c: {  	[tilespmem:s15+$0x10000] =	vst v0;
	v61 =	vadd.f32 v60, v3  }
0x9d: {  	[tilespmem:s15+$0x10010] =	vst v1;
	v2 =	vadd.f32 v59, v2  }
0x9e: {  	[tilespmem:s15+$0x10030] =	vst v61  }
0x9f: {  	[tilespmem:s15+$0x10020] =	vst v2  }
0xa0: {  	v0 =	vld [tilespmem:s14+$0x40]  }
0xa1: {  	v1 =	vld [tilespmem:s14+$0x50]  }
0xa2: {  	v2 =	vld [tilespmem:s14+$0x60]  }
0xa3: {  	v3 =	vld [tilespmem:s14+$0x70]  }
0xa4: {  	v4 =	vld [tilespmem:s14+$0xC0]  }
0xa5: {  	v5 =	vld [tilespmem:s14+$0xD0]  }
0xa6: {  	v6 =	vld [tilespmem:s14+$0xE0]  }
0xa7: {  	v7 =	vld [tilespmem:s14+$0xF0]  }
0xa8: {  	v8 =	vld [tilespmem:s14+$0x140]  }
0xa9: {  	v9 =	vld [tilespmem:s14+$0x150]  }
0xaa: {  	v10 =	vld [tilespmem:s14+$0x160]  }
0xab: {  	v11 =	vld [tilespmem:s14+$0x170]  }
0xac: {  	v12 =	vld [tilespmem:s14+$0x1C0]  }
0xad: {  	v13 =	vld [tilespmem:s14+$0x1D0]  }
0xae: {  	v14 =	vld [tilespmem:s14+$0x1E0]  }
0xaf: {  	v15 =	vld [tilespmem:s14+$0x1F0]  }
0xb0: {  	v16 =	vld [tilespmem:s14+$0x240]  }
0xb1: {  	v17 =	vld [tilespmem:s14+$0x250]  }
0xb2: {  	v18 =	vld [tilespmem:s14+$0x260]  }
0xb3: {  	v19 =	vld [tilespmem:s14+$0x270]  }
0xb4: {  	v20 =	vld [tilespmem:s14+$0x2C0]  }
0xb5: {  	v21 =	vld [tilespmem:s14+$0x2D0]  }
0xb6: {  	v22 =	vld [tilespmem:s14+$0x2E0]  }
0xb7: {  	v23 =	vld [tilespmem:s14+$0x2F0]  }
0xb8: {  	v24 =	vld [tilespmem:s14+$0x340]  }
0xb9: {  	v25 =	vld [tilespmem:s14+$0x350]  }
0xba: {  	v26 =	vld [tilespmem:s14+$0x360]  }
0xbb: {  	v27 =	vld [tilespmem:s14+$0x370]  }
0xbc: {  	v28 =	vld [tilespmem:s14+$0x3C0]  }
0xbd: {  	v29 =	vld [tilespmem:s14+$0x3D0]  }
0xbe: {  	v30 =	vld [tilespmem:s14+$0x3E0]  }
0xbf: {  	v31 =	vld [tilespmem:s14+$0x3F0]  }
0xc0: {  	v32 =	vld [tilespmem:s14+$0x440]  }
0xc1: {  	v33 =	vld [tilespmem:s14+$0x450]  }
0xc2: {  	v34 =	vld [tilespmem:s14+$0x460]  }
0xc3: {  	v35 =	vld [tilespmem:s14+$0x470]  }
0xc4: {  	v36 =	vld [tilespmem:s14+$0x4C0]  }
0xc5: {  	v37 =	vld [tilespmem:s14+$0x4D0]  }
0xc6: {  	v38 =	vld [tilespmem:s14+$0x4E0]  }
0xc7: {  	v39 =	vld [tilespmem:s14+$0x4F0]  }
0xc8: {  	v40 =	vld [tilespmem:s14+$0x540]  }
0xc9: {  	v41 =	vld [tilespmem:s14+$0x550]  }
0xca: {  	v42 =	vld [tilespmem:s14+$0x560]  }
0xcb: {  	v43 =	vld [tilespmem:s14+$0x570]  }
0xcc: {  	v44 =	vld [tilespmem:s14+$0x5C0]  }
0xcd: {  	v45 =	vld [tilespmem:s14+$0x5D0]  }
0xce: {  	v46 =	vld [tilespmem:s14+$0x5E0]  }
0xcf: {  	v47 =	vld [tilespmem:s14+$0x5F0]  }
0xd0: {  	v48 =	vld [tilespmem:s14+$0x640]  }
0xd1: {  	v49 =	vld [tilespmem:s14+$0x650]  }
0xd2: {  	v50 =	vld [tilespmem:s14+$0x660]  }
0xd3: {  	v51 =	vld [tilespmem:s14+$0x670]  }
0xd4: {  	v52 =	vld [tilespmem:s14+$0x6C0]  }
0xd5: {  	v53 =	vld [tilespmem:s14+$0x6D0]  }
0xd6: {  	v54 =	vld [tilespmem:s14+$0x6E0]  }
0xd7: {  	v55 =	vld [tilespmem:s14+$0x6F0]  }
0xd8: {  	v56 =	vld [tilespmem:s14+$0x740]  }
0xd9: {  	v57 =	vld [tilespmem:s14+$0x750]  }
0xda: {  	v58 =	vld [tilespmem:s14+$0x760]  }
0xdb: {  	v62 =	vld [tilespmem:s14+$0x7E0]  }
0xdc: {  	v63 =	vld [tilespmem:s14+$0x770]  }
0xdd: {  	v60 =	vld [tilespmem:s14+$0x7C0]  }
0xde: {  	v61 =	vld [tilespmem:s14+$0x7D0]  }
0xdf: {  	v59 =	vld [tilespmem:s14+$0x840]  }
0xe0: {  	[tilespmem:$0x1FFB0] =	vst v62;
	v62 =	vld [tilespmem:s14+$0x7F0]  }
0xe1: {  	v0 =	vadd.f32 v4, v0;
	v4 =	vld [tilespmem:s14+$0x8D0]  }
0xe2: {  	v1 =	vadd.f32 v5, v1;
	v5 =	vld [tilespmem:s14+$0x8E0]  }
0xe3: {  	v2 =	vadd.f32 v6, v2;
	v6 =	vld [tilespmem:s14+$0x8F0]  }
0xe4: {  	v3 =	vadd.f32 v7, v3;
	v7 =	vld [tilespmem:s14+$0x940]  }
0xe5: {  	v0 =	vadd.f32 v8, v0;
	v8 =	vld [tilespmem:s14+$0x950]  }
0xe6: {  	v1 =	vadd.f32 v9, v1;
	v9 =	vld [tilespmem:s14+$0x960]  }
0xe7: {  	v2 =	vadd.f32 v10, v2;
	v10 =	vld [tilespmem:s14+$0x970]  }
0xe8: {  	v3 =	vadd.f32 v11, v3;
	v11 =	vld [tilespmem:s14+$0x9C0]  }
0xe9: {  	v0 =	vadd.f32 v12, v0;
	v12 =	vld [tilespmem:s14+$0x9D0]  }
0xea: {  	v1 =	vadd.f32 v13, v1;
	v13 =	vld [tilespmem:s14+$0x9E0]  }
0xeb: {  	v2 =	vadd.f32 v14, v2;
	v14 =	vld [tilespmem:s14+$0x9F0]  }
0xec: {  	v3 =	vadd.f32 v15, v3;
	v15 =	vld [tilespmem:s14+$0xA40]  }
0xed: {  	[tilespmem:$0x1FFC0] =	vst v62;
	v62 =	vld [tilespmem:s14+$0x850]  }
0xee: {  	v0 =	vadd.f32 v16, v0;
	v1 =	vadd.f32 v17, v1;
	v16 =	vld [tilespmem:s14+$0xA50]  }
0xef: {  	v2 =	vadd.f32 v18, v2;
	v17 =	vld [tilespmem:s14+$0xA60]  }
0xf0: {  	v18 =	vld [tilespmem:s14+$0xA70];
	v0 =	vadd.f32 v20, v0;
	v1 =	vadd.f32 v21, v1  }
0xf1: {  	v3 =	vadd.f32 v19, v3;
	v19 =	vld [tilespmem:s14+$0xAC0];
	v2 =	vadd.f32 v22, v2  }
0xf2: {  	v20 =	vld [tilespmem:s14+$0xAD0];
	v0 =	vadd.f32 v24, v0;
	v1 =	vadd.f32 v25, v1  }
0xf3: {  	v3 =	vadd.f32 v23, v3;
	v21 =	vld [tilespmem:s14+$0xAE0];
	v2 =	vadd.f32 v26, v2  }
0xf4: {  	v22 =	vld [tilespmem:s14+$0xAF0];
	v0 =	vadd.f32 v28, v0;
	v1 =	vadd.f32 v29, v1  }
0xf5: {  	[tilespmem:$0x1FFD0] =	vst v62;
	v62 =	vld [tilespmem:s14+$0x860];
	v3 =	vadd.f32 v27, v3;
	v2 =	vadd.f32 v30, v2  }
0xf6: {  	v23 =	vld [tilespmem:s14+$0xB40];
	v0 =	vadd.f32 v32, v0;
	v1 =	vadd.f32 v33, v1  }
0xf7: {  	v24 =	vld [tilespmem:s14+$0xB50];
	v3 =	vadd.f32 v31, v3;
	v2 =	vadd.f32 v34, v2  }
0xf8: {  	v25 =	vld [tilespmem:s14+$0xB60];
	v0 =	vadd.f32 v36, v0;
	v1 =	vadd.f32 v37, v1  }
0xf9: {  	v26 =	vld [tilespmem:s14+$0xB70];
	v3 =	vadd.f32 v35, v3;
	v2 =	vadd.f32 v38, v2  }
0xfa: {  	[tilespmem:$0x1FFE0] =	vst v62;
	v62 =	vld [tilespmem:s14+$0x870];
	v0 =	vadd.f32 v40, v0;
	v1 =	vadd.f32 v41, v1  }
0xfb: {  	v3 =	vadd.f32 v39, v3;
	v37 =	vld [tilespmem:s14+$0xCE0];
	v2 =	vadd.f32 v42, v2  }
0xfc: {  	v38 =	vld [tilespmem:s14+$0xCF0];
	v0 =	vadd.f32 v44, v0;
	v1 =	vadd.f32 v45, v1  }
0xfd: {  	v39 =	vld [tilespmem:s14+$0xD40];
	v3 =	vadd.f32 v43, v3;
	v2 =	vadd.f32 v46, v2  }
0xfe: {  	v40 =	vld [tilespmem:s14+$0xD50];
	v0 =	vadd.f32 v48, v0;
	v1 =	vadd.f32 v49, v1  }
0xff: {  	v41 =	vld [tilespmem:s14+$0xD60];
	v3 =	vadd.f32 v47, v3;
	v2 =	vadd.f32 v50, v2  }
0x100: {  	v42 =	vld [tilespmem:s14+$0xD70];
	v0 =	vadd.f32 v52, v0;
	v1 =	vadd.f32 v53, v1  }
0x101: {  	[tilespmem:$0x1FFF0] =	vst v62;
	v62 =	vld [tilespmem:s14+$0x8C0];
	v3 =	vadd.f32 v51, v3;
	v2 =	vadd.f32 v54, v2  }
0x102: {  	v0 =	vadd.f32 v56, v0;
	v1 =	vadd.f32 v57, v1;
	v56 =	vld [tilespmem:$0x1FFB0]  }
0x103: {  	v3 =	vadd.f32 v55, v3;
	v2 =	vadd.f32 v58, v2;
	v58 =	vld [tilespmem:$0x1FFC0]  }
0x104: {  	v0 =	vadd.f32 v60, v0;
	v1 =	vadd.f32 v61, v1;
	v61 =	vld [tilespmem:$0x1FFE0]  }
0x105: {  	v3 =	vadd.f32 v63, v3;
	v63 =	vld [tilespmem:$0x1FFF0]  }
0x106: {  	v0 =	vadd.f32 v59, v0;
	v59 =	vld [tilespmem:$0x1FFD0]  }
0x107: {  	v43 =	vld [tilespmem:s14+$0xDC0];
	v2 =	vadd.f32 v56, v2  }
0x108: {  	v44 =	vld [tilespmem:s14+$0xDD0];
	v3 =	vadd.f32 v58, v3  }
0x109: {  	v45 =	vld [tilespmem:s14+$0xDE0];
	v2 =	vadd.f32 v61, v2  }
0x10a: {  	v46 =	vld [tilespmem:s14+$0xDF0];
	v0 =	vadd.f32 v62, v0;
	v3 =	vadd.f32 v63, v3  }
0x10b: {  	v47 =	vld [tilespmem:s14+$0xE40];
	v1 =	vadd.f32 v59, v1;
	v2 =	vadd.f32 v5, v2  }
0x10c: {  	v49 =	vld [tilespmem:s14+$0xBC0];
	v0 =	vadd.f32 v7, v0;
	v3 =	vadd.f32 v6, v3  }
0x10d: {  	v50 =	vld [tilespmem:s14+$0xBD0];
	v1 =	vadd.f32 v4, v1;
	v2 =	vadd.f32 v9, v2  }
0x10e: {  	v51 =	vld [tilespmem:s14+$0xBE0];
	v0 =	vadd.f32 v11, v0;
	v3 =	vadd.f32 v10, v3  }
0x10f: {  	v48 =	vld [tilespmem:s14+$0xE50];
	v1 =	vadd.f32 v8, v1;
	v2 =	vadd.f32 v13, v2  }
0x110: {  	v52 =	vld [tilespmem:s14+$0xBF0];
	v0 =	vadd.f32 v15, v0;
	v3 =	vadd.f32 v14, v3  }
0x111: {  	v53 =	vld [tilespmem:s14+$0xC40];
	v1 =	vadd.f32 v12, v1;
	v2 =	vadd.f32 v17, v2  }
0x112: {  	v54 =	vld [tilespmem:s14+$0xC50];
	v0 =	vadd.f32 v19, v0;
	v3 =	vadd.f32 v18, v3  }
0x113: {  	v55 =	vld [tilespmem:s14+$0xC60];
	v1 =	vadd.f32 v16, v1;
	v2 =	vadd.f32 v21, v2  }
0x114: {  	v57 =	vld [tilespmem:s14+$0xC70];
	v0 =	vadd.f32 v23, v0;
	v3 =	vadd.f32 v22, v3  }
0x115: {  	v60 =	vld [tilespmem:s14+$0xCC0];
	v1 =	vadd.f32 v20, v1;
	v2 =	vadd.f32 v25, v2  }
0x116: {  	v56 =	vld [tilespmem:s14+$0xF50];
	v0 =	vadd.f32 v49, v0;
	v3 =	vadd.f32 v26, v3  }
0x117: {  	v58 =	vld [tilespmem:s14+$0xF70];
	v1 =	vadd.f32 v24, v1;
	v2 =	vadd.f32 v51, v2  }
0x118: {  	v62 =	vld [tilespmem:s14+$0xCD0];
	v0 =	vadd.f32 v53, v0;
	v3 =	vadd.f32 v52, v3  }
0x119: {  	v49 =	vld [tilespmem:s14+$0xE60];
	v1 =	vadd.f32 v50, v1;
	v2 =	vadd.f32 v55, v2  }
0x11a: {  	v53 =	vld [tilespmem:s14+$0xEE0];
	v0 =	vadd.f32 v60, v0;
	v3 =	vadd.f32 v57, v3  }
0x11b: {  	v51 =	vld [tilespmem:s14+$0xEC0];
	v1 =	vadd.f32 v54, v1;
	v2 =	vadd.f32 v37, v2  }
0x11c: {  	v52 =	vld [tilespmem:s14+$0xED0];
	v0 =	vadd.f32 v39, v0;
	v3 =	vadd.f32 v38, v3  }
0x11d: {  	v50 =	vld [tilespmem:s14+$0xE70];
	v1 =	vadd.f32 v62, v1;
	v2 =	vadd.f32 v41, v2  }
0x11e: {  	v55 =	vld [tilespmem:s14+$0xF40];
	v0 =	vadd.f32 v43, v0;
	v3 =	vadd.f32 v42, v3  }
0x11f: {  	v54 =	vld [tilespmem:s14+$0xEF0];
	v1 =	vadd.f32 v40, v1;
	v2 =	vadd.f32 v45, v2  }
0x120: {  	v57 =	vld [tilespmem:s14+$0xF60];
	v0 =	vadd.f32 v47, v0;
	v3 =	vadd.f32 v46, v3  }
0x121: {  	v59 =	vld [tilespmem:s14+$0xFC0];
	v1 =	vadd.f32 v44, v1;
	v2 =	vadd.f32 v49, v2  }
0x122: {  	v61 =	vld [tilespmem:s14+$0xFE0];
	v0 =	vadd.f32 v51, v0;
	v3 =	vadd.f32 v50, v3  }
0x123: {  	v62 =	vld [tilespmem:s14+$0xFF0];
	v1 =	vadd.f32 v48, v1;
	v2 =	vadd.f32 v53, v2  }
0x124: {  	v60 =	vld [tilespmem:s14+$0xFD0];
	v0 =	vadd.f32 v55, v0;
	v3 =	vadd.f32 v54, v3  }
0x125: {  	v1 =	vadd.f32 v52, v1;
	v2 =	vadd.f32 v57, v2  }
0x126: {  	p0 =	sne.s32 s13, $0x7;
	v0 =	vadd.f32 v59, v0;
	v3 =	vadd.f32 v58, v3  }
.Ltmp0:
0x127: {  	v1 =	vadd.f32 v56, v1;
	v2 =	vadd.f32 v61, v2;
	(pc) =	sbr.rel @p0 .LBB2_2-.Ltmp0, $4  }
0x128: {  	[tilespmem:s15+$0x10040] =	vst v0;
	v63 =	vadd.f32 v62, v3  }
0x129: {  	v1 =	vadd.f32 v60, v1;
	[tilespmem:s15+$0x10060] =	vst v2  }
0x12a: {  	[tilespmem:s15+$0x10070] =	vst v63  }
0x12b: {  	s13 =	sadd.s32 $0x1, s13;
	[tilespmem:s15+$0x10050] =	vst v1  }
0x12c: {  	_ =	swait.ge [sflag:s9], $0x8000  }
0x12d: {  	[sflag:s9] =	ssyncset.done $0x0  }
0x12e: {  	s13 =	simm.s32 $0x0;
	[sflag:s9] =	ssyncadd.s32 $0xFFFF8000  }
.LBB2_4:
0x12f: {  	s14 =	sshll.u32 s13, $0xC  }
0x130: {  	s14 =	sand.u32 $0x3FFFF000, s14  }
0x131: {  	v0 =	vld [tilespmem:s14+$0x8000]  }
0x132: {  	v1 =	vld [tilespmem:s14+$0x8010]  }
0x133: {  	v2 =	vld [tilespmem:s14+$0x8020]  }
0x134: {  	v3 =	vld [tilespmem:s14+$0x8030]  }
0x135: {  	v4 =	vld [tilespmem:s14+$0x8080]  }
0x136: {  	v5 =	vld [tilespmem:s14+$0x8090]  }
0x137: {  	v6 =	vld [tilespmem:s14+$0x80A0]  }
0x138: {  	v7 =	vld [tilespmem:s14+$0x80B0]  }
0x139: {  	v8 =	vld [tilespmem:s14+$0x8100]  }
0x13a: {  	v9 =	vld [tilespmem:s14+$0x8110]  }
0x13b: {  	v10 =	vld [tilespmem:s14+$0x8120]  }
0x13c: {  	v11 =	vld [tilespmem:s14+$0x8130]  }
0x13d: {  	v12 =	vld [tilespmem:s14+$0x8180]  }
0x13e: {  	v13 =	vld [tilespmem:s14+$0x8190]  }
0x13f: {  	v14 =	vld [tilespmem:s14+$0x81A0]  }
0x140: {  	v15 =	vld [tilespmem:s14+$0x81B0]  }
0x141: {  	v16 =	vld [tilespmem:s14+$0x8200]  }
0x142: {  	v17 =	vld [tilespmem:s14+$0x8210]  }
0x143: {  	v18 =	vld [tilespmem:s14+$0x8220]  }
0x144: {  	v19 =	vld [tilespmem:s14+$0x8230]  }
0x145: {  	v20 =	vld [tilespmem:s14+$0x8280]  }
0x146: {  	v21 =	vld [tilespmem:s14+$0x8290]  }
0x147: {  	v22 =	vld [tilespmem:s14+$0x82A0]  }
0x148: {  	v23 =	vld [tilespmem:s14+$0x82B0]  }
0x149: {  	v24 =	vld [tilespmem:s14+$0x8300]  }
0x14a: {  	v25 =	vld [tilespmem:s14+$0x8310]  }
0x14b: {  	v26 =	vld [tilespmem:s14+$0x8320]  }
0x14c: {  	v27 =	vld [tilespmem:s14+$0x8330]  }
0x14d: {  	v28 =	vld [tilespmem:s14+$0x8380]  }
0x14e: {  	v29 =	vld [tilespmem:s14+$0x8390]  }
0x14f: {  	v30 =	vld [tilespmem:s14+$0x83A0]  }
0x150: {  	v31 =	vld [tilespmem:s14+$0x83B0]  }
0x151: {  	v32 =	vld [tilespmem:s14+$0x8400]  }
0x152: {  	v33 =	vld [tilespmem:s14+$0x8410]  }
0x153: {  	v34 =	vld [tilespmem:s14+$0x8420]  }
0x154: {  	v35 =	vld [tilespmem:s14+$0x8430]  }
0x155: {  	v36 =	vld [tilespmem:s14+$0x8480]  }
0x156: {  	v37 =	vld [tilespmem:s14+$0x8490]  }
0x157: {  	v38 =	vld [tilespmem:s14+$0x84A0]  }
0x158: {  	v39 =	vld [tilespmem:s14+$0x84B0]  }
0x159: {  	v40 =	vld [tilespmem:s14+$0x8500]  }
0x15a: {  	v41 =	vld [tilespmem:s14+$0x8510]  }
0x15b: {  	v42 =	vld [tilespmem:s14+$0x8520]  }
0x15c: {  	v43 =	vld [tilespmem:s14+$0x8530]  }
0x15d: {  	v44 =	vld [tilespmem:s14+$0x8580]  }
0x15e: {  	v45 =	vld [tilespmem:s14+$0x8590]  }
0x15f: {  	v46 =	vld [tilespmem:s14+$0x85A0]  }
0x160: {  	v47 =	vld [tilespmem:s14+$0x85B0]  }
0x161: {  	v48 =	vld [tilespmem:s14+$0x8600]  }
0x162: {  	v49 =	vld [tilespmem:s14+$0x8610]  }
0x163: {  	v50 =	vld [tilespmem:s14+$0x8620]  }
0x164: {  	v51 =	vld [tilespmem:s14+$0x8630]  }
0x165: {  	v52 =	vld [tilespmem:s14+$0x8680]  }
0x166: {  	v53 =	vld [tilespmem:s14+$0x8690]  }
0x167: {  	v54 =	vld [tilespmem:s14+$0x86A0]  }
0x168: {  	v55 =	vld [tilespmem:s14+$0x86B0]  }
0x169: {  	v56 =	vld [tilespmem:s14+$0x8700]  }
0x16a: {  	v57 =	vld [tilespmem:s14+$0x8710]  }
0x16b: {  	v58 =	vld [tilespmem:s14+$0x8720]  }
0x16c: {  	v59 =	vld [tilespmem:s14+$0x87A0]  }
0x16d: {  	v62 =	vld [tilespmem:s14+$0x87B0]  }
0x16e: {  	v63 =	vld [tilespmem:s14+$0x8730]  }
0x16f: {  	v60 =	vld [tilespmem:s14+$0x8780]  }
0x170: {  	v61 =	vld [tilespmem:s14+$0x8790]  }
0x171: {  	[tilespmem:$0x1FEC0] =	vst v59;
	v59 =	vld [tilespmem:s14+$0x8800]  }
0x172: {  	[tilespmem:$0x1FED0] =	vst v62;
	v62 =	vld [tilespmem:s14+$0x8810]  }
0x173: {  	v0 =	vadd.f32 v4, v0;
	v4 =	vld [tilespmem:s14+$0x8890]  }
0x174: {  	v1 =	vadd.f32 v5, v1;
	v5 =	vld [tilespmem:s14+$0x88A0]  }
0x175: {  	v2 =	vadd.f32 v6, v2;
	v6 =	vld [tilespmem:s14+$0x88B0]  }
0x176: {  	v3 =	vadd.f32 v7, v3;
	v7 =	vld [tilespmem:s14+$0x8900]  }
0x177: {  	v0 =	vadd.f32 v8, v0;
	v8 =	vld [tilespmem:s14+$0x8910]  }
0x178: {  	v1 =	vadd.f32 v9, v1;
	v9 =	vld [tilespmem:s14+$0x8920]  }
0x179: {  	v2 =	vadd.f32 v10, v2;
	v10 =	vld [tilespmem:s14+$0x8930]  }
0x17a: {  	v3 =	vadd.f32 v11, v3;
	v11 =	vld [tilespmem:s14+$0x8980]  }
0x17b: {  	v0 =	vadd.f32 v12, v0;
	v12 =	vld [tilespmem:s14+$0x8990]  }
0x17c: {  	v1 =	vadd.f32 v13, v1;
	v13 =	vld [tilespmem:s14+$0x89A0]  }
0x17d: {  	v2 =	vadd.f32 v14, v2;
	v14 =	vld [tilespmem:s14+$0x89B0]  }
0x17e: {  	v3 =	vadd.f32 v15, v3;
	v15 =	vld [tilespmem:s14+$0x8A00]  }
0x17f: {  	[tilespmem:$0x1FEE0] =	vst v62;
	v62 =	vld [tilespmem:s14+$0x8820];
	v0 =	vadd.f32 v16, v0  }
0x180: {  	v1 =	vadd.f32 v17, v1;
	v16 =	vld [tilespmem:s14+$0x8A10]  }
0x181: {  	v2 =	vadd.f32 v18, v2;
	v17 =	vld [tilespmem:s14+$0x8A20];
	v0 =	vadd.f32 v20, v0  }
0x182: {  	v3 =	vadd.f32 v19, v3;
	v18 =	vld [tilespmem:s14+$0x8A30];
	v1 =	vadd.f32 v21, v1  }
0x183: {  	v19 =	vld [tilespmem:s14+$0x8A80];
	v2 =	vadd.f32 v22, v2;
	v0 =	vadd.f32 v24, v0  }
0x184: {  	v3 =	vadd.f32 v23, v3;
	v20 =	vld [tilespmem:s14+$0x8A90];
	v1 =	vadd.f32 v25, v1  }
0x185: {  	v21 =	vld [tilespmem:s14+$0x8AA0];
	v2 =	vadd.f32 v26, v2;
	v0 =	vadd.f32 v28, v0  }
0x186: {  	v22 =	vld [tilespmem:s14+$0x8AB0];
	v3 =	vadd.f32 v27, v3;
	v1 =	vadd.f32 v29, v1  }
0x187: {  	[tilespmem:$0x1FEF0] =	vst v62;
	v62 =	vld [tilespmem:s14+$0x8830];
	v2 =	vadd.f32 v30, v2;
	v0 =	vadd.f32 v32, v0  }
0x188: {  	v23 =	vld [tilespmem:s14+$0x8B00];
	v3 =	vadd.f32 v31, v3;
	v1 =	vadd.f32 v33, v1  }
0x189: {  	v24 =	vld [tilespmem:s14+$0x8B10];
	v2 =	vadd.f32 v34, v2;
	v0 =	vadd.f32 v36, v0  }
0x18a: {  	v25 =	vld [tilespmem:s14+$0x8B20];
	v3 =	vadd.f32 v35, v3;
	v1 =	vadd.f32 v37, v1  }
0x18b: {  	v26 =	vld [tilespmem:s14+$0x8B30];
	v2 =	vadd.f32 v38, v2;
	v0 =	vadd.f32 v40, v0  }
0x18c: {  	[tilespmem:$0x1FF00] =	vst v62;
	v62 =	vld [tilespmem:s14+$0x8880];
	v3 =	vadd.f32 v39, v3;
	v1 =	vadd.f32 v41, v1  }
0x18d: {  	v37 =	vld [tilespmem:s14+$0x8D00];
	v2 =	vadd.f32 v42, v2;
	v0 =	vadd.f32 v44, v0  }
0x18e: {  	v38 =	vld [tilespmem:s14+$0x8D10];
	v3 =	vadd.f32 v43, v3;
	v1 =	vadd.f32 v45, v1  }
0x18f: {  	v39 =	vld [tilespmem:s14+$0x8D20];
	v2 =	vadd.f32 v46, v2;
	v0 =	vadd.f32 v48, v0  }
0x190: {  	v40 =	vld [tilespmem:s14+$0x8D30];
	v3 =	vadd.f32 v47, v3;
	v1 =	vadd.f32 v49, v1  }
0x191: {  	v41 =	vld [tilespmem:s14+$0x8D80];
	v2 =	vadd.f32 v50, v2;
	v0 =	vadd.f32 v52, v0  }
0x192: {  	v42 =	vld [tilespmem:s14+$0x8D90];
	v3 =	vadd.f32 v51, v3;
	v1 =	vadd.f32 v53, v1  }
0x193: {  	v2 =	vadd.f32 v54, v2;
	v54 =	vld [tilespmem:$0x1FEC0];
	v0 =	vadd.f32 v56, v0  }
0x194: {  	v1 =	vadd.f32 v57, v1;
	v56 =	vld [tilespmem:$0x1FED0]  }
0x195: {  	v3 =	vadd.f32 v55, v3;
	v57 =	vld [tilespmem:$0x1FEE0];
	v0 =	vadd.f32 v60, v0  }
0x196: {  	v1 =	vadd.f32 v61, v1;
	v61 =	vld [tilespmem:$0x1FF00]  }
0x197: {  	v3 =	vadd.f32 v63, v3;
	v0 =	vadd.f32 v59, v0;
	v59 =	vld [tilespmem:$0x1FEF0]  }
0x198: {  	v43 =	vld [tilespmem:s14+$0x8DA0];
	v2 =	vadd.f32 v58, v2  }
0x199: {  	v47 =	vld [tilespmem:s14+$0x8B80];
	v3 =	vadd.f32 v56, v3  }
0x19a: {  	v44 =	vld [tilespmem:s14+$0x8DB0];
	v2 =	vadd.f32 v54, v2;
	v1 =	vadd.f32 v57, v1  }
0x19b: {  	v45 =	vld [tilespmem:s14+$0x8E00];
	v0 =	vadd.f32 v62, v0;
	v3 =	vadd.f32 v61, v3  }
0x19c: {  	v46 =	vld [tilespmem:s14+$0x8E10];
	v1 =	vadd.f32 v4, v1;
	v2 =	vadd.f32 v59, v2  }
0x19d: {  	v48 =	vld [tilespmem:s14+$0x8B90];
	v0 =	vadd.f32 v7, v0;
	v3 =	vadd.f32 v6, v3  }
0x19e: {  	v49 =	vld [tilespmem:s14+$0x8BA0];
	v1 =	vadd.f32 v8, v1;
	v2 =	vadd.f32 v5, v2  }
0x19f: {  	v50 =	vld [tilespmem:s14+$0x8BB0];
	v0 =	vadd.f32 v11, v0;
	v3 =	vadd.f32 v10, v3  }
0x1a0: {  	v51 =	vld [tilespmem:s14+$0x8C00];
	v1 =	vadd.f32 v12, v1;
	v2 =	vadd.f32 v9, v2  }
0x1a1: {  	v52 =	vld [tilespmem:s14+$0x8C10];
	v0 =	vadd.f32 v15, v0;
	v3 =	vadd.f32 v14, v3  }
0x1a2: {  	v53 =	vld [tilespmem:s14+$0x8C20];
	v1 =	vadd.f32 v16, v1;
	v2 =	vadd.f32 v13, v2  }
0x1a3: {  	v55 =	vld [tilespmem:s14+$0x8C30];
	v0 =	vadd.f32 v19, v0;
	v3 =	vadd.f32 v18, v3  }
0x1a4: {  	v58 =	vld [tilespmem:s14+$0x8C80];
	v1 =	vadd.f32 v20, v1;
	v2 =	vadd.f32 v17, v2  }
0x1a5: {  	v63 =	vld [tilespmem:s14+$0x8CB0];
	v0 =	vadd.f32 v23, v0;
	v3 =	vadd.f32 v22, v3  }
0x1a6: {  	v60 =	vld [tilespmem:s14+$0x8C90];
	v1 =	vadd.f32 v24, v1;
	v2 =	vadd.f32 v21, v2  }
0x1a7: {  	v54 =	vld [tilespmem:s14+$0x8F10];
	v0 =	vadd.f32 v47, v0;
	v3 =	vadd.f32 v26, v3  }
0x1a8: {  	v56 =	vld [tilespmem:s14+$0x8F30];
	v1 =	vadd.f32 v48, v1;
	v2 =	vadd.f32 v25, v2  }
0x1a9: {  	v62 =	vld [tilespmem:s14+$0x8CA0];
	v0 =	vadd.f32 v51, v0;
	v3 =	vadd.f32 v50, v3  }
0x1aa: {  	v57 =	vld [tilespmem:s14+$0x8F80];
	v1 =	vadd.f32 v52, v1;
	v2 =	vadd.f32 v49, v2  }
0x1ab: {  	v47 =	vld [tilespmem:s14+$0x8E20];
	v0 =	vadd.f32 v58, v0;
	v3 =	vadd.f32 v55, v3  }
0x1ac: {  	v48 =	vld [tilespmem:s14+$0x8E30];
	v1 =	vadd.f32 v60, v1;
	v2 =	vadd.f32 v53, v2  }
0x1ad: {  	v50 =	vld [tilespmem:s14+$0x8E90];
	v0 =	vadd.f32 v37, v0;
	v3 =	vadd.f32 v63, v3  }
0x1ae: {  	v49 =	vld [tilespmem:s14+$0x8E80];
	v1 =	vadd.f32 v38, v1;
	v2 =	vadd.f32 v62, v2  }
0x1af: {  	v52 =	vld [tilespmem:s14+$0x8EB0];
	v0 =	vadd.f32 v41, v0;
	v3 =	vadd.f32 v40, v3  }
0x1b0: {  	v53 =	vld [tilespmem:s14+$0x8F00];
	v1 =	vadd.f32 v42, v1;
	v2 =	vadd.f32 v39, v2  }
0x1b1: {  	v51 =	vld [tilespmem:s14+$0x8EA0];
	v0 =	vadd.f32 v45, v0;
	v3 =	vadd.f32 v44, v3  }
0x1b2: {  	v58 =	vld [tilespmem:s14+$0x8F90];
	v1 =	vadd.f32 v46, v1;
	v2 =	vadd.f32 v43, v2  }
0x1b3: {  	v55 =	vld [tilespmem:s14+$0x8F20];
	v0 =	vadd.f32 v49, v0;
	v3 =	vadd.f32 v48, v3  }
0x1b4: {  	v60 =	vld [tilespmem:s14+$0x8FB0];
	v1 =	vadd.f32 v50, v1;
	v2 =	vadd.f32 v47, v2  }
0x1b5: {  	v59 =	vld [tilespmem:s14+$0x8FA0];
	v0 =	vadd.f32 v53, v0;
	v3 =	vadd.f32 v52, v3  }
0x1b6: {  	v1 =	vadd.f32 v54, v1;
	v2 =	vadd.f32 v51, v2  }
0x1b7: {  	s15 =	sshll.u32 s13, $0x7;
	v0 =	vadd.f32 v57, v0;
	v3 =	vadd.f32 v56, v3  }
0x1b8: {  	s15 =	sand.u32 $0x3FFFFF80, s15;
	v1 =	vadd.f32 v58, v1;
	v2 =	vadd.f32 v55, v2  }
0x1b9: {  	[tilespmem:s15+$0x10400] =	vst v0;
	v61 =	vadd.f32 v60, v3  }
0x1ba: {  	[tilespmem:s15+$0x10410] =	vst v1;
	v2 =	vadd.f32 v59, v2  }
0x1bb: {  	[tilespmem:s15+$0x10430] =	vst v61  }
0x1bc: {  	[tilespmem:s15+$0x10420] =	vst v2  }
0x1bd: {  	v0 =	vld [tilespmem:s14+$0x8040]  }
0x1be: {  	v1 =	vld [tilespmem:s14+$0x8050]  }
0x1bf: {  	v2 =	vld [tilespmem:s14+$0x8060]  }
0x1c0: {  	v3 =	vld [tilespmem:s14+$0x8070]  }
0x1c1: {  	v4 =	vld [tilespmem:s14+$0x80C0]  }
0x1c2: {  	v5 =	vld [tilespmem:s14+$0x80D0]  }
0x1c3: {  	v6 =	vld [tilespmem:s14+$0x80E0]  }
0x1c4: {  	v7 =	vld [tilespmem:s14+$0x80F0]  }
0x1c5: {  	v8 =	vld [tilespmem:s14+$0x8140]  }
0x1c6: {  	v9 =	vld [tilespmem:s14+$0x8150]  }
0x1c7: {  	v10 =	vld [tilespmem:s14+$0x8160]  }
0x1c8: {  	v11 =	vld [tilespmem:s14+$0x8170]  }
0x1c9: {  	v12 =	vld [tilespmem:s14+$0x81C0]  }
0x1ca: {  	v13 =	vld [tilespmem:s14+$0x81D0]  }
0x1cb: {  	v14 =	vld [tilespmem:s14+$0x81E0]  }
0x1cc: {  	v15 =	vld [tilespmem:s14+$0x81F0]  }
0x1cd: {  	v16 =	vld [tilespmem:s14+$0x8240]  }
0x1ce: {  	v17 =	vld [tilespmem:s14+$0x8250]  }
0x1cf: {  	v18 =	vld [tilespmem:s14+$0x8260]  }
0x1d0: {  	v19 =	vld [tilespmem:s14+$0x8270]  }
0x1d1: {  	v20 =	vld [tilespmem:s14+$0x82C0]  }
0x1d2: {  	v21 =	vld [tilespmem:s14+$0x82D0]  }
0x1d3: {  	v22 =	vld [tilespmem:s14+$0x82E0]  }
0x1d4: {  	v23 =	vld [tilespmem:s14+$0x82F0]  }
0x1d5: {  	v24 =	vld [tilespmem:s14+$0x8340]  }
0x1d6: {  	v25 =	vld [tilespmem:s14+$0x8350]  }
0x1d7: {  	v26 =	vld [tilespmem:s14+$0x8360]  }
0x1d8: {  	v27 =	vld [tilespmem:s14+$0x8370]  }
0x1d9: {  	v28 =	vld [tilespmem:s14+$0x83C0]  }
0x1da: {  	v29 =	vld [tilespmem:s14+$0x83D0]  }
0x1db: {  	v30 =	vld [tilespmem:s14+$0x83E0]  }
0x1dc: {  	v31 =	vld [tilespmem:s14+$0x83F0]  }
0x1dd: {  	v32 =	vld [tilespmem:s14+$0x8440]  }
0x1de: {  	v33 =	vld [tilespmem:s14+$0x8450]  }
0x1df: {  	v34 =	vld [tilespmem:s14+$0x8460]  }
0x1e0: {  	v35 =	vld [tilespmem:s14+$0x8470]  }
0x1e1: {  	v36 =	vld [tilespmem:s14+$0x84C0]  }
0x1e2: {  	v37 =	vld [tilespmem:s14+$0x84D0]  }
0x1e3: {  	v38 =	vld [tilespmem:s14+$0x84E0]  }
0x1e4: {  	v39 =	vld [tilespmem:s14+$0x84F0]  }
0x1e5: {  	v40 =	vld [tilespmem:s14+$0x8540]  }
0x1e6: {  	v41 =	vld [tilespmem:s14+$0x8550]  }
0x1e7: {  	v42 =	vld [tilespmem:s14+$0x8560]  }
0x1e8: {  	v43 =	vld [tilespmem:s14+$0x8570]  }
0x1e9: {  	v44 =	vld [tilespmem:s14+$0x85C0]  }
0x1ea: {  	v45 =	vld [tilespmem:s14+$0x85D0]  }
0x1eb: {  	v46 =	vld [tilespmem:s14+$0x85E0]  }
0x1ec: {  	v47 =	vld [tilespmem:s14+$0x85F0]  }
0x1ed: {  	v48 =	vld [tilespmem:s14+$0x8640]  }
0x1ee: {  	v49 =	vld [tilespmem:s14+$0x8650]  }
0x1ef: {  	v50 =	vld [tilespmem:s14+$0x8660]  }
0x1f0: {  	v51 =	vld [tilespmem:s14+$0x8670]  }
0x1f1: {  	v52 =	vld [tilespmem:s14+$0x86C0]  }
0x1f2: {  	v53 =	vld [tilespmem:s14+$0x86D0]  }
0x1f3: {  	v54 =	vld [tilespmem:s14+$0x86E0]  }
0x1f4: {  	v55 =	vld [tilespmem:s14+$0x86F0]  }
0x1f5: {  	v56 =	vld [tilespmem:s14+$0x8740]  }
0x1f6: {  	v57 =	vld [tilespmem:s14+$0x8750]  }
0x1f7: {  	v58 =	vld [tilespmem:s14+$0x8760]  }
0x1f8: {  	v62 =	vld [tilespmem:s14+$0x87E0]  }
0x1f9: {  	v63 =	vld [tilespmem:s14+$0x8770]  }
0x1fa: {  	v60 =	vld [tilespmem:s14+$0x87C0]  }
0x1fb: {  	v61 =	vld [tilespmem:s14+$0x87D0]  }
0x1fc: {  	v59 =	vld [tilespmem:s14+$0x8840]  }
0x1fd: {  	[tilespmem:$0x1FF10] =	vst v62;
	v62 =	vld [tilespmem:s14+$0x87F0]  }
0x1fe: {  	v0 =	vadd.f32 v4, v0;
	v4 =	vld [tilespmem:s14+$0x88D0]  }
0x1ff: {  	v1 =	vadd.f32 v5, v1;
	v5 =	vld [tilespmem:s14+$0x88E0]  }
0x200: {  	v2 =	vadd.f32 v6, v2;
	v6 =	vld [tilespmem:s14+$0x88F0]  }
0x201: {  	v3 =	vadd.f32 v7, v3;
	v7 =	vld [tilespmem:s14+$0x8940]  }
0x202: {  	v0 =	vadd.f32 v8, v0;
	v8 =	vld [tilespmem:s14+$0x8950]  }
0x203: {  	v1 =	vadd.f32 v9, v1;
	v9 =	vld [tilespmem:s14+$0x8960]  }
0x204: {  	v2 =	vadd.f32 v10, v2;
	v10 =	vld [tilespmem:s14+$0x8970]  }
0x205: {  	v3 =	vadd.f32 v11, v3;
	v11 =	vld [tilespmem:s14+$0x89C0]  }
0x206: {  	v0 =	vadd.f32 v12, v0;
	v12 =	vld [tilespmem:s14+$0x89D0]  }
0x207: {  	v1 =	vadd.f32 v13, v1;
	v13 =	vld [tilespmem:s14+$0x89E0]  }
0x208: {  	v2 =	vadd.f32 v14, v2;
	v14 =	vld [tilespmem:s14+$0x89F0]  }
0x209: {  	v3 =	vadd.f32 v15, v3;
	v15 =	vld [tilespmem:s14+$0x8A40]  }
0x20a: {  	[tilespmem:$0x1FF20] =	vst v62;
	v62 =	vld [tilespmem:s14+$0x8850]  }
0x20b: {  	v0 =	vadd.f32 v16, v0;
	v1 =	vadd.f32 v17, v1;
	v16 =	vld [tilespmem:s14+$0x8A50]  }
0x20c: {  	v2 =	vadd.f32 v18, v2;
	v17 =	vld [tilespmem:s14+$0x8A60]  }
0x20d: {  	v18 =	vld [tilespmem:s14+$0x8A70];
	v0 =	vadd.f32 v20, v0;
	v1 =	vadd.f32 v21, v1  }
0x20e: {  	v3 =	vadd.f32 v19, v3;
	v19 =	vld [tilespmem:s14+$0x8AC0];
	v2 =	vadd.f32 v22, v2  }
0x20f: {  	v20 =	vld [tilespmem:s14+$0x8AD0];
	v0 =	vadd.f32 v24, v0;
	v1 =	vadd.f32 v25, v1  }
0x210: {  	v3 =	vadd.f32 v23, v3;
	v21 =	vld [tilespmem:s14+$0x8AE0];
	v2 =	vadd.f32 v26, v2  }
0x211: {  	v22 =	vld [tilespmem:s14+$0x8AF0];
	v0 =	vadd.f32 v28, v0;
	v1 =	vadd.f32 v29, v1  }
0x212: {  	[tilespmem:$0x1FF30] =	vst v62;
	v62 =	vld [tilespmem:s14+$0x8860];
	v3 =	vadd.f32 v27, v3;
	v2 =	vadd.f32 v30, v2  }
0x213: {  	v23 =	vld [tilespmem:s14+$0x8B40];
	v0 =	vadd.f32 v32, v0;
	v1 =	vadd.f32 v33, v1  }
0x214: {  	v24 =	vld [tilespmem:s14+$0x8B50];
	v3 =	vadd.f32 v31, v3;
	v2 =	vadd.f32 v34, v2  }
0x215: {  	v25 =	vld [tilespmem:s14+$0x8B60];
	v0 =	vadd.f32 v36, v0;
	v1 =	vadd.f32 v37, v1  }
0x216: {  	v26 =	vld [tilespmem:s14+$0x8B70];
	v3 =	vadd.f32 v35, v3;
	v2 =	vadd.f32 v38, v2  }
0x217: {  	[tilespmem:$0x1FF40] =	vst v62;
	v62 =	vld [tilespmem:s14+$0x8870];
	v0 =	vadd.f32 v40, v0;
	v1 =	vadd.f32 v41, v1  }
0x218: {  	v3 =	vadd.f32 v39, v3;
	v37 =	vld [tilespmem:s14+$0x8CE0];
	v2 =	vadd.f32 v42, v2  }
0x219: {  	v38 =	vld [tilespmem:s14+$0x8CF0];
	v0 =	vadd.f32 v44, v0;
	v1 =	vadd.f32 v45, v1  }
0x21a: {  	v39 =	vld [tilespmem:s14+$0x8D40];
	v3 =	vadd.f32 v43, v3;
	v2 =	vadd.f32 v46, v2  }
0x21b: {  	v40 =	vld [tilespmem:s14+$0x8D50];
	v0 =	vadd.f32 v48, v0;
	v1 =	vadd.f32 v49, v1  }
0x21c: {  	v41 =	vld [tilespmem:s14+$0x8D60];
	v3 =	vadd.f32 v47, v3;
	v2 =	vadd.f32 v50, v2  }
0x21d: {  	v42 =	vld [tilespmem:s14+$0x8D70];
	v0 =	vadd.f32 v52, v0;
	v1 =	vadd.f32 v53, v1  }
0x21e: {  	[tilespmem:$0x1FF50] =	vst v62;
	v62 =	vld [tilespmem:s14+$0x88C0];
	v3 =	vadd.f32 v51, v3;
	v2 =	vadd.f32 v54, v2  }
0x21f: {  	v0 =	vadd.f32 v56, v0;
	v1 =	vadd.f32 v57, v1;
	v56 =	vld [tilespmem:$0x1FF10]  }
0x220: {  	v3 =	vadd.f32 v55, v3;
	v2 =	vadd.f32 v58, v2;
	v58 =	vld [tilespmem:$0x1FF20]  }
0x221: {  	v0 =	vadd.f32 v60, v0;
	v1 =	vadd.f32 v61, v1;
	v61 =	vld [tilespmem:$0x1FF40]  }
0x222: {  	v3 =	vadd.f32 v63, v3;
	v63 =	vld [tilespmem:$0x1FF50]  }
0x223: {  	v0 =	vadd.f32 v59, v0;
	v59 =	vld [tilespmem:$0x1FF30]  }
0x224: {  	v43 =	vld [tilespmem:s14+$0x8DC0];
	v2 =	vadd.f32 v56, v2  }
0x225: {  	v44 =	vld [tilespmem:s14+$0x8DD0];
	v3 =	vadd.f32 v58, v3  }
0x226: {  	v45 =	vld [tilespmem:s14+$0x8DE0];
	v2 =	vadd.f32 v61, v2  }
0x227: {  	v46 =	vld [tilespmem:s14+$0x8DF0];
	v0 =	vadd.f32 v62, v0;
	v3 =	vadd.f32 v63, v3  }
0x228: {  	v47 =	vld [tilespmem:s14+$0x8E40];
	v1 =	vadd.f32 v59, v1;
	v2 =	vadd.f32 v5, v2  }
0x229: {  	v49 =	vld [tilespmem:s14+$0x8BC0];
	v0 =	vadd.f32 v7, v0;
	v3 =	vadd.f32 v6, v3  }
0x22a: {  	v50 =	vld [tilespmem:s14+$0x8BD0];
	v1 =	vadd.f32 v4, v1;
	v2 =	vadd.f32 v9, v2  }
0x22b: {  	v51 =	vld [tilespmem:s14+$0x8BE0];
	v0 =	vadd.f32 v11, v0;
	v3 =	vadd.f32 v10, v3  }
0x22c: {  	v48 =	vld [tilespmem:s14+$0x8E50];
	v1 =	vadd.f32 v8, v1;
	v2 =	vadd.f32 v13, v2  }
0x22d: {  	v52 =	vld [tilespmem:s14+$0x8BF0];
	v0 =	vadd.f32 v15, v0;
	v3 =	vadd.f32 v14, v3  }
0x22e: {  	v53 =	vld [tilespmem:s14+$0x8C40];
	v1 =	vadd.f32 v12, v1;
	v2 =	vadd.f32 v17, v2  }
0x22f: {  	v54 =	vld [tilespmem:s14+$0x8C50];
	v0 =	vadd.f32 v19, v0;
	v3 =	vadd.f32 v18, v3  }
0x230: {  	v55 =	vld [tilespmem:s14+$0x8C60];
	v1 =	vadd.f32 v16, v1;
	v2 =	vadd.f32 v21, v2  }
0x231: {  	v57 =	vld [tilespmem:s14+$0x8C70];
	v0 =	vadd.f32 v23, v0;
	v3 =	vadd.f32 v22, v3  }
0x232: {  	v60 =	vld [tilespmem:s14+$0x8CC0];
	v1 =	vadd.f32 v20, v1;
	v2 =	vadd.f32 v25, v2  }
0x233: {  	v56 =	vld [tilespmem:s14+$0x8F50];
	v0 =	vadd.f32 v49, v0;
	v3 =	vadd.f32 v26, v3  }
0x234: {  	v58 =	vld [tilespmem:s14+$0x8F70];
	v1 =	vadd.f32 v24, v1;
	v2 =	vadd.f32 v51, v2  }
0x235: {  	v62 =	vld [tilespmem:s14+$0x8CD0];
	v0 =	vadd.f32 v53, v0;
	v3 =	vadd.f32 v52, v3  }
0x236: {  	v49 =	vld [tilespmem:s14+$0x8E60];
	v1 =	vadd.f32 v50, v1;
	v2 =	vadd.f32 v55, v2  }
0x237: {  	v53 =	vld [tilespmem:s14+$0x8EE0];
	v0 =	vadd.f32 v60, v0;
	v3 =	vadd.f32 v57, v3  }
0x238: {  	v51 =	vld [tilespmem:s14+$0x8EC0];
	v1 =	vadd.f32 v54, v1;
	v2 =	vadd.f32 v37, v2  }
0x239: {  	v52 =	vld [tilespmem:s14+$0x8ED0];
	v0 =	vadd.f32 v39, v0;
	v3 =	vadd.f32 v38, v3  }
0x23a: {  	v50 =	vld [tilespmem:s14+$0x8E70];
	v1 =	vadd.f32 v62, v1;
	v2 =	vadd.f32 v41, v2  }
0x23b: {  	v55 =	vld [tilespmem:s14+$0x8F40];
	v0 =	vadd.f32 v43, v0;
	v3 =	vadd.f32 v42, v3  }
0x23c: {  	v54 =	vld [tilespmem:s14+$0x8EF0];
	v1 =	vadd.f32 v40, v1;
	v2 =	vadd.f32 v45, v2  }
0x23d: {  	v57 =	vld [tilespmem:s14+$0x8F60];
	v0 =	vadd.f32 v47, v0;
	v3 =	vadd.f32 v46, v3  }
0x23e: {  	v59 =	vld [tilespmem:s14+$0x8FC0];
	v1 =	vadd.f32 v44, v1;
	v2 =	vadd.f32 v49, v2  }
0x23f: {  	v61 =	vld [tilespmem:s14+$0x8FE0];
	v0 =	vadd.f32 v51, v0;
	v3 =	vadd.f32 v50, v3  }
0x240: {  	v62 =	vld [tilespmem:s14+$0x8FF0];
	v1 =	vadd.f32 v48, v1;
	v2 =	vadd.f32 v53, v2  }
0x241: {  	v60 =	vld [tilespmem:s14+$0x8FD0];
	v0 =	vadd.f32 v55, v0;
	v3 =	vadd.f32 v54, v3  }
0x242: {  	v1 =	vadd.f32 v52, v1;
	v2 =	vadd.f32 v57, v2  }
0x243: {  	p0 =	sne.s32 s13, $0x7;
	v0 =	vadd.f32 v59, v0;
	v3 =	vadd.f32 v58, v3  }
.Ltmp1:
0x244: {  	v1 =	vadd.f32 v56, v1;
	v2 =	vadd.f32 v61, v2;
	(pc) =	sbr.rel @p0 .LBB2_4-.Ltmp1, $4  }
0x245: {  	[tilespmem:s15+$0x10440] =	vst v0;
	v63 =	vadd.f32 v62, v3  }
0x246: {  	v1 =	vadd.f32 v60, v1;
	[tilespmem:s15+$0x10460] =	vst v2  }
0x247: {  	[tilespmem:s15+$0x10470] =	vst v63  }
0x248: {  	s13 =	sadd.s32 $0x1, s13;
	[tilespmem:s15+$0x10450] =	vst v1  }
0x249: {  	s12 =	sadd.s32 $0x1, s12  }
0x24a: {  	p0 =	sne.s32 s12, s6  }
.Ltmp2:
0x24b: {  	_ = 	snop;
	(pc) =	sbr.rel @p0 .LBB2_1-.Ltmp2, $4  }
0x24c: {  	[hbm4b:s5+s2] =	stream.linear.scatter [tilespmem:s10], [sflag:$0x3], $0x800, $0x38;
	[tilespmem:$0x10800] =	vst v63  }
0x24d: {  	_ =	swait.ge [sflag:s11], $0x800  }
0x24e: {  	[sflag:s11] =	ssyncset.done $0x0  }
0x24f: {  	[sflag:s11] =	ssyncadd.s32 $0xFFFFF800  }
0x250: {  	_ =	sfence.sel $0x180000  }
0x251: {  	[bflag:$0x0] =	sbarrier.arrive $0xFFFF  }
0x252: {  	p0 =	sne.s32 s1, $0x0;
	_ =	strace $0x90000047  }
0x253: {  	s0 =	sadd.s32 @!p0 $0x100000, s0;
	[bflag:$0x2] =	sbarrier.arrive $0xFFFF  }
0x254: {  	[sflag:s0] =	ssyncadd.tile.s32 @!p0 $0x1;
	_ =	shalt  }
.Lfunc_end2:
_tile_overlayer_lowered:
.L_overlay_start_2:
0x255: {  	(tag) =	ssettag $0x2  }
0x256: {  	s0 =	rddreg [dreg:$0x0];
	s2 =	stileid.u32  }
0x257: {  	s1 =	rddreg [dreg:$0x1];
	p0 =	sne.s32 s2, $0x0  }
0x258: {  	s3 =	rddreg [dreg:$0x2];
	[bflag:$0x3] =	sbarrier.arrive $0xFFFF;
	s2 =	simm.s32 @!p0 $0x1C03  }
0x259: {  	[timem:s3], [sflag:s2] =	dma.local @!p0 [hbm:s0], s1  }
0x25a: {  	s0 =	simm.s32 @!p0 $0x3  }
0x25b: {  	_ =	swait.ge @!p0 [sflag:s0], s1  }
0x25c: {  	s1 =	ssub.s32 @!p0 $0x0, s1;
	[sflag:s0] =	ssyncset.done @!p0 $0x0  }
0x25d: {  	[sflag:s0] =	ssyncadd.s32 @!p0 s1  }
0x25e: {  	[bflag:$0x3] =	sbarrier.arrive $0xFFFF  }
0x25f: {  	_ =	shalt  }

</sc_bundles>
